<compile_context>
chip_gen: v7x
topology: tpu7x:2x2x1
jax: 0.10.2.dev20260603
libtpu: 0.0.44.dev20260713+nightly
codegen_flags: <defaults>
</compile_context>

<pallas_src>
import functools

import jax
import jax.numpy as jnp
from jax import lax
from jax.experimental import pallas as pl
from jax.experimental.pallas import tpu as pltpu
from jax.experimental.pallas import tpu_sc as plsc

B, C, N, Q, K = 8, 256, 2048, 64, 1024
NB = 256
QA = 72
NW = 32
NCOL = B * (N // 128)
CPW = NCOL // NW

_LOG2P = (3.19128793e-07, 1.44265213, -0.720386794, 0.47250028,
          -0.323117505, 0.190422525, -0.0768496151, 0.0147788938)
_LN2 = 0.6931471805599453


def _tc_body(gamma_ref, ze_ref, emb_ref, md_ref, out_ref, acc_ref):
    i = pl.program_id(0)

    emb_v = emb_ref[...]
    emb_sq = jnp.sum(emb_v * emb_v, axis=1)
    emb_aug = jnp.concatenate(
        [(-2.0 * emb_v).astype(jnp.bfloat16),
         emb_sq.astype(jnp.bfloat16)[:, None],
         jnp.zeros((K, QA - Q - 1), jnp.bfloat16)], axis=1)

    ze_v = ze_ref[...]
    ze_sq = jnp.sum(ze_v * ze_v, axis=1)

    acc = jnp.float32(0.0)
    for b in range(B):
        ze_aug = jnp.concatenate(
            [ze_v[b].astype(jnp.bfloat16),
             jnp.ones((1, NB), jnp.bfloat16),
             jnp.zeros((QA - Q - 1, NB), jnp.bfloat16)], axis=0)
        d = jnp.dot(emb_aug, ze_aug,
                    preferred_element_type=jnp.float32)
        acc += jnp.sum(jnp.min(d, axis=0))
    acc += jnp.sum(ze_sq)
    acc += gamma_ref[0] * jnp.sum(md_ref[...])

    @pl.when(i == 0)
    def _():
        acc_ref[0] = 0.0

    acc_ref[0] += acc

    @pl.when(i == pl.num_programs(0) - 1)
    def _():
        out_ref[0] = acc_ref[0]


def _tc_call(gamma, ze, emb, min_dist):
    g = jnp.asarray(gamma, jnp.float32).reshape(1)
    return pl.pallas_call(
        _tc_body,
        grid=(N // NB,),
        in_specs=[
            pl.BlockSpec(memory_space=pltpu.SMEM),
            pl.BlockSpec((B, Q, NB), lambda i: (0, 0, i)),
            pl.BlockSpec((K, Q), lambda i: (0, 0)),
            pl.BlockSpec((B, NB), lambda i: (0, i)),
        ],
        out_specs=pl.BlockSpec(memory_space=pltpu.SMEM),
        out_shape=jax.ShapeDtypeStruct((1,), jnp.float32),
        scratch_shapes=[pltpu.SMEM((1,), jnp.float32)],
    )(g, ze, emb, min_dist)


def _ln(v):
    bits = lax.bitcast_convert_type(v, jnp.int32)
    e = ((bits >> 23) & 0xFF) - 127
    m = lax.bitcast_convert_type((bits & 0x007FFFFF) | 0x3F800000,
                                 jnp.float32)
    t = m - 1.0
    p = jnp.full((16,), _LOG2P[-1], jnp.float32)
    for c in _LOG2P[-2::-1]:
        p = p * t + c
    return _LN2 * (e.astype(jnp.float32) + p)


def _sc_rec(quant_pred, tgt):
    mesh = plsc.VectorSubcoreMesh(core_axis_name="c", subcore_axis_name="s")

    @functools.partial(
        pl.kernel,
        mesh=mesh,
        out_type=jax.ShapeDtypeStruct((NW * 16,), jnp.float32),
        scratch_types=[
            pltpu.VMEM((3, C, 128), jnp.float32),
            pltpu.VMEM((CPW, 128), jnp.int32),
            pltpu.VMEM((16,), jnp.float32),
            pltpu.SemaphoreType.DMA,
            pltpu.SemaphoreType.DMA,
            pltpu.SemaphoreType.DMA,
        ],
        compiler_params=pltpu.CompilerParams(use_tc_tiling_on_sc=True,
                                             needs_layout_passes=False),
    )
    def k(qp_hbm, tgt_hbm, out_hbm, slab_v, tgtc_v, acc_v, sem0, sem1, sem2):
        wid = lax.axis_index("s") * 2 + lax.axis_index("c")
        sems = (sem0, sem1, sem2)
        lane = lax.broadcasted_iota(jnp.int32, (16,), 0)

        def col(t):
            cid = wid * CPW + t
            return cid // (N // 128), cid % (N // 128)

        def start(t):
            b, j = col(t)
            return pltpu.async_copy(qp_hbm.at[b, :, pl.ds(j * 128, 128)],
                                    slab_v.at[t % 3], sems[t % 3])

        for t in range(CPW):
            b, j = col(t)
            pltpu.sync_copy(tgt_hbm.at[b, pl.ds(j * 128, 128)],
                            tgtc_v.at[t])
        cps = [start(0), start(1)]
        rec = jnp.zeros((16,), jnp.float32)
        for t in range(CPW):
            cps[t].wait()
            if t + 2 < CPW:
                cps.append(start(t + 2))
            buf = slab_v.at[t % 3]

            def body(c4, ses):
                ses = list(ses)
                for r in range(4):
                    c = c4 * 4 + r
                    for l in range(8):
                        ses[l] = ses[l] + jnp.exp(buf[c, pl.ds(16 * l, 16)])
                return tuple(ses)

            ses = lax.fori_loop(
                0, C // 4, body,
                tuple(jnp.zeros((16,), jnp.float32) for _ in range(8)))
            for l in range(8):
                t16 = tgtc_v[t, pl.ds(16 * l, 16)]
                g16 = plsc.load_gather(buf, [t16, lane + 16 * l])
                rec = rec + (_ln(ses[l]) - g16)

        acc_v[...] = rec
        pltpu.sync_copy(acc_v, out_hbm.at[pl.ds(wid * 16, 16)])

    return k(quant_pred, tgt)


def kernel(quant_pred, target_wav, ze, emb, min_dist, gamma=0.25):
    tgt = target_wav.astype(jnp.int32)
    sc_part = _sc_rec(quant_pred, tgt)
    tc_part = _tc_call(gamma, ze, emb, min_dist)
    return tc_part[0] + jnp.sum(sc_part)

# --- scband reference (transcript-rebuilt; emitter-appended) ---
"""Pipeline reference for scband-vqloss-82781199663436 (READ-ONLY COPY).

The authoritative reference and input builder live on the scoring server;
editing this copy changes nothing except your own understanding.
"""

import jax, jax.numpy as jnp
import numpy as np


def setup_inputs(seed: int = 0) -> dict:
    key = jax.random.key(seed)
    k1, k2, k3, k4, k5 = jax.random.split(key, 5)
    B, C, N, Q, K = 8, 256, 2048, 64, 1024
    quant_pred = jax.random.normal(k1, (B, C, N), dtype=jnp.float32)
    target_wav = jax.random.randint(k2, (B, N), 0, C, dtype=jnp.int64)
    ze = jax.random.normal(k3, (B, Q, N), dtype=jnp.float32)
    emb = jax.random.normal(k4, (K, Q), dtype=jnp.float32)
    min_dist = jax.random.uniform(k5, (B, N), dtype=jnp.float32)
    return {"quant_pred": quant_pred, "target_wav": target_wav, "ze": ze,
            "emb": emb, "min_dist": min_dist, "gamma": 0.25}


def reference(quant_pred, target_wav, ze, emb, min_dist, gamma=0.25):
    # --- L2Error(sg(ze), emb) ---
    # ze: (B, Q, N), emb: (K, Q). Pairwise squared L2 over Q, min over K.
    sg_ze = jax.lax.stop_gradient(ze)
    ze_sq = jnp.sum(sg_ze ** 2, axis=1)          # (B, N)
    emb_sq = jnp.sum(emb ** 2, axis=1)            # (K,)
    cross = jnp.einsum('bqn,kq->bkn', sg_ze, emb) # (B, K, N)
    l2norm_sq = ze_sq[:, None, :] + emb_sq[None, :, None] - 2.0 * cross  # (B, K, N)
    l2_loss_embeds = jnp.min(l2norm_sq, axis=1)   # (B, N)
    # --- commitment loss ---
    com_loss_embeds = min_dist * gamma            # (B, N)
    # --- reconstruction loss via log-softmax + gather ---
    log_pred = jax.nn.log_softmax(quant_pred, axis=1)  # (B, C, N)
    idx = target_wav.astype(jnp.int64)[:, None, :]     # (B, 1, N)
    log_pred_target = jnp.take_along_axis(log_pred, idx, axis=1)  # (B, 1, N)
    rec_loss_ts = -log_pred_target
    total_loss = rec_loss_ts.sum() + l2_loss_embeds.sum() + com_loss_embeds.sum()
    return total_loss


if False:  # reference __main__ guard neutralized (emitter)
    out = reference(**setup_inputs())
    print(out)

if __name__ == "__main__":
    import jax
    _d = setup_inputs()
    print(jax.jit(kernel)(*tuple(_d.values())))

</pallas_src>

<mosaic_0001>
#map = affine_map<(d0, d1) -> (0, 0, 0)>
#map1 = affine_map<(d0, d1) -> (0, 0)>
#map2 = affine_map<(d0, d1) -> (0)>
module attributes {stable_mosaic.version = 14 : i64} {
  func.func @k(%arg0: i32, %arg1: i32, %arg2: memref<8x256x2048xf32, #tpu.memory_space<hbm>>, %arg3: memref<8x2048xi32, #tpu.memory_space<hbm>>, %arg4: memref<512xf32, #tpu.memory_space<hbm>>, %arg5: memref<3x256x128xf32, #tpu.memory_space<vmem>>, %arg6: memref<4x128xi32, #tpu.memory_space<vmem>>, %arg7: memref<16xf32, #tpu.memory_space<vmem>>, %arg8: memref<!tpu.dma_semaphore, #tpu.memory_space<semaphore_mem>>, %arg9: memref<!tpu.dma_semaphore, #tpu.memory_space<semaphore_mem>>, %arg10: memref<!tpu.dma_semaphore, #tpu.memory_space<semaphore_mem>>) attributes {dimension_semantics = [#tpu.dimension_semantics<core_parallel>, #tpu.dimension_semantics<subcore_parallel>], iteration_bounds = array<i64: 2, 16>, scalar_prefetch = 0 : i64, scratch_operands = 6 : i64, tpu.core_type = #tpu.core_type<sc_vector_subcore>, window_params = [{transform_indices = #map}, {transform_indices = #map1}, {transform_indices = #map2}]} {
    %mul3A = arith.constant 2 : i32
    %mul3A_0 = arith.muli %arg1, %mul3A : i32
    %add3A = arith.addi %mul3A_0, %arg0 : i32
    %iota3A = tpu.iota {dimensions = array<i32: 0>} : vector<16xi32>
    %mul3A_1 = arith.constant 4 : i32
    %mul3A_2 = arith.muli %add3A, %mul3A_1 : i32
    %add3A_3 = arith.constant 0 : i32
    %add3A_4 = arith.addi %mul3A_2, %add3A_3 : i32
    %jit3A = arith.constant 16 : i32
    %div3A = arith.divsi %add3A_4, %jit3A : i32
    %sign3A = arith.constant 0 : i32
    %sign3A_5 = arith.cmpi sgt, %add3A_4, %sign3A : i32
    %sign3A_6 = arith.extui %sign3A_5 : i1 to i32
    %sign3A_7 = arith.constant 0 : i32
    %sign3A_8 = arith.cmpi slt, %add3A_4, %sign3A_7 : i32
    %sign3A_9 = arith.extui %sign3A_8 : i1 to i32
    %sign3A_10 = arith.subi %sign3A_6, %sign3A_9 : i32
    %sign3A_11 = arith.constant 0 : i32
    %sign3A_12 = arith.cmpi sgt, %jit3A, %sign3A_11 : i32
    %sign3A_13 = arith.extui %sign3A_12 : i1 to i32
    %sign3A_14 = arith.constant 0 : i32
    %sign3A_15 = arith.cmpi slt, %jit3A, %sign3A_14 : i32
    %sign3A_16 = arith.extui %sign3A_15 : i1 to i32
    %sign3A_17 = arith.subi %sign3A_13, %sign3A_16 : i32
    %ne3A = arith.cmpi ne, %sign3A_10, %sign3A_17 : i32
    %rem3A = arith.remsi %add3A_4, %jit3A : i32
    %ne3A_18 = arith.constant 0 : i32
    %ne3A_19 = arith.cmpi ne, %rem3A, %ne3A_18 : i32
    %and3A = arith.andi %ne3A, %ne3A_19 : i1
    %sub3A = arith.constant 1 : i32
    %sub3A_20 = arith.subi %div3A, %sub3A : i32
    %select_n3A = arith.select %and3A, %sub3A_20, %div3A : i32
    %jit3A_21 = arith.constant 16 : i32
    %eq3A = arith.constant 0 : i32
    %eq3A_22 = arith.cmpi eq, %jit3A_21, %eq3A : i32
    %jit3A_23 = arith.constant 1 : i32
    %select_n3A_24 = arith.select %eq3A_22, %jit3A_23, %jit3A_21 : i32
    %rem3A_25 = arith.remsi %add3A_4, %select_n3A_24 : i32
    %ne3A_26 = arith.constant 0 : i32
    %ne3A_27 = arith.cmpi ne, %rem3A_25, %ne3A_26 : i32
    %lt3A = arith.constant 0 : i32
    %lt3A_28 = arith.cmpi slt, %rem3A_25, %lt3A : i32
    %lt3A_29 = arith.constant 0 : i32
    %lt3A_30 = arith.cmpi slt, %select_n3A_24, %lt3A_29 : i32
    %ne3A_31 = arith.xori %lt3A_28, %lt3A_30 : i1
    %and3A_32 = arith.andi %ne3A_31, %ne3A_27 : i1
    %add3A_33 = arith.addi %rem3A_25, %select_n3A_24 : i32
    %select_n3A_34 = arith.select %and3A_32, %add3A_33, %rem3A_25 : i32
    %mul3A_35 = arith.constant 128 : i32
    %mul3A_36 = arith.muli %select_n3A_34, %mul3A_35 : i32
    %run_scoped3A = arith.constant 0 : i32
    "tpu.region"() ({
      %run_scoped3A_2809 = tpu.sem_alloc : memref<!tpu.dma_semaphore, #tpu.memory_space<semaphore_mem>>
      %dma_start3A_2810 = arith.constant 0 : i32
      %dma_start3A_2811 = tpu.memref_slice %arg6[%run_scoped3A, %dma_start3A_2810] : memref<4x128xi32, #tpu.memory_space<vmem>> -> memref<1x128xi32, #tpu.memory_space<vmem>>
      %dma_start3A_2812 = tpu.memref_squeeze %dma_start3A_2811 : memref<1x128xi32, #tpu.memory_space<vmem>> -> memref<128xi32, #tpu.memory_space<vmem>>
      %dma_start3A_2813 = tpu.memref_slice %arg3[%select_n3A, %mul3A_36] : memref<8x2048xi32, #tpu.memory_space<hbm>> -> memref<1x128xi32, #tpu.memory_space<hbm>>
      %dma_start3A_2814 = tpu.memref_squeeze %dma_start3A_2813 : memref<1x128xi32, #tpu.memory_space<hbm>> -> memref<128xi32, #tpu.memory_space<hbm>>
      %dma_start3A_2815 = arith.constant 0 : i32
      %dma_start3A_2816 = tpu.memref_slice %arg6[%run_scoped3A, %dma_start3A_2815] : memref<4x128xi32, #tpu.memory_space<vmem>> -> memref<1x128xi32, #tpu.memory_space<vmem>>
      %dma_start3A_2817 = tpu.memref_squeeze %dma_start3A_2816 : memref<1x128xi32, #tpu.memory_space<vmem>> -> memref<128xi32, #tpu.memory_space<vmem>>
      %dma_start3A_2818 = tpu.memref_slice %arg3[%select_n3A, %mul3A_36] : memref<8x2048xi32, #tpu.memory_space<hbm>> -> memref<1x128xi32, #tpu.memory_space<hbm>>
      %dma_start3A_2819 = tpu.memref_squeeze %dma_start3A_2818 : memref<1x128xi32, #tpu.memory_space<hbm>> -> memref<128xi32, #tpu.memory_space<hbm>>
      tpu.enqueue_dma source(%dma_start3A_2819 : memref<128xi32, #tpu.memory_space<hbm>>) target(%dma_start3A_2817 : memref<128xi32, #tpu.memory_space<vmem>>) target_semaphore(%run_scoped3A_2809 : memref<!tpu.dma_semaphore, #tpu.memory_space<semaphore_mem>>)
      %dma_wait3A_2820 = arith.constant 0 : i32
      %dma_wait3A_2821 = tpu.memref_slice %arg6[%run_scoped3A, %dma_wait3A_2820] : memref<4x128xi32, #tpu.memory_space<vmem>> -> memref<1x128xi32, #tpu.memory_space<vmem>>
      %dma_wait3A_2822 = tpu.memref_squeeze %dma_wait3A_2821 : memref<1x128xi32, #tpu.memory_space<vmem>> -> memref<128xi32, #tpu.memory_space<vmem>>
      %dma_wait3A_2823 = tpu.memref_slice %arg3[%select_n3A, %mul3A_36] : memref<8x2048xi32, #tpu.memory_space<hbm>> -> memref<1x128xi32, #tpu.memory_space<hbm>>
      %dma_wait3A_2824 = tpu.memref_squeeze %dma_wait3A_2823 : memref<1x128xi32, #tpu.memory_space<hbm>> -> memref<128xi32, #tpu.memory_space<hbm>>
      %dma_wait3A_2825 = arith.constant 0 : i32
      %dma_wait3A_2826 = tpu.memref_slice %arg6[%run_scoped3A, %dma_wait3A_2825] : memref<4x128xi32, #tpu.memory_space<vmem>> -> memref<1x128xi32, #tpu.memory_space<vmem>>
      %dma_wait3A_2827 = tpu.memref_squeeze %dma_wait3A_2826 : memref<1x128xi32, #tpu.memory_space<vmem>> -> memref<128xi32, #tpu.memory_space<vmem>>
      %dma_wait3A_2828 = tpu.memref_slice %arg3[%select_n3A, %mul3A_36] : memref<8x2048xi32, #tpu.memory_space<hbm>> -> memref<1x128xi32, #tpu.memory_space<hbm>>
      %dma_wait3A_2829 = tpu.memref_squeeze %dma_wait3A_2828 : memref<1x128xi32, #tpu.memory_space<hbm>> -> memref<128xi32, #tpu.memory_space<hbm>>
      tpu.wait_dma2 semaphore(%run_scoped3A_2809 : memref<!tpu.dma_semaphore, #tpu.memory_space<semaphore_mem>>) src(%dma_wait3A_2829 : memref<128xi32, #tpu.memory_space<hbm>>) dst(%dma_wait3A_2827 : memref<128xi32, #tpu.memory_space<vmem>>)
      tpu.yield
    }) : () -> ()
    %mul3A_37 = arith.constant 4 : i32
    %mul3A_38 = arith.muli %add3A, %mul3A_37 : i32
    %add3A_39 = arith.constant 1 : i32
    %add3A_40 = arith.addi %mul3A_38, %add3A_39 : i32
    %jit3A_41 = arith.constant 16 : i32
    %div3A_42 = arith.divsi %add3A_40, %jit3A_41 : i32
    %sign3A_43 = arith.constant 0 : i32
    %sign3A_44 = arith.cmpi sgt, %add3A_40, %sign3A_43 : i32
    %sign3A_45 = arith.extui %sign3A_44 : i1 to i32
    %sign3A_46 = arith.constant 0 : i32
    %sign3A_47 = arith.cmpi slt, %add3A_40, %sign3A_46 : i32
    %sign3A_48 = arith.extui %sign3A_47 : i1 to i32
    %sign3A_49 = arith.subi %sign3A_45, %sign3A_48 : i32
    %sign3A_50 = arith.constant 0 : i32
    %sign3A_51 = arith.cmpi sgt, %jit3A_41, %sign3A_50 : i32
    %sign3A_52 = arith.extui %sign3A_51 : i1 to i32
    %sign3A_53 = arith.constant 0 : i32
    %sign3A_54 = arith.cmpi slt, %jit3A_41, %sign3A_53 : i32
    %sign3A_55 = arith.extui %sign3A_54 : i1 to i32
    %sign3A_56 = arith.subi %sign3A_52, %sign3A_55 : i32
    %ne3A_57 = arith.cmpi ne, %sign3A_49, %sign3A_56 : i32
    %rem3A_58 = arith.remsi %add3A_40, %jit3A_41 : i32
    %ne3A_59 = arith.constant 0 : i32
    %ne3A_60 = arith.cmpi ne, %rem3A_58, %ne3A_59 : i32
    %and3A_61 = arith.andi %ne3A_57, %ne3A_60 : i1
    %sub3A_62 = arith.constant 1 : i32
    %sub3A_63 = arith.subi %div3A_42, %sub3A_62 : i32
    %select_n3A_64 = arith.select %and3A_61, %sub3A_63, %div3A_42 : i32
    %jit3A_65 = arith.constant 16 : i32
    %eq3A_66 = arith.constant 0 : i32
    %eq3A_67 = arith.cmpi eq, %jit3A_65, %eq3A_66 : i32
    %jit3A_68 = arith.constant 1 : i32
    %select_n3A_69 = arith.select %eq3A_67, %jit3A_68, %jit3A_65 : i32
    %rem3A_70 = arith.remsi %add3A_40, %select_n3A_69 : i32
    %ne3A_71 = arith.constant 0 : i32
    %ne3A_72 = arith.cmpi ne, %rem3A_70, %ne3A_71 : i32
    %lt3A_73 = arith.constant 0 : i32
    %lt3A_74 = arith.cmpi slt, %rem3A_70, %lt3A_73 : i32
    %lt3A_75 = arith.constant 0 : i32
    %lt3A_76 = arith.cmpi slt, %select_n3A_69, %lt3A_75 : i32
    %ne3A_77 = arith.xori %lt3A_74, %lt3A_76 : i1
    %and3A_78 = arith.andi %ne3A_77, %ne3A_72 : i1
    %add3A_79 = arith.addi %rem3A_70, %select_n3A_69 : i32
    %select_n3A_80 = arith.select %and3A_78, %add3A_79, %rem3A_70 : i32
    %mul3A_81 = arith.constant 128 : i32
    %mul3A_82 = arith.muli %select_n3A_80, %mul3A_81 : i32
    %run_scoped3A_83 = arith.constant 1 : i32
    "tpu.region"() ({
      %run_scoped3A_2809 = tpu.sem_alloc : memref<!tpu.dma_semaphore, #tpu.memory_space<semaphore_mem>>
      %dma_start3A_2810 = arith.constant 0 : i32
      %dma_start3A_2811 = tpu.memref_slice %arg6[%run_scoped3A_83, %dma_start3A_2810] : memref<4x128xi32, #tpu.memory_space<vmem>> -> memref<1x128xi32, #tpu.memory_space<vmem>>
      %dma_start3A_2812 = tpu.memref_squeeze %dma_start3A_2811 : memref<1x128xi32, #tpu.memory_space<vmem>> -> memref<128xi32, #tpu.memory_space<vmem>>
      %dma_start3A_2813 = tpu.memref_slice %arg3[%select_n3A_64, %mul3A_82] : memref<8x2048xi32, #tpu.memory_space<hbm>> -> memref<1x128xi32, #tpu.memory_space<hbm>>
      %dma_start3A_2814 = tpu.memref_squeeze %dma_start3A_2813 : memref<1x128xi32, #tpu.memory_space<hbm>> -> memref<128xi32, #tpu.memory_space<hbm>>
      %dma_start3A_2815 = arith.constant 0 : i32
      %dma_start3A_2816 = tpu.memref_slice %arg6[%run_scoped3A_83, %dma_start3A_2815] : memref<4x128xi32, #tpu.memory_space<vmem>> -> memref<1x128xi32, #tpu.memory_space<vmem>>
      %dma_start3A_2817 = tpu.memref_squeeze %dma_start3A_2816 : memref<1x128xi32, #tpu.memory_space<vmem>> -> memref<128xi32, #tpu.memory_space<vmem>>
      %dma_start3A_2818 = tpu.memref_slice %arg3[%select_n3A_64, %mul3A_82] : memref<8x2048xi32, #tpu.memory_space<hbm>> -> memref<1x128xi32, #tpu.memory_space<hbm>>
      %dma_start3A_2819 = tpu.memref_squeeze %dma_start3A_2818 : memref<1x128xi32, #tpu.memory_space<hbm>> -> memref<128xi32, #tpu.memory_space<hbm>>
      tpu.enqueue_dma source(%dma_start3A_2819 : memref<128xi32, #tpu.memory_space<hbm>>) target(%dma_start3A_2817 : memref<128xi32, #tpu.memory_space<vmem>>) target_semaphore(%run_scoped3A_2809 : memref<!tpu.dma_semaphore, #tpu.memory_space<semaphore_mem>>)
      %dma_wait3A_2820 = arith.constant 0 : i32
      %dma_wait3A_2821 = tpu.memref_slice %arg6[%run_scoped3A_83, %dma_wait3A_2820] : memref<4x128xi32, #tpu.memory_space<vmem>> -> memref<1x128xi32, #tpu.memory_space<vmem>>
      %dma_wait3A_2822 = tpu.memref_squeeze %dma_wait3A_2821 : memref<1x128xi32, #tpu.memory_space<vmem>> -> memref<128xi32, #tpu.memory_space<vmem>>
      %dma_wait3A_2823 = tpu.memref_slice %arg3[%select_n3A_64, %mul3A_82] : memref<8x2048xi32, #tpu.memory_space<hbm>> -> memref<1x128xi32, #tpu.memory_space<hbm>>
      %dma_wait3A_2824 = tpu.memref_squeeze %dma_wait3A_2823 : memref<1x128xi32, #tpu.memory_space<hbm>> -> memref<128xi32, #tpu.memory_space<hbm>>
      %dma_wait3A_2825 = arith.constant 0 : i32
      %dma_wait3A_2826 = tpu.memref_slice %arg6[%run_scoped3A_83, %dma_wait3A_2825] : memref<4x128xi32, #tpu.memory_space<vmem>> -> memref<1x128xi32, #tpu.memory_space<vmem>>
      %dma_wait3A_2827 = tpu.memref_squeeze %dma_wait3A_2826 : memref<1x128xi32, #tpu.memory_space<vmem>> -> memref<128xi32, #tpu.memory_space<vmem>>
      %dma_wait3A_2828 = tpu.memref_slice %arg3[%select_n3A_64, %mul3A_82] : memref<8x2048xi32, #tpu.memory_space<hbm>> -> memref<1x128xi32, #tpu.memory_space<hbm>>
      %dma_wait3A_2829 = tpu.memref_squeeze %dma_wait3A_2828 : memref<1x128xi32, #tpu.memory_space<hbm>> -> memref<128xi32, #tpu.memory_space<hbm>>
      tpu.wait_dma2 semaphore(%run_scoped3A_2809 : memref<!tpu.dma_semaphore, #tpu.memory_space<semaphore_mem>>) src(%dma_wait3A_2829 : memref<128xi32, #tpu.memory_space<hbm>>) dst(%dma_wait3A_2827 : memref<128xi32, #tpu.memory_space<vmem>>)
      tpu.yield
    }) : () -> ()
    %mul3A_84 = arith.constant 4 : i32
    %mul3A_85 = arith.muli %add3A, %mul3A_84 : i32
    %add3A_86 = arith.constant 2 : i32
    %add3A_87 = arith.addi %mul3A_85, %add3A_86 : i32
    %jit3A_88 = arith.constant 16 : i32
    %div3A_89 = arith.divsi %add3A_87, %jit3A_88 : i32
    %sign3A_90 = arith.constant 0 : i32
    %sign3A_91 = arith.cmpi sgt, %add3A_87, %sign3A_90 : i32
    %sign3A_92 = arith.extui %sign3A_91 : i1 to i32
    %sign3A_93 = arith.constant 0 : i32
    %sign3A_94 = arith.cmpi slt, %add3A_87, %sign3A_93 : i32
    %sign3A_95 = arith.extui %sign3A_94 : i1 to i32
    %sign3A_96 = arith.subi %sign3A_92, %sign3A_95 : i32
    %sign3A_97 = arith.constant 0 : i32
    %sign3A_98 = arith.cmpi sgt, %jit3A_88, %sign3A_97 : i32
    %sign3A_99 = arith.extui %sign3A_98 : i1 to i32
    %sign3A_100 = arith.constant 0 : i32
    %sign3A_101 = arith.cmpi slt, %jit3A_88, %sign3A_100 : i32
    %sign3A_102 = arith.extui %sign3A_101 : i1 to i32
    %sign3A_103 = arith.subi %sign3A_99, %sign3A_102 : i32
    %ne3A_104 = arith.cmpi ne, %sign3A_96, %sign3A_103 : i32
    %rem3A_105 = arith.remsi %add3A_87, %jit3A_88 : i32
    %ne3A_106 = arith.constant 0 : i32
    %ne3A_107 = arith.cmpi ne, %rem3A_105, %ne3A_106 : i32
    %and3A_108 = arith.andi %ne3A_104, %ne3A_107 : i1
    %sub3A_109 = arith.constant 1 : i32
    %sub3A_110 = arith.subi %div3A_89, %sub3A_109 : i32
    %select_n3A_111 = arith.select %and3A_108, %sub3A_110, %div3A_89 : i32
    %jit3A_112 = arith.constant 16 : i32
    %eq3A_113 = arith.constant 0 : i32
    %eq3A_114 = arith.cmpi eq, %jit3A_112, %eq3A_113 : i32
    %jit3A_115 = arith.constant 1 : i32
    %select_n3A_116 = arith.select %eq3A_114, %jit3A_115, %jit3A_112 : i32
    %rem3A_117 = arith.remsi %add3A_87, %select_n3A_116 : i32
    %ne3A_118 = arith.constant 0 : i32
    %ne3A_119 = arith.cmpi ne, %rem3A_117, %ne3A_118 : i32
    %lt3A_120 = arith.constant 0 : i32
    %lt3A_121 = arith.cmpi slt, %rem3A_117, %lt3A_120 : i32
    %lt3A_122 = arith.constant 0 : i32
    %lt3A_123 = arith.cmpi slt, %select_n3A_116, %lt3A_122 : i32
    %ne3A_124 = arith.xori %lt3A_121, %lt3A_123 : i1
    %and3A_125 = arith.andi %ne3A_124, %ne3A_119 : i1
    %add3A_126 = arith.addi %rem3A_117, %select_n3A_116 : i32
    %select_n3A_127 = arith.select %and3A_125, %add3A_126, %rem3A_117 : i32
    %mul3A_128 = arith.constant 128 : i32
    %mul3A_129 = arith.muli %select_n3A_127, %mul3A_128 : i32
    %run_scoped3A_130 = arith.constant 2 : i32
    "tpu.region"() ({
      %run_scoped3A_2809 = tpu.sem_alloc : memref<!tpu.dma_semaphore, #tpu.memory_space<semaphore_mem>>
      %dma_start3A_2810 = arith.constant 0 : i32
      %dma_start3A_2811 = tpu.memref_slice %arg6[%run_scoped3A_130, %dma_start3A_2810] : memref<4x128xi32, #tpu.memory_space<vmem>> -> memref<1x128xi32, #tpu.memory_space<vmem>>
      %dma_start3A_2812 = tpu.memref_squeeze %dma_start3A_2811 : memref<1x128xi32, #tpu.memory_space<vmem>> -> memref<128xi32, #tpu.memory_space<vmem>>
      %dma_start3A_2813 = tpu.memref_slice %arg3[%select_n3A_111, %mul3A_129] : memref<8x2048xi32, #tpu.memory_space<hbm>> -> memref<1x128xi32, #tpu.memory_space<hbm>>
      %dma_start3A_2814 = tpu.memref_squeeze %dma_start3A_2813 : memref<1x128xi32, #tpu.memory_space<hbm>> -> memref<128xi32, #tpu.memory_space<hbm>>
      %dma_start3A_2815 = arith.constant 0 : i32
      %dma_start3A_2816 = tpu.memref_slice %arg6[%run_scoped3A_130, %dma_start3A_2815] : memref<4x128xi32, #tpu.memory_space<vmem>> -> memref<1x128xi32, #tpu.memory_space<vmem>>
      %dma_start3A_2817 = tpu.memref_squeeze %dma_start3A_2816 : memref<1x128xi32, #tpu.memory_space<vmem>> -> memref<128xi32, #tpu.memory_space<vmem>>
      %dma_start3A_2818 = tpu.memref_slice %arg3[%select_n3A_111, %mul3A_129] : memref<8x2048xi32, #tpu.memory_space<hbm>> -> memref<1x128xi32, #tpu.memory_space<hbm>>
      %dma_start3A_2819 = tpu.memref_squeeze %dma_start3A_2818 : memref<1x128xi32, #tpu.memory_space<hbm>> -> memref<128xi32, #tpu.memory_space<hbm>>
      tpu.enqueue_dma source(%dma_start3A_2819 : memref<128xi32, #tpu.memory_space<hbm>>) target(%dma_start3A_2817 : memref<128xi32, #tpu.memory_space<vmem>>) target_semaphore(%run_scoped3A_2809 : memref<!tpu.dma_semaphore, #tpu.memory_space<semaphore_mem>>)
      %dma_wait3A_2820 = arith.constant 0 : i32
      %dma_wait3A_2821 = tpu.memref_slice %arg6[%run_scoped3A_130, %dma_wait3A_2820] : memref<4x128xi32, #tpu.memory_space<vmem>> -> memref<1x128xi32, #tpu.memory_space<vmem>>
      %dma_wait3A_2822 = tpu.memref_squeeze %dma_wait3A_2821 : memref<1x128xi32, #tpu.memory_space<vmem>> -> memref<128xi32, #tpu.memory_space<vmem>>
      %dma_wait3A_2823 = tpu.memref_slice %arg3[%select_n3A_111, %mul3A_129] : memref<8x2048xi32, #tpu.memory_space<hbm>> -> memref<1x128xi32, #tpu.memory_space<hbm>>
      %dma_wait3A_2824 = tpu.memref_squeeze %dma_wait3A_2823 : memref<1x128xi32, #tpu.memory_space<hbm>> -> memref<128xi32, #tpu.memory_space<hbm>>
      %dma_wait3A_2825 = arith.constant 0 : i32
      %dma_wait3A_2826 = tpu.memref_slice %arg6[%run_scoped3A_130, %dma_wait3A_2825] : memref<4x128xi32, #tpu.memory_space<vmem>> -> memref<1x128xi32, #tpu.memory_space<vmem>>
      %dma_wait3A_2827 = tpu.memref_squeeze %dma_wait3A_2826 : memref<1x128xi32, #tpu.memory_space<vmem>> -> memref<128xi32, #tpu.memory_space<vmem>>
      %dma_wait3A_2828 = tpu.memref_slice %arg3[%select_n3A_111, %mul3A_129] : memref<8x2048xi32, #tpu.memory_space<hbm>> -> memref<1x128xi32, #tpu.memory_space<hbm>>
      %dma_wait3A_2829 = tpu.memref_squeeze %dma_wait3A_2828 : memref<1x128xi32, #tpu.memory_space<hbm>> -> memref<128xi32, #tpu.memory_space<hbm>>
      tpu.wait_dma2 semaphore(%run_scoped3A_2809 : memref<!tpu.dma_semaphore, #tpu.memory_space<semaphore_mem>>) src(%dma_wait3A_2829 : memref<128xi32, #tpu.memory_space<hbm>>) dst(%dma_wait3A_2827 : memref<128xi32, #tpu.memory_space<vmem>>)
      tpu.yield
    }) : () -> ()
    %mul3A_131 = arith.constant 4 : i32
    %mul3A_132 = arith.muli %add3A, %mul3A_131 : i32
    %add3A_133 = arith.constant 3 : i32
    %add3A_134 = arith.addi %mul3A_132, %add3A_133 : i32
    %jit3A_135 = arith.constant 16 : i32
    %div3A_136 = arith.divsi %add3A_134, %jit3A_135 : i32
    %sign3A_137 = arith.constant 0 : i32
    %sign3A_138 = arith.cmpi sgt, %add3A_134, %sign3A_137 : i32
    %sign3A_139 = arith.extui %sign3A_138 : i1 to i32
    %sign3A_140 = arith.constant 0 : i32
    %sign3A_141 = arith.cmpi slt, %add3A_134, %sign3A_140 : i32
    %sign3A_142 = arith.extui %sign3A_141 : i1 to i32
    %sign3A_143 = arith.subi %sign3A_139, %sign3A_142 : i32
    %sign3A_144 = arith.constant 0 : i32
    %sign3A_145 = arith.cmpi sgt, %jit3A_135, %sign3A_144 : i32
    %sign3A_146 = arith.extui %sign3A_145 : i1 to i32
    %sign3A_147 = arith.constant 0 : i32
    %sign3A_148 = arith.cmpi slt, %jit3A_135, %sign3A_147 : i32
    %sign3A_149 = arith.extui %sign3A_148 : i1 to i32
    %sign3A_150 = arith.subi %sign3A_146, %sign3A_149 : i32
    %ne3A_151 = arith.cmpi ne, %sign3A_143, %sign3A_150 : i32
    %rem3A_152 = arith.remsi %add3A_134, %jit3A_135 : i32
    %ne3A_153 = arith.constant 0 : i32
    %ne3A_154 = arith.cmpi ne, %rem3A_152, %ne3A_153 : i32
    %and3A_155 = arith.andi %ne3A_151, %ne3A_154 : i1
    %sub3A_156 = arith.constant 1 : i32
    %sub3A_157 = arith.subi %div3A_136, %sub3A_156 : i32
    %select_n3A_158 = arith.select %and3A_155, %sub3A_157, %div3A_136 : i32
    %jit3A_159 = arith.constant 16 : i32
    %eq3A_160 = arith.constant 0 : i32
    %eq3A_161 = arith.cmpi eq, %jit3A_159, %eq3A_160 : i32
    %jit3A_162 = arith.constant 1 : i32
    %select_n3A_163 = arith.select %eq3A_161, %jit3A_162, %jit3A_159 : i32
    %rem3A_164 = arith.remsi %add3A_134, %select_n3A_163 : i32
    %ne3A_165 = arith.constant 0 : i32
    %ne3A_166 = arith.cmpi ne, %rem3A_164, %ne3A_165 : i32
    %lt3A_167 = arith.constant 0 : i32
    %lt3A_168 = arith.cmpi slt, %rem3A_164, %lt3A_167 : i32
    %lt3A_169 = arith.constant 0 : i32
    %lt3A_170 = arith.cmpi slt, %select_n3A_163, %lt3A_169 : i32
    %ne3A_171 = arith.xori %lt3A_168, %lt3A_170 : i1
    %and3A_172 = arith.andi %ne3A_171, %ne3A_166 : i1
    %add3A_173 = arith.addi %rem3A_164, %select_n3A_163 : i32
    %select_n3A_174 = arith.select %and3A_172, %add3A_173, %rem3A_164 : i32
    %mul3A_175 = arith.constant 128 : i32
    %mul3A_176 = arith.muli %select_n3A_174, %mul3A_175 : i32
    %run_scoped3A_177 = arith.constant 3 : i32
    "tpu.region"() ({
      %run_scoped3A_2809 = tpu.sem_alloc : memref<!tpu.dma_semaphore, #tpu.memory_space<semaphore_mem>>
      %dma_start3A_2810 = arith.constant 0 : i32
      %dma_start3A_2811 = tpu.memref_slice %arg6[%run_scoped3A_177, %dma_start3A_2810] : memref<4x128xi32, #tpu.memory_space<vmem>> -> memref<1x128xi32, #tpu.memory_space<vmem>>
      %dma_start3A_2812 = tpu.memref_squeeze %dma_start3A_2811 : memref<1x128xi32, #tpu.memory_space<vmem>> -> memref<128xi32, #tpu.memory_space<vmem>>
      %dma_start3A_2813 = tpu.memref_slice %arg3[%select_n3A_158, %mul3A_176] : memref<8x2048xi32, #tpu.memory_space<hbm>> -> memref<1x128xi32, #tpu.memory_space<hbm>>
      %dma_start3A_2814 = tpu.memref_squeeze %dma_start3A_2813 : memref<1x128xi32, #tpu.memory_space<hbm>> -> memref<128xi32, #tpu.memory_space<hbm>>
      %dma_start3A_2815 = arith.constant 0 : i32
      %dma_start3A_2816 = tpu.memref_slice %arg6[%run_scoped3A_177, %dma_start3A_2815] : memref<4x128xi32, #tpu.memory_space<vmem>> -> memref<1x128xi32, #tpu.memory_space<vmem>>
      %dma_start3A_2817 = tpu.memref_squeeze %dma_start3A_2816 : memref<1x128xi32, #tpu.memory_space<vmem>> -> memref<128xi32, #tpu.memory_space<vmem>>
      %dma_start3A_2818 = tpu.memref_slice %arg3[%select_n3A_158, %mul3A_176] : memref<8x2048xi32, #tpu.memory_space<hbm>> -> memref<1x128xi32, #tpu.memory_space<hbm>>
      %dma_start3A_2819 = tpu.memref_squeeze %dma_start3A_2818 : memref<1x128xi32, #tpu.memory_space<hbm>> -> memref<128xi32, #tpu.memory_space<hbm>>
      tpu.enqueue_dma source(%dma_start3A_2819 : memref<128xi32, #tpu.memory_space<hbm>>) target(%dma_start3A_2817 : memref<128xi32, #tpu.memory_space<vmem>>) target_semaphore(%run_scoped3A_2809 : memref<!tpu.dma_semaphore, #tpu.memory_space<semaphore_mem>>)
      %dma_wait3A_2820 = arith.constant 0 : i32
      %dma_wait3A_2821 = tpu.memref_slice %arg6[%run_scoped3A_177, %dma_wait3A_2820] : memref<4x128xi32, #tpu.memory_space<vmem>> -> memref<1x128xi32, #tpu.memory_space<vmem>>
      %dma_wait3A_2822 = tpu.memref_squeeze %dma_wait3A_2821 : memref<1x128xi32, #tpu.memory_space<vmem>> -> memref<128xi32, #tpu.memory_space<vmem>>
      %dma_wait3A_2823 = tpu.memref_slice %arg3[%select_n3A_158, %mul3A_176] : memref<8x2048xi32, #tpu.memory_space<hbm>> -> memref<1x128xi32, #tpu.memory_space<hbm>>
      %dma_wait3A_2824 = tpu.memref_squeeze %dma_wait3A_2823 : memref<1x128xi32, #tpu.memory_space<hbm>> -> memref<128xi32, #tpu.memory_space<hbm>>
      %dma_wait3A_2825 = arith.constant 0 : i32
      %dma_wait3A_2826 = tpu.memref_slice %arg6[%run_scoped3A_177, %dma_wait3A_2825] : memref<4x128xi32, #tpu.memory_space<vmem>> -> memref<1x128xi32, #tpu.memory_space<vmem>>
      %dma_wait3A_2827 = tpu.memref_squeeze %dma_wait3A_2826 : memref<1x128xi32, #tpu.memory_space<vmem>> -> memref<128xi32, #tpu.memory_space<vmem>>
      %dma_wait3A_2828 = tpu.memref_slice %arg3[%select_n3A_158, %mul3A_176] : memref<8x2048xi32, #tpu.memory_space<hbm>> -> memref<1x128xi32, #tpu.memory_space<hbm>>
      %dma_wait3A_2829 = tpu.memref_squeeze %dma_wait3A_2828 : memref<1x128xi32, #tpu.memory_space<hbm>> -> memref<128xi32, #tpu.memory_space<hbm>>
      tpu.wait_dma2 semaphore(%run_scoped3A_2809 : memref<!tpu.dma_semaphore, #tpu.memory_space<semaphore_mem>>) src(%dma_wait3A_2829 : memref<128xi32, #tpu.memory_space<hbm>>) dst(%dma_wait3A_2827 : memref<128xi32, #tpu.memory_space<vmem>>)
      tpu.yield
    }) : () -> ()
    %mul3A_178 = arith.constant 4 : i32
    %mul3A_179 = arith.muli %add3A, %mul3A_178 : i32
    %add3A_180 = arith.constant 0 : i32
    %add3A_181 = arith.addi %mul3A_179, %add3A_180 : i32
    %jit3A_182 = arith.constant 16 : i32
    %div3A_183 = arith.divsi %add3A_181, %jit3A_182 : i32
    %sign3A_184 = arith.constant 0 : i32
    %sign3A_185 = arith.cmpi sgt, %add3A_181, %sign3A_184 : i32
    %sign3A_186 = arith.extui %sign3A_185 : i1 to i32
    %sign3A_187 = arith.constant 0 : i32
    %sign3A_188 = arith.cmpi slt, %add3A_181, %sign3A_187 : i32
    %sign3A_189 = arith.extui %sign3A_188 : i1 to i32
    %sign3A_190 = arith.subi %sign3A_186, %sign3A_189 : i32
    %sign3A_191 = arith.constant 0 : i32
    %sign3A_192 = arith.cmpi sgt, %jit3A_182, %sign3A_191 : i32
    %sign3A_193 = arith.extui %sign3A_192 : i1 to i32
    %sign3A_194 = arith.constant 0 : i32
    %sign3A_195 = arith.cmpi slt, %jit3A_182, %sign3A_194 : i32
    %sign3A_196 = arith.extui %sign3A_195 : i1 to i32
    %sign3A_197 = arith.subi %sign3A_193, %sign3A_196 : i32
    %ne3A_198 = arith.cmpi ne, %sign3A_190, %sign3A_197 : i32
    %rem3A_199 = arith.remsi %add3A_181, %jit3A_182 : i32
    %ne3A_200 = arith.constant 0 : i32
    %ne3A_201 = arith.cmpi ne, %rem3A_199, %ne3A_200 : i32
    %and3A_202 = arith.andi %ne3A_198, %ne3A_201 : i1
    %sub3A_203 = arith.constant 1 : i32
    %sub3A_204 = arith.subi %div3A_183, %sub3A_203 : i32
    %select_n3A_205 = arith.select %and3A_202, %sub3A_204, %div3A_183 : i32
    %jit3A_206 = arith.constant 16 : i32
    %eq3A_207 = arith.constant 0 : i32
    %eq3A_208 = arith.cmpi eq, %jit3A_206, %eq3A_207 : i32
    %jit3A_209 = arith.constant 1 : i32
    %select_n3A_210 = arith.select %eq3A_208, %jit3A_209, %jit3A_206 : i32
    %rem3A_211 = arith.remsi %add3A_181, %select_n3A_210 : i32
    %ne3A_212 = arith.constant 0 : i32
    %ne3A_213 = arith.cmpi ne, %rem3A_211, %ne3A_212 : i32
    %lt3A_214 = arith.constant 0 : i32
    %lt3A_215 = arith.cmpi slt, %rem3A_211, %lt3A_214 : i32
    %lt3A_216 = arith.constant 0 : i32
    %lt3A_217 = arith.cmpi slt, %select_n3A_210, %lt3A_216 : i32
    %ne3A_218 = arith.xori %lt3A_215, %lt3A_217 : i1
    %and3A_219 = arith.andi %ne3A_218, %ne3A_213 : i1
    %add3A_220 = arith.addi %rem3A_211, %select_n3A_210 : i32
    %select_n3A_221 = arith.select %and3A_219, %add3A_220, %rem3A_211 : i32
    %mul3A_222 = arith.constant 128 : i32
    %mul3A_223 = arith.muli %select_n3A_221, %mul3A_222 : i32
    %dma_start3A = arith.constant 0 : i32
    %dma_start3A_224 = arith.constant 0 : i32
    %dma_start3A_225 = arith.constant 0 : i32
    %dma_start3A_226 = tpu.memref_slice %arg5[%dma_start3A, %dma_start3A_224, %dma_start3A_225] : memref<3x256x128xf32, #tpu.memory_space<vmem>> -> memref<1x256x128xf32, #tpu.memory_space<vmem>>
    %dma_start3A_227 = tpu.memref_squeeze %dma_start3A_226 : memref<1x256x128xf32, #tpu.memory_space<vmem>> -> memref<256x128xf32, #tpu.memory_space<vmem>>
    %dma_start3A_228 = arith.constant 0 : i32
    %dma_start3A_229 = tpu.memref_slice %arg2[%select_n3A_205, %dma_start3A_228, %mul3A_223] : memref<8x256x2048xf32, #tpu.memory_space<hbm>> -> memref<1x256x128xf32, #tpu.memory_space<hbm>>
    %dma_start3A_230 = tpu.memref_squeeze %dma_start3A_229 : memref<1x256x128xf32, #tpu.memory_space<hbm>> -> memref<256x128xf32, #tpu.memory_space<hbm>>
    %dma_start3A_231 = arith.constant 0 : i32
    %dma_start3A_232 = arith.constant 0 : i32
    %dma_start3A_233 = tpu.memref_slice %arg5[%dma_start3A, %dma_start3A_231, %dma_start3A_232] : memref<3x256x128xf32, #tpu.memory_space<vmem>> -> memref<1x256x128xf32, #tpu.memory_space<vmem>>
    %dma_start3A_234 = tpu.memref_squeeze %dma_start3A_233 : memref<1x256x128xf32, #tpu.memory_space<vmem>> -> memref<256x128xf32, #tpu.memory_space<vmem>>
    %dma_start3A_235 = arith.constant 0 : i32
    %dma_start3A_236 = tpu.memref_slice %arg2[%select_n3A_205, %dma_start3A_235, %mul3A_223] : memref<8x256x2048xf32, #tpu.memory_space<hbm>> -> memref<1x256x128xf32, #tpu.memory_space<hbm>>
    %dma_start3A_237 = tpu.memref_squeeze %dma_start3A_236 : memref<1x256x128xf32, #tpu.memory_space<hbm>> -> memref<256x128xf32, #tpu.memory_space<hbm>>
    tpu.enqueue_dma source(%dma_start3A_237 : memref<256x128xf32, #tpu.memory_space<hbm>>) target(%dma_start3A_234 : memref<256x128xf32, #tpu.memory_space<vmem>>) target_semaphore(%arg8 : memref<!tpu.dma_semaphore, #tpu.memory_space<semaphore_mem>>)
    %mul3A_238 = arith.constant 4 : i32
    %mul3A_239 = arith.muli %add3A, %mul3A_238 : i32
    %add3A_240 = arith.constant 1 : i32
    %add3A_241 = arith.addi %mul3A_239, %add3A_240 : i32
    %jit3A_242 = arith.constant 16 : i32
    %div3A_243 = arith.divsi %add3A_241, %jit3A_242 : i32
    %sign3A_244 = arith.constant 0 : i32
    %sign3A_245 = arith.cmpi sgt, %add3A_241, %sign3A_244 : i32
    %sign3A_246 = arith.extui %sign3A_245 : i1 to i32
    %sign3A_247 = arith.constant 0 : i32
    %sign3A_248 = arith.cmpi slt, %add3A_241, %sign3A_247 : i32
    %sign3A_249 = arith.extui %sign3A_248 : i1 to i32
    %sign3A_250 = arith.subi %sign3A_246, %sign3A_249 : i32
    %sign3A_251 = arith.constant 0 : i32
    %sign3A_252 = arith.cmpi sgt, %jit3A_242, %sign3A_251 : i32
    %sign3A_253 = arith.extui %sign3A_252 : i1 to i32
    %sign3A_254 = arith.constant 0 : i32
    %sign3A_255 = arith.cmpi slt, %jit3A_242, %sign3A_254 : i32
    %sign3A_256 = arith.extui %sign3A_255 : i1 to i32
    %sign3A_257 = arith.subi %sign3A_253, %sign3A_256 : i32
    %ne3A_258 = arith.cmpi ne, %sign3A_250, %sign3A_257 : i32
    %rem3A_259 = arith.remsi %add3A_241, %jit3A_242 : i32
    %ne3A_260 = arith.constant 0 : i32
    %ne3A_261 = arith.cmpi ne, %rem3A_259, %ne3A_260 : i32
    %and3A_262 = arith.andi %ne3A_258, %ne3A_261 : i1
    %sub3A_263 = arith.constant 1 : i32
    %sub3A_264 = arith.subi %div3A_243, %sub3A_263 : i32
    %select_n3A_265 = arith.select %and3A_262, %sub3A_264, %div3A_243 : i32
    %jit3A_266 = arith.constant 16 : i32
    %eq3A_267 = arith.constant 0 : i32
    %eq3A_268 = arith.cmpi eq, %jit3A_266, %eq3A_267 : i32
    %jit3A_269 = arith.constant 1 : i32
    %select_n3A_270 = arith.select %eq3A_268, %jit3A_269, %jit3A_266 : i32
    %rem3A_271 = arith.remsi %add3A_241, %select_n3A_270 : i32
    %ne3A_272 = arith.constant 0 : i32
    %ne3A_273 = arith.cmpi ne, %rem3A_271, %ne3A_272 : i32
    %lt3A_274 = arith.constant 0 : i32
    %lt3A_275 = arith.cmpi slt, %rem3A_271, %lt3A_274 : i32
    %lt3A_276 = arith.constant 0 : i32
    %lt3A_277 = arith.cmpi slt, %select_n3A_270, %lt3A_276 : i32
    %ne3A_278 = arith.xori %lt3A_275, %lt3A_277 : i1
    %and3A_279 = arith.andi %ne3A_278, %ne3A_273 : i1
    %add3A_280 = arith.addi %rem3A_271, %select_n3A_270 : i32
    %select_n3A_281 = arith.select %and3A_279, %add3A_280, %rem3A_271 : i32
    %mul3A_282 = arith.constant 128 : i32
    %mul3A_283 = arith.muli %select_n3A_281, %mul3A_282 : i32
    %dma_start3A_284 = arith.constant 1 : i32
    %dma_start3A_285 = arith.constant 0 : i32
    %dma_start3A_286 = arith.constant 0 : i32
    %dma_start3A_287 = tpu.memref_slice %arg5[%dma_start3A_284, %dma_start3A_285, %dma_start3A_286] : memref<3x256x128xf32, #tpu.memory_space<vmem>> -> memref<1x256x128xf32, #tpu.memory_space<vmem>>
    %dma_start3A_288 = tpu.memref_squeeze %dma_start3A_287 : memref<1x256x128xf32, #tpu.memory_space<vmem>> -> memref<256x128xf32, #tpu.memory_space<vmem>>
    %dma_start3A_289 = arith.constant 0 : i32
    %dma_start3A_290 = tpu.memref_slice %arg2[%select_n3A_265, %dma_start3A_289, %mul3A_283] : memref<8x256x2048xf32, #tpu.memory_space<hbm>> -> memref<1x256x128xf32, #tpu.memory_space<hbm>>
    %dma_start3A_291 = tpu.memref_squeeze %dma_start3A_290 : memref<1x256x128xf32, #tpu.memory_space<hbm>> -> memref<256x128xf32, #tpu.memory_space<hbm>>
    %dma_start3A_292 = arith.constant 0 : i32
    %dma_start3A_293 = arith.constant 0 : i32
    %dma_start3A_294 = tpu.memref_slice %arg5[%dma_start3A_284, %dma_start3A_292, %dma_start3A_293] : memref<3x256x128xf32, #tpu.memory_space<vmem>> -> memref<1x256x128xf32, #tpu.memory_space<vmem>>
    %dma_start3A_295 = tpu.memref_squeeze %dma_start3A_294 : memref<1x256x128xf32, #tpu.memory_space<vmem>> -> memref<256x128xf32, #tpu.memory_space<vmem>>
    %dma_start3A_296 = arith.constant 0 : i32
    %dma_start3A_297 = tpu.memref_slice %arg2[%select_n3A_265, %dma_start3A_296, %mul3A_283] : memref<8x256x2048xf32, #tpu.memory_space<hbm>> -> memref<1x256x128xf32, #tpu.memory_space<hbm>>
    %dma_start3A_298 = tpu.memref_squeeze %dma_start3A_297 : memref<1x256x128xf32, #tpu.memory_space<hbm>> -> memref<256x128xf32, #tpu.memory_space<hbm>>
    tpu.enqueue_dma source(%dma_start3A_298 : memref<256x128xf32, #tpu.memory_space<hbm>>) target(%dma_start3A_295 : memref<256x128xf32, #tpu.memory_space<vmem>>) target_semaphore(%arg9 : memref<!tpu.dma_semaphore, #tpu.memory_space<semaphore_mem>>)
    %broadcast_in_dim3A = arith.constant 0.000000e+00 : f32
    %broadcast_in_dim3A_299 = vector.broadcast %broadcast_in_dim3A : f32 to vector<16xf32>
    %dma_wait3A = arith.constant 0 : i32
    %dma_wait3A_300 = arith.constant 0 : i32
    %dma_wait3A_301 = arith.constant 0 : i32
    %dma_wait3A_302 = tpu.memref_slice %arg5[%dma_wait3A, %dma_wait3A_300, %dma_wait3A_301] : memref<3x256x128xf32, #tpu.memory_space<vmem>> -> memref<1x256x128xf32, #tpu.memory_space<vmem>>
    %dma_wait3A_303 = tpu.memref_squeeze %dma_wait3A_302 : memref<1x256x128xf32, #tpu.memory_space<vmem>> -> memref<256x128xf32, #tpu.memory_space<vmem>>
    %dma_wait3A_304 = arith.constant 0 : i32
    %dma_wait3A_305 = tpu.memref_slice %arg2[%select_n3A_205, %dma_wait3A_304, %mul3A_223] : memref<8x256x2048xf32, #tpu.memory_space<hbm>> -> memref<1x256x128xf32, #tpu.memory_space<hbm>>
    %dma_wait3A_306 = tpu.memref_squeeze %dma_wait3A_305 : memref<1x256x128xf32, #tpu.memory_space<hbm>> -> memref<256x128xf32, #tpu.memory_space<hbm>>
    %dma_wait3A_307 = arith.constant 0 : i32
    %dma_wait3A_308 = arith.constant 0 : i32
    %dma_wait3A_309 = tpu.memref_slice %arg5[%dma_wait3A, %dma_wait3A_307, %dma_wait3A_308] : memref<3x256x128xf32, #tpu.memory_space<vmem>> -> memref<1x256x128xf32, #tpu.memory_space<vmem>>
    %dma_wait3A_310 = tpu.memref_squeeze %dma_wait3A_309 : memref<1x256x128xf32, #tpu.memory_space<vmem>> -> memref<256x128xf32, #tpu.memory_space<vmem>>
    %dma_wait3A_311 = arith.constant 0 : i32
    %dma_wait3A_312 = tpu.memref_slice %arg2[%select_n3A_205, %dma_wait3A_311, %mul3A_223] : memref<8x256x2048xf32, #tpu.memory_space<hbm>> -> memref<1x256x128xf32, #tpu.memory_space<hbm>>
    %dma_wait3A_313 = tpu.memref_squeeze %dma_wait3A_312 : memref<1x256x128xf32, #tpu.memory_space<hbm>> -> memref<256x128xf32, #tpu.memory_space<hbm>>
    tpu.wait_dma2 semaphore(%arg8 : memref<!tpu.dma_semaphore, #tpu.memory_space<semaphore_mem>>) src(%dma_wait3A_313 : memref<256x128xf32, #tpu.memory_space<hbm>>) dst(%dma_wait3A_310 : memref<256x128xf32, #tpu.memory_space<vmem>>)
    %mul3A_314 = arith.constant 4 : i32
    %mul3A_315 = arith.muli %add3A, %mul3A_314 : i32
    %add3A_316 = arith.constant 2 : i32
    %add3A_317 = arith.addi %mul3A_315, %add3A_316 : i32
    %jit3A_318 = arith.constant 16 : i32
    %div3A_319 = arith.divsi %add3A_317, %jit3A_318 : i32
    %sign3A_320 = arith.constant 0 : i32
    %sign3A_321 = arith.cmpi sgt, %add3A_317, %sign3A_320 : i32
    %sign3A_322 = arith.extui %sign3A_321 : i1 to i32
    %sign3A_323 = arith.constant 0 : i32
    %sign3A_324 = arith.cmpi slt, %add3A_317, %sign3A_323 : i32
    %sign3A_325 = arith.extui %sign3A_324 : i1 to i32
    %sign3A_326 = arith.subi %sign3A_322, %sign3A_325 : i32
    %sign3A_327 = arith.constant 0 : i32
    %sign3A_328 = arith.cmpi sgt, %jit3A_318, %sign3A_327 : i32
    %sign3A_329 = arith.extui %sign3A_328 : i1 to i32
    %sign3A_330 = arith.constant 0 : i32
    %sign3A_331 = arith.cmpi slt, %jit3A_318, %sign3A_330 : i32
    %sign3A_332 = arith.extui %sign3A_331 : i1 to i32
    %sign3A_333 = arith.subi %sign3A_329, %sign3A_332 : i32
    %ne3A_334 = arith.cmpi ne, %sign3A_326, %sign3A_333 : i32
    %rem3A_335 = arith.remsi %add3A_317, %jit3A_318 : i32
    %ne3A_336 = arith.constant 0 : i32
    %ne3A_337 = arith.cmpi ne, %rem3A_335, %ne3A_336 : i32
    %and3A_338 = arith.andi %ne3A_334, %ne3A_337 : i1
    %sub3A_339 = arith.constant 1 : i32
    %sub3A_340 = arith.subi %div3A_319, %sub3A_339 : i32
    %select_n3A_341 = arith.select %and3A_338, %sub3A_340, %div3A_319 : i32
    %jit3A_342 = arith.constant 16 : i32
    %eq3A_343 = arith.constant 0 : i32
    %eq3A_344 = arith.cmpi eq, %jit3A_342, %eq3A_343 : i32
    %jit3A_345 = arith.constant 1 : i32
    %select_n3A_346 = arith.select %eq3A_344, %jit3A_345, %jit3A_342 : i32
    %rem3A_347 = arith.remsi %add3A_317, %select_n3A_346 : i32
    %ne3A_348 = arith.constant 0 : i32
    %ne3A_349 = arith.cmpi ne, %rem3A_347, %ne3A_348 : i32
    %lt3A_350 = arith.constant 0 : i32
    %lt3A_351 = arith.cmpi slt, %rem3A_347, %lt3A_350 : i32
    %lt3A_352 = arith.constant 0 : i32
    %lt3A_353 = arith.cmpi slt, %select_n3A_346, %lt3A_352 : i32
    %ne3A_354 = arith.xori %lt3A_351, %lt3A_353 : i1
    %and3A_355 = arith.andi %ne3A_354, %ne3A_349 : i1
    %add3A_356 = arith.addi %rem3A_347, %select_n3A_346 : i32
    %select_n3A_357 = arith.select %and3A_355, %add3A_356, %rem3A_347 : i32
    %mul3A_358 = arith.constant 128 : i32
    %mul3A_359 = arith.muli %select_n3A_357, %mul3A_358 : i32
    %dma_start3A_360 = arith.constant 2 : i32
    %dma_start3A_361 = arith.constant 0 : i32
    %dma_start3A_362 = arith.constant 0 : i32
    %dma_start3A_363 = tpu.memref_slice %arg5[%dma_start3A_360, %dma_start3A_361, %dma_start3A_362] : memref<3x256x128xf32, #tpu.memory_space<vmem>> -> memref<1x256x128xf32, #tpu.memory_space<vmem>>
    %dma_start3A_364 = tpu.memref_squeeze %dma_start3A_363 : memref<1x256x128xf32, #tpu.memory_space<vmem>> -> memref<256x128xf32, #tpu.memory_space<vmem>>
    %dma_start3A_365 = arith.constant 0 : i32
    %dma_start3A_366 = tpu.memref_slice %arg2[%select_n3A_341, %dma_start3A_365, %mul3A_359] : memref<8x256x2048xf32, #tpu.memory_space<hbm>> -> memref<1x256x128xf32, #tpu.memory_space<hbm>>
    %dma_start3A_367 = tpu.memref_squeeze %dma_start3A_366 : memref<1x256x128xf32, #tpu.memory_space<hbm>> -> memref<256x128xf32, #tpu.memory_space<hbm>>
    %dma_start3A_368 = arith.constant 0 : i32
    %dma_start3A_369 = arith.constant 0 : i32
    %dma_start3A_370 = tpu.memref_slice %arg5[%dma_start3A_360, %dma_start3A_368, %dma_start3A_369] : memref<3x256x128xf32, #tpu.memory_space<vmem>> -> memref<1x256x128xf32, #tpu.memory_space<vmem>>
    %dma_start3A_371 = tpu.memref_squeeze %dma_start3A_370 : memref<1x256x128xf32, #tpu.memory_space<vmem>> -> memref<256x128xf32, #tpu.memory_space<vmem>>
    %dma_start3A_372 = arith.constant 0 : i32
    %dma_start3A_373 = tpu.memref_slice %arg2[%select_n3A_341, %dma_start3A_372, %mul3A_359] : memref<8x256x2048xf32, #tpu.memory_space<hbm>> -> memref<1x256x128xf32, #tpu.memory_space<hbm>>
    %dma_start3A_374 = tpu.memref_squeeze %dma_start3A_373 : memref<1x256x128xf32, #tpu.memory_space<hbm>> -> memref<256x128xf32, #tpu.memory_space<hbm>>
    tpu.enqueue_dma source(%dma_start3A_374 : memref<256x128xf32, #tpu.memory_space<hbm>>) target(%dma_start3A_371 : memref<256x128xf32, #tpu.memory_space<vmem>>) target_semaphore(%arg10 : memref<!tpu.dma_semaphore, #tpu.memory_space<semaphore_mem>>)
    %broadcast_in_dim3A_375 = arith.constant 0.000000e+00 : f32
    %broadcast_in_dim3A_376 = vector.broadcast %broadcast_in_dim3A_375 : f32 to vector<16xf32>
    %broadcast_in_dim3A_377 = arith.constant 0.000000e+00 : f32
    %broadcast_in_dim3A_378 = vector.broadcast %broadcast_in_dim3A_377 : f32 to vector<16xf32>
    %broadcast_in_dim3A_379 = arith.constant 0.000000e+00 : f32
    %broadcast_in_dim3A_380 = vector.broadcast %broadcast_in_dim3A_379 : f32 to vector<16xf32>
    %broadcast_in_dim3A_381 = arith.constant 0.000000e+00 : f32
    %broadcast_in_dim3A_382 = vector.broadcast %broadcast_in_dim3A_381 : f32 to vector<16xf32>
    %broadcast_in_dim3A_383 = arith.constant 0.000000e+00 : f32
    %broadcast_in_dim3A_384 = vector.broadcast %broadcast_in_dim3A_383 : f32 to vector<16xf32>
    %broadcast_in_dim3A_385 = arith.constant 0.000000e+00 : f32
    %broadcast_in_dim3A_386 = vector.broadcast %broadcast_in_dim3A_385 : f32 to vector<16xf32>
    %broadcast_in_dim3A_387 = arith.constant 0.000000e+00 : f32
    %broadcast_in_dim3A_388 = vector.broadcast %broadcast_in_dim3A_387 : f32 to vector<16xf32>
    %broadcast_in_dim3A_389 = arith.constant 0.000000e+00 : f32
    %broadcast_in_dim3A_390 = vector.broadcast %broadcast_in_dim3A_389 : f32 to vector<16xf32>
    %scan3A = arith.constant 0 : i32
    %scan3A_391 = arith.constant 0 : i32
    %scan3A_392 = arith.constant 64 : i32
    %scan3A_393 = arith.addi %scan3A_391, %scan3A_392 : i32
    %scan3A_394 = arith.constant 1 : i32
    %scan3A_395:8 = scf.for %scan3A_2809 = %scan3A_391 to %scan3A_393 step %scan3A_394 iter_args(%scan3A_2810 = %broadcast_in_dim3A_376, %scan3A_2811 = %broadcast_in_dim3A_378, %scan3A_2812 = %broadcast_in_dim3A_380, %scan3A_2813 = %broadcast_in_dim3A_382, %scan3A_2814 = %broadcast_in_dim3A_384, %scan3A_2815 = %broadcast_in_dim3A_386, %scan3A_2816 = %broadcast_in_dim3A_388, %scan3A_2817 = %broadcast_in_dim3A_390) -> (vector<16xf32>, vector<16xf32>, vector<16xf32>, vector<16xf32>, vector<16xf32>, vector<16xf32>, vector<16xf32>, vector<16xf32>)  : i32 {
      %mul3A_2818 = arith.constant 4 : i32
      %mul3A_2819 = arith.muli %scan3A_2809, %mul3A_2818 : i32
      %add3A_2820 = arith.constant 0 : i32
      %add3A_2821 = arith.addi %mul3A_2819, %add3A_2820 : i32
      %get3A_2822 = arith.constant 0 : i32
      %get3A_2823 = arith.constant 0 : i32
      %get3A_2824 = tpu.memref_slice %arg5[%scan3A, %get3A_2822, %get3A_2823] : memref<3x256x128xf32, #tpu.memory_space<vmem>> -> memref<1x256x128xf32, #tpu.memory_space<vmem>>
      %get3A_2825 = tpu.memref_squeeze %get3A_2824 : memref<1x256x128xf32, #tpu.memory_space<vmem>> -> memref<256x128xf32, #tpu.memory_space<vmem>>
      %get3A_2826 = arith.index_cast %add3A_2821 : i32 to index
      %get3A_2827 = arith.constant 0 : index
      %get3A_2828 = tpu.vector_load %get3A_2825[%get3A_2826, %get3A_2827] {strides = array<i32>} : memref<256x128xf32, #tpu.memory_space<vmem>>, vector<16xf32>,
      %exp3A = math.exp %get3A_2828 : vector<16xf32>
      %add3A_2829 = arith.addf %scan3A_2810, %exp3A : vector<16xf32>
      %get3A_2830 = arith.constant 0 : i32
      %get3A_2831 = arith.constant 0 : i32
      %get3A_2832 = tpu.memref_slice %arg5[%scan3A, %get3A_2830, %get3A_2831] : memref<3x256x128xf32, #tpu.memory_space<vmem>> -> memref<1x256x128xf32, #tpu.memory_space<vmem>>
      %get3A_2833 = tpu.memref_squeeze %get3A_2832 : memref<1x256x128xf32, #tpu.memory_space<vmem>> -> memref<256x128xf32, #tpu.memory_space<vmem>>
      %get3A_2834 = arith.index_cast %add3A_2821 : i32 to index
      %get3A_2835 = arith.constant 16 : index
      %get3A_2836 = tpu.vector_load %get3A_2833[%get3A_2834, %get3A_2835] {strides = array<i32>} : memref<256x128xf32, #tpu.memory_space<vmem>>, vector<16xf32>,
      %exp3A_2837 = math.exp %get3A_2836 : vector<16xf32>
      %add3A_2838 = arith.addf %scan3A_2811, %exp3A_2837 : vector<16xf32>
      %get3A_2839 = arith.constant 0 : i32
      %get3A_2840 = arith.constant 0 : i32
      %get3A_2841 = tpu.memref_slice %arg5[%scan3A, %get3A_2839, %get3A_2840] : memref<3x256x128xf32, #tpu.memory_space<vmem>> -> memref<1x256x128xf32, #tpu.memory_space<vmem>>
      %get3A_2842 = tpu.memref_squeeze %get3A_2841 : memref<1x256x128xf32, #tpu.memory_space<vmem>> -> memref<256x128xf32, #tpu.memory_space<vmem>>
      %get3A_2843 = arith.index_cast %add3A_2821 : i32 to index
      %get3A_2844 = arith.constant 32 : index
      %get3A_2845 = tpu.vector_load %get3A_2842[%get3A_2843, %get3A_2844] {strides = array<i32>} : memref<256x128xf32, #tpu.memory_space<vmem>>, vector<16xf32>,
      %exp3A_2846 = math.exp %get3A_2845 : vector<16xf32>
      %add3A_2847 = arith.addf %scan3A_2812, %exp3A_2846 : vector<16xf32>
      %get3A_2848 = arith.constant 0 : i32
      %get3A_2849 = arith.constant 0 : i32
      %get3A_2850 = tpu.memref_slice %arg5[%scan3A, %get3A_2848, %get3A_2849] : memref<3x256x128xf32, #tpu.memory_space<vmem>> -> memref<1x256x128xf32, #tpu.memory_space<vmem>>
      %get3A_2851 = tpu.memref_squeeze %get3A_2850 : memref<1x256x128xf32, #tpu.memory_space<vmem>> -> memref<256x128xf32, #tpu.memory_space<vmem>>
      %get3A_2852 = arith.index_cast %add3A_2821 : i32 to index
      %get3A_2853 = arith.constant 48 : index
      %get3A_2854 = tpu.vector_load %get3A_2851[%get3A_2852, %get3A_2853] {strides = array<i32>} : memref<256x128xf32, #tpu.memory_space<vmem>>, vector<16xf32>,
      %exp3A_2855 = math.exp %get3A_2854 : vector<16xf32>
      %add3A_2856 = arith.addf %scan3A_2813, %exp3A_2855 : vector<16xf32>
      %get3A_2857 = arith.constant 0 : i32
      %get3A_2858 = arith.constant 0 : i32
      %get3A_2859 = tpu.memref_slice %arg5[%scan3A, %get3A_2857, %get3A_2858] : memref<3x256x128xf32, #tpu.memory_space<vmem>> -> memref<1x256x128xf32, #tpu.memory_space<vmem>>
      %get3A_2860 = tpu.memref_squeeze %get3A_2859 : memref<1x256x128xf32, #tpu.memory_space<vmem>> -> memref<256x128xf32, #tpu.memory_space<vmem>>
      %get3A_2861 = arith.index_cast %add3A_2821 : i32 to index
      %get3A_2862 = arith.constant 64 : index
      %get3A_2863 = tpu.vector_load %get3A_2860[%get3A_2861, %get3A_2862] {strides = array<i32>} : memref<256x128xf32, #tpu.memory_space<vmem>>, vector<16xf32>,
      %exp3A_2864 = math.exp %get3A_2863 : vector<16xf32>
      %add3A_2865 = arith.addf %scan3A_2814, %exp3A_2864 : vector<16xf32>
      %get3A_2866 = arith.constant 0 : i32
      %get3A_2867 = arith.constant 0 : i32
      %get3A_2868 = tpu.memref_slice %arg5[%scan3A, %get3A_2866, %get3A_2867] : memref<3x256x128xf32, #tpu.memory_space<vmem>> -> memref<1x256x128xf32, #tpu.memory_space<vmem>>
      %get3A_2869 = tpu.memref_squeeze %get3A_2868 : memref<1x256x128xf32, #tpu.memory_space<vmem>> -> memref<256x128xf32, #tpu.memory_space<vmem>>
      %get3A_2870 = arith.index_cast %add3A_2821 : i32 to index
      %get3A_2871 = arith.constant 80 : index
      %get3A_2872 = tpu.vector_load %get3A_2869[%get3A_2870, %get3A_2871] {strides = array<i32>} : memref<256x128xf32, #tpu.memory_space<vmem>>, vector<16xf32>,
      %exp3A_2873 = math.exp %get3A_2872 : vector<16xf32>
      %add3A_2874 = arith.addf %scan3A_2815, %exp3A_2873 : vector<16xf32>
      %get3A_2875 = arith.constant 0 : i32
      %get3A_2876 = arith.constant 0 : i32
      %get3A_2877 = tpu.memref_slice %arg5[%scan3A, %get3A_2875, %get3A_2876] : memref<3x256x128xf32, #tpu.memory_space<vmem>> -> memref<1x256x128xf32, #tpu.memory_space<vmem>>
      %get3A_2878 = tpu.memref_squeeze %get3A_2877 : memref<1x256x128xf32, #tpu.memory_space<vmem>> -> memref<256x128xf32, #tpu.memory_space<vmem>>
      %get3A_2879 = arith.index_cast %add3A_2821 : i32 to index
      %get3A_2880 = arith.constant 96 : index
      %get3A_2881 = tpu.vector_load %get3A_2878[%get3A_2879, %get3A_2880] {strides = array<i32>} : memref<256x128xf32, #tpu.memory_space<vmem>>, vector<16xf32>,
      %exp3A_2882 = math.exp %get3A_2881 : vector<16xf32>
      %add3A_2883 = arith.addf %scan3A_2816, %exp3A_2882 : vector<16xf32>
      %get3A_2884 = arith.constant 0 : i32
      %get3A_2885 = arith.constant 0 : i32
      %get3A_2886 = tpu.memref_slice %arg5[%scan3A, %get3A_2884, %get3A_2885] : memref<3x256x128xf32, #tpu.memory_space<vmem>> -> memref<1x256x128xf32, #tpu.memory_space<vmem>>
      %get3A_2887 = tpu.memref_squeeze %get3A_2886 : memref<1x256x128xf32, #tpu.memory_space<vmem>> -> memref<256x128xf32, #tpu.memory_space<vmem>>
      %get3A_2888 = arith.index_cast %add3A_2821 : i32 to index
      %get3A_2889 = arith.constant 112 : index
      %get3A_2890 = tpu.vector_load %get3A_2887[%get3A_2888, %get3A_2889] {strides = array<i32>} : memref<256x128xf32, #tpu.memory_space<vmem>>, vector<16xf32>,
      %exp3A_2891 = math.exp %get3A_2890 : vector<16xf32>
      %add3A_2892 = arith.addf %scan3A_2817, %exp3A_2891 : vector<16xf32>
      %mul3A_2893 = arith.constant 4 : i32
      %mul3A_2894 = arith.muli %scan3A_2809, %mul3A_2893 : i32
      %add3A_2895 = arith.constant 1 : i32
      %add3A_2896 = arith.addi %mul3A_2894, %add3A_2895 : i32
      %get3A_2897 = arith.constant 0 : i32
      %get3A_2898 = arith.constant 0 : i32
      %get3A_2899 = tpu.memref_slice %arg5[%scan3A, %get3A_2897, %get3A_2898] : memref<3x256x128xf32, #tpu.memory_space<vmem>> -> memref<1x256x128xf32, #tpu.memory_space<vmem>>
      %get3A_2900 = tpu.memref_squeeze %get3A_2899 : memref<1x256x128xf32, #tpu.memory_space<vmem>> -> memref<256x128xf32, #tpu.memory_space<vmem>>
      %get3A_2901 = arith.index_cast %add3A_2896 : i32 to index
      %get3A_2902 = arith.constant 0 : index
      %get3A_2903 = tpu.vector_load %get3A_2900[%get3A_2901, %get3A_2902] {strides = array<i32>} : memref<256x128xf32, #tpu.memory_space<vmem>>, vector<16xf32>,
      %exp3A_2904 = math.exp %get3A_2903 : vector<16xf32>
      %add3A_2905 = arith.addf %add3A_2829, %exp3A_2904 : vector<16xf32>
      %get3A_2906 = arith.constant 0 : i32
      %get3A_2907 = arith.constant 0 : i32
      %get3A_2908 = tpu.memref_slice %arg5[%scan3A, %get3A_2906, %get3A_2907] : memref<3x256x128xf32, #tpu.memory_space<vmem>> -> memref<1x256x128xf32, #tpu.memory_space<vmem>>
      %get3A_2909 = tpu.memref_squeeze %get3A_2908 : memref<1x256x128xf32, #tpu.memory_space<vmem>> -> memref<256x128xf32, #tpu.memory_space<vmem>>
      %get3A_2910 = arith.index_cast %add3A_2896 : i32 to index
      %get3A_2911 = arith.constant 16 : index
      %get3A_2912 = tpu.vector_load %get3A_2909[%get3A_2910, %get3A_2911] {strides = array<i32>} : memref<256x128xf32, #tpu.memory_space<vmem>>, vector<16xf32>,
      %exp3A_2913 = math.exp %get3A_2912 : vector<16xf32>
      %add3A_2914 = arith.addf %add3A_2838, %exp3A_2913 : vector<16xf32>
      %get3A_2915 = arith.constant 0 : i32
      %get3A_2916 = arith.constant 0 : i32
      %get3A_2917 = tpu.memref_slice %arg5[%scan3A, %get3A_2915, %get3A_2916] : memref<3x256x128xf32, #tpu.memory_space<vmem>> -> memref<1x256x128xf32, #tpu.memory_space<vmem>>
      %get3A_2918 = tpu.memref_squeeze %get3A_2917 : memref<1x256x128xf32, #tpu.memory_space<vmem>> -> memref<256x128xf32, #tpu.memory_space<vmem>>
      %get3A_2919 = arith.index_cast %add3A_2896 : i32 to index
      %get3A_2920 = arith.constant 32 : index
      %get3A_2921 = tpu.vector_load %get3A_2918[%get3A_2919, %get3A_2920] {strides = array<i32>} : memref<256x128xf32, #tpu.memory_space<vmem>>, vector<16xf32>,
      %exp3A_2922 = math.exp %get3A_2921 : vector<16xf32>
      %add3A_2923 = arith.addf %add3A_2847, %exp3A_2922 : vector<16xf32>
      %get3A_2924 = arith.constant 0 : i32
      %get3A_2925 = arith.constant 0 : i32
      %get3A_2926 = tpu.memref_slice %arg5[%scan3A, %get3A_2924, %get3A_2925] : memref<3x256x128xf32, #tpu.memory_space<vmem>> -> memref<1x256x128xf32, #tpu.memory_space<vmem>>
      %get3A_2927 = tpu.memref_squeeze %get3A_2926 : memref<1x256x128xf32, #tpu.memory_space<vmem>> -> memref<256x128xf32, #tpu.memory_space<vmem>>
      %get3A_2928 = arith.index_cast %add3A_2896 : i32 to index
      %get3A_2929 = arith.constant 48 : index
      %get3A_2930 = tpu.vector_load %get3A_2927[%get3A_2928, %get3A_2929] {strides = array<i32>} : memref<256x128xf32, #tpu.memory_space<vmem>>, vector<16xf32>,
      %exp3A_2931 = math.exp %get3A_2930 : vector<16xf32>
      %add3A_2932 = arith.addf %add3A_2856, %exp3A_2931 : vector<16xf32>
      %get3A_2933 = arith.constant 0 : i32
      %get3A_2934 = arith.constant 0 : i32
      %get3A_2935 = tpu.memref_slice %arg5[%scan3A, %get3A_2933, %get3A_2934] : memref<3x256x128xf32, #tpu.memory_space<vmem>> -> memref<1x256x128xf32, #tpu.memory_space<vmem>>
      %get3A_2936 = tpu.memref_squeeze %get3A_2935 : memref<1x256x128xf32, #tpu.memory_space<vmem>> -> memref<256x128xf32, #tpu.memory_space<vmem>>
      %get3A_2937 = arith.index_cast %add3A_2896 : i32 to index
      %get3A_2938 = arith.constant 64 : index
      %get3A_2939 = tpu.vector_load %get3A_2936[%get3A_2937, %get3A_2938] {strides = array<i32>} : memref<256x128xf32, #tpu.memory_space<vmem>>, vector<16xf32>,
      %exp3A_2940 = math.exp %get3A_2939 : vector<16xf32>
      %add3A_2941 = arith.addf %add3A_2865, %exp3A_2940 : vector<16xf32>
      %get3A_2942 = arith.constant 0 : i32
      %get3A_2943 = arith.constant 0 : i32
      %get3A_2944 = tpu.memref_slice %arg5[%scan3A, %get3A_2942, %get3A_2943] : memref<3x256x128xf32, #tpu.memory_space<vmem>> -> memref<1x256x128xf32, #tpu.memory_space<vmem>>
      %get3A_2945 = tpu.memref_squeeze %get3A_2944 : memref<1x256x128xf32, #tpu.memory_space<vmem>> -> memref<256x128xf32, #tpu.memory_space<vmem>>
      %get3A_2946 = arith.index_cast %add3A_2896 : i32 to index
      %get3A_2947 = arith.constant 80 : index
      %get3A_2948 = tpu.vector_load %get3A_2945[%get3A_2946, %get3A_2947] {strides = array<i32>} : memref<256x128xf32, #tpu.memory_space<vmem>>, vector<16xf32>,
      %exp3A_2949 = math.exp %get3A_2948 : vector<16xf32>
      %add3A_2950 = arith.addf %add3A_2874, %exp3A_2949 : vector<16xf32>
      %get3A_2951 = arith.constant 0 : i32
      %get3A_2952 = arith.constant 0 : i32
      %get3A_2953 = tpu.memref_slice %arg5[%scan3A, %get3A_2951, %get3A_2952] : memref<3x256x128xf32, #tpu.memory_space<vmem>> -> memref<1x256x128xf32, #tpu.memory_space<vmem>>
      %get3A_2954 = tpu.memref_squeeze %get3A_2953 : memref<1x256x128xf32, #tpu.memory_space<vmem>> -> memref<256x128xf32, #tpu.memory_space<vmem>>
      %get3A_2955 = arith.index_cast %add3A_2896 : i32 to index
      %get3A_2956 = arith.constant 96 : index
      %get3A_2957 = tpu.vector_load %get3A_2954[%get3A_2955, %get3A_2956] {strides = array<i32>} : memref<256x128xf32, #tpu.memory_space<vmem>>, vector<16xf32>,
      %exp3A_2958 = math.exp %get3A_2957 : vector<16xf32>
      %add3A_2959 = arith.addf %add3A_2883, %exp3A_2958 : vector<16xf32>
      %get3A_2960 = arith.constant 0 : i32
      %get3A_2961 = arith.constant 0 : i32
      %get3A_2962 = tpu.memref_slice %arg5[%scan3A, %get3A_2960, %get3A_2961] : memref<3x256x128xf32, #tpu.memory_space<vmem>> -> memref<1x256x128xf32, #tpu.memory_space<vmem>>
      %get3A_2963 = tpu.memref_squeeze %get3A_2962 : memref<1x256x128xf32, #tpu.memory_space<vmem>> -> memref<256x128xf32, #tpu.memory_space<vmem>>
      %get3A_2964 = arith.index_cast %add3A_2896 : i32 to index
      %get3A_2965 = arith.constant 112 : index
      %get3A_2966 = tpu.vector_load %get3A_2963[%get3A_2964, %get3A_2965] {strides = array<i32>} : memref<256x128xf32, #tpu.memory_space<vmem>>, vector<16xf32>,
      %exp3A_2967 = math.exp %get3A_2966 : vector<16xf32>
      %add3A_2968 = arith.addf %add3A_2892, %exp3A_2967 : vector<16xf32>
      %mul3A_2969 = arith.constant 4 : i32
      %mul3A_2970 = arith.muli %scan3A_2809, %mul3A_2969 : i32
      %add3A_2971 = arith.constant 2 : i32
      %add3A_2972 = arith.addi %mul3A_2970, %add3A_2971 : i32
      %get3A_2973 = arith.constant 0 : i32
      %get3A_2974 = arith.constant 0 : i32
      %get3A_2975 = tpu.memref_slice %arg5[%scan3A, %get3A_2973, %get3A_2974] : memref<3x256x128xf32, #tpu.memory_space<vmem>> -> memref<1x256x128xf32, #tpu.memory_space<vmem>>
      %get3A_2976 = tpu.memref_squeeze %get3A_2975 : memref<1x256x128xf32, #tpu.memory_space<vmem>> -> memref<256x128xf32, #tpu.memory_space<vmem>>
      %get3A_2977 = arith.index_cast %add3A_2972 : i32 to index
      %get3A_2978 = arith.constant 0 : index
      %get3A_2979 = tpu.vector_load %get3A_2976[%get3A_2977, %get3A_2978] {strides = array<i32>} : memref<256x128xf32, #tpu.memory_space<vmem>>, vector<16xf32>,
      %exp3A_2980 = math.exp %get3A_2979 : vector<16xf32>
      %add3A_2981 = arith.addf %add3A_2905, %exp3A_2980 : vector<16xf32>
      %get3A_2982 = arith.constant 0 : i32
      %get3A_2983 = arith.constant 0 : i32
      %get3A_2984 = tpu.memref_slice %arg5[%scan3A, %get3A_2982, %get3A_2983] : memref<3x256x128xf32, #tpu.memory_space<vmem>> -> memref<1x256x128xf32, #tpu.memory_space<vmem>>
      %get3A_2985 = tpu.memref_squeeze %get3A_2984 : memref<1x256x128xf32, #tpu.memory_space<vmem>> -> memref<256x128xf32, #tpu.memory_space<vmem>>
      %get3A_2986 = arith.index_cast %add3A_2972 : i32 to index
      %get3A_2987 = arith.constant 16 : index
      %get3A_2988 = tpu.vector_load %get3A_2985[%get3A_2986, %get3A_2987] {strides = array<i32>} : memref<256x128xf32, #tpu.memory_space<vmem>>, vector<16xf32>,
      %exp3A_2989 = math.exp %get3A_2988 : vector<16xf32>
      %add3A_2990 = arith.addf %add3A_2914, %exp3A_2989 : vector<16xf32>
      %get3A_2991 = arith.constant 0 : i32
      %get3A_2992 = arith.constant 0 : i32
      %get3A_2993 = tpu.memref_slice %arg5[%scan3A, %get3A_2991, %get3A_2992] : memref<3x256x128xf32, #tpu.memory_space<vmem>> -> memref<1x256x128xf32, #tpu.memory_space<vmem>>
      %get3A_2994 = tpu.memref_squeeze %get3A_2993 : memref<1x256x128xf32, #tpu.memory_space<vmem>> -> memref<256x128xf32, #tpu.memory_space<vmem>>
      %get3A_2995 = arith.index_cast %add3A_2972 : i32 to index
      %get3A_2996 = arith.constant 32 : index
      %get3A_2997 = tpu.vector_load %get3A_2994[%get3A_2995, %get3A_2996] {strides = array<i32>} : memref<256x128xf32, #tpu.memory_space<vmem>>, vector<16xf32>,
      %exp3A_2998 = math.exp %get3A_2997 : vector<16xf32>
      %add3A_2999 = arith.addf %add3A_2923, %exp3A_2998 : vector<16xf32>
      %get3A_3000 = arith.constant 0 : i32
      %get3A_3001 = arith.constant 0 : i32
      %get3A_3002 = tpu.memref_slice %arg5[%scan3A, %get3A_3000, %get3A_3001] : memref<3x256x128xf32, #tpu.memory_space<vmem>> -> memref<1x256x128xf32, #tpu.memory_space<vmem>>
      %get3A_3003 = tpu.memref_squeeze %get3A_3002 : memref<1x256x128xf32, #tpu.memory_space<vmem>> -> memref<256x128xf32, #tpu.memory_space<vmem>>
      %get3A_3004 = arith.index_cast %add3A_2972 : i32 to index
      %get3A_3005 = arith.constant 48 : index
      %get3A_3006 = tpu.vector_load %get3A_3003[%get3A_3004, %get3A_3005] {strides = array<i32>} : memref<256x128xf32, #tpu.memory_space<vmem>>, vector<16xf32>,
      %exp3A_3007 = math.exp %get3A_3006 : vector<16xf32>
      %add3A_3008 = arith.addf %add3A_2932, %exp3A_3007 : vector<16xf32>
      %get3A_3009 = arith.constant 0 : i32
      %get3A_3010 = arith.constant 0 : i32
      %get3A_3011 = tpu.memref_slice %arg5[%scan3A, %get3A_3009, %get3A_3010] : memref<3x256x128xf32, #tpu.memory_space<vmem>> -> memref<1x256x128xf32, #tpu.memory_space<vmem>>
      %get3A_3012 = tpu.memref_squeeze %get3A_3011 : memref<1x256x128xf32, #tpu.memory_space<vmem>> -> memref<256x128xf32, #tpu.memory_space<vmem>>
      %get3A_3013 = arith.index_cast %add3A_2972 : i32 to index
      %get3A_3014 = arith.constant 64 : index
      %get3A_3015 = tpu.vector_load %get3A_3012[%get3A_3013, %get3A_3014] {strides = array<i32>} : memref<256x128xf32, #tpu.memory_space<vmem>>, vector<16xf32>,
      %exp3A_3016 = math.exp %get3A_3015 : vector<16xf32>
      %add3A_3017 = arith.addf %add3A_2941, %exp3A_3016 : vector<16xf32>
      %get3A_3018 = arith.constant 0 : i32
      %get3A_3019 = arith.constant 0 : i32
      %get3A_3020 = tpu.memref_slice %arg5[%scan3A, %get3A_3018, %get3A_3019] : memref<3x256x128xf32, #tpu.memory_space<vmem>> -> memref<1x256x128xf32, #tpu.memory_space<vmem>>
      %get3A_3021 = tpu.memref_squeeze %get3A_3020 : memref<1x256x128xf32, #tpu.memory_space<vmem>> -> memref<256x128xf32, #tpu.memory_space<vmem>>
      %get3A_3022 = arith.index_cast %add3A_2972 : i32 to index
      %get3A_3023 = arith.constant 80 : index
      %get3A_3024 = tpu.vector_load %get3A_3021[%get3A_3022, %get3A_3023] {strides = array<i32>} : memref<256x128xf32, #tpu.memory_space<vmem>>, vector<16xf32>,
      %exp3A_3025 = math.exp %get3A_3024 : vector<16xf32>
      %add3A_3026 = arith.addf %add3A_2950, %exp3A_3025 : vector<16xf32>
      %get3A_3027 = arith.constant 0 : i32
      %get3A_3028 = arith.constant 0 : i32
      %get3A_3029 = tpu.memref_slice %arg5[%scan3A, %get3A_3027, %get3A_3028] : memref<3x256x128xf32, #tpu.memory_space<vmem>> -> memref<1x256x128xf32, #tpu.memory_space<vmem>>
      %get3A_3030 = tpu.memref_squeeze %get3A_3029 : memref<1x256x128xf32, #tpu.memory_space<vmem>> -> memref<256x128xf32, #tpu.memory_space<vmem>>
      %get3A_3031 = arith.index_cast %add3A_2972 : i32 to index
      %get3A_3032 = arith.constant 96 : index
      %get3A_3033 = tpu.vector_load %get3A_3030[%get3A_3031, %get3A_3032] {strides = array<i32>} : memref<256x128xf32, #tpu.memory_space<vmem>>, vector<16xf32>,
      %exp3A_3034 = math.exp %get3A_3033 : vector<16xf32>
      %add3A_3035 = arith.addf %add3A_2959, %exp3A_3034 : vector<16xf32>
      %get3A_3036 = arith.constant 0 : i32
      %get3A_3037 = arith.constant 0 : i32
      %get3A_3038 = tpu.memref_slice %arg5[%scan3A, %get3A_3036, %get3A_3037] : memref<3x256x128xf32, #tpu.memory_space<vmem>> -> memref<1x256x128xf32, #tpu.memory_space<vmem>>
      %get3A_3039 = tpu.memref_squeeze %get3A_3038 : memref<1x256x128xf32, #tpu.memory_space<vmem>> -> memref<256x128xf32, #tpu.memory_space<vmem>>
      %get3A_3040 = arith.index_cast %add3A_2972 : i32 to index
      %get3A_3041 = arith.constant 112 : index
      %get3A_3042 = tpu.vector_load %get3A_3039[%get3A_3040, %get3A_3041] {strides = array<i32>} : memref<256x128xf32, #tpu.memory_space<vmem>>, vector<16xf32>,
      %exp3A_3043 = math.exp %get3A_3042 : vector<16xf32>
      %add3A_3044 = arith.addf %add3A_2968, %exp3A_3043 : vector<16xf32>
      %mul3A_3045 = arith.constant 4 : i32
      %mul3A_3046 = arith.muli %scan3A_2809, %mul3A_3045 : i32
      %add3A_3047 = arith.constant 3 : i32
      %add3A_3048 = arith.addi %mul3A_3046, %add3A_3047 : i32
      %get3A_3049 = arith.constant 0 : i32
      %get3A_3050 = arith.constant 0 : i32
      %get3A_3051 = tpu.memref_slice %arg5[%scan3A, %get3A_3049, %get3A_3050] : memref<3x256x128xf32, #tpu.memory_space<vmem>> -> memref<1x256x128xf32, #tpu.memory_space<vmem>>
      %get3A_3052 = tpu.memref_squeeze %get3A_3051 : memref<1x256x128xf32, #tpu.memory_space<vmem>> -> memref<256x128xf32, #tpu.memory_space<vmem>>
      %get3A_3053 = arith.index_cast %add3A_3048 : i32 to index
      %get3A_3054 = arith.constant 0 : index
      %get3A_3055 = tpu.vector_load %get3A_3052[%get3A_3053, %get3A_3054] {strides = array<i32>} : memref<256x128xf32, #tpu.memory_space<vmem>>, vector<16xf32>,
      %exp3A_3056 = math.exp %get3A_3055 : vector<16xf32>
      %add3A_3057 = arith.addf %add3A_2981, %exp3A_3056 : vector<16xf32>
      %get3A_3058 = arith.constant 0 : i32
      %get3A_3059 = arith.constant 0 : i32
      %get3A_3060 = tpu.memref_slice %arg5[%scan3A, %get3A_3058, %get3A_3059] : memref<3x256x128xf32, #tpu.memory_space<vmem>> -> memref<1x256x128xf32, #tpu.memory_space<vmem>>
      %get3A_3061 = tpu.memref_squeeze %get3A_3060 : memref<1x256x128xf32, #tpu.memory_space<vmem>> -> memref<256x128xf32, #tpu.memory_space<vmem>>
      %get3A_3062 = arith.index_cast %add3A_3048 : i32 to index
      %get3A_3063 = arith.constant 16 : index
      %get3A_3064 = tpu.vector_load %get3A_3061[%get3A_3062, %get3A_3063] {strides = array<i32>} : memref<256x128xf32, #tpu.memory_space<vmem>>, vector<16xf32>,
      %exp3A_3065 = math.exp %get3A_3064 : vector<16xf32>
      %add3A_3066 = arith.addf %add3A_2990, %exp3A_3065 : vector<16xf32>
      %get3A_3067 = arith.constant 0 : i32
      %get3A_3068 = arith.constant 0 : i32
      %get3A_3069 = tpu.memref_slice %arg5[%scan3A, %get3A_3067, %get3A_3068] : memref<3x256x128xf32, #tpu.memory_space<vmem>> -> memref<1x256x128xf32, #tpu.memory_space<vmem>>
      %get3A_3070 = tpu.memref_squeeze %get3A_3069 : memref<1x256x128xf32, #tpu.memory_space<vmem>> -> memref<256x128xf32, #tpu.memory_space<vmem>>
      %get3A_3071 = arith.index_cast %add3A_3048 : i32 to index
      %get3A_3072 = arith.constant 32 : index
      %get3A_3073 = tpu.vector_load %get3A_3070[%get3A_3071, %get3A_3072] {strides = array<i32>} : memref<256x128xf32, #tpu.memory_space<vmem>>, vector<16xf32>,
      %exp3A_3074 = math.exp %get3A_3073 : vector<16xf32>
      %add3A_3075 = arith.addf %add3A_2999, %exp3A_3074 : vector<16xf32>
      %get3A_3076 = arith.constant 0 : i32
      %get3A_3077 = arith.constant 0 : i32
      %get3A_3078 = tpu.memref_slice %arg5[%scan3A, %get3A_3076, %get3A_3077] : memref<3x256x128xf32, #tpu.memory_space<vmem>> -> memref<1x256x128xf32, #tpu.memory_space<vmem>>
      %get3A_3079 = tpu.memref_squeeze %get3A_3078 : memref<1x256x128xf32, #tpu.memory_space<vmem>> -> memref<256x128xf32, #tpu.memory_space<vmem>>
      %get3A_3080 = arith.index_cast %add3A_3048 : i32 to index
      %get3A_3081 = arith.constant 48 : index
      %get3A_3082 = tpu.vector_load %get3A_3079[%get3A_3080, %get3A_3081] {strides = array<i32>} : memref<256x128xf32, #tpu.memory_space<vmem>>, vector<16xf32>,
      %exp3A_3083 = math.exp %get3A_3082 : vector<16xf32>
      %add3A_3084 = arith.addf %add3A_3008, %exp3A_3083 : vector<16xf32>
      %get3A_3085 = arith.constant 0 : i32
      %get3A_3086 = arith.constant 0 : i32
      %get3A_3087 = tpu.memref_slice %arg5[%scan3A, %get3A_3085, %get3A_3086] : memref<3x256x128xf32, #tpu.memory_space<vmem>> -> memref<1x256x128xf32, #tpu.memory_space<vmem>>
      %get3A_3088 = tpu.memref_squeeze %get3A_3087 : memref<1x256x128xf32, #tpu.memory_space<vmem>> -> memref<256x128xf32, #tpu.memory_space<vmem>>
      %get3A_3089 = arith.index_cast %add3A_3048 : i32 to index
      %get3A_3090 = arith.constant 64 : index
      %get3A_3091 = tpu.vector_load %get3A_3088[%get3A_3089, %get3A_3090] {strides = array<i32>} : memref<256x128xf32, #tpu.memory_space<vmem>>, vector<16xf32>,
      %exp3A_3092 = math.exp %get3A_3091 : vector<16xf32>
      %add3A_3093 = arith.addf %add3A_3017, %exp3A_3092 : vector<16xf32>
      %get3A_3094 = arith.constant 0 : i32
      %get3A_3095 = arith.constant 0 : i32
      %get3A_3096 = tpu.memref_slice %arg5[%scan3A, %get3A_3094, %get3A_3095] : memref<3x256x128xf32, #tpu.memory_space<vmem>> -> memref<1x256x128xf32, #tpu.memory_space<vmem>>
      %get3A_3097 = tpu.memref_squeeze %get3A_3096 : memref<1x256x128xf32, #tpu.memory_space<vmem>> -> memref<256x128xf32, #tpu.memory_space<vmem>>
      %get3A_3098 = arith.index_cast %add3A_3048 : i32 to index
      %get3A_3099 = arith.constant 80 : index
      %get3A_3100 = tpu.vector_load %get3A_3097[%get3A_3098, %get3A_3099] {strides = array<i32>} : memref<256x128xf32, #tpu.memory_space<vmem>>, vector<16xf32>,
      %exp3A_3101 = math.exp %get3A_3100 : vector<16xf32>
      %add3A_3102 = arith.addf %add3A_3026, %exp3A_3101 : vector<16xf32>
      %get3A_3103 = arith.constant 0 : i32
      %get3A_3104 = arith.constant 0 : i32
      %get3A_3105 = tpu.memref_slice %arg5[%scan3A, %get3A_3103, %get3A_3104] : memref<3x256x128xf32, #tpu.memory_space<vmem>> -> memref<1x256x128xf32, #tpu.memory_space<vmem>>
      %get3A_3106 = tpu.memref_squeeze %get3A_3105 : memref<1x256x128xf32, #tpu.memory_space<vmem>> -> memref<256x128xf32, #tpu.memory_space<vmem>>
      %get3A_3107 = arith.index_cast %add3A_3048 : i32 to index
      %get3A_3108 = arith.constant 96 : index
      %get3A_3109 = tpu.vector_load %get3A_3106[%get3A_3107, %get3A_3108] {strides = array<i32>} : memref<256x128xf32, #tpu.memory_space<vmem>>, vector<16xf32>,
      %exp3A_3110 = math.exp %get3A_3109 : vector<16xf32>
      %add3A_3111 = arith.addf %add3A_3035, %exp3A_3110 : vector<16xf32>
      %get3A_3112 = arith.constant 0 : i32
      %get3A_3113 = arith.constant 0 : i32
      %get3A_3114 = tpu.memref_slice %arg5[%scan3A, %get3A_3112, %get3A_3113] : memref<3x256x128xf32, #tpu.memory_space<vmem>> -> memref<1x256x128xf32, #tpu.memory_space<vmem>>
      %get3A_3115 = tpu.memref_squeeze %get3A_3114 : memref<1x256x128xf32, #tpu.memory_space<vmem>> -> memref<256x128xf32, #tpu.memory_space<vmem>>
      %get3A_3116 = arith.index_cast %add3A_3048 : i32 to index
      %get3A_3117 = arith.constant 112 : index
      %get3A_3118 = tpu.vector_load %get3A_3115[%get3A_3116, %get3A_3117] {strides = array<i32>} : memref<256x128xf32, #tpu.memory_space<vmem>>, vector<16xf32>,
      %exp3A_3119 = math.exp %get3A_3118 : vector<16xf32>
      %add3A_3120 = arith.addf %add3A_3044, %exp3A_3119 : vector<16xf32>
      scf.yield %add3A_3057, %add3A_3066, %add3A_3075, %add3A_3084, %add3A_3093, %add3A_3102, %add3A_3111, %add3A_3120 : vector<16xf32>, vector<16xf32>, vector<16xf32>, vector<16xf32>, vector<16xf32>, vector<16xf32>, vector<16xf32>, vector<16xf32>
    }
    %scan3A_396 = arith.constant 64 : i32
    %get3A = arith.constant 0 : i32
    %get3A_397 = arith.index_cast %get3A : i32 to index
    %get3A_398 = arith.constant 0 : index
    %get3A_399 = tpu.vector_load %arg6[%get3A_397, %get3A_398] {strides = array<i32>} : memref<4x128xi32, #tpu.memory_space<vmem>>, vector<16xi32>,
    %add3A_400 = arith.constant 0 : i32
    %add3A_401 = vector.broadcast %add3A_400 : i32 to vector<16xi32>
    %add3A_402 = arith.addi %iota3A, %add3A_401 : vector<16xi32>
    %gather3A = arith.constant 0 : i32
    %gather3A_403 = arith.constant 0 : i32
    %gather3A_404 = arith.constant 0 : i32
    %gather3A_405 = tpu.memref_slice %arg5[%gather3A, %gather3A_403, %gather3A_404] : memref<3x256x128xf32, #tpu.memory_space<vmem>> -> memref<1x256x128xf32, #tpu.memory_space<vmem>>
    %gather3A_406 = tpu.memref_squeeze %gather3A_405 : memref<1x256x128xf32, #tpu.memory_space<vmem>> -> memref<256x128xf32, #tpu.memory_space<vmem>>
    %gather3A_407 = tpu.vector_load_idx %gather3A_406[%get3A_399, %add3A_402] : memref<256x128xf32, #tpu.memory_space<vmem>>[vector<16xi32>, vector<16xi32>], vector<16xf32>,
    %bitcast_convert_type3A = tpu.bitcast %scan3A_395#0 : vector<16xf32> -> vector<16xi32>
    %shift_right_arithmetic3A = arith.constant 23 : i32
    %shift_right_arithmetic3A_408 = vector.broadcast %shift_right_arithmetic3A : i32 to vector<16xi32>
    %shift_right_arithmetic3A_409 = arith.shrsi %bitcast_convert_type3A, %shift_right_arithmetic3A_408 : vector<16xi32>
    %and3A_410 = arith.constant 255 : i32
    %and3A_411 = vector.broadcast %and3A_410 : i32 to vector<16xi32>
    %and3A_412 = arith.andi %shift_right_arithmetic3A_409, %and3A_411 : vector<16xi32>
    %sub3A_413 = arith.constant 127 : i32
    %sub3A_414 = vector.broadcast %sub3A_413 : i32 to vector<16xi32>
    %sub3A_415 = arith.subi %and3A_412, %sub3A_414 : vector<16xi32>
    %and3A_416 = arith.constant 8388607 : i32
    %and3A_417 = vector.broadcast %and3A_416 : i32 to vector<16xi32>
    %and3A_418 = arith.andi %bitcast_convert_type3A, %and3A_417 : vector<16xi32>
    %or3A = arith.constant 1065353216 : i32
    %or3A_419 = vector.broadcast %or3A : i32 to vector<16xi32>
    %or3A_420 = arith.ori %and3A_418, %or3A_419 : vector<16xi32>
    %bitcast_convert_type3A_421 = tpu.bitcast %or3A_420 : vector<16xi32> -> vector<16xf32>
    %sub3A_422 = arith.constant 1.000000e+00 : f32
    %sub3A_423 = vector.broadcast %sub3A_422 : f32 to vector<16xf32>
    %sub3A_424 = arith.subf %bitcast_convert_type3A_421, %sub3A_423 : vector<16xf32>
    %broadcast_in_dim3A_425 = arith.constant 0.0147788934 : f32
    %broadcast_in_dim3A_426 = vector.broadcast %broadcast_in_dim3A_425 : f32 to vector<16xf32>
    %mul3A_427 = arith.mulf %broadcast_in_dim3A_426, %sub3A_424 : vector<16xf32>
    %add3A_428 = arith.constant -0.0768496171 : f32
    %add3A_429 = vector.broadcast %add3A_428 : f32 to vector<16xf32>
    %add3A_430 = arith.addf %mul3A_427, %add3A_429 : vector<16xf32>
    %mul3A_431 = arith.mulf %add3A_430, %sub3A_424 : vector<16xf32>
    %add3A_432 = arith.constant 0.19042252 : f32
    %add3A_433 = vector.broadcast %add3A_432 : f32 to vector<16xf32>
    %add3A_434 = arith.addf %mul3A_431, %add3A_433 : vector<16xf32>
    %mul3A_435 = arith.mulf %add3A_434, %sub3A_424 : vector<16xf32>
    %add3A_436 = arith.constant -0.323117495 : f32
    %add3A_437 = vector.broadcast %add3A_436 : f32 to vector<16xf32>
    %add3A_438 = arith.addf %mul3A_435, %add3A_437 : vector<16xf32>
    %mul3A_439 = arith.mulf %add3A_438, %sub3A_424 : vector<16xf32>
    %add3A_440 = arith.constant 0.472500294 : f32
    %add3A_441 = vector.broadcast %add3A_440 : f32 to vector<16xf32>
    %add3A_442 = arith.addf %mul3A_439, %add3A_441 : vector<16xf32>
    %mul3A_443 = arith.mulf %add3A_442, %sub3A_424 : vector<16xf32>
    %add3A_444 = arith.constant -0.720386803 : f32
    %add3A_445 = vector.broadcast %add3A_444 : f32 to vector<16xf32>
    %add3A_446 = arith.addf %mul3A_443, %add3A_445 : vector<16xf32>
    %mul3A_447 = arith.mulf %add3A_446, %sub3A_424 : vector<16xf32>
    %add3A_448 = arith.constant 1.44265211 : f32
    %add3A_449 = vector.broadcast %add3A_448 : f32 to vector<16xf32>
    %add3A_450 = arith.addf %mul3A_447, %add3A_449 : vector<16xf32>
    %mul3A_451 = arith.mulf %add3A_450, %sub3A_424 : vector<16xf32>
    %add3A_452 = arith.constant 3.19128787E-7 : f32
    %add3A_453 = vector.broadcast %add3A_452 : f32 to vector<16xf32>
    %add3A_454 = arith.addf %mul3A_451, %add3A_453 : vector<16xf32>
    %convert_element_type3A = arith.sitofp %sub3A_415 : vector<16xi32> to vector<16xf32>
    %add3A_455 = arith.addf %convert_element_type3A, %add3A_454 : vector<16xf32>
    %mul3A_456 = arith.constant 0.693147182 : f32
    %mul3A_457 = vector.broadcast %mul3A_456 : f32 to vector<16xf32>
    %mul3A_458 = arith.mulf %mul3A_457, %add3A_455 : vector<16xf32>
    %sub3A_459 = arith.subf %mul3A_458, %gather3A_407 : vector<16xf32>
    %add3A_460 = arith.addf %broadcast_in_dim3A_299, %sub3A_459 : vector<16xf32>
    %get3A_461 = arith.constant 0 : i32
    %get3A_462 = arith.index_cast %get3A_461 : i32 to index
    %get3A_463 = arith.constant 16 : index
    %get3A_464 = tpu.vector_load %arg6[%get3A_462, %get3A_463] {strides = array<i32>} : memref<4x128xi32, #tpu.memory_space<vmem>>, vector<16xi32>,
    %add3A_465 = arith.constant 16 : i32
    %add3A_466 = vector.broadcast %add3A_465 : i32 to vector<16xi32>
    %add3A_467 = arith.addi %iota3A, %add3A_466 : vector<16xi32>
    %gather3A_468 = arith.constant 0 : i32
    %gather3A_469 = arith.constant 0 : i32
    %gather3A_470 = arith.constant 0 : i32
    %gather3A_471 = tpu.memref_slice %arg5[%gather3A_468, %gather3A_469, %gather3A_470] : memref<3x256x128xf32, #tpu.memory_space<vmem>> -> memref<1x256x128xf32, #tpu.memory_space<vmem>>
    %gather3A_472 = tpu.memref_squeeze %gather3A_471 : memref<1x256x128xf32, #tpu.memory_space<vmem>> -> memref<256x128xf32, #tpu.memory_space<vmem>>
    %gather3A_473 = tpu.vector_load_idx %gather3A_472[%get3A_464, %add3A_467] : memref<256x128xf32, #tpu.memory_space<vmem>>[vector<16xi32>, vector<16xi32>], vector<16xf32>,
    %bitcast_convert_type3A_474 = tpu.bitcast %scan3A_395#1 : vector<16xf32> -> vector<16xi32>
    %shift_right_arithmetic3A_475 = arith.constant 23 : i32
    %shift_right_arithmetic3A_476 = vector.broadcast %shift_right_arithmetic3A_475 : i32 to vector<16xi32>
    %shift_right_arithmetic3A_477 = arith.shrsi %bitcast_convert_type3A_474, %shift_right_arithmetic3A_476 : vector<16xi32>
    %and3A_478 = arith.constant 255 : i32
    %and3A_479 = vector.broadcast %and3A_478 : i32 to vector<16xi32>
    %and3A_480 = arith.andi %shift_right_arithmetic3A_477, %and3A_479 : vector<16xi32>
    %sub3A_481 = arith.constant 127 : i32
    %sub3A_482 = vector.broadcast %sub3A_481 : i32 to vector<16xi32>
    %sub3A_483 = arith.subi %and3A_480, %sub3A_482 : vector<16xi32>
    %and3A_484 = arith.constant 8388607 : i32
    %and3A_485 = vector.broadcast %and3A_484 : i32 to vector<16xi32>
    %and3A_486 = arith.andi %bitcast_convert_type3A_474, %and3A_485 : vector<16xi32>
    %or3A_487 = arith.constant 1065353216 : i32
    %or3A_488 = vector.broadcast %or3A_487 : i32 to vector<16xi32>
    %or3A_489 = arith.ori %and3A_486, %or3A_488 : vector<16xi32>
    %bitcast_convert_type3A_490 = tpu.bitcast %or3A_489 : vector<16xi32> -> vector<16xf32>
    %sub3A_491 = arith.constant 1.000000e+00 : f32
    %sub3A_492 = vector.broadcast %sub3A_491 : f32 to vector<16xf32>
    %sub3A_493 = arith.subf %bitcast_convert_type3A_490, %sub3A_492 : vector<16xf32>
    %broadcast_in_dim3A_494 = arith.constant 0.0147788934 : f32
    %broadcast_in_dim3A_495 = vector.broadcast %broadcast_in_dim3A_494 : f32 to vector<16xf32>
    %mul3A_496 = arith.mulf %broadcast_in_dim3A_495, %sub3A_493 : vector<16xf32>
    %add3A_497 = arith.constant -0.0768496171 : f32
    %add3A_498 = vector.broadcast %add3A_497 : f32 to vector<16xf32>
    %add3A_499 = arith.addf %mul3A_496, %add3A_498 : vector<16xf32>
    %mul3A_500 = arith.mulf %add3A_499, %sub3A_493 : vector<16xf32>
    %add3A_501 = arith.constant 0.19042252 : f32
    %add3A_502 = vector.broadcast %add3A_501 : f32 to vector<16xf32>
    %add3A_503 = arith.addf %mul3A_500, %add3A_502 : vector<16xf32>
    %mul3A_504 = arith.mulf %add3A_503, %sub3A_493 : vector<16xf32>
    %add3A_505 = arith.constant -0.323117495 : f32
    %add3A_506 = vector.broadcast %add3A_505 : f32 to vector<16xf32>
    %add3A_507 = arith.addf %mul3A_504, %add3A_506 : vector<16xf32>
    %mul3A_508 = arith.mulf %add3A_507, %sub3A_493 : vector<16xf32>
    %add3A_509 = arith.constant 0.472500294 : f32
    %add3A_510 = vector.broadcast %add3A_509 : f32 to vector<16xf32>
    %add3A_511 = arith.addf %mul3A_508, %add3A_510 : vector<16xf32>
    %mul3A_512 = arith.mulf %add3A_511, %sub3A_493 : vector<16xf32>
    %add3A_513 = arith.constant -0.720386803 : f32
    %add3A_514 = vector.broadcast %add3A_513 : f32 to vector<16xf32>
    %add3A_515 = arith.addf %mul3A_512, %add3A_514 : vector<16xf32>
    %mul3A_516 = arith.mulf %add3A_515, %sub3A_493 : vector<16xf32>
    %add3A_517 = arith.constant 1.44265211 : f32
    %add3A_518 = vector.broadcast %add3A_517 : f32 to vector<16xf32>
    %add3A_519 = arith.addf %mul3A_516, %add3A_518 : vector<16xf32>
    %mul3A_520 = arith.mulf %add3A_519, %sub3A_493 : vector<16xf32>
    %add3A_521 = arith.constant 3.19128787E-7 : f32
    %add3A_522 = vector.broadcast %add3A_521 : f32 to vector<16xf32>
    %add3A_523 = arith.addf %mul3A_520, %add3A_522 : vector<16xf32>
    %convert_element_type3A_524 = arith.sitofp %sub3A_483 : vector<16xi32> to vector<16xf32>
    %add3A_525 = arith.addf %convert_element_type3A_524, %add3A_523 : vector<16xf32>
    %mul3A_526 = arith.constant 0.693147182 : f32
    %mul3A_527 = vector.broadcast %mul3A_526 : f32 to vector<16xf32>
    %mul3A_528 = arith.mulf %mul3A_527, %add3A_525 : vector<16xf32>
    %sub3A_529 = arith.subf %mul3A_528, %gather3A_473 : vector<16xf32>
    %add3A_530 = arith.addf %add3A_460, %sub3A_529 : vector<16xf32>
    %get3A_531 = arith.constant 0 : i32
    %get3A_532 = arith.index_cast %get3A_531 : i32 to index
    %get3A_533 = arith.constant 32 : index
    %get3A_534 = tpu.vector_load %arg6[%get3A_532, %get3A_533] {strides = array<i32>} : memref<4x128xi32, #tpu.memory_space<vmem>>, vector<16xi32>,
    %add3A_535 = arith.constant 32 : i32
    %add3A_536 = vector.broadcast %add3A_535 : i32 to vector<16xi32>
    %add3A_537 = arith.addi %iota3A, %add3A_536 : vector<16xi32>
    %gather3A_538 = arith.constant 0 : i32
    %gather3A_539 = arith.constant 0 : i32
    %gather3A_540 = arith.constant 0 : i32
    %gather3A_541 = tpu.memref_slice %arg5[%gather3A_538, %gather3A_539, %gather3A_540] : memref<3x256x128xf32, #tpu.memory_space<vmem>> -> memref<1x256x128xf32, #tpu.memory_space<vmem>>
    %gather3A_542 = tpu.memref_squeeze %gather3A_541 : memref<1x256x128xf32, #tpu.memory_space<vmem>> -> memref<256x128xf32, #tpu.memory_space<vmem>>
    %gather3A_543 = tpu.vector_load_idx %gather3A_542[%get3A_534, %add3A_537] : memref<256x128xf32, #tpu.memory_space<vmem>>[vector<16xi32>, vector<16xi32>], vector<16xf32>,
    %bitcast_convert_type3A_544 = tpu.bitcast %scan3A_395#2 : vector<16xf32> -> vector<16xi32>
    %shift_right_arithmetic3A_545 = arith.constant 23 : i32
    %shift_right_arithmetic3A_546 = vector.broadcast %shift_right_arithmetic3A_545 : i32 to vector<16xi32>
    %shift_right_arithmetic3A_547 = arith.shrsi %bitcast_convert_type3A_544, %shift_right_arithmetic3A_546 : vector<16xi32>
    %and3A_548 = arith.constant 255 : i32
    %and3A_549 = vector.broadcast %and3A_548 : i32 to vector<16xi32>
    %and3A_550 = arith.andi %shift_right_arithmetic3A_547, %and3A_549 : vector<16xi32>
    %sub3A_551 = arith.constant 127 : i32
    %sub3A_552 = vector.broadcast %sub3A_551 : i32 to vector<16xi32>
    %sub3A_553 = arith.subi %and3A_550, %sub3A_552 : vector<16xi32>
    %and3A_554 = arith.constant 8388607 : i32
    %and3A_555 = vector.broadcast %and3A_554 : i32 to vector<16xi32>
    %and3A_556 = arith.andi %bitcast_convert_type3A_544, %and3A_555 : vector<16xi32>
    %or3A_557 = arith.constant 1065353216 : i32
    %or3A_558 = vector.broadcast %or3A_557 : i32 to vector<16xi32>
    %or3A_559 = arith.ori %and3A_556, %or3A_558 : vector<16xi32>
    %bitcast_convert_type3A_560 = tpu.bitcast %or3A_559 : vector<16xi32> -> vector<16xf32>
    %sub3A_561 = arith.constant 1.000000e+00 : f32
    %sub3A_562 = vector.broadcast %sub3A_561 : f32 to vector<16xf32>
    %sub3A_563 = arith.subf %bitcast_convert_type3A_560, %sub3A_562 : vector<16xf32>
    %broadcast_in_dim3A_564 = arith.constant 0.0147788934 : f32
    %broadcast_in_dim3A_565 = vector.broadcast %broadcast_in_dim3A_564 : f32 to vector<16xf32>
    %mul3A_566 = arith.mulf %broadcast_in_dim3A_565, %sub3A_563 : vector<16xf32>
    %add3A_567 = arith.constant -0.0768496171 : f32
    %add3A_568 = vector.broadcast %add3A_567 : f32 to vector<16xf32>
    %add3A_569 = arith.addf %mul3A_566, %add3A_568 : vector<16xf32>
    %mul3A_570 = arith.mulf %add3A_569, %sub3A_563 : vector<16xf32>
    %add3A_571 = arith.constant 0.19042252 : f32
    %add3A_572 = vector.broadcast %add3A_571 : f32 to vector<16xf32>
    %add3A_573 = arith.addf %mul3A_570, %add3A_572 : vector<16xf32>
    %mul3A_574 = arith.mulf %add3A_573, %sub3A_563 : vector<16xf32>
    %add3A_575 = arith.constant -0.323117495 : f32
    %add3A_576 = vector.broadcast %add3A_575 : f32 to vector<16xf32>
    %add3A_577 = arith.addf %mul3A_574, %add3A_576 : vector<16xf32>
    %mul3A_578 = arith.mulf %add3A_577, %sub3A_563 : vector<16xf32>
    %add3A_579 = arith.constant 0.472500294 : f32
    %add3A_580 = vector.broadcast %add3A_579 : f32 to vector<16xf32>
    %add3A_581 = arith.addf %mul3A_578, %add3A_580 : vector<16xf32>
    %mul3A_582 = arith.mulf %add3A_581, %sub3A_563 : vector<16xf32>
    %add3A_583 = arith.constant -0.720386803 : f32
    %add3A_584 = vector.broadcast %add3A_583 : f32 to vector<16xf32>
    %add3A_585 = arith.addf %mul3A_582, %add3A_584 : vector<16xf32>
    %mul3A_586 = arith.mulf %add3A_585, %sub3A_563 : vector<16xf32>
    %add3A_587 = arith.constant 1.44265211 : f32
    %add3A_588 = vector.broadcast %add3A_587 : f32 to vector<16xf32>
    %add3A_589 = arith.addf %mul3A_586, %add3A_588 : vector<16xf32>
    %mul3A_590 = arith.mulf %add3A_589, %sub3A_563 : vector<16xf32>
    %add3A_591 = arith.constant 3.19128787E-7 : f32
    %add3A_592 = vector.broadcast %add3A_591 : f32 to vector<16xf32>
    %add3A_593 = arith.addf %mul3A_590, %add3A_592 : vector<16xf32>
    %convert_element_type3A_594 = arith.sitofp %sub3A_553 : vector<16xi32> to vector<16xf32>
    %add3A_595 = arith.addf %convert_element_type3A_594, %add3A_593 : vector<16xf32>
    %mul3A_596 = arith.constant 0.693147182 : f32
    %mul3A_597 = vector.broadcast %mul3A_596 : f32 to vector<16xf32>
    %mul3A_598 = arith.mulf %mul3A_597, %add3A_595 : vector<16xf32>
    %sub3A_599 = arith.subf %mul3A_598, %gather3A_543 : vector<16xf32>
    %add3A_600 = arith.addf %add3A_530, %sub3A_599 : vector<16xf32>
    %get3A_601 = arith.constant 0 : i32
    %get3A_602 = arith.index_cast %get3A_601 : i32 to index
    %get3A_603 = arith.constant 48 : index
    %get3A_604 = tpu.vector_load %arg6[%get3A_602, %get3A_603] {strides = array<i32>} : memref<4x128xi32, #tpu.memory_space<vmem>>, vector<16xi32>,
    %add3A_605 = arith.constant 48 : i32
    %add3A_606 = vector.broadcast %add3A_605 : i32 to vector<16xi32>
    %add3A_607 = arith.addi %iota3A, %add3A_606 : vector<16xi32>
    %gather3A_608 = arith.constant 0 : i32
    %gather3A_609 = arith.constant 0 : i32
    %gather3A_610 = arith.constant 0 : i32
    %gather3A_611 = tpu.memref_slice %arg5[%gather3A_608, %gather3A_609, %gather3A_610] : memref<3x256x128xf32, #tpu.memory_space<vmem>> -> memref<1x256x128xf32, #tpu.memory_space<vmem>>
    %gather3A_612 = tpu.memref_squeeze %gather3A_611 : memref<1x256x128xf32, #tpu.memory_space<vmem>> -> memref<256x128xf32, #tpu.memory_space<vmem>>
    %gather3A_613 = tpu.vector_load_idx %gather3A_612[%get3A_604, %add3A_607] : memref<256x128xf32, #tpu.memory_space<vmem>>[vector<16xi32>, vector<16xi32>], vector<16xf32>,
    %bitcast_convert_type3A_614 = tpu.bitcast %scan3A_395#3 : vector<16xf32> -> vector<16xi32>
    %shift_right_arithmetic3A_615 = arith.constant 23 : i32
    %shift_right_arithmetic3A_616 = vector.broadcast %shift_right_arithmetic3A_615 : i32 to vector<16xi32>
    %shift_right_arithmetic3A_617 = arith.shrsi %bitcast_convert_type3A_614, %shift_right_arithmetic3A_616 : vector<16xi32>
    %and3A_618 = arith.constant 255 : i32
    %and3A_619 = vector.broadcast %and3A_618 : i32 to vector<16xi32>
    %and3A_620 = arith.andi %shift_right_arithmetic3A_617, %and3A_619 : vector<16xi32>
    %sub3A_621 = arith.constant 127 : i32
    %sub3A_622 = vector.broadcast %sub3A_621 : i32 to vector<16xi32>
    %sub3A_623 = arith.subi %and3A_620, %sub3A_622 : vector<16xi32>
    %and3A_624 = arith.constant 8388607 : i32
    %and3A_625 = vector.broadcast %and3A_624 : i32 to vector<16xi32>
    %and3A_626 = arith.andi %bitcast_convert_type3A_614, %and3A_625 : vector<16xi32>
    %or3A_627 = arith.constant 1065353216 : i32
    %or3A_628 = vector.broadcast %or3A_627 : i32 to vector<16xi32>
    %or3A_629 = arith.ori %and3A_626, %or3A_628 : vector<16xi32>
    %bitcast_convert_type3A_630 = tpu.bitcast %or3A_629 : vector<16xi32> -> vector<16xf32>
    %sub3A_631 = arith.constant 1.000000e+00 : f32
    %sub3A_632 = vector.broadcast %sub3A_631 : f32 to vector<16xf32>
    %sub3A_633 = arith.subf %bitcast_convert_type3A_630, %sub3A_632 : vector<16xf32>
    %broadcast_in_dim3A_634 = arith.constant 0.0147788934 : f32
    %broadcast_in_dim3A_635 = vector.broadcast %broadcast_in_dim3A_634 : f32 to vector<16xf32>
    %mul3A_636 = arith.mulf %broadcast_in_dim3A_635, %sub3A_633 : vector<16xf32>
    %add3A_637 = arith.constant -0.0768496171 : f32
    %add3A_638 = vector.broadcast %add3A_637 : f32 to vector<16xf32>
    %add3A_639 = arith.addf %mul3A_636, %add3A_638 : vector<16xf32>
    %mul3A_640 = arith.mulf %add3A_639, %sub3A_633 : vector<16xf32>
    %add3A_641 = arith.constant 0.19042252 : f32
    %add3A_642 = vector.broadcast %add3A_641 : f32 to vector<16xf32>
    %add3A_643 = arith.addf %mul3A_640, %add3A_642 : vector<16xf32>
    %mul3A_644 = arith.mulf %add3A_643, %sub3A_633 : vector<16xf32>
    %add3A_645 = arith.constant -0.323117495 : f32
    %add3A_646 = vector.broadcast %add3A_645 : f32 to vector<16xf32>
    %add3A_647 = arith.addf %mul3A_644, %add3A_646 : vector<16xf32>
    %mul3A_648 = arith.mulf %add3A_647, %sub3A_633 : vector<16xf32>
    %add3A_649 = arith.constant 0.472500294 : f32
    %add3A_650 = vector.broadcast %add3A_649 : f32 to vector<16xf32>
    %add3A_651 = arith.addf %mul3A_648, %add3A_650 : vector<16xf32>
    %mul3A_652 = arith.mulf %add3A_651, %sub3A_633 : vector<16xf32>
    %add3A_653 = arith.constant -0.720386803 : f32
    %add3A_654 = vector.broadcast %add3A_653 : f32 to vector<16xf32>
    %add3A_655 = arith.addf %mul3A_652, %add3A_654 : vector<16xf32>
    %mul3A_656 = arith.mulf %add3A_655, %sub3A_633 : vector<16xf32>
    %add3A_657 = arith.constant 1.44265211 : f32
    %add3A_658 = vector.broadcast %add3A_657 : f32 to vector<16xf32>
    %add3A_659 = arith.addf %mul3A_656, %add3A_658 : vector<16xf32>
    %mul3A_660 = arith.mulf %add3A_659, %sub3A_633 : vector<16xf32>
    %add3A_661 = arith.constant 3.19128787E-7 : f32
    %add3A_662 = vector.broadcast %add3A_661 : f32 to vector<16xf32>
    %add3A_663 = arith.addf %mul3A_660, %add3A_662 : vector<16xf32>
    %convert_element_type3A_664 = arith.sitofp %sub3A_623 : vector<16xi32> to vector<16xf32>
    %add3A_665 = arith.addf %convert_element_type3A_664, %add3A_663 : vector<16xf32>
    %mul3A_666 = arith.constant 0.693147182 : f32
    %mul3A_667 = vector.broadcast %mul3A_666 : f32 to vector<16xf32>
    %mul3A_668 = arith.mulf %mul3A_667, %add3A_665 : vector<16xf32>
    %sub3A_669 = arith.subf %mul3A_668, %gather3A_613 : vector<16xf32>
    %add3A_670 = arith.addf %add3A_600, %sub3A_669 : vector<16xf32>
    %get3A_671 = arith.constant 0 : i32
    %get3A_672 = arith.index_cast %get3A_671 : i32 to index
    %get3A_673 = arith.constant 64 : index
    %get3A_674 = tpu.vector_load %arg6[%get3A_672, %get3A_673] {strides = array<i32>} : memref<4x128xi32, #tpu.memory_space<vmem>>, vector<16xi32>,
    %add3A_675 = arith.constant 64 : i32
    %add3A_676 = vector.broadcast %add3A_675 : i32 to vector<16xi32>
    %add3A_677 = arith.addi %iota3A, %add3A_676 : vector<16xi32>
    %gather3A_678 = arith.constant 0 : i32
    %gather3A_679 = arith.constant 0 : i32
    %gather3A_680 = arith.constant 0 : i32
    %gather3A_681 = tpu.memref_slice %arg5[%gather3A_678, %gather3A_679, %gather3A_680] : memref<3x256x128xf32, #tpu.memory_space<vmem>> -> memref<1x256x128xf32, #tpu.memory_space<vmem>>
    %gather3A_682 = tpu.memref_squeeze %gather3A_681 : memref<1x256x128xf32, #tpu.memory_space<vmem>> -> memref<256x128xf32, #tpu.memory_space<vmem>>
    %gather3A_683 = tpu.vector_load_idx %gather3A_682[%get3A_674, %add3A_677] : memref<256x128xf32, #tpu.memory_space<vmem>>[vector<16xi32>, vector<16xi32>], vector<16xf32>,
    %bitcast_convert_type3A_684 = tpu.bitcast %scan3A_395#4 : vector<16xf32> -> vector<16xi32>
    %shift_right_arithmetic3A_685 = arith.constant 23 : i32
    %shift_right_arithmetic3A_686 = vector.broadcast %shift_right_arithmetic3A_685 : i32 to vector<16xi32>
    %shift_right_arithmetic3A_687 = arith.shrsi %bitcast_convert_type3A_684, %shift_right_arithmetic3A_686 : vector<16xi32>
    %and3A_688 = arith.constant 255 : i32
    %and3A_689 = vector.broadcast %and3A_688 : i32 to vector<16xi32>
    %and3A_690 = arith.andi %shift_right_arithmetic3A_687, %and3A_689 : vector<16xi32>
    %sub3A_691 = arith.constant 127 : i32
    %sub3A_692 = vector.broadcast %sub3A_691 : i32 to vector<16xi32>
    %sub3A_693 = arith.subi %and3A_690, %sub3A_692 : vector<16xi32>
    %and3A_694 = arith.constant 8388607 : i32
    %and3A_695 = vector.broadcast %and3A_694 : i32 to vector<16xi32>
    %and3A_696 = arith.andi %bitcast_convert_type3A_684, %and3A_695 : vector<16xi32>
    %or3A_697 = arith.constant 1065353216 : i32
    %or3A_698 = vector.broadcast %or3A_697 : i32 to vector<16xi32>
    %or3A_699 = arith.ori %and3A_696, %or3A_698 : vector<16xi32>
    %bitcast_convert_type3A_700 = tpu.bitcast %or3A_699 : vector<16xi32> -> vector<16xf32>
    %sub3A_701 = arith.constant 1.000000e+00 : f32
    %sub3A_702 = vector.broadcast %sub3A_701 : f32 to vector<16xf32>
    %sub3A_703 = arith.subf %bitcast_convert_type3A_700, %sub3A_702 : vector<16xf32>
    %broadcast_in_dim3A_704 = arith.constant 0.0147788934 : f32
    %broadcast_in_dim3A_705 = vector.broadcast %broadcast_in_dim3A_704 : f32 to vector<16xf32>
    %mul3A_706 = arith.mulf %broadcast_in_dim3A_705, %sub3A_703 : vector<16xf32>
    %add3A_707 = arith.constant -0.0768496171 : f32
    %add3A_708 = vector.broadcast %add3A_707 : f32 to vector<16xf32>
    %add3A_709 = arith.addf %mul3A_706, %add3A_708 : vector<16xf32>
    %mul3A_710 = arith.mulf %add3A_709, %sub3A_703 : vector<16xf32>
    %add3A_711 = arith.constant 0.19042252 : f32
    %add3A_712 = vector.broadcast %add3A_711 : f32 to vector<16xf32>
    %add3A_713 = arith.addf %mul3A_710, %add3A_712 : vector<16xf32>
    %mul3A_714 = arith.mulf %add3A_713, %sub3A_703 : vector<16xf32>
    %add3A_715 = arith.constant -0.323117495 : f32
    %add3A_716 = vector.broadcast %add3A_715 : f32 to vector<16xf32>
    %add3A_717 = arith.addf %mul3A_714, %add3A_716 : vector<16xf32>
    %mul3A_718 = arith.mulf %add3A_717, %sub3A_703 : vector<16xf32>
    %add3A_719 = arith.constant 0.472500294 : f32
    %add3A_720 = vector.broadcast %add3A_719 : f32 to vector<16xf32>
    %add3A_721 = arith.addf %mul3A_718, %add3A_720 : vector<16xf32>
    %mul3A_722 = arith.mulf %add3A_721, %sub3A_703 : vector<16xf32>
    %add3A_723 = arith.constant -0.720386803 : f32
    %add3A_724 = vector.broadcast %add3A_723 : f32 to vector<16xf32>
    %add3A_725 = arith.addf %mul3A_722, %add3A_724 : vector<16xf32>
    %mul3A_726 = arith.mulf %add3A_725, %sub3A_703 : vector<16xf32>
    %add3A_727 = arith.constant 1.44265211 : f32
    %add3A_728 = vector.broadcast %add3A_727 : f32 to vector<16xf32>
    %add3A_729 = arith.addf %mul3A_726, %add3A_728 : vector<16xf32>
    %mul3A_730 = arith.mulf %add3A_729, %sub3A_703 : vector<16xf32>
    %add3A_731 = arith.constant 3.19128787E-7 : f32
    %add3A_732 = vector.broadcast %add3A_731 : f32 to vector<16xf32>
    %add3A_733 = arith.addf %mul3A_730, %add3A_732 : vector<16xf32>
    %convert_element_type3A_734 = arith.sitofp %sub3A_693 : vector<16xi32> to vector<16xf32>
    %add3A_735 = arith.addf %convert_element_type3A_734, %add3A_733 : vector<16xf32>
    %mul3A_736 = arith.constant 0.693147182 : f32
    %mul3A_737 = vector.broadcast %mul3A_736 : f32 to vector<16xf32>
    %mul3A_738 = arith.mulf %mul3A_737, %add3A_735 : vector<16xf32>
    %sub3A_739 = arith.subf %mul3A_738, %gather3A_683 : vector<16xf32>
    %add3A_740 = arith.addf %add3A_670, %sub3A_739 : vector<16xf32>
    %get3A_741 = arith.constant 0 : i32
    %get3A_742 = arith.index_cast %get3A_741 : i32 to index
    %get3A_743 = arith.constant 80 : index
    %get3A_744 = tpu.vector_load %arg6[%get3A_742, %get3A_743] {strides = array<i32>} : memref<4x128xi32, #tpu.memory_space<vmem>>, vector<16xi32>,
    %add3A_745 = arith.constant 80 : i32
    %add3A_746 = vector.broadcast %add3A_745 : i32 to vector<16xi32>
    %add3A_747 = arith.addi %iota3A, %add3A_746 : vector<16xi32>
    %gather3A_748 = arith.constant 0 : i32
    %gather3A_749 = arith.constant 0 : i32
    %gather3A_750 = arith.constant 0 : i32
    %gather3A_751 = tpu.memref_slice %arg5[%gather3A_748, %gather3A_749, %gather3A_750] : memref<3x256x128xf32, #tpu.memory_space<vmem>> -> memref<1x256x128xf32, #tpu.memory_space<vmem>>
    %gather3A_752 = tpu.memref_squeeze %gather3A_751 : memref<1x256x128xf32, #tpu.memory_space<vmem>> -> memref<256x128xf32, #tpu.memory_space<vmem>>
    %gather3A_753 = tpu.vector_load_idx %gather3A_752[%get3A_744, %add3A_747] : memref<256x128xf32, #tpu.memory_space<vmem>>[vector<16xi32>, vector<16xi32>], vector<16xf32>,
    %bitcast_convert_type3A_754 = tpu.bitcast %scan3A_395#5 : vector<16xf32> -> vector<16xi32>
    %shift_right_arithmetic3A_755 = arith.constant 23 : i32
    %shift_right_arithmetic3A_756 = vector.broadcast %shift_right_arithmetic3A_755 : i32 to vector<16xi32>
    %shift_right_arithmetic3A_757 = arith.shrsi %bitcast_convert_type3A_754, %shift_right_arithmetic3A_756 : vector<16xi32>
    %and3A_758 = arith.constant 255 : i32
    %and3A_759 = vector.broadcast %and3A_758 : i32 to vector<16xi32>
    %and3A_760 = arith.andi %shift_right_arithmetic3A_757, %and3A_759 : vector<16xi32>
    %sub3A_761 = arith.constant 127 : i32
    %sub3A_762 = vector.broadcast %sub3A_761 : i32 to vector<16xi32>
    %sub3A_763 = arith.subi %and3A_760, %sub3A_762 : vector<16xi32>
    %and3A_764 = arith.constant 8388607 : i32
    %and3A_765 = vector.broadcast %and3A_764 : i32 to vector<16xi32>
    %and3A_766 = arith.andi %bitcast_convert_type3A_754, %and3A_765 : vector<16xi32>
    %or3A_767 = arith.constant 1065353216 : i32
    %or3A_768 = vector.broadcast %or3A_767 : i32 to vector<16xi32>
    %or3A_769 = arith.ori %and3A_766, %or3A_768 : vector<16xi32>
    %bitcast_convert_type3A_770 = tpu.bitcast %or3A_769 : vector<16xi32> -> vector<16xf32>
    %sub3A_771 = arith.constant 1.000000e+00 : f32
    %sub3A_772 = vector.broadcast %sub3A_771 : f32 to vector<16xf32>
    %sub3A_773 = arith.subf %bitcast_convert_type3A_770, %sub3A_772 : vector<16xf32>
    %broadcast_in_dim3A_774 = arith.constant 0.0147788934 : f32
    %broadcast_in_dim3A_775 = vector.broadcast %broadcast_in_dim3A_774 : f32 to vector<16xf32>
    %mul3A_776 = arith.mulf %broadcast_in_dim3A_775, %sub3A_773 : vector<16xf32>
    %add3A_777 = arith.constant -0.0768496171 : f32
    %add3A_778 = vector.broadcast %add3A_777 : f32 to vector<16xf32>
    %add3A_779 = arith.addf %mul3A_776, %add3A_778 : vector<16xf32>
    %mul3A_780 = arith.mulf %add3A_779, %sub3A_773 : vector<16xf32>
    %add3A_781 = arith.constant 0.19042252 : f32
    %add3A_782 = vector.broadcast %add3A_781 : f32 to vector<16xf32>
    %add3A_783 = arith.addf %mul3A_780, %add3A_782 : vector<16xf32>
    %mul3A_784 = arith.mulf %add3A_783, %sub3A_773 : vector<16xf32>
    %add3A_785 = arith.constant -0.323117495 : f32
    %add3A_786 = vector.broadcast %add3A_785 : f32 to vector<16xf32>
    %add3A_787 = arith.addf %mul3A_784, %add3A_786 : vector<16xf32>
    %mul3A_788 = arith.mulf %add3A_787, %sub3A_773 : vector<16xf32>
    %add3A_789 = arith.constant 0.472500294 : f32
    %add3A_790 = vector.broadcast %add3A_789 : f32 to vector<16xf32>
    %add3A_791 = arith.addf %mul3A_788, %add3A_790 : vector<16xf32>
    %mul3A_792 = arith.mulf %add3A_791, %sub3A_773 : vector<16xf32>
    %add3A_793 = arith.constant -0.720386803 : f32
    %add3A_794 = vector.broadcast %add3A_793 : f32 to vector<16xf32>
    %add3A_795 = arith.addf %mul3A_792, %add3A_794 : vector<16xf32>
    %mul3A_796 = arith.mulf %add3A_795, %sub3A_773 : vector<16xf32>
    %add3A_797 = arith.constant 1.44265211 : f32
    %add3A_798 = vector.broadcast %add3A_797 : f32 to vector<16xf32>
    %add3A_799 = arith.addf %mul3A_796, %add3A_798 : vector<16xf32>
    %mul3A_800 = arith.mulf %add3A_799, %sub3A_773 : vector<16xf32>
    %add3A_801 = arith.constant 3.19128787E-7 : f32
    %add3A_802 = vector.broadcast %add3A_801 : f32 to vector<16xf32>
    %add3A_803 = arith.addf %mul3A_800, %add3A_802 : vector<16xf32>
    %convert_element_type3A_804 = arith.sitofp %sub3A_763 : vector<16xi32> to vector<16xf32>
    %add3A_805 = arith.addf %convert_element_type3A_804, %add3A_803 : vector<16xf32>
    %mul3A_806 = arith.constant 0.693147182 : f32
    %mul3A_807 = vector.broadcast %mul3A_806 : f32 to vector<16xf32>
    %mul3A_808 = arith.mulf %mul3A_807, %add3A_805 : vector<16xf32>
    %sub3A_809 = arith.subf %mul3A_808, %gather3A_753 : vector<16xf32>
    %add3A_810 = arith.addf %add3A_740, %sub3A_809 : vector<16xf32>
    %get3A_811 = arith.constant 0 : i32
    %get3A_812 = arith.index_cast %get3A_811 : i32 to index
    %get3A_813 = arith.constant 96 : index
    %get3A_814 = tpu.vector_load %arg6[%get3A_812, %get3A_813] {strides = array<i32>} : memref<4x128xi32, #tpu.memory_space<vmem>>, vector<16xi32>,
    %add3A_815 = arith.constant 96 : i32
    %add3A_816 = vector.broadcast %add3A_815 : i32 to vector<16xi32>
    %add3A_817 = arith.addi %iota3A, %add3A_816 : vector<16xi32>
    %gather3A_818 = arith.constant 0 : i32
    %gather3A_819 = arith.constant 0 : i32
    %gather3A_820 = arith.constant 0 : i32
    %gather3A_821 = tpu.memref_slice %arg5[%gather3A_818, %gather3A_819, %gather3A_820] : memref<3x256x128xf32, #tpu.memory_space<vmem>> -> memref<1x256x128xf32, #tpu.memory_space<vmem>>
    %gather3A_822 = tpu.memref_squeeze %gather3A_821 : memref<1x256x128xf32, #tpu.memory_space<vmem>> -> memref<256x128xf32, #tpu.memory_space<vmem>>
    %gather3A_823 = tpu.vector_load_idx %gather3A_822[%get3A_814, %add3A_817] : memref<256x128xf32, #tpu.memory_space<vmem>>[vector<16xi32>, vector<16xi32>], vector<16xf32>,
    %bitcast_convert_type3A_824 = tpu.bitcast %scan3A_395#6 : vector<16xf32> -> vector<16xi32>
    %shift_right_arithmetic3A_825 = arith.constant 23 : i32
    %shift_right_arithmetic3A_826 = vector.broadcast %shift_right_arithmetic3A_825 : i32 to vector<16xi32>
    %shift_right_arithmetic3A_827 = arith.shrsi %bitcast_convert_type3A_824, %shift_right_arithmetic3A_826 : vector<16xi32>
    %and3A_828 = arith.constant 255 : i32
    %and3A_829 = vector.broadcast %and3A_828 : i32 to vector<16xi32>
    %and3A_830 = arith.andi %shift_right_arithmetic3A_827, %and3A_829 : vector<16xi32>
    %sub3A_831 = arith.constant 127 : i32
    %sub3A_832 = vector.broadcast %sub3A_831 : i32 to vector<16xi32>
    %sub3A_833 = arith.subi %and3A_830, %sub3A_832 : vector<16xi32>
    %and3A_834 = arith.constant 8388607 : i32
    %and3A_835 = vector.broadcast %and3A_834 : i32 to vector<16xi32>
    %and3A_836 = arith.andi %bitcast_convert_type3A_824, %and3A_835 : vector<16xi32>
    %or3A_837 = arith.constant 1065353216 : i32
    %or3A_838 = vector.broadcast %or3A_837 : i32 to vector<16xi32>
    %or3A_839 = arith.ori %and3A_836, %or3A_838 : vector<16xi32>
    %bitcast_convert_type3A_840 = tpu.bitcast %or3A_839 : vector<16xi32> -> vector<16xf32>
    %sub3A_841 = arith.constant 1.000000e+00 : f32
    %sub3A_842 = vector.broadcast %sub3A_841 : f32 to vector<16xf32>
    %sub3A_843 = arith.subf %bitcast_convert_type3A_840, %sub3A_842 : vector<16xf32>
    %broadcast_in_dim3A_844 = arith.constant 0.0147788934 : f32
    %broadcast_in_dim3A_845 = vector.broadcast %broadcast_in_dim3A_844 : f32 to vector<16xf32>
    %mul3A_846 = arith.mulf %broadcast_in_dim3A_845, %sub3A_843 : vector<16xf32>
    %add3A_847 = arith.constant -0.0768496171 : f32
    %add3A_848 = vector.broadcast %add3A_847 : f32 to vector<16xf32>
    %add3A_849 = arith.addf %mul3A_846, %add3A_848 : vector<16xf32>
    %mul3A_850 = arith.mulf %add3A_849, %sub3A_843 : vector<16xf32>
    %add3A_851 = arith.constant 0.19042252 : f32
    %add3A_852 = vector.broadcast %add3A_851 : f32 to vector<16xf32>
    %add3A_853 = arith.addf %mul3A_850, %add3A_852 : vector<16xf32>
    %mul3A_854 = arith.mulf %add3A_853, %sub3A_843 : vector<16xf32>
    %add3A_855 = arith.constant -0.323117495 : f32
    %add3A_856 = vector.broadcast %add3A_855 : f32 to vector<16xf32>
    %add3A_857 = arith.addf %mul3A_854, %add3A_856 : vector<16xf32>
    %mul3A_858 = arith.mulf %add3A_857, %sub3A_843 : vector<16xf32>
    %add3A_859 = arith.constant 0.472500294 : f32
    %add3A_860 = vector.broadcast %add3A_859 : f32 to vector<16xf32>
    %add3A_861 = arith.addf %mul3A_858, %add3A_860 : vector<16xf32>
    %mul3A_862 = arith.mulf %add3A_861, %sub3A_843 : vector<16xf32>
    %add3A_863 = arith.constant -0.720386803 : f32
    %add3A_864 = vector.broadcast %add3A_863 : f32 to vector<16xf32>
    %add3A_865 = arith.addf %mul3A_862, %add3A_864 : vector<16xf32>
    %mul3A_866 = arith.mulf %add3A_865, %sub3A_843 : vector<16xf32>
    %add3A_867 = arith.constant 1.44265211 : f32
    %add3A_868 = vector.broadcast %add3A_867 : f32 to vector<16xf32>
    %add3A_869 = arith.addf %mul3A_866, %add3A_868 : vector<16xf32>
    %mul3A_870 = arith.mulf %add3A_869, %sub3A_843 : vector<16xf32>
    %add3A_871 = arith.constant 3.19128787E-7 : f32
    %add3A_872 = vector.broadcast %add3A_871 : f32 to vector<16xf32>
    %add3A_873 = arith.addf %mul3A_870, %add3A_872 : vector<16xf32>
    %convert_element_type3A_874 = arith.sitofp %sub3A_833 : vector<16xi32> to vector<16xf32>
    %add3A_875 = arith.addf %convert_element_type3A_874, %add3A_873 : vector<16xf32>
    %mul3A_876 = arith.constant 0.693147182 : f32
    %mul3A_877 = vector.broadcast %mul3A_876 : f32 to vector<16xf32>
    %mul3A_878 = arith.mulf %mul3A_877, %add3A_875 : vector<16xf32>
    %sub3A_879 = arith.subf %mul3A_878, %gather3A_823 : vector<16xf32>
    %add3A_880 = arith.addf %add3A_810, %sub3A_879 : vector<16xf32>
    %get3A_881 = arith.constant 0 : i32
    %get3A_882 = arith.index_cast %get3A_881 : i32 to index
    %get3A_883 = arith.constant 112 : index
    %get3A_884 = tpu.vector_load %arg6[%get3A_882, %get3A_883] {strides = array<i32>} : memref<4x128xi32, #tpu.memory_space<vmem>>, vector<16xi32>,
    %add3A_885 = arith.constant 112 : i32
    %add3A_886 = vector.broadcast %add3A_885 : i32 to vector<16xi32>
    %add3A_887 = arith.addi %iota3A, %add3A_886 : vector<16xi32>
    %gather3A_888 = arith.constant 0 : i32
    %gather3A_889 = arith.constant 0 : i32
    %gather3A_890 = arith.constant 0 : i32
    %gather3A_891 = tpu.memref_slice %arg5[%gather3A_888, %gather3A_889, %gather3A_890] : memref<3x256x128xf32, #tpu.memory_space<vmem>> -> memref<1x256x128xf32, #tpu.memory_space<vmem>>
    %gather3A_892 = tpu.memref_squeeze %gather3A_891 : memref<1x256x128xf32, #tpu.memory_space<vmem>> -> memref<256x128xf32, #tpu.memory_space<vmem>>
    %gather3A_893 = tpu.vector_load_idx %gather3A_892[%get3A_884, %add3A_887] : memref<256x128xf32, #tpu.memory_space<vmem>>[vector<16xi32>, vector<16xi32>], vector<16xf32>,
    %bitcast_convert_type3A_894 = tpu.bitcast %scan3A_395#7 : vector<16xf32> -> vector<16xi32>
    %shift_right_arithmetic3A_895 = arith.constant 23 : i32
    %shift_right_arithmetic3A_896 = vector.broadcast %shift_right_arithmetic3A_895 : i32 to vector<16xi32>
    %shift_right_arithmetic3A_897 = arith.shrsi %bitcast_convert_type3A_894, %shift_right_arithmetic3A_896 : vector<16xi32>
    %and3A_898 = arith.constant 255 : i32
    %and3A_899 = vector.broadcast %and3A_898 : i32 to vector<16xi32>
    %and3A_900 = arith.andi %shift_right_arithmetic3A_897, %and3A_899 : vector<16xi32>
    %sub3A_901 = arith.constant 127 : i32
    %sub3A_902 = vector.broadcast %sub3A_901 : i32 to vector<16xi32>
    %sub3A_903 = arith.subi %and3A_900, %sub3A_902 : vector<16xi32>
    %and3A_904 = arith.constant 8388607 : i32
    %and3A_905 = vector.broadcast %and3A_904 : i32 to vector<16xi32>
    %and3A_906 = arith.andi %bitcast_convert_type3A_894, %and3A_905 : vector<16xi32>
    %or3A_907 = arith.constant 1065353216 : i32
    %or3A_908 = vector.broadcast %or3A_907 : i32 to vector<16xi32>
    %or3A_909 = arith.ori %and3A_906, %or3A_908 : vector<16xi32>
    %bitcast_convert_type3A_910 = tpu.bitcast %or3A_909 : vector<16xi32> -> vector<16xf32>
    %sub3A_911 = arith.constant 1.000000e+00 : f32
    %sub3A_912 = vector.broadcast %sub3A_911 : f32 to vector<16xf32>
    %sub3A_913 = arith.subf %bitcast_convert_type3A_910, %sub3A_912 : vector<16xf32>
    %broadcast_in_dim3A_914 = arith.constant 0.0147788934 : f32
    %broadcast_in_dim3A_915 = vector.broadcast %broadcast_in_dim3A_914 : f32 to vector<16xf32>
    %mul3A_916 = arith.mulf %broadcast_in_dim3A_915, %sub3A_913 : vector<16xf32>
    %add3A_917 = arith.constant -0.0768496171 : f32
    %add3A_918 = vector.broadcast %add3A_917 : f32 to vector<16xf32>
    %add3A_919 = arith.addf %mul3A_916, %add3A_918 : vector<16xf32>
    %mul3A_920 = arith.mulf %add3A_919, %sub3A_913 : vector<16xf32>
    %add3A_921 = arith.constant 0.19042252 : f32
    %add3A_922 = vector.broadcast %add3A_921 : f32 to vector<16xf32>
    %add3A_923 = arith.addf %mul3A_920, %add3A_922 : vector<16xf32>
    %mul3A_924 = arith.mulf %add3A_923, %sub3A_913 : vector<16xf32>
    %add3A_925 = arith.constant -0.323117495 : f32
    %add3A_926 = vector.broadcast %add3A_925 : f32 to vector<16xf32>
    %add3A_927 = arith.addf %mul3A_924, %add3A_926 : vector<16xf32>
    %mul3A_928 = arith.mulf %add3A_927, %sub3A_913 : vector<16xf32>
    %add3A_929 = arith.constant 0.472500294 : f32
    %add3A_930 = vector.broadcast %add3A_929 : f32 to vector<16xf32>
    %add3A_931 = arith.addf %mul3A_928, %add3A_930 : vector<16xf32>
    %mul3A_932 = arith.mulf %add3A_931, %sub3A_913 : vector<16xf32>
    %add3A_933 = arith.constant -0.720386803 : f32
    %add3A_934 = vector.broadcast %add3A_933 : f32 to vector<16xf32>
    %add3A_935 = arith.addf %mul3A_932, %add3A_934 : vector<16xf32>
    %mul3A_936 = arith.mulf %add3A_935, %sub3A_913 : vector<16xf32>
    %add3A_937 = arith.constant 1.44265211 : f32
    %add3A_938 = vector.broadcast %add3A_937 : f32 to vector<16xf32>
    %add3A_939 = arith.addf %mul3A_936, %add3A_938 : vector<16xf32>
    %mul3A_940 = arith.mulf %add3A_939, %sub3A_913 : vector<16xf32>
    %add3A_941 = arith.constant 3.19128787E-7 : f32
    %add3A_942 = vector.broadcast %add3A_941 : f32 to vector<16xf32>
    %add3A_943 = arith.addf %mul3A_940, %add3A_942 : vector<16xf32>
    %convert_element_type3A_944 = arith.sitofp %sub3A_903 : vector<16xi32> to vector<16xf32>
    %add3A_945 = arith.addf %convert_element_type3A_944, %add3A_943 : vector<16xf32>
    %mul3A_946 = arith.constant 0.693147182 : f32
    %mul3A_947 = vector.broadcast %mul3A_946 : f32 to vector<16xf32>
    %mul3A_948 = arith.mulf %mul3A_947, %add3A_945 : vector<16xf32>
    %sub3A_949 = arith.subf %mul3A_948, %gather3A_893 : vector<16xf32>
    %add3A_950 = arith.addf %add3A_880, %sub3A_949 : vector<16xf32>
    %dma_wait3A_951 = arith.constant 1 : i32
    %dma_wait3A_952 = arith.constant 0 : i32
    %dma_wait3A_953 = arith.constant 0 : i32
    %dma_wait3A_954 = tpu.memref_slice %arg5[%dma_wait3A_951, %dma_wait3A_952, %dma_wait3A_953] : memref<3x256x128xf32, #tpu.memory_space<vmem>> -> memref<1x256x128xf32, #tpu.memory_space<vmem>>
    %dma_wait3A_955 = tpu.memref_squeeze %dma_wait3A_954 : memref<1x256x128xf32, #tpu.memory_space<vmem>> -> memref<256x128xf32, #tpu.memory_space<vmem>>
    %dma_wait3A_956 = arith.constant 0 : i32
    %dma_wait3A_957 = tpu.memref_slice %arg2[%select_n3A_265, %dma_wait3A_956, %mul3A_283] : memref<8x256x2048xf32, #tpu.memory_space<hbm>> -> memref<1x256x128xf32, #tpu.memory_space<hbm>>
    %dma_wait3A_958 = tpu.memref_squeeze %dma_wait3A_957 : memref<1x256x128xf32, #tpu.memory_space<hbm>> -> memref<256x128xf32, #tpu.memory_space<hbm>>
    %dma_wait3A_959 = arith.constant 0 : i32
    %dma_wait3A_960 = arith.constant 0 : i32
    %dma_wait3A_961 = tpu.memref_slice %arg5[%dma_wait3A_951, %dma_wait3A_959, %dma_wait3A_960] : memref<3x256x128xf32, #tpu.memory_space<vmem>> -> memref<1x256x128xf32, #tpu.memory_space<vmem>>
    %dma_wait3A_962 = tpu.memref_squeeze %dma_wait3A_961 : memref<1x256x128xf32, #tpu.memory_space<vmem>> -> memref<256x128xf32, #tpu.memory_space<vmem>>
    %dma_wait3A_963 = arith.constant 0 : i32
    %dma_wait3A_964 = tpu.memref_slice %arg2[%select_n3A_265, %dma_wait3A_963, %mul3A_283] : memref<8x256x2048xf32, #tpu.memory_space<hbm>> -> memref<1x256x128xf32, #tpu.memory_space<hbm>>
    %dma_wait3A_965 = tpu.memref_squeeze %dma_wait3A_964 : memref<1x256x128xf32, #tpu.memory_space<hbm>> -> memref<256x128xf32, #tpu.memory_space<hbm>>
    tpu.wait_dma2 semaphore(%arg9 : memref<!tpu.dma_semaphore, #tpu.memory_space<semaphore_mem>>) src(%dma_wait3A_965 : memref<256x128xf32, #tpu.memory_space<hbm>>) dst(%dma_wait3A_962 : memref<256x128xf32, #tpu.memory_space<vmem>>)
    %mul3A_966 = arith.constant 4 : i32
    %mul3A_967 = arith.muli %add3A, %mul3A_966 : i32
    %add3A_968 = arith.constant 3 : i32
    %add3A_969 = arith.addi %mul3A_967, %add3A_968 : i32
    %jit3A_970 = arith.constant 16 : i32
    %div3A_971 = arith.divsi %add3A_969, %jit3A_970 : i32
    %sign3A_972 = arith.constant 0 : i32
    %sign3A_973 = arith.cmpi sgt, %add3A_969, %sign3A_972 : i32
    %sign3A_974 = arith.extui %sign3A_973 : i1 to i32
    %sign3A_975 = arith.constant 0 : i32
    %sign3A_976 = arith.cmpi slt, %add3A_969, %sign3A_975 : i32
    %sign3A_977 = arith.extui %sign3A_976 : i1 to i32
    %sign3A_978 = arith.subi %sign3A_974, %sign3A_977 : i32
    %sign3A_979 = arith.constant 0 : i32
    %sign3A_980 = arith.cmpi sgt, %jit3A_970, %sign3A_979 : i32
    %sign3A_981 = arith.extui %sign3A_980 : i1 to i32
    %sign3A_982 = arith.constant 0 : i32
    %sign3A_983 = arith.cmpi slt, %jit3A_970, %sign3A_982 : i32
    %sign3A_984 = arith.extui %sign3A_983 : i1 to i32
    %sign3A_985 = arith.subi %sign3A_981, %sign3A_984 : i32
    %ne3A_986 = arith.cmpi ne, %sign3A_978, %sign3A_985 : i32
    %rem3A_987 = arith.remsi %add3A_969, %jit3A_970 : i32
    %ne3A_988 = arith.constant 0 : i32
    %ne3A_989 = arith.cmpi ne, %rem3A_987, %ne3A_988 : i32
    %and3A_990 = arith.andi %ne3A_986, %ne3A_989 : i1
    %sub3A_991 = arith.constant 1 : i32
    %sub3A_992 = arith.subi %div3A_971, %sub3A_991 : i32
    %select_n3A_993 = arith.select %and3A_990, %sub3A_992, %div3A_971 : i32
    %jit3A_994 = arith.constant 16 : i32
    %eq3A_995 = arith.constant 0 : i32
    %eq3A_996 = arith.cmpi eq, %jit3A_994, %eq3A_995 : i32
    %jit3A_997 = arith.constant 1 : i32
    %select_n3A_998 = arith.select %eq3A_996, %jit3A_997, %jit3A_994 : i32
    %rem3A_999 = arith.remsi %add3A_969, %select_n3A_998 : i32
    %ne3A_1000 = arith.constant 0 : i32
    %ne3A_1001 = arith.cmpi ne, %rem3A_999, %ne3A_1000 : i32
    %lt3A_1002 = arith.constant 0 : i32
    %lt3A_1003 = arith.cmpi slt, %rem3A_999, %lt3A_1002 : i32
    %lt3A_1004 = arith.constant 0 : i32
    %lt3A_1005 = arith.cmpi slt, %select_n3A_998, %lt3A_1004 : i32
    %ne3A_1006 = arith.xori %lt3A_1003, %lt3A_1005 : i1
    %and3A_1007 = arith.andi %ne3A_1006, %ne3A_1001 : i1
    %add3A_1008 = arith.addi %rem3A_999, %select_n3A_998 : i32
    %select_n3A_1009 = arith.select %and3A_1007, %add3A_1008, %rem3A_999 : i32
    %mul3A_1010 = arith.constant 128 : i32
    %mul3A_1011 = arith.muli %select_n3A_1009, %mul3A_1010 : i32
    %dma_start3A_1012 = arith.constant 0 : i32
    %dma_start3A_1013 = arith.constant 0 : i32
    %dma_start3A_1014 = arith.constant 0 : i32
    %dma_start3A_1015 = tpu.memref_slice %arg5[%dma_start3A_1012, %dma_start3A_1013, %dma_start3A_1014] : memref<3x256x128xf32, #tpu.memory_space<vmem>> -> memref<1x256x128xf32, #tpu.memory_space<vmem>>
    %dma_start3A_1016 = tpu.memref_squeeze %dma_start3A_1015 : memref<1x256x128xf32, #tpu.memory_space<vmem>> -> memref<256x128xf32, #tpu.memory_space<vmem>>
    %dma_start3A_1017 = arith.constant 0 : i32
    %dma_start3A_1018 = tpu.memref_slice %arg2[%select_n3A_993, %dma_start3A_1017, %mul3A_1011] : memref<8x256x2048xf32, #tpu.memory_space<hbm>> -> memref<1x256x128xf32, #tpu.memory_space<hbm>>
    %dma_start3A_1019 = tpu.memref_squeeze %dma_start3A_1018 : memref<1x256x128xf32, #tpu.memory_space<hbm>> -> memref<256x128xf32, #tpu.memory_space<hbm>>
    %dma_start3A_1020 = arith.constant 0 : i32
    %dma_start3A_1021 = arith.constant 0 : i32
    %dma_start3A_1022 = tpu.memref_slice %arg5[%dma_start3A_1012, %dma_start3A_1020, %dma_start3A_1021] : memref<3x256x128xf32, #tpu.memory_space<vmem>> -> memref<1x256x128xf32, #tpu.memory_space<vmem>>
    %dma_start3A_1023 = tpu.memref_squeeze %dma_start3A_1022 : memref<1x256x128xf32, #tpu.memory_space<vmem>> -> memref<256x128xf32, #tpu.memory_space<vmem>>
    %dma_start3A_1024 = arith.constant 0 : i32
    %dma_start3A_1025 = tpu.memref_slice %arg2[%select_n3A_993, %dma_start3A_1024, %mul3A_1011] : memref<8x256x2048xf32, #tpu.memory_space<hbm>> -> memref<1x256x128xf32, #tpu.memory_space<hbm>>
    %dma_start3A_1026 = tpu.memref_squeeze %dma_start3A_1025 : memref<1x256x128xf32, #tpu.memory_space<hbm>> -> memref<256x128xf32, #tpu.memory_space<hbm>>
    tpu.enqueue_dma source(%dma_start3A_1026 : memref<256x128xf32, #tpu.memory_space<hbm>>) target(%dma_start3A_1023 : memref<256x128xf32, #tpu.memory_space<vmem>>) target_semaphore(%arg8 : memref<!tpu.dma_semaphore, #tpu.memory_space<semaphore_mem>>)
    %broadcast_in_dim3A_1027 = arith.constant 0.000000e+00 : f32
    %broadcast_in_dim3A_1028 = vector.broadcast %broadcast_in_dim3A_1027 : f32 to vector<16xf32>
    %broadcast_in_dim3A_1029 = arith.constant 0.000000e+00 : f32
    %broadcast_in_dim3A_1030 = vector.broadcast %broadcast_in_dim3A_1029 : f32 to vector<16xf32>
    %broadcast_in_dim3A_1031 = arith.constant 0.000000e+00 : f32
    %broadcast_in_dim3A_1032 = vector.broadcast %broadcast_in_dim3A_1031 : f32 to vector<16xf32>
    %broadcast_in_dim3A_1033 = arith.constant 0.000000e+00 : f32
    %broadcast_in_dim3A_1034 = vector.broadcast %broadcast_in_dim3A_1033 : f32 to vector<16xf32>
    %broadcast_in_dim3A_1035 = arith.constant 0.000000e+00 : f32
    %broadcast_in_dim3A_1036 = vector.broadcast %broadcast_in_dim3A_1035 : f32 to vector<16xf32>
    %broadcast_in_dim3A_1037 = arith.constant 0.000000e+00 : f32
    %broadcast_in_dim3A_1038 = vector.broadcast %broadcast_in_dim3A_1037 : f32 to vector<16xf32>
    %broadcast_in_dim3A_1039 = arith.constant 0.000000e+00 : f32
    %broadcast_in_dim3A_1040 = vector.broadcast %broadcast_in_dim3A_1039 : f32 to vector<16xf32>
    %broadcast_in_dim3A_1041 = arith.constant 0.000000e+00 : f32
    %broadcast_in_dim3A_1042 = vector.broadcast %broadcast_in_dim3A_1041 : f32 to vector<16xf32>
    %scan3A_1043 = arith.constant 1 : i32
    %scan3A_1044 = arith.constant 0 : i32
    %scan3A_1045 = arith.constant 64 : i32
    %scan3A_1046 = arith.addi %scan3A_1044, %scan3A_1045 : i32
    %scan3A_1047 = arith.constant 1 : i32
    %scan3A_1048:8 = scf.for %scan3A_2809 = %scan3A_1044 to %scan3A_1046 step %scan3A_1047 iter_args(%scan3A_2810 = %broadcast_in_dim3A_1028, %scan3A_2811 = %broadcast_in_dim3A_1030, %scan3A_2812 = %broadcast_in_dim3A_1032, %scan3A_2813 = %broadcast_in_dim3A_1034, %scan3A_2814 = %broadcast_in_dim3A_1036, %scan3A_2815 = %broadcast_in_dim3A_1038, %scan3A_2816 = %broadcast_in_dim3A_1040, %scan3A_2817 = %broadcast_in_dim3A_1042) -> (vector<16xf32>, vector<16xf32>, vector<16xf32>, vector<16xf32>, vector<16xf32>, vector<16xf32>, vector<16xf32>, vector<16xf32>)  : i32 {
      %mul3A_2818 = arith.constant 4 : i32
      %mul3A_2819 = arith.muli %scan3A_2809, %mul3A_2818 : i32
      %add3A_2820 = arith.constant 0 : i32
      %add3A_2821 = arith.addi %mul3A_2819, %add3A_2820 : i32
      %get3A_2822 = arith.constant 0 : i32
      %get3A_2823 = arith.constant 0 : i32
      %get3A_2824 = tpu.memref_slice %arg5[%scan3A_1043, %get3A_2822, %get3A_2823] : memref<3x256x128xf32, #tpu.memory_space<vmem>> -> memref<1x256x128xf32, #tpu.memory_space<vmem>>
      %get3A_2825 = tpu.memref_squeeze %get3A_2824 : memref<1x256x128xf32, #tpu.memory_space<vmem>> -> memref<256x128xf32, #tpu.memory_space<vmem>>
      %get3A_2826 = arith.index_cast %add3A_2821 : i32 to index
      %get3A_2827 = arith.constant 0 : index
      %get3A_2828 = tpu.vector_load %get3A_2825[%get3A_2826, %get3A_2827] {strides = array<i32>} : memref<256x128xf32, #tpu.memory_space<vmem>>, vector<16xf32>,
      %exp3A = math.exp %get3A_2828 : vector<16xf32>
      %add3A_2829 = arith.addf %scan3A_2810, %exp3A : vector<16xf32>
      %get3A_2830 = arith.constant 0 : i32
      %get3A_2831 = arith.constant 0 : i32
      %get3A_2832 = tpu.memref_slice %arg5[%scan3A_1043, %get3A_2830, %get3A_2831] : memref<3x256x128xf32, #tpu.memory_space<vmem>> -> memref<1x256x128xf32, #tpu.memory_space<vmem>>
      %get3A_2833 = tpu.memref_squeeze %get3A_2832 : memref<1x256x128xf32, #tpu.memory_space<vmem>> -> memref<256x128xf32, #tpu.memory_space<vmem>>
      %get3A_2834 = arith.index_cast %add3A_2821 : i32 to index
      %get3A_2835 = arith.constant 16 : index
      %get3A_2836 = tpu.vector_load %get3A_2833[%get3A_2834, %get3A_2835] {strides = array<i32>} : memref<256x128xf32, #tpu.memory_space<vmem>>, vector<16xf32>,
      %exp3A_2837 = math.exp %get3A_2836 : vector<16xf32>
      %add3A_2838 = arith.addf %scan3A_2811, %exp3A_2837 : vector<16xf32>
      %get3A_2839 = arith.constant 0 : i32
      %get3A_2840 = arith.constant 0 : i32
      %get3A_2841 = tpu.memref_slice %arg5[%scan3A_1043, %get3A_2839, %get3A_2840] : memref<3x256x128xf32, #tpu.memory_space<vmem>> -> memref<1x256x128xf32, #tpu.memory_space<vmem>>
      %get3A_2842 = tpu.memref_squeeze %get3A_2841 : memref<1x256x128xf32, #tpu.memory_space<vmem>> -> memref<256x128xf32, #tpu.memory_space<vmem>>
      %get3A_2843 = arith.index_cast %add3A_2821 : i32 to index
      %get3A_2844 = arith.constant 32 : index
      %get3A_2845 = tpu.vector_load %get3A_2842[%get3A_2843, %get3A_2844] {strides = array<i32>} : memref<256x128xf32, #tpu.memory_space<vmem>>, vector<16xf32>,
      %exp3A_2846 = math.exp %get3A_2845 : vector<16xf32>
      %add3A_2847 = arith.addf %scan3A_2812, %exp3A_2846 : vector<16xf32>
      %get3A_2848 = arith.constant 0 : i32
      %get3A_2849 = arith.constant 0 : i32
      %get3A_2850 = tpu.memref_slice %arg5[%scan3A_1043, %get3A_2848, %get3A_2849] : memref<3x256x128xf32, #tpu.memory_space<vmem>> -> memref<1x256x128xf32, #tpu.memory_space<vmem>>
      %get3A_2851 = tpu.memref_squeeze %get3A_2850 : memref<1x256x128xf32, #tpu.memory_space<vmem>> -> memref<256x128xf32, #tpu.memory_space<vmem>>
      %get3A_2852 = arith.index_cast %add3A_2821 : i32 to index
      %get3A_2853 = arith.constant 48 : index
      %get3A_2854 = tpu.vector_load %get3A_2851[%get3A_2852, %get3A_2853] {strides = array<i32>} : memref<256x128xf32, #tpu.memory_space<vmem>>, vector<16xf32>,
      %exp3A_2855 = math.exp %get3A_2854 : vector<16xf32>
      %add3A_2856 = arith.addf %scan3A_2813, %exp3A_2855 : vector<16xf32>
      %get3A_2857 = arith.constant 0 : i32
      %get3A_2858 = arith.constant 0 : i32
      %get3A_2859 = tpu.memref_slice %arg5[%scan3A_1043, %get3A_2857, %get3A_2858] : memref<3x256x128xf32, #tpu.memory_space<vmem>> -> memref<1x256x128xf32, #tpu.memory_space<vmem>>
      %get3A_2860 = tpu.memref_squeeze %get3A_2859 : memref<1x256x128xf32, #tpu.memory_space<vmem>> -> memref<256x128xf32, #tpu.memory_space<vmem>>
      %get3A_2861 = arith.index_cast %add3A_2821 : i32 to index
      %get3A_2862 = arith.constant 64 : index
      %get3A_2863 = tpu.vector_load %get3A_2860[%get3A_2861, %get3A_2862] {strides = array<i32>} : memref<256x128xf32, #tpu.memory_space<vmem>>, vector<16xf32>,
      %exp3A_2864 = math.exp %get3A_2863 : vector<16xf32>
      %add3A_2865 = arith.addf %scan3A_2814, %exp3A_2864 : vector<16xf32>
      %get3A_2866 = arith.constant 0 : i32
      %get3A_2867 = arith.constant 0 : i32
      %get3A_2868 = tpu.memref_slice %arg5[%scan3A_1043, %get3A_2866, %get3A_2867] : memref<3x256x128xf32, #tpu.memory_space<vmem>> -> memref<1x256x128xf32, #tpu.memory_space<vmem>>
      %get3A_2869 = tpu.memref_squeeze %get3A_2868 : memref<1x256x128xf32, #tpu.memory_space<vmem>> -> memref<256x128xf32, #tpu.memory_space<vmem>>
      %get3A_2870 = arith.index_cast %add3A_2821 : i32 to index
      %get3A_2871 = arith.constant 80 : index
      %get3A_2872 = tpu.vector_load %get3A_2869[%get3A_2870, %get3A_2871] {strides = array<i32>} : memref<256x128xf32, #tpu.memory_space<vmem>>, vector<16xf32>,
      %exp3A_2873 = math.exp %get3A_2872 : vector<16xf32>
      %add3A_2874 = arith.addf %scan3A_2815, %exp3A_2873 : vector<16xf32>
      %get3A_2875 = arith.constant 0 : i32
      %get3A_2876 = arith.constant 0 : i32
      %get3A_2877 = tpu.memref_slice %arg5[%scan3A_1043, %get3A_2875, %get3A_2876] : memref<3x256x128xf32, #tpu.memory_space<vmem>> -> memref<1x256x128xf32, #tpu.memory_space<vmem>>
      %get3A_2878 = tpu.memref_squeeze %get3A_2877 : memref<1x256x128xf32, #tpu.memory_space<vmem>> -> memref<256x128xf32, #tpu.memory_space<vmem>>
      %get3A_2879 = arith.index_cast %add3A_2821 : i32 to index
      %get3A_2880 = arith.constant 96 : index
      %get3A_2881 = tpu.vector_load %get3A_2878[%get3A_2879, %get3A_2880] {strides = array<i32>} : memref<256x128xf32, #tpu.memory_space<vmem>>, vector<16xf32>,
      %exp3A_2882 = math.exp %get3A_2881 : vector<16xf32>
      %add3A_2883 = arith.addf %scan3A_2816, %exp3A_2882 : vector<16xf32>
      %get3A_2884 = arith.constant 0 : i32
      %get3A_2885 = arith.constant 0 : i32
      %get3A_2886 = tpu.memref_slice %arg5[%scan3A_1043, %get3A_2884, %get3A_2885] : memref<3x256x128xf32, #tpu.memory_space<vmem>> -> memref<1x256x128xf32, #tpu.memory_space<vmem>>
      %get3A_2887 = tpu.memref_squeeze %get3A_2886 : memref<1x256x128xf32, #tpu.memory_space<vmem>> -> memref<256x128xf32, #tpu.memory_space<vmem>>
      %get3A_2888 = arith.index_cast %add3A_2821 : i32 to index
      %get3A_2889 = arith.constant 112 : index
      %get3A_2890 = tpu.vector_load %get3A_2887[%get3A_2888, %get3A_2889] {strides = array<i32>} : memref<256x128xf32, #tpu.memory_space<vmem>>, vector<16xf32>,
      %exp3A_2891 = math.exp %get3A_2890 : vector<16xf32>
      %add3A_2892 = arith.addf %scan3A_2817, %exp3A_2891 : vector<16xf32>
      %mul3A_2893 = arith.constant 4 : i32
      %mul3A_2894 = arith.muli %scan3A_2809, %mul3A_2893 : i32
      %add3A_2895 = arith.constant 1 : i32
      %add3A_2896 = arith.addi %mul3A_2894, %add3A_2895 : i32
      %get3A_2897 = arith.constant 0 : i32
      %get3A_2898 = arith.constant 0 : i32
      %get3A_2899 = tpu.memref_slice %arg5[%scan3A_1043, %get3A_2897, %get3A_2898] : memref<3x256x128xf32, #tpu.memory_space<vmem>> -> memref<1x256x128xf32, #tpu.memory_space<vmem>>
      %get3A_2900 = tpu.memref_squeeze %get3A_2899 : memref<1x256x128xf32, #tpu.memory_space<vmem>> -> memref<256x128xf32, #tpu.memory_space<vmem>>
      %get3A_2901 = arith.index_cast %add3A_2896 : i32 to index
      %get3A_2902 = arith.constant 0 : index
      %get3A_2903 = tpu.vector_load %get3A_2900[%get3A_2901, %get3A_2902] {strides = array<i32>} : memref<256x128xf32, #tpu.memory_space<vmem>>, vector<16xf32>,
      %exp3A_2904 = math.exp %get3A_2903 : vector<16xf32>
      %add3A_2905 = arith.addf %add3A_2829, %exp3A_2904 : vector<16xf32>
      %get3A_2906 = arith.constant 0 : i32
      %get3A_2907 = arith.constant 0 : i32
      %get3A_2908 = tpu.memref_slice %arg5[%scan3A_1043, %get3A_2906, %get3A_2907] : memref<3x256x128xf32, #tpu.memory_space<vmem>> -> memref<1x256x128xf32, #tpu.memory_space<vmem>>
      %get3A_2909 = tpu.memref_squeeze %get3A_2908 : memref<1x256x128xf32, #tpu.memory_space<vmem>> -> memref<256x128xf32, #tpu.memory_space<vmem>>
      %get3A_2910 = arith.index_cast %add3A_2896 : i32 to index
      %get3A_2911 = arith.constant 16 : index
      %get3A_2912 = tpu.vector_load %get3A_2909[%get3A_2910, %get3A_2911] {strides = array<i32>} : memref<256x128xf32, #tpu.memory_space<vmem>>, vector<16xf32>,
      %exp3A_2913 = math.exp %get3A_2912 : vector<16xf32>
      %add3A_2914 = arith.addf %add3A_2838, %exp3A_2913 : vector<16xf32>
      %get3A_2915 = arith.constant 0 : i32
      %get3A_2916 = arith.constant 0 : i32
      %get3A_2917 = tpu.memref_slice %arg5[%scan3A_1043, %get3A_2915, %get3A_2916] : memref<3x256x128xf32, #tpu.memory_space<vmem>> -> memref<1x256x128xf32, #tpu.memory_space<vmem>>
      %get3A_2918 = tpu.memref_squeeze %get3A_2917 : memref<1x256x128xf32, #tpu.memory_space<vmem>> -> memref<256x128xf32, #tpu.memory_space<vmem>>
      %get3A_2919 = arith.index_cast %add3A_2896 : i32 to index
      %get3A_2920 = arith.constant 32 : index
      %get3A_2921 = tpu.vector_load %get3A_2918[%get3A_2919, %get3A_2920] {strides = array<i32>} : memref<256x128xf32, #tpu.memory_space<vmem>>, vector<16xf32>,
      %exp3A_2922 = math.exp %get3A_2921 : vector<16xf32>
      %add3A_2923 = arith.addf %add3A_2847, %exp3A_2922 : vector<16xf32>
      %get3A_2924 = arith.constant 0 : i32
      %get3A_2925 = arith.constant 0 : i32
      %get3A_2926 = tpu.memref_slice %arg5[%scan3A_1043, %get3A_2924, %get3A_2925] : memref<3x256x128xf32, #tpu.memory_space<vmem>> -> memref<1x256x128xf32, #tpu.memory_space<vmem>>
      %get3A_2927 = tpu.memref_squeeze %get3A_2926 : memref<1x256x128xf32, #tpu.memory_space<vmem>> -> memref<256x128xf32, #tpu.memory_space<vmem>>
      %get3A_2928 = arith.index_cast %add3A_2896 : i32 to index
      %get3A_2929 = arith.constant 48 : index
      %get3A_2930 = tpu.vector_load %get3A_2927[%get3A_2928, %get3A_2929] {strides = array<i32>} : memref<256x128xf32, #tpu.memory_space<vmem>>, vector<16xf32>,
      %exp3A_2931 = math.exp %get3A_2930 : vector<16xf32>
      %add3A_2932 = arith.addf %add3A_2856, %exp3A_2931 : vector<16xf32>
      %get3A_2933 = arith.constant 0 : i32
      %get3A_2934 = arith.constant 0 : i32
      %get3A_2935 = tpu.memref_slice %arg5[%scan3A_1043, %get3A_2933, %get3A_2934] : memref<3x256x128xf32, #tpu.memory_space<vmem>> -> memref<1x256x128xf32, #tpu.memory_space<vmem>>
      %get3A_2936 = tpu.memref_squeeze %get3A_2935 : memref<1x256x128xf32, #tpu.memory_space<vmem>> -> memref<256x128xf32, #tpu.memory_space<vmem>>
      %get3A_2937 = arith.index_cast %add3A_2896 : i32 to index
      %get3A_2938 = arith.constant 64 : index
      %get3A_2939 = tpu.vector_load %get3A_2936[%get3A_2937, %get3A_2938] {strides = array<i32>} : memref<256x128xf32, #tpu.memory_space<vmem>>, vector<16xf32>,
      %exp3A_2940 = math.exp %get3A_2939 : vector<16xf32>
      %add3A_2941 = arith.addf %add3A_2865, %exp3A_2940 : vector<16xf32>
      %get3A_2942 = arith.constant 0 : i32
      %get3A_2943 = arith.constant 0 : i32
      %get3A_2944 = tpu.memref_slice %arg5[%scan3A_1043, %get3A_2942, %get3A_2943] : memref<3x256x128xf32, #tpu.memory_space<vmem>> -> memref<1x256x128xf32, #tpu.memory_space<vmem>>
      %get3A_2945 = tpu.memref_squeeze %get3A_2944 : memref<1x256x128xf32, #tpu.memory_space<vmem>> -> memref<256x128xf32, #tpu.memory_space<vmem>>
      %get3A_2946 = arith.index_cast %add3A_2896 : i32 to index
      %get3A_2947 = arith.constant 80 : index
      %get3A_2948 = tpu.vector_load %get3A_2945[%get3A_2946, %get3A_2947] {strides = array<i32>} : memref<256x128xf32, #tpu.memory_space<vmem>>, vector<16xf32>,
      %exp3A_2949 = math.exp %get3A_2948 : vector<16xf32>
      %add3A_2950 = arith.addf %add3A_2874, %exp3A_2949 : vector<16xf32>
      %get3A_2951 = arith.constant 0 : i32
      %get3A_2952 = arith.constant 0 : i32
      %get3A_2953 = tpu.memref_slice %arg5[%scan3A_1043, %get3A_2951, %get3A_2952] : memref<3x256x128xf32, #tpu.memory_space<vmem>> -> memref<1x256x128xf32, #tpu.memory_space<vmem>>
      %get3A_2954 = tpu.memref_squeeze %get3A_2953 : memref<1x256x128xf32, #tpu.memory_space<vmem>> -> memref<256x128xf32, #tpu.memory_space<vmem>>
      %get3A_2955 = arith.index_cast %add3A_2896 : i32 to index
      %get3A_2956 = arith.constant 96 : index
      %get3A_2957 = tpu.vector_load %get3A_2954[%get3A_2955, %get3A_2956] {strides = array<i32>} : memref<256x128xf32, #tpu.memory_space<vmem>>, vector<16xf32>,
      %exp3A_2958 = math.exp %get3A_2957 : vector<16xf32>
      %add3A_2959 = arith.addf %add3A_2883, %exp3A_2958 : vector<16xf32>
      %get3A_2960 = arith.constant 0 : i32
      %get3A_2961 = arith.constant 0 : i32
      %get3A_2962 = tpu.memref_slice %arg5[%scan3A_1043, %get3A_2960, %get3A_2961] : memref<3x256x128xf32, #tpu.memory_space<vmem>> -> memref<1x256x128xf32, #tpu.memory_space<vmem>>
      %get3A_2963 = tpu.memref_squeeze %get3A_2962 : memref<1x256x128xf32, #tpu.memory_space<vmem>> -> memref<256x128xf32, #tpu.memory_space<vmem>>
      %get3A_2964 = arith.index_cast %add3A_2896 : i32 to index
      %get3A_2965 = arith.constant 112 : index
      %get3A_2966 = tpu.vector_load %get3A_2963[%get3A_2964, %get3A_2965] {strides = array<i32>} : memref<256x128xf32, #tpu.memory_space<vmem>>, vector<16xf32>,
      %exp3A_2967 = math.exp %get3A_2966 : vector<16xf32>
      %add3A_2968 = arith.addf %add3A_2892, %exp3A_2967 : vector<16xf32>
      %mul3A_2969 = arith.constant 4 : i32
      %mul3A_2970 = arith.muli %scan3A_2809, %mul3A_2969 : i32
      %add3A_2971 = arith.constant 2 : i32
      %add3A_2972 = arith.addi %mul3A_2970, %add3A_2971 : i32
      %get3A_2973 = arith.constant 0 : i32
      %get3A_2974 = arith.constant 0 : i32
      %get3A_2975 = tpu.memref_slice %arg5[%scan3A_1043, %get3A_2973, %get3A_2974] : memref<3x256x128xf32, #tpu.memory_space<vmem>> -> memref<1x256x128xf32, #tpu.memory_space<vmem>>
      %get3A_2976 = tpu.memref_squeeze %get3A_2975 : memref<1x256x128xf32, #tpu.memory_space<vmem>> -> memref<256x128xf32, #tpu.memory_space<vmem>>
      %get3A_2977 = arith.index_cast %add3A_2972 : i32 to index
      %get3A_2978 = arith.constant 0 : index
      %get3A_2979 = tpu.vector_load %get3A_2976[%get3A_2977, %get3A_2978] {strides = array<i32>} : memref<256x128xf32, #tpu.memory_space<vmem>>, vector<16xf32>,
      %exp3A_2980 = math.exp %get3A_2979 : vector<16xf32>
      %add3A_2981 = arith.addf %add3A_2905, %exp3A_2980 : vector<16xf32>
      %get3A_2982 = arith.constant 0 : i32
      %get3A_2983 = arith.constant 0 : i32
      %get3A_2984 = tpu.memref_slice %arg5[%scan3A_1043, %get3A_2982, %get3A_2983] : memref<3x256x128xf32, #tpu.memory_space<vmem>> -> memref<1x256x128xf32, #tpu.memory_space<vmem>>
      %get3A_2985 = tpu.memref_squeeze %get3A_2984 : memref<1x256x128xf32, #tpu.memory_space<vmem>> -> memref<256x128xf32, #tpu.memory_space<vmem>>
      %get3A_2986 = arith.index_cast %add3A_2972 : i32 to index
      %get3A_2987 = arith.constant 16 : index
      %get3A_2988 = tpu.vector_load %get3A_2985[%get3A_2986, %get3A_2987] {strides = array<i32>} : memref<256x128xf32, #tpu.memory_space<vmem>>, vector<16xf32>,
      %exp3A_2989 = math.exp %get3A_2988 : vector<16xf32>
      %add3A_2990 = arith.addf %add3A_2914, %exp3A_2989 : vector<16xf32>
      %get3A_2991 = arith.constant 0 : i32
      %get3A_2992 = arith.constant 0 : i32
      %get3A_2993 = tpu.memref_slice %arg5[%scan3A_1043, %get3A_2991, %get3A_2992] : memref<3x256x128xf32, #tpu.memory_space<vmem>> -> memref<1x256x128xf32, #tpu.memory_space<vmem>>
      %get3A_2994 = tpu.memref_squeeze %get3A_2993 : memref<1x256x128xf32, #tpu.memory_space<vmem>> -> memref<256x128xf32, #tpu.memory_space<vmem>>
      %get3A_2995 = arith.index_cast %add3A_2972 : i32 to index
      %get3A_2996 = arith.constant 32 : index
      %get3A_2997 = tpu.vector_load %get3A_2994[%get3A_2995, %get3A_2996] {strides = array<i32>} : memref<256x128xf32, #tpu.memory_space<vmem>>, vector<16xf32>,
      %exp3A_2998 = math.exp %get3A_2997 : vector<16xf32>
      %add3A_2999 = arith.addf %add3A_2923, %exp3A_2998 : vector<16xf32>
      %get3A_3000 = arith.constant 0 : i32
      %get3A_3001 = arith.constant 0 : i32
      %get3A_3002 = tpu.memref_slice %arg5[%scan3A_1043, %get3A_3000, %get3A_3001] : memref<3x256x128xf32, #tpu.memory_space<vmem>> -> memref<1x256x128xf32, #tpu.memory_space<vmem>>
      %get3A_3003 = tpu.memref_squeeze %get3A_3002 : memref<1x256x128xf32, #tpu.memory_space<vmem>> -> memref<256x128xf32, #tpu.memory_space<vmem>>
      %get3A_3004 = arith.index_cast %add3A_2972 : i32 to index
      %get3A_3005 = arith.constant 48 : index
      %get3A_3006 = tpu.vector_load %get3A_3003[%get3A_3004, %get3A_3005] {strides = array<i32>} : memref<256x128xf32, #tpu.memory_space<vmem>>, vector<16xf32>,
      %exp3A_3007 = math.exp %get3A_3006 : vector<16xf32>
      %add3A_3008 = arith.addf %add3A_2932, %exp3A_3007 : vector<16xf32>
      %get3A_3009 = arith.constant 0 : i32
      %get3A_3010 = arith.constant 0 : i32
      %get3A_3011 = tpu.memref_slice %arg5[%scan3A_1043, %get3A_3009, %get3A_3010] : memref<3x256x128xf32, #tpu.memory_space<vmem>> -> memref<1x256x128xf32, #tpu.memory_space<vmem>>
      %get3A_3012 = tpu.memref_squeeze %get3A_3011 : memref<1x256x128xf32, #tpu.memory_space<vmem>> -> memref<256x128xf32, #tpu.memory_space<vmem>>
      %get3A_3013 = arith.index_cast %add3A_2972 : i32 to index
      %get3A_3014 = arith.constant 64 : index
      %get3A_3015 = tpu.vector_load %get3A_3012[%get3A_3013, %get3A_3014] {strides = array<i32>} : memref<256x128xf32, #tpu.memory_space<vmem>>, vector<16xf32>,
      %exp3A_3016 = math.exp %get3A_3015 : vector<16xf32>
      %add3A_3017 = arith.addf %add3A_2941, %exp3A_3016 : vector<16xf32>
      %get3A_3018 = arith.constant 0 : i32
      %get3A_3019 = arith.constant 0 : i32
      %get3A_3020 = tpu.memref_slice %arg5[%scan3A_1043, %get3A_3018, %get3A_3019] : memref<3x256x128xf32, #tpu.memory_space<vmem>> -> memref<1x256x128xf32, #tpu.memory_space<vmem>>
      %get3A_3021 = tpu.memref_squeeze %get3A_3020 : memref<1x256x128xf32, #tpu.memory_space<vmem>> -> memref<256x128xf32, #tpu.memory_space<vmem>>
      %get3A_3022 = arith.index_cast %add3A_2972 : i32 to index
      %get3A_3023 = arith.constant 80 : index
      %get3A_3024 = tpu.vector_load %get3A_3021[%get3A_3022, %get3A_3023] {strides = array<i32>} : memref<256x128xf32, #tpu.memory_space<vmem>>, vector<16xf32>,
      %exp3A_3025 = math.exp %get3A_3024 : vector<16xf32>
      %add3A_3026 = arith.addf %add3A_2950, %exp3A_3025 : vector<16xf32>
      %get3A_3027 = arith.constant 0 : i32
      %get3A_3028 = arith.constant 0 : i32
      %get3A_3029 = tpu.memref_slice %arg5[%scan3A_1043, %get3A_3027, %get3A_3028] : memref<3x256x128xf32, #tpu.memory_space<vmem>> -> memref<1x256x128xf32, #tpu.memory_space<vmem>>
      %get3A_3030 = tpu.memref_squeeze %get3A_3029 : memref<1x256x128xf32, #tpu.memory_space<vmem>> -> memref<256x128xf32, #tpu.memory_space<vmem>>
      %get3A_3031 = arith.index_cast %add3A_2972 : i32 to index
      %get3A_3032 = arith.constant 96 : index
      %get3A_3033 = tpu.vector_load %get3A_3030[%get3A_3031, %get3A_3032] {strides = array<i32>} : memref<256x128xf32, #tpu.memory_space<vmem>>, vector<16xf32>,
      %exp3A_3034 = math.exp %get3A_3033 : vector<16xf32>
      %add3A_3035 = arith.addf %add3A_2959, %exp3A_3034 : vector<16xf32>
      %get3A_3036 = arith.constant 0 : i32
      %get3A_3037 = arith.constant 0 : i32
      %get3A_3038 = tpu.memref_slice %arg5[%scan3A_1043, %get3A_3036, %get3A_3037] : memref<3x256x128xf32, #tpu.memory_space<vmem>> -> memref<1x256x128xf32, #tpu.memory_space<vmem>>
      %get3A_3039 = tpu.memref_squeeze %get3A_3038 : memref<1x256x128xf32, #tpu.memory_space<vmem>> -> memref<256x128xf32, #tpu.memory_space<vmem>>
      %get3A_3040 = arith.index_cast %add3A_2972 : i32 to index
      %get3A_3041 = arith.constant 112 : index
      %get3A_3042 = tpu.vector_load %get3A_3039[%get3A_3040, %get3A_3041] {strides = array<i32>} : memref<256x128xf32, #tpu.memory_space<vmem>>, vector<16xf32>,
      %exp3A_3043 = math.exp %get3A_3042 : vector<16xf32>
      %add3A_3044 = arith.addf %add3A_2968, %exp3A_3043 : vector<16xf32>
      %mul3A_3045 = arith.constant 4 : i32
      %mul3A_3046 = arith.muli %scan3A_2809, %mul3A_3045 : i32
      %add3A_3047 = arith.constant 3 : i32
      %add3A_3048 = arith.addi %mul3A_3046, %add3A_3047 : i32
      %get3A_3049 = arith.constant 0 : i32
      %get3A_3050 = arith.constant 0 : i32
      %get3A_3051 = tpu.memref_slice %arg5[%scan3A_1043, %get3A_3049, %get3A_3050] : memref<3x256x128xf32, #tpu.memory_space<vmem>> -> memref<1x256x128xf32, #tpu.memory_space<vmem>>
      %get3A_3052 = tpu.memref_squeeze %get3A_3051 : memref<1x256x128xf32, #tpu.memory_space<vmem>> -> memref<256x128xf32, #tpu.memory_space<vmem>>
      %get3A_3053 = arith.index_cast %add3A_3048 : i32 to index
      %get3A_3054 = arith.constant 0 : index
      %get3A_3055 = tpu.vector_load %get3A_3052[%get3A_3053, %get3A_3054] {strides = array<i32>} : memref<256x128xf32, #tpu.memory_space<vmem>>, vector<16xf32>,
      %exp3A_3056 = math.exp %get3A_3055 : vector<16xf32>
      %add3A_3057 = arith.addf %add3A_2981, %exp3A_3056 : vector<16xf32>
      %get3A_3058 = arith.constant 0 : i32
      %get3A_3059 = arith.constant 0 : i32
      %get3A_3060 = tpu.memref_slice %arg5[%scan3A_1043, %get3A_3058, %get3A_3059] : memref<3x256x128xf32, #tpu.memory_space<vmem>> -> memref<1x256x128xf32, #tpu.memory_space<vmem>>
      %get3A_3061 = tpu.memref_squeeze %get3A_3060 : memref<1x256x128xf32, #tpu.memory_space<vmem>> -> memref<256x128xf32, #tpu.memory_space<vmem>>
      %get3A_3062 = arith.index_cast %add3A_3048 : i32 to index
      %get3A_3063 = arith.constant 16 : index
      %get3A_3064 = tpu.vector_load %get3A_3061[%get3A_3062, %get3A_3063] {strides = array<i32>} : memref<256x128xf32, #tpu.memory_space<vmem>>, vector<16xf32>,
      %exp3A_3065 = math.exp %get3A_3064 : vector<16xf32>
      %add3A_3066 = arith.addf %add3A_2990, %exp3A_3065 : vector<16xf32>
      %get3A_3067 = arith.constant 0 : i32
      %get3A_3068 = arith.constant 0 : i32
      %get3A_3069 = tpu.memref_slice %arg5[%scan3A_1043, %get3A_3067, %get3A_3068] : memref<3x256x128xf32, #tpu.memory_space<vmem>> -> memref<1x256x128xf32, #tpu.memory_space<vmem>>
      %get3A_3070 = tpu.memref_squeeze %get3A_3069 : memref<1x256x128xf32, #tpu.memory_space<vmem>> -> memref<256x128xf32, #tpu.memory_space<vmem>>
      %get3A_3071 = arith.index_cast %add3A_3048 : i32 to index
      %get3A_3072 = arith.constant 32 : index
      %get3A_3073 = tpu.vector_load %get3A_3070[%get3A_3071, %get3A_3072] {strides = array<i32>} : memref<256x128xf32, #tpu.memory_space<vmem>>, vector<16xf32>,
      %exp3A_3074 = math.exp %get3A_3073 : vector<16xf32>
      %add3A_3075 = arith.addf %add3A_2999, %exp3A_3074 : vector<16xf32>
      %get3A_3076 = arith.constant 0 : i32
      %get3A_3077 = arith.constant 0 : i32
      %get3A_3078 = tpu.memref_slice %arg5[%scan3A_1043, %get3A_3076, %get3A_3077] : memref<3x256x128xf32, #tpu.memory_space<vmem>> -> memref<1x256x128xf32, #tpu.memory_space<vmem>>
      %get3A_3079 = tpu.memref_squeeze %get3A_3078 : memref<1x256x128xf32, #tpu.memory_space<vmem>> -> memref<256x128xf32, #tpu.memory_space<vmem>>
      %get3A_3080 = arith.index_cast %add3A_3048 : i32 to index
      %get3A_3081 = arith.constant 48 : index
      %get3A_3082 = tpu.vector_load %get3A_3079[%get3A_3080, %get3A_3081] {strides = array<i32>} : memref<256x128xf32, #tpu.memory_space<vmem>>, vector<16xf32>,
      %exp3A_3083 = math.exp %get3A_3082 : vector<16xf32>
      %add3A_3084 = arith.addf %add3A_3008, %exp3A_3083 : vector<16xf32>
      %get3A_3085 = arith.constant 0 : i32
      %get3A_3086 = arith.constant 0 : i32
      %get3A_3087 = tpu.memref_slice %arg5[%scan3A_1043, %get3A_3085, %get3A_3086] : memref<3x256x128xf32, #tpu.memory_space<vmem>> -> memref<1x256x128xf32, #tpu.memory_space<vmem>>
      %get3A_3088 = tpu.memref_squeeze %get3A_3087 : memref<1x256x128xf32, #tpu.memory_space<vmem>> -> memref<256x128xf32, #tpu.memory_space<vmem>>
      %get3A_3089 = arith.index_cast %add3A_3048 : i32 to index
      %get3A_3090 = arith.constant 64 : index
      %get3A_3091 = tpu.vector_load %get3A_3088[%get3A_3089, %get3A_3090] {strides = array<i32>} : memref<256x128xf32, #tpu.memory_space<vmem>>, vector<16xf32>,
      %exp3A_3092 = math.exp %get3A_3091 : vector<16xf32>
      %add3A_3093 = arith.addf %add3A_3017, %exp3A_3092 : vector<16xf32>
      %get3A_3094 = arith.constant 0 : i32
      %get3A_3095 = arith.constant 0 : i32
      %get3A_3096 = tpu.memref_slice %arg5[%scan3A_1043, %get3A_3094, %get3A_3095] : memref<3x256x128xf32, #tpu.memory_space<vmem>> -> memref<1x256x128xf32, #tpu.memory_space<vmem>>
      %get3A_3097 = tpu.memref_squeeze %get3A_3096 : memref<1x256x128xf32, #tpu.memory_space<vmem>> -> memref<256x128xf32, #tpu.memory_space<vmem>>
      %get3A_3098 = arith.index_cast %add3A_3048 : i32 to index
      %get3A_3099 = arith.constant 80 : index
      %get3A_3100 = tpu.vector_load %get3A_3097[%get3A_3098, %get3A_3099] {strides = array<i32>} : memref<256x128xf32, #tpu.memory_space<vmem>>, vector<16xf32>,
      %exp3A_3101 = math.exp %get3A_3100 : vector<16xf32>
      %add3A_3102 = arith.addf %add3A_3026, %exp3A_3101 : vector<16xf32>
      %get3A_3103 = arith.constant 0 : i32
      %get3A_3104 = arith.constant 0 : i32
      %get3A_3105 = tpu.memref_slice %arg5[%scan3A_1043, %get3A_3103, %get3A_3104] : memref<3x256x128xf32, #tpu.memory_space<vmem>> -> memref<1x256x128xf32, #tpu.memory_space<vmem>>
      %get3A_3106 = tpu.memref_squeeze %get3A_3105 : memref<1x256x128xf32, #tpu.memory_space<vmem>> -> memref<256x128xf32, #tpu.memory_space<vmem>>
      %get3A_3107 = arith.index_cast %add3A_3048 : i32 to index
      %get3A_3108 = arith.constant 96 : index
      %get3A_3109 = tpu.vector_load %get3A_3106[%get3A_3107, %get3A_3108] {strides = array<i32>} : memref<256x128xf32, #tpu.memory_space<vmem>>, vector<16xf32>,
      %exp3A_3110 = math.exp %get3A_3109 : vector<16xf32>
      %add3A_3111 = arith.addf %add3A_3035, %exp3A_3110 : vector<16xf32>
      %get3A_3112 = arith.constant 0 : i32
      %get3A_3113 = arith.constant 0 : i32
      %get3A_3114 = tpu.memref_slice %arg5[%scan3A_1043, %get3A_3112, %get3A_3113] : memref<3x256x128xf32, #tpu.memory_space<vmem>> -> memref<1x256x128xf32, #tpu.memory_space<vmem>>
      %get3A_3115 = tpu.memref_squeeze %get3A_3114 : memref<1x256x128xf32, #tpu.memory_space<vmem>> -> memref<256x128xf32, #tpu.memory_space<vmem>>
      %get3A_3116 = arith.index_cast %add3A_3048 : i32 to index
      %get3A_3117 = arith.constant 112 : index
      %get3A_3118 = tpu.vector_load %get3A_3115[%get3A_3116, %get3A_3117] {strides = array<i32>} : memref<256x128xf32, #tpu.memory_space<vmem>>, vector<16xf32>,
      %exp3A_3119 = math.exp %get3A_3118 : vector<16xf32>
      %add3A_3120 = arith.addf %add3A_3044, %exp3A_3119 : vector<16xf32>
      scf.yield %add3A_3057, %add3A_3066, %add3A_3075, %add3A_3084, %add3A_3093, %add3A_3102, %add3A_3111, %add3A_3120 : vector<16xf32>, vector<16xf32>, vector<16xf32>, vector<16xf32>, vector<16xf32>, vector<16xf32>, vector<16xf32>, vector<16xf32>
    }
    %scan3A_1049 = arith.constant 64 : i32
    %get3A_1050 = arith.constant 1 : i32
    %get3A_1051 = arith.index_cast %get3A_1050 : i32 to index
    %get3A_1052 = arith.constant 0 : index
    %get3A_1053 = tpu.vector_load %arg6[%get3A_1051, %get3A_1052] {strides = array<i32>} : memref<4x128xi32, #tpu.memory_space<vmem>>, vector<16xi32>,
    %add3A_1054 = arith.constant 0 : i32
    %add3A_1055 = vector.broadcast %add3A_1054 : i32 to vector<16xi32>
    %add3A_1056 = arith.addi %iota3A, %add3A_1055 : vector<16xi32>
    %gather3A_1057 = arith.constant 1 : i32
    %gather3A_1058 = arith.constant 0 : i32
    %gather3A_1059 = arith.constant 0 : i32
    %gather3A_1060 = tpu.memref_slice %arg5[%gather3A_1057, %gather3A_1058, %gather3A_1059] : memref<3x256x128xf32, #tpu.memory_space<vmem>> -> memref<1x256x128xf32, #tpu.memory_space<vmem>>
    %gather3A_1061 = tpu.memref_squeeze %gather3A_1060 : memref<1x256x128xf32, #tpu.memory_space<vmem>> -> memref<256x128xf32, #tpu.memory_space<vmem>>
    %gather3A_1062 = tpu.vector_load_idx %gather3A_1061[%get3A_1053, %add3A_1056] : memref<256x128xf32, #tpu.memory_space<vmem>>[vector<16xi32>, vector<16xi32>], vector<16xf32>,
    %bitcast_convert_type3A_1063 = tpu.bitcast %scan3A_1048#0 : vector<16xf32> -> vector<16xi32>
    %shift_right_arithmetic3A_1064 = arith.constant 23 : i32
    %shift_right_arithmetic3A_1065 = vector.broadcast %shift_right_arithmetic3A_1064 : i32 to vector<16xi32>
    %shift_right_arithmetic3A_1066 = arith.shrsi %bitcast_convert_type3A_1063, %shift_right_arithmetic3A_1065 : vector<16xi32>
    %and3A_1067 = arith.constant 255 : i32
    %and3A_1068 = vector.broadcast %and3A_1067 : i32 to vector<16xi32>
    %and3A_1069 = arith.andi %shift_right_arithmetic3A_1066, %and3A_1068 : vector<16xi32>
    %sub3A_1070 = arith.constant 127 : i32
    %sub3A_1071 = vector.broadcast %sub3A_1070 : i32 to vector<16xi32>
    %sub3A_1072 = arith.subi %and3A_1069, %sub3A_1071 : vector<16xi32>
    %and3A_1073 = arith.constant 8388607 : i32
    %and3A_1074 = vector.broadcast %and3A_1073 : i32 to vector<16xi32>
    %and3A_1075 = arith.andi %bitcast_convert_type3A_1063, %and3A_1074 : vector<16xi32>
    %or3A_1076 = arith.constant 1065353216 : i32
    %or3A_1077 = vector.broadcast %or3A_1076 : i32 to vector<16xi32>
    %or3A_1078 = arith.ori %and3A_1075, %or3A_1077 : vector<16xi32>
    %bitcast_convert_type3A_1079 = tpu.bitcast %or3A_1078 : vector<16xi32> -> vector<16xf32>
    %sub3A_1080 = arith.constant 1.000000e+00 : f32
    %sub3A_1081 = vector.broadcast %sub3A_1080 : f32 to vector<16xf32>
    %sub3A_1082 = arith.subf %bitcast_convert_type3A_1079, %sub3A_1081 : vector<16xf32>
    %broadcast_in_dim3A_1083 = arith.constant 0.0147788934 : f32
    %broadcast_in_dim3A_1084 = vector.broadcast %broadcast_in_dim3A_1083 : f32 to vector<16xf32>
    %mul3A_1085 = arith.mulf %broadcast_in_dim3A_1084, %sub3A_1082 : vector<16xf32>
    %add3A_1086 = arith.constant -0.0768496171 : f32
    %add3A_1087 = vector.broadcast %add3A_1086 : f32 to vector<16xf32>
    %add3A_1088 = arith.addf %mul3A_1085, %add3A_1087 : vector<16xf32>
    %mul3A_1089 = arith.mulf %add3A_1088, %sub3A_1082 : vector<16xf32>
    %add3A_1090 = arith.constant 0.19042252 : f32
    %add3A_1091 = vector.broadcast %add3A_1090 : f32 to vector<16xf32>
    %add3A_1092 = arith.addf %mul3A_1089, %add3A_1091 : vector<16xf32>
    %mul3A_1093 = arith.mulf %add3A_1092, %sub3A_1082 : vector<16xf32>
    %add3A_1094 = arith.constant -0.323117495 : f32
    %add3A_1095 = vector.broadcast %add3A_1094 : f32 to vector<16xf32>
    %add3A_1096 = arith.addf %mul3A_1093, %add3A_1095 : vector<16xf32>
    %mul3A_1097 = arith.mulf %add3A_1096, %sub3A_1082 : vector<16xf32>
    %add3A_1098 = arith.constant 0.472500294 : f32
    %add3A_1099 = vector.broadcast %add3A_1098 : f32 to vector<16xf32>
    %add3A_1100 = arith.addf %mul3A_1097, %add3A_1099 : vector<16xf32>
    %mul3A_1101 = arith.mulf %add3A_1100, %sub3A_1082 : vector<16xf32>
    %add3A_1102 = arith.constant -0.720386803 : f32
    %add3A_1103 = vector.broadcast %add3A_1102 : f32 to vector<16xf32>
    %add3A_1104 = arith.addf %mul3A_1101, %add3A_1103 : vector<16xf32>
    %mul3A_1105 = arith.mulf %add3A_1104, %sub3A_1082 : vector<16xf32>
    %add3A_1106 = arith.constant 1.44265211 : f32
    %add3A_1107 = vector.broadcast %add3A_1106 : f32 to vector<16xf32>
    %add3A_1108 = arith.addf %mul3A_1105, %add3A_1107 : vector<16xf32>
    %mul3A_1109 = arith.mulf %add3A_1108, %sub3A_1082 : vector<16xf32>
    %add3A_1110 = arith.constant 3.19128787E-7 : f32
    %add3A_1111 = vector.broadcast %add3A_1110 : f32 to vector<16xf32>
    %add3A_1112 = arith.addf %mul3A_1109, %add3A_1111 : vector<16xf32>
    %convert_element_type3A_1113 = arith.sitofp %sub3A_1072 : vector<16xi32> to vector<16xf32>
    %add3A_1114 = arith.addf %convert_element_type3A_1113, %add3A_1112 : vector<16xf32>
    %mul3A_1115 = arith.constant 0.693147182 : f32
    %mul3A_1116 = vector.broadcast %mul3A_1115 : f32 to vector<16xf32>
    %mul3A_1117 = arith.mulf %mul3A_1116, %add3A_1114 : vector<16xf32>
    %sub3A_1118 = arith.subf %mul3A_1117, %gather3A_1062 : vector<16xf32>
    %add3A_1119 = arith.addf %add3A_950, %sub3A_1118 : vector<16xf32>
    %get3A_1120 = arith.constant 1 : i32
    %get3A_1121 = arith.index_cast %get3A_1120 : i32 to index
    %get3A_1122 = arith.constant 16 : index
    %get3A_1123 = tpu.vector_load %arg6[%get3A_1121, %get3A_1122] {strides = array<i32>} : memref<4x128xi32, #tpu.memory_space<vmem>>, vector<16xi32>,
    %add3A_1124 = arith.constant 16 : i32
    %add3A_1125 = vector.broadcast %add3A_1124 : i32 to vector<16xi32>
    %add3A_1126 = arith.addi %iota3A, %add3A_1125 : vector<16xi32>
    %gather3A_1127 = arith.constant 1 : i32
    %gather3A_1128 = arith.constant 0 : i32
    %gather3A_1129 = arith.constant 0 : i32
    %gather3A_1130 = tpu.memref_slice %arg5[%gather3A_1127, %gather3A_1128, %gather3A_1129] : memref<3x256x128xf32, #tpu.memory_space<vmem>> -> memref<1x256x128xf32, #tpu.memory_space<vmem>>
    %gather3A_1131 = tpu.memref_squeeze %gather3A_1130 : memref<1x256x128xf32, #tpu.memory_space<vmem>> -> memref<256x128xf32, #tpu.memory_space<vmem>>
    %gather3A_1132 = tpu.vector_load_idx %gather3A_1131[%get3A_1123, %add3A_1126] : memref<256x128xf32, #tpu.memory_space<vmem>>[vector<16xi32>, vector<16xi32>], vector<16xf32>,
    %bitcast_convert_type3A_1133 = tpu.bitcast %scan3A_1048#1 : vector<16xf32> -> vector<16xi32>
    %shift_right_arithmetic3A_1134 = arith.constant 23 : i32
    %shift_right_arithmetic3A_1135 = vector.broadcast %shift_right_arithmetic3A_1134 : i32 to vector<16xi32>
    %shift_right_arithmetic3A_1136 = arith.shrsi %bitcast_convert_type3A_1133, %shift_right_arithmetic3A_1135 : vector<16xi32>
    %and3A_1137 = arith.constant 255 : i32
    %and3A_1138 = vector.broadcast %and3A_1137 : i32 to vector<16xi32>
    %and3A_1139 = arith.andi %shift_right_arithmetic3A_1136, %and3A_1138 : vector<16xi32>
    %sub3A_1140 = arith.constant 127 : i32
    %sub3A_1141 = vector.broadcast %sub3A_1140 : i32 to vector<16xi32>
    %sub3A_1142 = arith.subi %and3A_1139, %sub3A_1141 : vector<16xi32>
    %and3A_1143 = arith.constant 8388607 : i32
    %and3A_1144 = vector.broadcast %and3A_1143 : i32 to vector<16xi32>
    %and3A_1145 = arith.andi %bitcast_convert_type3A_1133, %and3A_1144 : vector<16xi32>
    %or3A_1146 = arith.constant 1065353216 : i32
    %or3A_1147 = vector.broadcast %or3A_1146 : i32 to vector<16xi32>
    %or3A_1148 = arith.ori %and3A_1145, %or3A_1147 : vector<16xi32>
    %bitcast_convert_type3A_1149 = tpu.bitcast %or3A_1148 : vector<16xi32> -> vector<16xf32>
    %sub3A_1150 = arith.constant 1.000000e+00 : f32
    %sub3A_1151 = vector.broadcast %sub3A_1150 : f32 to vector<16xf32>
    %sub3A_1152 = arith.subf %bitcast_convert_type3A_1149, %sub3A_1151 : vector<16xf32>
    %broadcast_in_dim3A_1153 = arith.constant 0.0147788934 : f32
    %broadcast_in_dim3A_1154 = vector.broadcast %broadcast_in_dim3A_1153 : f32 to vector<16xf32>
    %mul3A_1155 = arith.mulf %broadcast_in_dim3A_1154, %sub3A_1152 : vector<16xf32>
    %add3A_1156 = arith.constant -0.0768496171 : f32
    %add3A_1157 = vector.broadcast %add3A_1156 : f32 to vector<16xf32>
    %add3A_1158 = arith.addf %mul3A_1155, %add3A_1157 : vector<16xf32>
    %mul3A_1159 = arith.mulf %add3A_1158, %sub3A_1152 : vector<16xf32>
    %add3A_1160 = arith.constant 0.19042252 : f32
    %add3A_1161 = vector.broadcast %add3A_1160 : f32 to vector<16xf32>
    %add3A_1162 = arith.addf %mul3A_1159, %add3A_1161 : vector<16xf32>
    %mul3A_1163 = arith.mulf %add3A_1162, %sub3A_1152 : vector<16xf32>
    %add3A_1164 = arith.constant -0.323117495 : f32
    %add3A_1165 = vector.broadcast %add3A_1164 : f32 to vector<16xf32>
    %add3A_1166 = arith.addf %mul3A_1163, %add3A_1165 : vector<16xf32>
    %mul3A_1167 = arith.mulf %add3A_1166, %sub3A_1152 : vector<16xf32>
    %add3A_1168 = arith.constant 0.472500294 : f32
    %add3A_1169 = vector.broadcast %add3A_1168 : f32 to vector<16xf32>
    %add3A_1170 = arith.addf %mul3A_1167, %add3A_1169 : vector<16xf32>
    %mul3A_1171 = arith.mulf %add3A_1170, %sub3A_1152 : vector<16xf32>
    %add3A_1172 = arith.constant -0.720386803 : f32
    %add3A_1173 = vector.broadcast %add3A_1172 : f32 to vector<16xf32>
    %add3A_1174 = arith.addf %mul3A_1171, %add3A_1173 : vector<16xf32>
    %mul3A_1175 = arith.mulf %add3A_1174, %sub3A_1152 : vector<16xf32>
    %add3A_1176 = arith.constant 1.44265211 : f32
    %add3A_1177 = vector.broadcast %add3A_1176 : f32 to vector<16xf32>
    %add3A_1178 = arith.addf %mul3A_1175, %add3A_1177 : vector<16xf32>
    %mul3A_1179 = arith.mulf %add3A_1178, %sub3A_1152 : vector<16xf32>
    %add3A_1180 = arith.constant 3.19128787E-7 : f32
    %add3A_1181 = vector.broadcast %add3A_1180 : f32 to vector<16xf32>
    %add3A_1182 = arith.addf %mul3A_1179, %add3A_1181 : vector<16xf32>
    %convert_element_type3A_1183 = arith.sitofp %sub3A_1142 : vector<16xi32> to vector<16xf32>
    %add3A_1184 = arith.addf %convert_element_type3A_1183, %add3A_1182 : vector<16xf32>
    %mul3A_1185 = arith.constant 0.693147182 : f32
    %mul3A_1186 = vector.broadcast %mul3A_1185 : f32 to vector<16xf32>
    %mul3A_1187 = arith.mulf %mul3A_1186, %add3A_1184 : vector<16xf32>
    %sub3A_1188 = arith.subf %mul3A_1187, %gather3A_1132 : vector<16xf32>
    %add3A_1189 = arith.addf %add3A_1119, %sub3A_1188 : vector<16xf32>
    %get3A_1190 = arith.constant 1 : i32
    %get3A_1191 = arith.index_cast %get3A_1190 : i32 to index
    %get3A_1192 = arith.constant 32 : index
    %get3A_1193 = tpu.vector_load %arg6[%get3A_1191, %get3A_1192] {strides = array<i32>} : memref<4x128xi32, #tpu.memory_space<vmem>>, vector<16xi32>,
    %add3A_1194 = arith.constant 32 : i32
    %add3A_1195 = vector.broadcast %add3A_1194 : i32 to vector<16xi32>
    %add3A_1196 = arith.addi %iota3A, %add3A_1195 : vector<16xi32>
    %gather3A_1197 = arith.constant 1 : i32
    %gather3A_1198 = arith.constant 0 : i32
    %gather3A_1199 = arith.constant 0 : i32
    %gather3A_1200 = tpu.memref_slice %arg5[%gather3A_1197, %gather3A_1198, %gather3A_1199] : memref<3x256x128xf32, #tpu.memory_space<vmem>> -> memref<1x256x128xf32, #tpu.memory_space<vmem>>
    %gather3A_1201 = tpu.memref_squeeze %gather3A_1200 : memref<1x256x128xf32, #tpu.memory_space<vmem>> -> memref<256x128xf32, #tpu.memory_space<vmem>>
    %gather3A_1202 = tpu.vector_load_idx %gather3A_1201[%get3A_1193, %add3A_1196] : memref<256x128xf32, #tpu.memory_space<vmem>>[vector<16xi32>, vector<16xi32>], vector<16xf32>,
    %bitcast_convert_type3A_1203 = tpu.bitcast %scan3A_1048#2 : vector<16xf32> -> vector<16xi32>
    %shift_right_arithmetic3A_1204 = arith.constant 23 : i32
    %shift_right_arithmetic3A_1205 = vector.broadcast %shift_right_arithmetic3A_1204 : i32 to vector<16xi32>
    %shift_right_arithmetic3A_1206 = arith.shrsi %bitcast_convert_type3A_1203, %shift_right_arithmetic3A_1205 : vector<16xi32>
    %and3A_1207 = arith.constant 255 : i32
    %and3A_1208 = vector.broadcast %and3A_1207 : i32 to vector<16xi32>
    %and3A_1209 = arith.andi %shift_right_arithmetic3A_1206, %and3A_1208 : vector<16xi32>
    %sub3A_1210 = arith.constant 127 : i32
    %sub3A_1211 = vector.broadcast %sub3A_1210 : i32 to vector<16xi32>
    %sub3A_1212 = arith.subi %and3A_1209, %sub3A_1211 : vector<16xi32>
    %and3A_1213 = arith.constant 8388607 : i32
    %and3A_1214 = vector.broadcast %and3A_1213 : i32 to vector<16xi32>
    %and3A_1215 = arith.andi %bitcast_convert_type3A_1203, %and3A_1214 : vector<16xi32>
    %or3A_1216 = arith.constant 1065353216 : i32
    %or3A_1217 = vector.broadcast %or3A_1216 : i32 to vector<16xi32>
    %or3A_1218 = arith.ori %and3A_1215, %or3A_1217 : vector<16xi32>
    %bitcast_convert_type3A_1219 = tpu.bitcast %or3A_1218 : vector<16xi32> -> vector<16xf32>
    %sub3A_1220 = arith.constant 1.000000e+00 : f32
    %sub3A_1221 = vector.broadcast %sub3A_1220 : f32 to vector<16xf32>
    %sub3A_1222 = arith.subf %bitcast_convert_type3A_1219, %sub3A_1221 : vector<16xf32>
    %broadcast_in_dim3A_1223 = arith.constant 0.0147788934 : f32
    %broadcast_in_dim3A_1224 = vector.broadcast %broadcast_in_dim3A_1223 : f32 to vector<16xf32>
    %mul3A_1225 = arith.mulf %broadcast_in_dim3A_1224, %sub3A_1222 : vector<16xf32>
    %add3A_1226 = arith.constant -0.0768496171 : f32
    %add3A_1227 = vector.broadcast %add3A_1226 : f32 to vector<16xf32>
    %add3A_1228 = arith.addf %mul3A_1225, %add3A_1227 : vector<16xf32>
    %mul3A_1229 = arith.mulf %add3A_1228, %sub3A_1222 : vector<16xf32>
    %add3A_1230 = arith.constant 0.19042252 : f32
    %add3A_1231 = vector.broadcast %add3A_1230 : f32 to vector<16xf32>
    %add3A_1232 = arith.addf %mul3A_1229, %add3A_1231 : vector<16xf32>
    %mul3A_1233 = arith.mulf %add3A_1232, %sub3A_1222 : vector<16xf32>
    %add3A_1234 = arith.constant -0.323117495 : f32
    %add3A_1235 = vector.broadcast %add3A_1234 : f32 to vector<16xf32>
    %add3A_1236 = arith.addf %mul3A_1233, %add3A_1235 : vector<16xf32>
    %mul3A_1237 = arith.mulf %add3A_1236, %sub3A_1222 : vector<16xf32>
    %add3A_1238 = arith.constant 0.472500294 : f32
    %add3A_1239 = vector.broadcast %add3A_1238 : f32 to vector<16xf32>
    %add3A_1240 = arith.addf %mul3A_1237, %add3A_1239 : vector<16xf32>
    %mul3A_1241 = arith.mulf %add3A_1240, %sub3A_1222 : vector<16xf32>
    %add3A_1242 = arith.constant -0.720386803 : f32
    %add3A_1243 = vector.broadcast %add3A_1242 : f32 to vector<16xf32>
    %add3A_1244 = arith.addf %mul3A_1241, %add3A_1243 : vector<16xf32>
    %mul3A_1245 = arith.mulf %add3A_1244, %sub3A_1222 : vector<16xf32>
    %add3A_1246 = arith.constant 1.44265211 : f32
    %add3A_1247 = vector.broadcast %add3A_1246 : f32 to vector<16xf32>
    %add3A_1248 = arith.addf %mul3A_1245, %add3A_1247 : vector<16xf32>
    %mul3A_1249 = arith.mulf %add3A_1248, %sub3A_1222 : vector<16xf32>
    %add3A_1250 = arith.constant 3.19128787E-7 : f32
    %add3A_1251 = vector.broadcast %add3A_1250 : f32 to vector<16xf32>
    %add3A_1252 = arith.addf %mul3A_1249, %add3A_1251 : vector<16xf32>
    %convert_element_type3A_1253 = arith.sitofp %sub3A_1212 : vector<16xi32> to vector<16xf32>
    %add3A_1254 = arith.addf %convert_element_type3A_1253, %add3A_1252 : vector<16xf32>
    %mul3A_1255 = arith.constant 0.693147182 : f32
    %mul3A_1256 = vector.broadcast %mul3A_1255 : f32 to vector<16xf32>
    %mul3A_1257 = arith.mulf %mul3A_1256, %add3A_1254 : vector<16xf32>
    %sub3A_1258 = arith.subf %mul3A_1257, %gather3A_1202 : vector<16xf32>
    %add3A_1259 = arith.addf %add3A_1189, %sub3A_1258 : vector<16xf32>
    %get3A_1260 = arith.constant 1 : i32
    %get3A_1261 = arith.index_cast %get3A_1260 : i32 to index
    %get3A_1262 = arith.constant 48 : index
    %get3A_1263 = tpu.vector_load %arg6[%get3A_1261, %get3A_1262] {strides = array<i32>} : memref<4x128xi32, #tpu.memory_space<vmem>>, vector<16xi32>,
    %add3A_1264 = arith.constant 48 : i32
    %add3A_1265 = vector.broadcast %add3A_1264 : i32 to vector<16xi32>
    %add3A_1266 = arith.addi %iota3A, %add3A_1265 : vector<16xi32>
    %gather3A_1267 = arith.constant 1 : i32
    %gather3A_1268 = arith.constant 0 : i32
    %gather3A_1269 = arith.constant 0 : i32
    %gather3A_1270 = tpu.memref_slice %arg5[%gather3A_1267, %gather3A_1268, %gather3A_1269] : memref<3x256x128xf32, #tpu.memory_space<vmem>> -> memref<1x256x128xf32, #tpu.memory_space<vmem>>
    %gather3A_1271 = tpu.memref_squeeze %gather3A_1270 : memref<1x256x128xf32, #tpu.memory_space<vmem>> -> memref<256x128xf32, #tpu.memory_space<vmem>>
    %gather3A_1272 = tpu.vector_load_idx %gather3A_1271[%get3A_1263, %add3A_1266] : memref<256x128xf32, #tpu.memory_space<vmem>>[vector<16xi32>, vector<16xi32>], vector<16xf32>,
    %bitcast_convert_type3A_1273 = tpu.bitcast %scan3A_1048#3 : vector<16xf32> -> vector<16xi32>
    %shift_right_arithmetic3A_1274 = arith.constant 23 : i32
    %shift_right_arithmetic3A_1275 = vector.broadcast %shift_right_arithmetic3A_1274 : i32 to vector<16xi32>
    %shift_right_arithmetic3A_1276 = arith.shrsi %bitcast_convert_type3A_1273, %shift_right_arithmetic3A_1275 : vector<16xi32>
    %and3A_1277 = arith.constant 255 : i32
    %and3A_1278 = vector.broadcast %and3A_1277 : i32 to vector<16xi32>
    %and3A_1279 = arith.andi %shift_right_arithmetic3A_1276, %and3A_1278 : vector<16xi32>
    %sub3A_1280 = arith.constant 127 : i32
    %sub3A_1281 = vector.broadcast %sub3A_1280 : i32 to vector<16xi32>
    %sub3A_1282 = arith.subi %and3A_1279, %sub3A_1281 : vector<16xi32>
    %and3A_1283 = arith.constant 8388607 : i32
    %and3A_1284 = vector.broadcast %and3A_1283 : i32 to vector<16xi32>
    %and3A_1285 = arith.andi %bitcast_convert_type3A_1273, %and3A_1284 : vector<16xi32>
    %or3A_1286 = arith.constant 1065353216 : i32
    %or3A_1287 = vector.broadcast %or3A_1286 : i32 to vector<16xi32>
    %or3A_1288 = arith.ori %and3A_1285, %or3A_1287 : vector<16xi32>
    %bitcast_convert_type3A_1289 = tpu.bitcast %or3A_1288 : vector<16xi32> -> vector<16xf32>
    %sub3A_1290 = arith.constant 1.000000e+00 : f32
    %sub3A_1291 = vector.broadcast %sub3A_1290 : f32 to vector<16xf32>
    %sub3A_1292 = arith.subf %bitcast_convert_type3A_1289, %sub3A_1291 : vector<16xf32>
    %broadcast_in_dim3A_1293 = arith.constant 0.0147788934 : f32
    %broadcast_in_dim3A_1294 = vector.broadcast %broadcast_in_dim3A_1293 : f32 to vector<16xf32>
    %mul3A_1295 = arith.mulf %broadcast_in_dim3A_1294, %sub3A_1292 : vector<16xf32>
    %add3A_1296 = arith.constant -0.0768496171 : f32
    %add3A_1297 = vector.broadcast %add3A_1296 : f32 to vector<16xf32>
    %add3A_1298 = arith.addf %mul3A_1295, %add3A_1297 : vector<16xf32>
    %mul3A_1299 = arith.mulf %add3A_1298, %sub3A_1292 : vector<16xf32>
    %add3A_1300 = arith.constant 0.19042252 : f32
    %add3A_1301 = vector.broadcast %add3A_1300 : f32 to vector<16xf32>
    %add3A_1302 = arith.addf %mul3A_1299, %add3A_1301 : vector<16xf32>
    %mul3A_1303 = arith.mulf %add3A_1302, %sub3A_1292 : vector<16xf32>
    %add3A_1304 = arith.constant -0.323117495 : f32
    %add3A_1305 = vector.broadcast %add3A_1304 : f32 to vector<16xf32>
    %add3A_1306 = arith.addf %mul3A_1303, %add3A_1305 : vector<16xf32>
    %mul3A_1307 = arith.mulf %add3A_1306, %sub3A_1292 : vector<16xf32>
    %add3A_1308 = arith.constant 0.472500294 : f32
    %add3A_1309 = vector.broadcast %add3A_1308 : f32 to vector<16xf32>
    %add3A_1310 = arith.addf %mul3A_1307, %add3A_1309 : vector<16xf32>
    %mul3A_1311 = arith.mulf %add3A_1310, %sub3A_1292 : vector<16xf32>
    %add3A_1312 = arith.constant -0.720386803 : f32
    %add3A_1313 = vector.broadcast %add3A_1312 : f32 to vector<16xf32>
    %add3A_1314 = arith.addf %mul3A_1311, %add3A_1313 : vector<16xf32>
    %mul3A_1315 = arith.mulf %add3A_1314, %sub3A_1292 : vector<16xf32>
    %add3A_1316 = arith.constant 1.44265211 : f32
    %add3A_1317 = vector.broadcast %add3A_1316 : f32 to vector<16xf32>
    %add3A_1318 = arith.addf %mul3A_1315, %add3A_1317 : vector<16xf32>
    %mul3A_1319 = arith.mulf %add3A_1318, %sub3A_1292 : vector<16xf32>
    %add3A_1320 = arith.constant 3.19128787E-7 : f32
    %add3A_1321 = vector.broadcast %add3A_1320 : f32 to vector<16xf32>
    %add3A_1322 = arith.addf %mul3A_1319, %add3A_1321 : vector<16xf32>
    %convert_element_type3A_1323 = arith.sitofp %sub3A_1282 : vector<16xi32> to vector<16xf32>
    %add3A_1324 = arith.addf %convert_element_type3A_1323, %add3A_1322 : vector<16xf32>
    %mul3A_1325 = arith.constant 0.693147182 : f32
    %mul3A_1326 = vector.broadcast %mul3A_1325 : f32 to vector<16xf32>
    %mul3A_1327 = arith.mulf %mul3A_1326, %add3A_1324 : vector<16xf32>
    %sub3A_1328 = arith.subf %mul3A_1327, %gather3A_1272 : vector<16xf32>
    %add3A_1329 = arith.addf %add3A_1259, %sub3A_1328 : vector<16xf32>
    %get3A_1330 = arith.constant 1 : i32
    %get3A_1331 = arith.index_cast %get3A_1330 : i32 to index
    %get3A_1332 = arith.constant 64 : index
    %get3A_1333 = tpu.vector_load %arg6[%get3A_1331, %get3A_1332] {strides = array<i32>} : memref<4x128xi32, #tpu.memory_space<vmem>>, vector<16xi32>,
    %add3A_1334 = arith.constant 64 : i32
    %add3A_1335 = vector.broadcast %add3A_1334 : i32 to vector<16xi32>
    %add3A_1336 = arith.addi %iota3A, %add3A_1335 : vector<16xi32>
    %gather3A_1337 = arith.constant 1 : i32
    %gather3A_1338 = arith.constant 0 : i32
    %gather3A_1339 = arith.constant 0 : i32
    %gather3A_1340 = tpu.memref_slice %arg5[%gather3A_1337, %gather3A_1338, %gather3A_1339] : memref<3x256x128xf32, #tpu.memory_space<vmem>> -> memref<1x256x128xf32, #tpu.memory_space<vmem>>
    %gather3A_1341 = tpu.memref_squeeze %gather3A_1340 : memref<1x256x128xf32, #tpu.memory_space<vmem>> -> memref<256x128xf32, #tpu.memory_space<vmem>>
    %gather3A_1342 = tpu.vector_load_idx %gather3A_1341[%get3A_1333, %add3A_1336] : memref<256x128xf32, #tpu.memory_space<vmem>>[vector<16xi32>, vector<16xi32>], vector<16xf32>,
    %bitcast_convert_type3A_1343 = tpu.bitcast %scan3A_1048#4 : vector<16xf32> -> vector<16xi32>
    %shift_right_arithmetic3A_1344 = arith.constant 23 : i32
    %shift_right_arithmetic3A_1345 = vector.broadcast %shift_right_arithmetic3A_1344 : i32 to vector<16xi32>
    %shift_right_arithmetic3A_1346 = arith.shrsi %bitcast_convert_type3A_1343, %shift_right_arithmetic3A_1345 : vector<16xi32>
    %and3A_1347 = arith.constant 255 : i32
    %and3A_1348 = vector.broadcast %and3A_1347 : i32 to vector<16xi32>
    %and3A_1349 = arith.andi %shift_right_arithmetic3A_1346, %and3A_1348 : vector<16xi32>
    %sub3A_1350 = arith.constant 127 : i32
    %sub3A_1351 = vector.broadcast %sub3A_1350 : i32 to vector<16xi32>
    %sub3A_1352 = arith.subi %and3A_1349, %sub3A_1351 : vector<16xi32>
    %and3A_1353 = arith.constant 8388607 : i32
    %and3A_1354 = vector.broadcast %and3A_1353 : i32 to vector<16xi32>
    %and3A_1355 = arith.andi %bitcast_convert_type3A_1343, %and3A_1354 : vector<16xi32>
    %or3A_1356 = arith.constant 1065353216 : i32
    %or3A_1357 = vector.broadcast %or3A_1356 : i32 to vector<16xi32>
    %or3A_1358 = arith.ori %and3A_1355, %or3A_1357 : vector<16xi32>
    %bitcast_convert_type3A_1359 = tpu.bitcast %or3A_1358 : vector<16xi32> -> vector<16xf32>
    %sub3A_1360 = arith.constant 1.000000e+00 : f32
    %sub3A_1361 = vector.broadcast %sub3A_1360 : f32 to vector<16xf32>
    %sub3A_1362 = arith.subf %bitcast_convert_type3A_1359, %sub3A_1361 : vector<16xf32>
    %broadcast_in_dim3A_1363 = arith.constant 0.0147788934 : f32
    %broadcast_in_dim3A_1364 = vector.broadcast %broadcast_in_dim3A_1363 : f32 to vector<16xf32>
    %mul3A_1365 = arith.mulf %broadcast_in_dim3A_1364, %sub3A_1362 : vector<16xf32>
    %add3A_1366 = arith.constant -0.0768496171 : f32
    %add3A_1367 = vector.broadcast %add3A_1366 : f32 to vector<16xf32>
    %add3A_1368 = arith.addf %mul3A_1365, %add3A_1367 : vector<16xf32>
    %mul3A_1369 = arith.mulf %add3A_1368, %sub3A_1362 : vector<16xf32>
    %add3A_1370 = arith.constant 0.19042252 : f32
    %add3A_1371 = vector.broadcast %add3A_1370 : f32 to vector<16xf32>
    %add3A_1372 = arith.addf %mul3A_1369, %add3A_1371 : vector<16xf32>
    %mul3A_1373 = arith.mulf %add3A_1372, %sub3A_1362 : vector<16xf32>
    %add3A_1374 = arith.constant -0.323117495 : f32
    %add3A_1375 = vector.broadcast %add3A_1374 : f32 to vector<16xf32>
    %add3A_1376 = arith.addf %mul3A_1373, %add3A_1375 : vector<16xf32>
    %mul3A_1377 = arith.mulf %add3A_1376, %sub3A_1362 : vector<16xf32>
    %add3A_1378 = arith.constant 0.472500294 : f32
    %add3A_1379 = vector.broadcast %add3A_1378 : f32 to vector<16xf32>
    %add3A_1380 = arith.addf %mul3A_1377, %add3A_1379 : vector<16xf32>
    %mul3A_1381 = arith.mulf %add3A_1380, %sub3A_1362 : vector<16xf32>
    %add3A_1382 = arith.constant -0.720386803 : f32
    %add3A_1383 = vector.broadcast %add3A_1382 : f32 to vector<16xf32>
    %add3A_1384 = arith.addf %mul3A_1381, %add3A_1383 : vector<16xf32>
    %mul3A_1385 = arith.mulf %add3A_1384, %sub3A_1362 : vector<16xf32>
    %add3A_1386 = arith.constant 1.44265211 : f32
    %add3A_1387 = vector.broadcast %add3A_1386 : f32 to vector<16xf32>
    %add3A_1388 = arith.addf %mul3A_1385, %add3A_1387 : vector<16xf32>
    %mul3A_1389 = arith.mulf %add3A_1388, %sub3A_1362 : vector<16xf32>
    %add3A_1390 = arith.constant 3.19128787E-7 : f32
    %add3A_1391 = vector.broadcast %add3A_1390 : f32 to vector<16xf32>
    %add3A_1392 = arith.addf %mul3A_1389, %add3A_1391 : vector<16xf32>
    %convert_element_type3A_1393 = arith.sitofp %sub3A_1352 : vector<16xi32> to vector<16xf32>
    %add3A_1394 = arith.addf %convert_element_type3A_1393, %add3A_1392 : vector<16xf32>
    %mul3A_1395 = arith.constant 0.693147182 : f32
    %mul3A_1396 = vector.broadcast %mul3A_1395 : f32 to vector<16xf32>
    %mul3A_1397 = arith.mulf %mul3A_1396, %add3A_1394 : vector<16xf32>
    %sub3A_1398 = arith.subf %mul3A_1397, %gather3A_1342 : vector<16xf32>
    %add3A_1399 = arith.addf %add3A_1329, %sub3A_1398 : vector<16xf32>
    %get3A_1400 = arith.constant 1 : i32
    %get3A_1401 = arith.index_cast %get3A_1400 : i32 to index
    %get3A_1402 = arith.constant 80 : index
    %get3A_1403 = tpu.vector_load %arg6[%get3A_1401, %get3A_1402] {strides = array<i32>} : memref<4x128xi32, #tpu.memory_space<vmem>>, vector<16xi32>,
    %add3A_1404 = arith.constant 80 : i32
    %add3A_1405 = vector.broadcast %add3A_1404 : i32 to vector<16xi32>
    %add3A_1406 = arith.addi %iota3A, %add3A_1405 : vector<16xi32>
    %gather3A_1407 = arith.constant 1 : i32
    %gather3A_1408 = arith.constant 0 : i32
    %gather3A_1409 = arith.constant 0 : i32
    %gather3A_1410 = tpu.memref_slice %arg5[%gather3A_1407, %gather3A_1408, %gather3A_1409] : memref<3x256x128xf32, #tpu.memory_space<vmem>> -> memref<1x256x128xf32, #tpu.memory_space<vmem>>
    %gather3A_1411 = tpu.memref_squeeze %gather3A_1410 : memref<1x256x128xf32, #tpu.memory_space<vmem>> -> memref<256x128xf32, #tpu.memory_space<vmem>>
    %gather3A_1412 = tpu.vector_load_idx %gather3A_1411[%get3A_1403, %add3A_1406] : memref<256x128xf32, #tpu.memory_space<vmem>>[vector<16xi32>, vector<16xi32>], vector<16xf32>,
    %bitcast_convert_type3A_1413 = tpu.bitcast %scan3A_1048#5 : vector<16xf32> -> vector<16xi32>
    %shift_right_arithmetic3A_1414 = arith.constant 23 : i32
    %shift_right_arithmetic3A_1415 = vector.broadcast %shift_right_arithmetic3A_1414 : i32 to vector<16xi32>
    %shift_right_arithmetic3A_1416 = arith.shrsi %bitcast_convert_type3A_1413, %shift_right_arithmetic3A_1415 : vector<16xi32>
    %and3A_1417 = arith.constant 255 : i32
    %and3A_1418 = vector.broadcast %and3A_1417 : i32 to vector<16xi32>
    %and3A_1419 = arith.andi %shift_right_arithmetic3A_1416, %and3A_1418 : vector<16xi32>
    %sub3A_1420 = arith.constant 127 : i32
    %sub3A_1421 = vector.broadcast %sub3A_1420 : i32 to vector<16xi32>
    %sub3A_1422 = arith.subi %and3A_1419, %sub3A_1421 : vector<16xi32>
    %and3A_1423 = arith.constant 8388607 : i32
    %and3A_1424 = vector.broadcast %and3A_1423 : i32 to vector<16xi32>
    %and3A_1425 = arith.andi %bitcast_convert_type3A_1413, %and3A_1424 : vector<16xi32>
    %or3A_1426 = arith.constant 1065353216 : i32
    %or3A_1427 = vector.broadcast %or3A_1426 : i32 to vector<16xi32>
    %or3A_1428 = arith.ori %and3A_1425, %or3A_1427 : vector<16xi32>
    %bitcast_convert_type3A_1429 = tpu.bitcast %or3A_1428 : vector<16xi32> -> vector<16xf32>
    %sub3A_1430 = arith.constant 1.000000e+00 : f32
    %sub3A_1431 = vector.broadcast %sub3A_1430 : f32 to vector<16xf32>
    %sub3A_1432 = arith.subf %bitcast_convert_type3A_1429, %sub3A_1431 : vector<16xf32>
    %broadcast_in_dim3A_1433 = arith.constant 0.0147788934 : f32
    %broadcast_in_dim3A_1434 = vector.broadcast %broadcast_in_dim3A_1433 : f32 to vector<16xf32>
    %mul3A_1435 = arith.mulf %broadcast_in_dim3A_1434, %sub3A_1432 : vector<16xf32>
    %add3A_1436 = arith.constant -0.0768496171 : f32
    %add3A_1437 = vector.broadcast %add3A_1436 : f32 to vector<16xf32>
    %add3A_1438 = arith.addf %mul3A_1435, %add3A_1437 : vector<16xf32>
    %mul3A_1439 = arith.mulf %add3A_1438, %sub3A_1432 : vector<16xf32>
    %add3A_1440 = arith.constant 0.19042252 : f32
    %add3A_1441 = vector.broadcast %add3A_1440 : f32 to vector<16xf32>
    %add3A_1442 = arith.addf %mul3A_1439, %add3A_1441 : vector<16xf32>
    %mul3A_1443 = arith.mulf %add3A_1442, %sub3A_1432 : vector<16xf32>
    %add3A_1444 = arith.constant -0.323117495 : f32
    %add3A_1445 = vector.broadcast %add3A_1444 : f32 to vector<16xf32>
    %add3A_1446 = arith.addf %mul3A_1443, %add3A_1445 : vector<16xf32>
    %mul3A_1447 = arith.mulf %add3A_1446, %sub3A_1432 : vector<16xf32>
    %add3A_1448 = arith.constant 0.472500294 : f32
    %add3A_1449 = vector.broadcast %add3A_1448 : f32 to vector<16xf32>
    %add3A_1450 = arith.addf %mul3A_1447, %add3A_1449 : vector<16xf32>
    %mul3A_1451 = arith.mulf %add3A_1450, %sub3A_1432 : vector<16xf32>
    %add3A_1452 = arith.constant -0.720386803 : f32
    %add3A_1453 = vector.broadcast %add3A_1452 : f32 to vector<16xf32>
    %add3A_1454 = arith.addf %mul3A_1451, %add3A_1453 : vector<16xf32>
    %mul3A_1455 = arith.mulf %add3A_1454, %sub3A_1432 : vector<16xf32>
    %add3A_1456 = arith.constant 1.44265211 : f32
    %add3A_1457 = vector.broadcast %add3A_1456 : f32 to vector<16xf32>
    %add3A_1458 = arith.addf %mul3A_1455, %add3A_1457 : vector<16xf32>
    %mul3A_1459 = arith.mulf %add3A_1458, %sub3A_1432 : vector<16xf32>
    %add3A_1460 = arith.constant 3.19128787E-7 : f32
    %add3A_1461 = vector.broadcast %add3A_1460 : f32 to vector<16xf32>
    %add3A_1462 = arith.addf %mul3A_1459, %add3A_1461 : vector<16xf32>
    %convert_element_type3A_1463 = arith.sitofp %sub3A_1422 : vector<16xi32> to vector<16xf32>
    %add3A_1464 = arith.addf %convert_element_type3A_1463, %add3A_1462 : vector<16xf32>
    %mul3A_1465 = arith.constant 0.693147182 : f32
    %mul3A_1466 = vector.broadcast %mul3A_1465 : f32 to vector<16xf32>
    %mul3A_1467 = arith.mulf %mul3A_1466, %add3A_1464 : vector<16xf32>
    %sub3A_1468 = arith.subf %mul3A_1467, %gather3A_1412 : vector<16xf32>
    %add3A_1469 = arith.addf %add3A_1399, %sub3A_1468 : vector<16xf32>
    %get3A_1470 = arith.constant 1 : i32
    %get3A_1471 = arith.index_cast %get3A_1470 : i32 to index
    %get3A_1472 = arith.constant 96 : index
    %get3A_1473 = tpu.vector_load %arg6[%get3A_1471, %get3A_1472] {strides = array<i32>} : memref<4x128xi32, #tpu.memory_space<vmem>>, vector<16xi32>,
    %add3A_1474 = arith.constant 96 : i32
    %add3A_1475 = vector.broadcast %add3A_1474 : i32 to vector<16xi32>
    %add3A_1476 = arith.addi %iota3A, %add3A_1475 : vector<16xi32>
    %gather3A_1477 = arith.constant 1 : i32
    %gather3A_1478 = arith.constant 0 : i32
    %gather3A_1479 = arith.constant 0 : i32
    %gather3A_1480 = tpu.memref_slice %arg5[%gather3A_1477, %gather3A_1478, %gather3A_1479] : memref<3x256x128xf32, #tpu.memory_space<vmem>> -> memref<1x256x128xf32, #tpu.memory_space<vmem>>
    %gather3A_1481 = tpu.memref_squeeze %gather3A_1480 : memref<1x256x128xf32, #tpu.memory_space<vmem>> -> memref<256x128xf32, #tpu.memory_space<vmem>>
    %gather3A_1482 = tpu.vector_load_idx %gather3A_1481[%get3A_1473, %add3A_1476] : memref<256x128xf32, #tpu.memory_space<vmem>>[vector<16xi32>, vector<16xi32>], vector<16xf32>,
    %bitcast_convert_type3A_1483 = tpu.bitcast %scan3A_1048#6 : vector<16xf32> -> vector<16xi32>
    %shift_right_arithmetic3A_1484 = arith.constant 23 : i32
    %shift_right_arithmetic3A_1485 = vector.broadcast %shift_right_arithmetic3A_1484 : i32 to vector<16xi32>
    %shift_right_arithmetic3A_1486 = arith.shrsi %bitcast_convert_type3A_1483, %shift_right_arithmetic3A_1485 : vector<16xi32>
    %and3A_1487 = arith.constant 255 : i32
    %and3A_1488 = vector.broadcast %and3A_1487 : i32 to vector<16xi32>
    %and3A_1489 = arith.andi %shift_right_arithmetic3A_1486, %and3A_1488 : vector<16xi32>
    %sub3A_1490 = arith.constant 127 : i32
    %sub3A_1491 = vector.broadcast %sub3A_1490 : i32 to vector<16xi32>
    %sub3A_1492 = arith.subi %and3A_1489, %sub3A_1491 : vector<16xi32>
    %and3A_1493 = arith.constant 8388607 : i32
    %and3A_1494 = vector.broadcast %and3A_1493 : i32 to vector<16xi32>
    %and3A_1495 = arith.andi %bitcast_convert_type3A_1483, %and3A_1494 : vector<16xi32>
    %or3A_1496 = arith.constant 1065353216 : i32
    %or3A_1497 = vector.broadcast %or3A_1496 : i32 to vector<16xi32>
    %or3A_1498 = arith.ori %and3A_1495, %or3A_1497 : vector<16xi32>
    %bitcast_convert_type3A_1499 = tpu.bitcast %or3A_1498 : vector<16xi32> -> vector<16xf32>
    %sub3A_1500 = arith.constant 1.000000e+00 : f32
    %sub3A_1501 = vector.broadcast %sub3A_1500 : f32 to vector<16xf32>
    %sub3A_1502 = arith.subf %bitcast_convert_type3A_1499, %sub3A_1501 : vector<16xf32>
    %broadcast_in_dim3A_1503 = arith.constant 0.0147788934 : f32
    %broadcast_in_dim3A_1504 = vector.broadcast %broadcast_in_dim3A_1503 : f32 to vector<16xf32>
    %mul3A_1505 = arith.mulf %broadcast_in_dim3A_1504, %sub3A_1502 : vector<16xf32>
    %add3A_1506 = arith.constant -0.0768496171 : f32
    %add3A_1507 = vector.broadcast %add3A_1506 : f32 to vector<16xf32>
    %add3A_1508 = arith.addf %mul3A_1505, %add3A_1507 : vector<16xf32>
    %mul3A_1509 = arith.mulf %add3A_1508, %sub3A_1502 : vector<16xf32>
    %add3A_1510 = arith.constant 0.19042252 : f32
    %add3A_1511 = vector.broadcast %add3A_1510 : f32 to vector<16xf32>
    %add3A_1512 = arith.addf %mul3A_1509, %add3A_1511 : vector<16xf32>
    %mul3A_1513 = arith.mulf %add3A_1512, %sub3A_1502 : vector<16xf32>
    %add3A_1514 = arith.constant -0.323117495 : f32
    %add3A_1515 = vector.broadcast %add3A_1514 : f32 to vector<16xf32>
    %add3A_1516 = arith.addf %mul3A_1513, %add3A_1515 : vector<16xf32>
    %mul3A_1517 = arith.mulf %add3A_1516, %sub3A_1502 : vector<16xf32>
    %add3A_1518 = arith.constant 0.472500294 : f32
    %add3A_1519 = vector.broadcast %add3A_1518 : f32 to vector<16xf32>
    %add3A_1520 = arith.addf %mul3A_1517, %add3A_1519 : vector<16xf32>
    %mul3A_1521 = arith.mulf %add3A_1520, %sub3A_1502 : vector<16xf32>
    %add3A_1522 = arith.constant -0.720386803 : f32
    %add3A_1523 = vector.broadcast %add3A_1522 : f32 to vector<16xf32>
    %add3A_1524 = arith.addf %mul3A_1521, %add3A_1523 : vector<16xf32>
    %mul3A_1525 = arith.mulf %add3A_1524, %sub3A_1502 : vector<16xf32>
    %add3A_1526 = arith.constant 1.44265211 : f32
    %add3A_1527 = vector.broadcast %add3A_1526 : f32 to vector<16xf32>
    %add3A_1528 = arith.addf %mul3A_1525, %add3A_1527 : vector<16xf32>
    %mul3A_1529 = arith.mulf %add3A_1528, %sub3A_1502 : vector<16xf32>
    %add3A_1530 = arith.constant 3.19128787E-7 : f32
    %add3A_1531 = vector.broadcast %add3A_1530 : f32 to vector<16xf32>
    %add3A_1532 = arith.addf %mul3A_1529, %add3A_1531 : vector<16xf32>
    %convert_element_type3A_1533 = arith.sitofp %sub3A_1492 : vector<16xi32> to vector<16xf32>
    %add3A_1534 = arith.addf %convert_element_type3A_1533, %add3A_1532 : vector<16xf32>
    %mul3A_1535 = arith.constant 0.693147182 : f32
    %mul3A_1536 = vector.broadcast %mul3A_1535 : f32 to vector<16xf32>
    %mul3A_1537 = arith.mulf %mul3A_1536, %add3A_1534 : vector<16xf32>
    %sub3A_1538 = arith.subf %mul3A_1537, %gather3A_1482 : vector<16xf32>
    %add3A_1539 = arith.addf %add3A_1469, %sub3A_1538 : vector<16xf32>
    %get3A_1540 = arith.constant 1 : i32
    %get3A_1541 = arith.index_cast %get3A_1540 : i32 to index
    %get3A_1542 = arith.constant 112 : index
    %get3A_1543 = tpu.vector_load %arg6[%get3A_1541, %get3A_1542] {strides = array<i32>} : memref<4x128xi32, #tpu.memory_space<vmem>>, vector<16xi32>,
    %add3A_1544 = arith.constant 112 : i32
    %add3A_1545 = vector.broadcast %add3A_1544 : i32 to vector<16xi32>
    %add3A_1546 = arith.addi %iota3A, %add3A_1545 : vector<16xi32>
    %gather3A_1547 = arith.constant 1 : i32
    %gather3A_1548 = arith.constant 0 : i32
    %gather3A_1549 = arith.constant 0 : i32
    %gather3A_1550 = tpu.memref_slice %arg5[%gather3A_1547, %gather3A_1548, %gather3A_1549] : memref<3x256x128xf32, #tpu.memory_space<vmem>> -> memref<1x256x128xf32, #tpu.memory_space<vmem>>
    %gather3A_1551 = tpu.memref_squeeze %gather3A_1550 : memref<1x256x128xf32, #tpu.memory_space<vmem>> -> memref<256x128xf32, #tpu.memory_space<vmem>>
    %gather3A_1552 = tpu.vector_load_idx %gather3A_1551[%get3A_1543, %add3A_1546] : memref<256x128xf32, #tpu.memory_space<vmem>>[vector<16xi32>, vector<16xi32>], vector<16xf32>,
    %bitcast_convert_type3A_1553 = tpu.bitcast %scan3A_1048#7 : vector<16xf32> -> vector<16xi32>
    %shift_right_arithmetic3A_1554 = arith.constant 23 : i32
    %shift_right_arithmetic3A_1555 = vector.broadcast %shift_right_arithmetic3A_1554 : i32 to vector<16xi32>
    %shift_right_arithmetic3A_1556 = arith.shrsi %bitcast_convert_type3A_1553, %shift_right_arithmetic3A_1555 : vector<16xi32>
    %and3A_1557 = arith.constant 255 : i32
    %and3A_1558 = vector.broadcast %and3A_1557 : i32 to vector<16xi32>
    %and3A_1559 = arith.andi %shift_right_arithmetic3A_1556, %and3A_1558 : vector<16xi32>
    %sub3A_1560 = arith.constant 127 : i32
    %sub3A_1561 = vector.broadcast %sub3A_1560 : i32 to vector<16xi32>
    %sub3A_1562 = arith.subi %and3A_1559, %sub3A_1561 : vector<16xi32>
    %and3A_1563 = arith.constant 8388607 : i32
    %and3A_1564 = vector.broadcast %and3A_1563 : i32 to vector<16xi32>
    %and3A_1565 = arith.andi %bitcast_convert_type3A_1553, %and3A_1564 : vector<16xi32>
    %or3A_1566 = arith.constant 1065353216 : i32
    %or3A_1567 = vector.broadcast %or3A_1566 : i32 to vector<16xi32>
    %or3A_1568 = arith.ori %and3A_1565, %or3A_1567 : vector<16xi32>
    %bitcast_convert_type3A_1569 = tpu.bitcast %or3A_1568 : vector<16xi32> -> vector<16xf32>
    %sub3A_1570 = arith.constant 1.000000e+00 : f32
    %sub3A_1571 = vector.broadcast %sub3A_1570 : f32 to vector<16xf32>
    %sub3A_1572 = arith.subf %bitcast_convert_type3A_1569, %sub3A_1571 : vector<16xf32>
    %broadcast_in_dim3A_1573 = arith.constant 0.0147788934 : f32
    %broadcast_in_dim3A_1574 = vector.broadcast %broadcast_in_dim3A_1573 : f32 to vector<16xf32>
    %mul3A_1575 = arith.mulf %broadcast_in_dim3A_1574, %sub3A_1572 : vector<16xf32>
    %add3A_1576 = arith.constant -0.0768496171 : f32
    %add3A_1577 = vector.broadcast %add3A_1576 : f32 to vector<16xf32>
    %add3A_1578 = arith.addf %mul3A_1575, %add3A_1577 : vector<16xf32>
    %mul3A_1579 = arith.mulf %add3A_1578, %sub3A_1572 : vector<16xf32>
    %add3A_1580 = arith.constant 0.19042252 : f32
    %add3A_1581 = vector.broadcast %add3A_1580 : f32 to vector<16xf32>
    %add3A_1582 = arith.addf %mul3A_1579, %add3A_1581 : vector<16xf32>
    %mul3A_1583 = arith.mulf %add3A_1582, %sub3A_1572 : vector<16xf32>
    %add3A_1584 = arith.constant -0.323117495 : f32
    %add3A_1585 = vector.broadcast %add3A_1584 : f32 to vector<16xf32>
    %add3A_1586 = arith.addf %mul3A_1583, %add3A_1585 : vector<16xf32>
    %mul3A_1587 = arith.mulf %add3A_1586, %sub3A_1572 : vector<16xf32>
    %add3A_1588 = arith.constant 0.472500294 : f32
    %add3A_1589 = vector.broadcast %add3A_1588 : f32 to vector<16xf32>
    %add3A_1590 = arith.addf %mul3A_1587, %add3A_1589 : vector<16xf32>
    %mul3A_1591 = arith.mulf %add3A_1590, %sub3A_1572 : vector<16xf32>
    %add3A_1592 = arith.constant -0.720386803 : f32
    %add3A_1593 = vector.broadcast %add3A_1592 : f32 to vector<16xf32>
    %add3A_1594 = arith.addf %mul3A_1591, %add3A_1593 : vector<16xf32>
    %mul3A_1595 = arith.mulf %add3A_1594, %sub3A_1572 : vector<16xf32>
    %add3A_1596 = arith.constant 1.44265211 : f32
    %add3A_1597 = vector.broadcast %add3A_1596 : f32 to vector<16xf32>
    %add3A_1598 = arith.addf %mul3A_1595, %add3A_1597 : vector<16xf32>
    %mul3A_1599 = arith.mulf %add3A_1598, %sub3A_1572 : vector<16xf32>
    %add3A_1600 = arith.constant 3.19128787E-7 : f32
    %add3A_1601 = vector.broadcast %add3A_1600 : f32 to vector<16xf32>
    %add3A_1602 = arith.addf %mul3A_1599, %add3A_1601 : vector<16xf32>
    %convert_element_type3A_1603 = arith.sitofp %sub3A_1562 : vector<16xi32> to vector<16xf32>
    %add3A_1604 = arith.addf %convert_element_type3A_1603, %add3A_1602 : vector<16xf32>
    %mul3A_1605 = arith.constant 0.693147182 : f32
    %mul3A_1606 = vector.broadcast %mul3A_1605 : f32 to vector<16xf32>
    %mul3A_1607 = arith.mulf %mul3A_1606, %add3A_1604 : vector<16xf32>
    %sub3A_1608 = arith.subf %mul3A_1607, %gather3A_1552 : vector<16xf32>
    %add3A_1609 = arith.addf %add3A_1539, %sub3A_1608 : vector<16xf32>
    %dma_wait3A_1610 = arith.constant 2 : i32
    %dma_wait3A_1611 = arith.constant 0 : i32
    %dma_wait3A_1612 = arith.constant 0 : i32
    %dma_wait3A_1613 = tpu.memref_slice %arg5[%dma_wait3A_1610, %dma_wait3A_1611, %dma_wait3A_1612] : memref<3x256x128xf32, #tpu.memory_space<vmem>> -> memref<1x256x128xf32, #tpu.memory_space<vmem>>
    %dma_wait3A_1614 = tpu.memref_squeeze %dma_wait3A_1613 : memref<1x256x128xf32, #tpu.memory_space<vmem>> -> memref<256x128xf32, #tpu.memory_space<vmem>>
    %dma_wait3A_1615 = arith.constant 0 : i32
    %dma_wait3A_1616 = tpu.memref_slice %arg2[%select_n3A_341, %dma_wait3A_1615, %mul3A_359] : memref<8x256x2048xf32, #tpu.memory_space<hbm>> -> memref<1x256x128xf32, #tpu.memory_space<hbm>>
    %dma_wait3A_1617 = tpu.memref_squeeze %dma_wait3A_1616 : memref<1x256x128xf32, #tpu.memory_space<hbm>> -> memref<256x128xf32, #tpu.memory_space<hbm>>
    %dma_wait3A_1618 = arith.constant 0 : i32
    %dma_wait3A_1619 = arith.constant 0 : i32
    %dma_wait3A_1620 = tpu.memref_slice %arg5[%dma_wait3A_1610, %dma_wait3A_1618, %dma_wait3A_1619] : memref<3x256x128xf32, #tpu.memory_space<vmem>> -> memref<1x256x128xf32, #tpu.memory_space<vmem>>
    %dma_wait3A_1621 = tpu.memref_squeeze %dma_wait3A_1620 : memref<1x256x128xf32, #tpu.memory_space<vmem>> -> memref<256x128xf32, #tpu.memory_space<vmem>>
    %dma_wait3A_1622 = arith.constant 0 : i32
    %dma_wait3A_1623 = tpu.memref_slice %arg2[%select_n3A_341, %dma_wait3A_1622, %mul3A_359] : memref<8x256x2048xf32, #tpu.memory_space<hbm>> -> memref<1x256x128xf32, #tpu.memory_space<hbm>>
    %dma_wait3A_1624 = tpu.memref_squeeze %dma_wait3A_1623 : memref<1x256x128xf32, #tpu.memory_space<hbm>> -> memref<256x128xf32, #tpu.memory_space<hbm>>
    tpu.wait_dma2 semaphore(%arg10 : memref<!tpu.dma_semaphore, #tpu.memory_space<semaphore_mem>>) src(%dma_wait3A_1624 : memref<256x128xf32, #tpu.memory_space<hbm>>) dst(%dma_wait3A_1621 : memref<256x128xf32, #tpu.memory_space<vmem>>)
    %broadcast_in_dim3A_1625 = arith.constant 0.000000e+00 : f32
    %broadcast_in_dim3A_1626 = vector.broadcast %broadcast_in_dim3A_1625 : f32 to vector<16xf32>
    %broadcast_in_dim3A_1627 = arith.constant 0.000000e+00 : f32
    %broadcast_in_dim3A_1628 = vector.broadcast %broadcast_in_dim3A_1627 : f32 to vector<16xf32>
    %broadcast_in_dim3A_1629 = arith.constant 0.000000e+00 : f32
    %broadcast_in_dim3A_1630 = vector.broadcast %broadcast_in_dim3A_1629 : f32 to vector<16xf32>
    %broadcast_in_dim3A_1631 = arith.constant 0.000000e+00 : f32
    %broadcast_in_dim3A_1632 = vector.broadcast %broadcast_in_dim3A_1631 : f32 to vector<16xf32>
    %broadcast_in_dim3A_1633 = arith.constant 0.000000e+00 : f32
    %broadcast_in_dim3A_1634 = vector.broadcast %broadcast_in_dim3A_1633 : f32 to vector<16xf32>
    %broadcast_in_dim3A_1635 = arith.constant 0.000000e+00 : f32
    %broadcast_in_dim3A_1636 = vector.broadcast %broadcast_in_dim3A_1635 : f32 to vector<16xf32>
    %broadcast_in_dim3A_1637 = arith.constant 0.000000e+00 : f32
    %broadcast_in_dim3A_1638 = vector.broadcast %broadcast_in_dim3A_1637 : f32 to vector<16xf32>
    %broadcast_in_dim3A_1639 = arith.constant 0.000000e+00 : f32
    %broadcast_in_dim3A_1640 = vector.broadcast %broadcast_in_dim3A_1639 : f32 to vector<16xf32>
    %scan3A_1641 = arith.constant 2 : i32
    %scan3A_1642 = arith.constant 0 : i32
    %scan3A_1643 = arith.constant 64 : i32
    %scan3A_1644 = arith.addi %scan3A_1642, %scan3A_1643 : i32
    %scan3A_1645 = arith.constant 1 : i32
    %scan3A_1646:8 = scf.for %scan3A_2809 = %scan3A_1642 to %scan3A_1644 step %scan3A_1645 iter_args(%scan3A_2810 = %broadcast_in_dim3A_1626, %scan3A_2811 = %broadcast_in_dim3A_1628, %scan3A_2812 = %broadcast_in_dim3A_1630, %scan3A_2813 = %broadcast_in_dim3A_1632, %scan3A_2814 = %broadcast_in_dim3A_1634, %scan3A_2815 = %broadcast_in_dim3A_1636, %scan3A_2816 = %broadcast_in_dim3A_1638, %scan3A_2817 = %broadcast_in_dim3A_1640) -> (vector<16xf32>, vector<16xf32>, vector<16xf32>, vector<16xf32>, vector<16xf32>, vector<16xf32>, vector<16xf32>, vector<16xf32>)  : i32 {
      %mul3A_2818 = arith.constant 4 : i32
      %mul3A_2819 = arith.muli %scan3A_2809, %mul3A_2818 : i32
      %add3A_2820 = arith.constant 0 : i32
      %add3A_2821 = arith.addi %mul3A_2819, %add3A_2820 : i32
      %get3A_2822 = arith.constant 0 : i32
      %get3A_2823 = arith.constant 0 : i32
      %get3A_2824 = tpu.memref_slice %arg5[%scan3A_1641, %get3A_2822, %get3A_2823] : memref<3x256x128xf32, #tpu.memory_space<vmem>> -> memref<1x256x128xf32, #tpu.memory_space<vmem>>
      %get3A_2825 = tpu.memref_squeeze %get3A_2824 : memref<1x256x128xf32, #tpu.memory_space<vmem>> -> memref<256x128xf32, #tpu.memory_space<vmem>>
      %get3A_2826 = arith.index_cast %add3A_2821 : i32 to index
      %get3A_2827 = arith.constant 0 : index
      %get3A_2828 = tpu.vector_load %get3A_2825[%get3A_2826, %get3A_2827] {strides = array<i32>} : memref<256x128xf32, #tpu.memory_space<vmem>>, vector<16xf32>,
      %exp3A = math.exp %get3A_2828 : vector<16xf32>
      %add3A_2829 = arith.addf %scan3A_2810, %exp3A : vector<16xf32>
      %get3A_2830 = arith.constant 0 : i32
      %get3A_2831 = arith.constant 0 : i32
      %get3A_2832 = tpu.memref_slice %arg5[%scan3A_1641, %get3A_2830, %get3A_2831] : memref<3x256x128xf32, #tpu.memory_space<vmem>> -> memref<1x256x128xf32, #tpu.memory_space<vmem>>
      %get3A_2833 = tpu.memref_squeeze %get3A_2832 : memref<1x256x128xf32, #tpu.memory_space<vmem>> -> memref<256x128xf32, #tpu.memory_space<vmem>>
      %get3A_2834 = arith.index_cast %add3A_2821 : i32 to index
      %get3A_2835 = arith.constant 16 : index
      %get3A_2836 = tpu.vector_load %get3A_2833[%get3A_2834, %get3A_2835] {strides = array<i32>} : memref<256x128xf32, #tpu.memory_space<vmem>>, vector<16xf32>,
      %exp3A_2837 = math.exp %get3A_2836 : vector<16xf32>
      %add3A_2838 = arith.addf %scan3A_2811, %exp3A_2837 : vector<16xf32>
      %get3A_2839 = arith.constant 0 : i32
      %get3A_2840 = arith.constant 0 : i32
      %get3A_2841 = tpu.memref_slice %arg5[%scan3A_1641, %get3A_2839, %get3A_2840] : memref<3x256x128xf32, #tpu.memory_space<vmem>> -> memref<1x256x128xf32, #tpu.memory_space<vmem>>
      %get3A_2842 = tpu.memref_squeeze %get3A_2841 : memref<1x256x128xf32, #tpu.memory_space<vmem>> -> memref<256x128xf32, #tpu.memory_space<vmem>>
      %get3A_2843 = arith.index_cast %add3A_2821 : i32 to index
      %get3A_2844 = arith.constant 32 : index
      %get3A_2845 = tpu.vector_load %get3A_2842[%get3A_2843, %get3A_2844] {strides = array<i32>} : memref<256x128xf32, #tpu.memory_space<vmem>>, vector<16xf32>,
      %exp3A_2846 = math.exp %get3A_2845 : vector<16xf32>
      %add3A_2847 = arith.addf %scan3A_2812, %exp3A_2846 : vector<16xf32>
      %get3A_2848 = arith.constant 0 : i32
      %get3A_2849 = arith.constant 0 : i32
      %get3A_2850 = tpu.memref_slice %arg5[%scan3A_1641, %get3A_2848, %get3A_2849] : memref<3x256x128xf32, #tpu.memory_space<vmem>> -> memref<1x256x128xf32, #tpu.memory_space<vmem>>
      %get3A_2851 = tpu.memref_squeeze %get3A_2850 : memref<1x256x128xf32, #tpu.memory_space<vmem>> -> memref<256x128xf32, #tpu.memory_space<vmem>>
      %get3A_2852 = arith.index_cast %add3A_2821 : i32 to index
      %get3A_2853 = arith.constant 48 : index
      %get3A_2854 = tpu.vector_load %get3A_2851[%get3A_2852, %get3A_2853] {strides = array<i32>} : memref<256x128xf32, #tpu.memory_space<vmem>>, vector<16xf32>,
      %exp3A_2855 = math.exp %get3A_2854 : vector<16xf32>
      %add3A_2856 = arith.addf %scan3A_2813, %exp3A_2855 : vector<16xf32>
      %get3A_2857 = arith.constant 0 : i32
      %get3A_2858 = arith.constant 0 : i32
      %get3A_2859 = tpu.memref_slice %arg5[%scan3A_1641, %get3A_2857, %get3A_2858] : memref<3x256x128xf32, #tpu.memory_space<vmem>> -> memref<1x256x128xf32, #tpu.memory_space<vmem>>
      %get3A_2860 = tpu.memref_squeeze %get3A_2859 : memref<1x256x128xf32, #tpu.memory_space<vmem>> -> memref<256x128xf32, #tpu.memory_space<vmem>>
      %get3A_2861 = arith.index_cast %add3A_2821 : i32 to index
      %get3A_2862 = arith.constant 64 : index
      %get3A_2863 = tpu.vector_load %get3A_2860[%get3A_2861, %get3A_2862] {strides = array<i32>} : memref<256x128xf32, #tpu.memory_space<vmem>>, vector<16xf32>,
      %exp3A_2864 = math.exp %get3A_2863 : vector<16xf32>
      %add3A_2865 = arith.addf %scan3A_2814, %exp3A_2864 : vector<16xf32>
      %get3A_2866 = arith.constant 0 : i32
      %get3A_2867 = arith.constant 0 : i32
      %get3A_2868 = tpu.memref_slice %arg5[%scan3A_1641, %get3A_2866, %get3A_2867] : memref<3x256x128xf32, #tpu.memory_space<vmem>> -> memref<1x256x128xf32, #tpu.memory_space<vmem>>
      %get3A_2869 = tpu.memref_squeeze %get3A_2868 : memref<1x256x128xf32, #tpu.memory_space<vmem>> -> memref<256x128xf32, #tpu.memory_space<vmem>>
      %get3A_2870 = arith.index_cast %add3A_2821 : i32 to index
      %get3A_2871 = arith.constant 80 : index
      %get3A_2872 = tpu.vector_load %get3A_2869[%get3A_2870, %get3A_2871] {strides = array<i32>} : memref<256x128xf32, #tpu.memory_space<vmem>>, vector<16xf32>,
      %exp3A_2873 = math.exp %get3A_2872 : vector<16xf32>
      %add3A_2874 = arith.addf %scan3A_2815, %exp3A_2873 : vector<16xf32>
      %get3A_2875 = arith.constant 0 : i32
      %get3A_2876 = arith.constant 0 : i32
      %get3A_2877 = tpu.memref_slice %arg5[%scan3A_1641, %get3A_2875, %get3A_2876] : memref<3x256x128xf32, #tpu.memory_space<vmem>> -> memref<1x256x128xf32, #tpu.memory_space<vmem>>
      %get3A_2878 = tpu.memref_squeeze %get3A_2877 : memref<1x256x128xf32, #tpu.memory_space<vmem>> -> memref<256x128xf32, #tpu.memory_space<vmem>>
      %get3A_2879 = arith.index_cast %add3A_2821 : i32 to index
      %get3A_2880 = arith.constant 96 : index
      %get3A_2881 = tpu.vector_load %get3A_2878[%get3A_2879, %get3A_2880] {strides = array<i32>} : memref<256x128xf32, #tpu.memory_space<vmem>>, vector<16xf32>,
      %exp3A_2882 = math.exp %get3A_2881 : vector<16xf32>
      %add3A_2883 = arith.addf %scan3A_2816, %exp3A_2882 : vector<16xf32>
      %get3A_2884 = arith.constant 0 : i32
      %get3A_2885 = arith.constant 0 : i32
      %get3A_2886 = tpu.memref_slice %arg5[%scan3A_1641, %get3A_2884, %get3A_2885] : memref<3x256x128xf32, #tpu.memory_space<vmem>> -> memref<1x256x128xf32, #tpu.memory_space<vmem>>
      %get3A_2887 = tpu.memref_squeeze %get3A_2886 : memref<1x256x128xf32, #tpu.memory_space<vmem>> -> memref<256x128xf32, #tpu.memory_space<vmem>>
      %get3A_2888 = arith.index_cast %add3A_2821 : i32 to index
      %get3A_2889 = arith.constant 112 : index
      %get3A_2890 = tpu.vector_load %get3A_2887[%get3A_2888, %get3A_2889] {strides = array<i32>} : memref<256x128xf32, #tpu.memory_space<vmem>>, vector<16xf32>,
      %exp3A_2891 = math.exp %get3A_2890 : vector<16xf32>
      %add3A_2892 = arith.addf %scan3A_2817, %exp3A_2891 : vector<16xf32>
      %mul3A_2893 = arith.constant 4 : i32
      %mul3A_2894 = arith.muli %scan3A_2809, %mul3A_2893 : i32
      %add3A_2895 = arith.constant 1 : i32
      %add3A_2896 = arith.addi %mul3A_2894, %add3A_2895 : i32
      %get3A_2897 = arith.constant 0 : i32
      %get3A_2898 = arith.constant 0 : i32
      %get3A_2899 = tpu.memref_slice %arg5[%scan3A_1641, %get3A_2897, %get3A_2898] : memref<3x256x128xf32, #tpu.memory_space<vmem>> -> memref<1x256x128xf32, #tpu.memory_space<vmem>>
      %get3A_2900 = tpu.memref_squeeze %get3A_2899 : memref<1x256x128xf32, #tpu.memory_space<vmem>> -> memref<256x128xf32, #tpu.memory_space<vmem>>
      %get3A_2901 = arith.index_cast %add3A_2896 : i32 to index
      %get3A_2902 = arith.constant 0 : index
      %get3A_2903 = tpu.vector_load %get3A_2900[%get3A_2901, %get3A_2902] {strides = array<i32>} : memref<256x128xf32, #tpu.memory_space<vmem>>, vector<16xf32>,
      %exp3A_2904 = math.exp %get3A_2903 : vector<16xf32>
      %add3A_2905 = arith.addf %add3A_2829, %exp3A_2904 : vector<16xf32>
      %get3A_2906 = arith.constant 0 : i32
      %get3A_2907 = arith.constant 0 : i32
      %get3A_2908 = tpu.memref_slice %arg5[%scan3A_1641, %get3A_2906, %get3A_2907] : memref<3x256x128xf32, #tpu.memory_space<vmem>> -> memref<1x256x128xf32, #tpu.memory_space<vmem>>
      %get3A_2909 = tpu.memref_squeeze %get3A_2908 : memref<1x256x128xf32, #tpu.memory_space<vmem>> -> memref<256x128xf32, #tpu.memory_space<vmem>>
      %get3A_2910 = arith.index_cast %add3A_2896 : i32 to index
      %get3A_2911 = arith.constant 16 : index
      %get3A_2912 = tpu.vector_load %get3A_2909[%get3A_2910, %get3A_2911] {strides = array<i32>} : memref<256x128xf32, #tpu.memory_space<vmem>>, vector<16xf32>,
      %exp3A_2913 = math.exp %get3A_2912 : vector<16xf32>
      %add3A_2914 = arith.addf %add3A_2838, %exp3A_2913 : vector<16xf32>
      %get3A_2915 = arith.constant 0 : i32
      %get3A_2916 = arith.constant 0 : i32
      %get3A_2917 = tpu.memref_slice %arg5[%scan3A_1641, %get3A_2915, %get3A_2916] : memref<3x256x128xf32, #tpu.memory_space<vmem>> -> memref<1x256x128xf32, #tpu.memory_space<vmem>>
      %get3A_2918 = tpu.memref_squeeze %get3A_2917 : memref<1x256x128xf32, #tpu.memory_space<vmem>> -> memref<256x128xf32, #tpu.memory_space<vmem>>
      %get3A_2919 = arith.index_cast %add3A_2896 : i32 to index
      %get3A_2920 = arith.constant 32 : index
      %get3A_2921 = tpu.vector_load %get3A_2918[%get3A_2919, %get3A_2920] {strides = array<i32>} : memref<256x128xf32, #tpu.memory_space<vmem>>, vector<16xf32>,
      %exp3A_2922 = math.exp %get3A_2921 : vector<16xf32>
      %add3A_2923 = arith.addf %add3A_2847, %exp3A_2922 : vector<16xf32>
      %get3A_2924 = arith.constant 0 : i32
      %get3A_2925 = arith.constant 0 : i32
      %get3A_2926 = tpu.memref_slice %arg5[%scan3A_1641, %get3A_2924, %get3A_2925] : memref<3x256x128xf32, #tpu.memory_space<vmem>> -> memref<1x256x128xf32, #tpu.memory_space<vmem>>
      %get3A_2927 = tpu.memref_squeeze %get3A_2926 : memref<1x256x128xf32, #tpu.memory_space<vmem>> -> memref<256x128xf32, #tpu.memory_space<vmem>>
      %get3A_2928 = arith.index_cast %add3A_2896 : i32 to index
      %get3A_2929 = arith.constant 48 : index
      %get3A_2930 = tpu.vector_load %get3A_2927[%get3A_2928, %get3A_2929] {strides = array<i32>} : memref<256x128xf32, #tpu.memory_space<vmem>>, vector<16xf32>,
      %exp3A_2931 = math.exp %get3A_2930 : vector<16xf32>
      %add3A_2932 = arith.addf %add3A_2856, %exp3A_2931 : vector<16xf32>
      %get3A_2933 = arith.constant 0 : i32
      %get3A_2934 = arith.constant 0 : i32
      %get3A_2935 = tpu.memref_slice %arg5[%scan3A_1641, %get3A_2933, %get3A_2934] : memref<3x256x128xf32, #tpu.memory_space<vmem>> -> memref<1x256x128xf32, #tpu.memory_space<vmem>>
      %get3A_2936 = tpu.memref_squeeze %get3A_2935 : memref<1x256x128xf32, #tpu.memory_space<vmem>> -> memref<256x128xf32, #tpu.memory_space<vmem>>
      %get3A_2937 = arith.index_cast %add3A_2896 : i32 to index
      %get3A_2938 = arith.constant 64 : index
      %get3A_2939 = tpu.vector_load %get3A_2936[%get3A_2937, %get3A_2938] {strides = array<i32>} : memref<256x128xf32, #tpu.memory_space<vmem>>, vector<16xf32>,
      %exp3A_2940 = math.exp %get3A_2939 : vector<16xf32>
      %add3A_2941 = arith.addf %add3A_2865, %exp3A_2940 : vector<16xf32>
      %get3A_2942 = arith.constant 0 : i32
      %get3A_2943 = arith.constant 0 : i32
      %get3A_2944 = tpu.memref_slice %arg5[%scan3A_1641, %get3A_2942, %get3A_2943] : memref<3x256x128xf32, #tpu.memory_space<vmem>> -> memref<1x256x128xf32, #tpu.memory_space<vmem>>
      %get3A_2945 = tpu.memref_squeeze %get3A_2944 : memref<1x256x128xf32, #tpu.memory_space<vmem>> -> memref<256x128xf32, #tpu.memory_space<vmem>>
      %get3A_2946 = arith.index_cast %add3A_2896 : i32 to index
      %get3A_2947 = arith.constant 80 : index
      %get3A_2948 = tpu.vector_load %get3A_2945[%get3A_2946, %get3A_2947] {strides = array<i32>} : memref<256x128xf32, #tpu.memory_space<vmem>>, vector<16xf32>,
      %exp3A_2949 = math.exp %get3A_2948 : vector<16xf32>
      %add3A_2950 = arith.addf %add3A_2874, %exp3A_2949 : vector<16xf32>
      %get3A_2951 = arith.constant 0 : i32
      %get3A_2952 = arith.constant 0 : i32
      %get3A_2953 = tpu.memref_slice %arg5[%scan3A_1641, %get3A_2951, %get3A_2952] : memref<3x256x128xf32, #tpu.memory_space<vmem>> -> memref<1x256x128xf32, #tpu.memory_space<vmem>>
      %get3A_2954 = tpu.memref_squeeze %get3A_2953 : memref<1x256x128xf32, #tpu.memory_space<vmem>> -> memref<256x128xf32, #tpu.memory_space<vmem>>
      %get3A_2955 = arith.index_cast %add3A_2896 : i32 to index
      %get3A_2956 = arith.constant 96 : index
      %get3A_2957 = tpu.vector_load %get3A_2954[%get3A_2955, %get3A_2956] {strides = array<i32>} : memref<256x128xf32, #tpu.memory_space<vmem>>, vector<16xf32>,
      %exp3A_2958 = math.exp %get3A_2957 : vector<16xf32>
      %add3A_2959 = arith.addf %add3A_2883, %exp3A_2958 : vector<16xf32>
      %get3A_2960 = arith.constant 0 : i32
      %get3A_2961 = arith.constant 0 : i32
      %get3A_2962 = tpu.memref_slice %arg5[%scan3A_1641, %get3A_2960, %get3A_2961] : memref<3x256x128xf32, #tpu.memory_space<vmem>> -> memref<1x256x128xf32, #tpu.memory_space<vmem>>
      %get3A_2963 = tpu.memref_squeeze %get3A_2962 : memref<1x256x128xf32, #tpu.memory_space<vmem>> -> memref<256x128xf32, #tpu.memory_space<vmem>>
      %get3A_2964 = arith.index_cast %add3A_2896 : i32 to index
      %get3A_2965 = arith.constant 112 : index
      %get3A_2966 = tpu.vector_load %get3A_2963[%get3A_2964, %get3A_2965] {strides = array<i32>} : memref<256x128xf32, #tpu.memory_space<vmem>>, vector<16xf32>,
      %exp3A_2967 = math.exp %get3A_2966 : vector<16xf32>
      %add3A_2968 = arith.addf %add3A_2892, %exp3A_2967 : vector<16xf32>
      %mul3A_2969 = arith.constant 4 : i32
      %mul3A_2970 = arith.muli %scan3A_2809, %mul3A_2969 : i32
      %add3A_2971 = arith.constant 2 : i32
      %add3A_2972 = arith.addi %mul3A_2970, %add3A_2971 : i32
      %get3A_2973 = arith.constant 0 : i32
      %get3A_2974 = arith.constant 0 : i32
      %get3A_2975 = tpu.memref_slice %arg5[%scan3A_1641, %get3A_2973, %get3A_2974] : memref<3x256x128xf32, #tpu.memory_space<vmem>> -> memref<1x256x128xf32, #tpu.memory_space<vmem>>
      %get3A_2976 = tpu.memref_squeeze %get3A_2975 : memref<1x256x128xf32, #tpu.memory_space<vmem>> -> memref<256x128xf32, #tpu.memory_space<vmem>>
      %get3A_2977 = arith.index_cast %add3A_2972 : i32 to index
      %get3A_2978 = arith.constant 0 : index
      %get3A_2979 = tpu.vector_load %get3A_2976[%get3A_2977, %get3A_2978] {strides = array<i32>} : memref<256x128xf32, #tpu.memory_space<vmem>>, vector<16xf32>,
      %exp3A_2980 = math.exp %get3A_2979 : vector<16xf32>
      %add3A_2981 = arith.addf %add3A_2905, %exp3A_2980 : vector<16xf32>
      %get3A_2982 = arith.constant 0 : i32
      %get3A_2983 = arith.constant 0 : i32
      %get3A_2984 = tpu.memref_slice %arg5[%scan3A_1641, %get3A_2982, %get3A_2983] : memref<3x256x128xf32, #tpu.memory_space<vmem>> -> memref<1x256x128xf32, #tpu.memory_space<vmem>>
      %get3A_2985 = tpu.memref_squeeze %get3A_2984 : memref<1x256x128xf32, #tpu.memory_space<vmem>> -> memref<256x128xf32, #tpu.memory_space<vmem>>
      %get3A_2986 = arith.index_cast %add3A_2972 : i32 to index
      %get3A_2987 = arith.constant 16 : index
      %get3A_2988 = tpu.vector_load %get3A_2985[%get3A_2986, %get3A_2987] {strides = array<i32>} : memref<256x128xf32, #tpu.memory_space<vmem>>, vector<16xf32>,
      %exp3A_2989 = math.exp %get3A_2988 : vector<16xf32>
      %add3A_2990 = arith.addf %add3A_2914, %exp3A_2989 : vector<16xf32>
      %get3A_2991 = arith.constant 0 : i32
      %get3A_2992 = arith.constant 0 : i32
      %get3A_2993 = tpu.memref_slice %arg5[%scan3A_1641, %get3A_2991, %get3A_2992] : memref<3x256x128xf32, #tpu.memory_space<vmem>> -> memref<1x256x128xf32, #tpu.memory_space<vmem>>
      %get3A_2994 = tpu.memref_squeeze %get3A_2993 : memref<1x256x128xf32, #tpu.memory_space<vmem>> -> memref<256x128xf32, #tpu.memory_space<vmem>>
      %get3A_2995 = arith.index_cast %add3A_2972 : i32 to index
      %get3A_2996 = arith.constant 32 : index
      %get3A_2997 = tpu.vector_load %get3A_2994[%get3A_2995, %get3A_2996] {strides = array<i32>} : memref<256x128xf32, #tpu.memory_space<vmem>>, vector<16xf32>,
      %exp3A_2998 = math.exp %get3A_2997 : vector<16xf32>
      %add3A_2999 = arith.addf %add3A_2923, %exp3A_2998 : vector<16xf32>
      %get3A_3000 = arith.constant 0 : i32
      %get3A_3001 = arith.constant 0 : i32
      %get3A_3002 = tpu.memref_slice %arg5[%scan3A_1641, %get3A_3000, %get3A_3001] : memref<3x256x128xf32, #tpu.memory_space<vmem>> -> memref<1x256x128xf32, #tpu.memory_space<vmem>>
      %get3A_3003 = tpu.memref_squeeze %get3A_3002 : memref<1x256x128xf32, #tpu.memory_space<vmem>> -> memref<256x128xf32, #tpu.memory_space<vmem>>
      %get3A_3004 = arith.index_cast %add3A_2972 : i32 to index
      %get3A_3005 = arith.constant 48 : index
      %get3A_3006 = tpu.vector_load %get3A_3003[%get3A_3004, %get3A_3005] {strides = array<i32>} : memref<256x128xf32, #tpu.memory_space<vmem>>, vector<16xf32>,
      %exp3A_3007 = math.exp %get3A_3006 : vector<16xf32>
      %add3A_3008 = arith.addf %add3A_2932, %exp3A_3007 : vector<16xf32>
      %get3A_3009 = arith.constant 0 : i32
      %get3A_3010 = arith.constant 0 : i32
      %get3A_3011 = tpu.memref_slice %arg5[%scan3A_1641, %get3A_3009, %get3A_3010] : memref<3x256x128xf32, #tpu.memory_space<vmem>> -> memref<1x256x128xf32, #tpu.memory_space<vmem>>
      %get3A_3012 = tpu.memref_squeeze %get3A_3011 : memref<1x256x128xf32, #tpu.memory_space<vmem>> -> memref<256x128xf32, #tpu.memory_space<vmem>>
      %get3A_3013 = arith.index_cast %add3A_2972 : i32 to index
      %get3A_3014 = arith.constant 64 : index
      %get3A_3015 = tpu.vector_load %get3A_3012[%get3A_3013, %get3A_3014] {strides = array<i32>} : memref<256x128xf32, #tpu.memory_space<vmem>>, vector<16xf32>,
      %exp3A_3016 = math.exp %get3A_3015 : vector<16xf32>
      %add3A_3017 = arith.addf %add3A_2941, %exp3A_3016 : vector<16xf32>
      %get3A_3018 = arith.constant 0 : i32
      %get3A_3019 = arith.constant 0 : i32
      %get3A_3020 = tpu.memref_slice %arg5[%scan3A_1641, %get3A_3018, %get3A_3019] : memref<3x256x128xf32, #tpu.memory_space<vmem>> -> memref<1x256x128xf32, #tpu.memory_space<vmem>>
      %get3A_3021 = tpu.memref_squeeze %get3A_3020 : memref<1x256x128xf32, #tpu.memory_space<vmem>> -> memref<256x128xf32, #tpu.memory_space<vmem>>
      %get3A_3022 = arith.index_cast %add3A_2972 : i32 to index
      %get3A_3023 = arith.constant 80 : index
      %get3A_3024 = tpu.vector_load %get3A_3021[%get3A_3022, %get3A_3023] {strides = array<i32>} : memref<256x128xf32, #tpu.memory_space<vmem>>, vector<16xf32>,
      %exp3A_3025 = math.exp %get3A_3024 : vector<16xf32>
      %add3A_3026 = arith.addf %add3A_2950, %exp3A_3025 : vector<16xf32>
      %get3A_3027 = arith.constant 0 : i32
      %get3A_3028 = arith.constant 0 : i32
      %get3A_3029 = tpu.memref_slice %arg5[%scan3A_1641, %get3A_3027, %get3A_3028] : memref<3x256x128xf32, #tpu.memory_space<vmem>> -> memref<1x256x128xf32, #tpu.memory_space<vmem>>
      %get3A_3030 = tpu.memref_squeeze %get3A_3029 : memref<1x256x128xf32, #tpu.memory_space<vmem>> -> memref<256x128xf32, #tpu.memory_space<vmem>>
      %get3A_3031 = arith.index_cast %add3A_2972 : i32 to index
      %get3A_3032 = arith.constant 96 : index
      %get3A_3033 = tpu.vector_load %get3A_3030[%get3A_3031, %get3A_3032] {strides = array<i32>} : memref<256x128xf32, #tpu.memory_space<vmem>>, vector<16xf32>,
      %exp3A_3034 = math.exp %get3A_3033 : vector<16xf32>
      %add3A_3035 = arith.addf %add3A_2959, %exp3A_3034 : vector<16xf32>
      %get3A_3036 = arith.constant 0 : i32
      %get3A_3037 = arith.constant 0 : i32
      %get3A_3038 = tpu.memref_slice %arg5[%scan3A_1641, %get3A_3036, %get3A_3037] : memref<3x256x128xf32, #tpu.memory_space<vmem>> -> memref<1x256x128xf32, #tpu.memory_space<vmem>>
      %get3A_3039 = tpu.memref_squeeze %get3A_3038 : memref<1x256x128xf32, #tpu.memory_space<vmem>> -> memref<256x128xf32, #tpu.memory_space<vmem>>
      %get3A_3040 = arith.index_cast %add3A_2972 : i32 to index
      %get3A_3041 = arith.constant 112 : index
      %get3A_3042 = tpu.vector_load %get3A_3039[%get3A_3040, %get3A_3041] {strides = array<i32>} : memref<256x128xf32, #tpu.memory_space<vmem>>, vector<16xf32>,
      %exp3A_3043 = math.exp %get3A_3042 : vector<16xf32>
      %add3A_3044 = arith.addf %add3A_2968, %exp3A_3043 : vector<16xf32>
      %mul3A_3045 = arith.constant 4 : i32
      %mul3A_3046 = arith.muli %scan3A_2809, %mul3A_3045 : i32
      %add3A_3047 = arith.constant 3 : i32
      %add3A_3048 = arith.addi %mul3A_3046, %add3A_3047 : i32
      %get3A_3049 = arith.constant 0 : i32
      %get3A_3050 = arith.constant 0 : i32
      %get3A_3051 = tpu.memref_slice %arg5[%scan3A_1641, %get3A_3049, %get3A_3050] : memref<3x256x128xf32, #tpu.memory_space<vmem>> -> memref<1x256x128xf32, #tpu.memory_space<vmem>>
      %get3A_3052 = tpu.memref_squeeze %get3A_3051 : memref<1x256x128xf32, #tpu.memory_space<vmem>> -> memref<256x128xf32, #tpu.memory_space<vmem>>
      %get3A_3053 = arith.index_cast %add3A_3048 : i32 to index
      %get3A_3054 = arith.constant 0 : index
      %get3A_3055 = tpu.vector_load %get3A_3052[%get3A_3053, %get3A_3054] {strides = array<i32>} : memref<256x128xf32, #tpu.memory_space<vmem>>, vector<16xf32>,
      %exp3A_3056 = math.exp %get3A_3055 : vector<16xf32>
      %add3A_3057 = arith.addf %add3A_2981, %exp3A_3056 : vector<16xf32>
      %get3A_3058 = arith.constant 0 : i32
      %get3A_3059 = arith.constant 0 : i32
      %get3A_3060 = tpu.memref_slice %arg5[%scan3A_1641, %get3A_3058, %get3A_3059] : memref<3x256x128xf32, #tpu.memory_space<vmem>> -> memref<1x256x128xf32, #tpu.memory_space<vmem>>
      %get3A_3061 = tpu.memref_squeeze %get3A_3060 : memref<1x256x128xf32, #tpu.memory_space<vmem>> -> memref<256x128xf32, #tpu.memory_space<vmem>>
      %get3A_3062 = arith.index_cast %add3A_3048 : i32 to index
      %get3A_3063 = arith.constant 16 : index
      %get3A_3064 = tpu.vector_load %get3A_3061[%get3A_3062, %get3A_3063] {strides = array<i32>} : memref<256x128xf32, #tpu.memory_space<vmem>>, vector<16xf32>,
      %exp3A_3065 = math.exp %get3A_3064 : vector<16xf32>
      %add3A_3066 = arith.addf %add3A_2990, %exp3A_3065 : vector<16xf32>
      %get3A_3067 = arith.constant 0 : i32
      %get3A_3068 = arith.constant 0 : i32
      %get3A_3069 = tpu.memref_slice %arg5[%scan3A_1641, %get3A_3067, %get3A_3068] : memref<3x256x128xf32, #tpu.memory_space<vmem>> -> memref<1x256x128xf32, #tpu.memory_space<vmem>>
      %get3A_3070 = tpu.memref_squeeze %get3A_3069 : memref<1x256x128xf32, #tpu.memory_space<vmem>> -> memref<256x128xf32, #tpu.memory_space<vmem>>
      %get3A_3071 = arith.index_cast %add3A_3048 : i32 to index
      %get3A_3072 = arith.constant 32 : index
      %get3A_3073 = tpu.vector_load %get3A_3070[%get3A_3071, %get3A_3072] {strides = array<i32>} : memref<256x128xf32, #tpu.memory_space<vmem>>, vector<16xf32>,
      %exp3A_3074 = math.exp %get3A_3073 : vector<16xf32>
      %add3A_3075 = arith.addf %add3A_2999, %exp3A_3074 : vector<16xf32>
      %get3A_3076 = arith.constant 0 : i32
      %get3A_3077 = arith.constant 0 : i32
      %get3A_3078 = tpu.memref_slice %arg5[%scan3A_1641, %get3A_3076, %get3A_3077] : memref<3x256x128xf32, #tpu.memory_space<vmem>> -> memref<1x256x128xf32, #tpu.memory_space<vmem>>
      %get3A_3079 = tpu.memref_squeeze %get3A_3078 : memref<1x256x128xf32, #tpu.memory_space<vmem>> -> memref<256x128xf32, #tpu.memory_space<vmem>>
      %get3A_3080 = arith.index_cast %add3A_3048 : i32 to index
      %get3A_3081 = arith.constant 48 : index
      %get3A_3082 = tpu.vector_load %get3A_3079[%get3A_3080, %get3A_3081] {strides = array<i32>} : memref<256x128xf32, #tpu.memory_space<vmem>>, vector<16xf32>,
      %exp3A_3083 = math.exp %get3A_3082 : vector<16xf32>
      %add3A_3084 = arith.addf %add3A_3008, %exp3A_3083 : vector<16xf32>
      %get3A_3085 = arith.constant 0 : i32
      %get3A_3086 = arith.constant 0 : i32
      %get3A_3087 = tpu.memref_slice %arg5[%scan3A_1641, %get3A_3085, %get3A_3086] : memref<3x256x128xf32, #tpu.memory_space<vmem>> -> memref<1x256x128xf32, #tpu.memory_space<vmem>>
      %get3A_3088 = tpu.memref_squeeze %get3A_3087 : memref<1x256x128xf32, #tpu.memory_space<vmem>> -> memref<256x128xf32, #tpu.memory_space<vmem>>
      %get3A_3089 = arith.index_cast %add3A_3048 : i32 to index
      %get3A_3090 = arith.constant 64 : index
      %get3A_3091 = tpu.vector_load %get3A_3088[%get3A_3089, %get3A_3090] {strides = array<i32>} : memref<256x128xf32, #tpu.memory_space<vmem>>, vector<16xf32>,
      %exp3A_3092 = math.exp %get3A_3091 : vector<16xf32>
      %add3A_3093 = arith.addf %add3A_3017, %exp3A_3092 : vector<16xf32>
      %get3A_3094 = arith.constant 0 : i32
      %get3A_3095 = arith.constant 0 : i32
      %get3A_3096 = tpu.memref_slice %arg5[%scan3A_1641, %get3A_3094, %get3A_3095] : memref<3x256x128xf32, #tpu.memory_space<vmem>> -> memref<1x256x128xf32, #tpu.memory_space<vmem>>
      %get3A_3097 = tpu.memref_squeeze %get3A_3096 : memref<1x256x128xf32, #tpu.memory_space<vmem>> -> memref<256x128xf32, #tpu.memory_space<vmem>>
      %get3A_3098 = arith.index_cast %add3A_3048 : i32 to index
      %get3A_3099 = arith.constant 80 : index
      %get3A_3100 = tpu.vector_load %get3A_3097[%get3A_3098, %get3A_3099] {strides = array<i32>} : memref<256x128xf32, #tpu.memory_space<vmem>>, vector<16xf32>,
      %exp3A_3101 = math.exp %get3A_3100 : vector<16xf32>
      %add3A_3102 = arith.addf %add3A_3026, %exp3A_3101 : vector<16xf32>
      %get3A_3103 = arith.constant 0 : i32
      %get3A_3104 = arith.constant 0 : i32
      %get3A_3105 = tpu.memref_slice %arg5[%scan3A_1641, %get3A_3103, %get3A_3104] : memref<3x256x128xf32, #tpu.memory_space<vmem>> -> memref<1x256x128xf32, #tpu.memory_space<vmem>>
      %get3A_3106 = tpu.memref_squeeze %get3A_3105 : memref<1x256x128xf32, #tpu.memory_space<vmem>> -> memref<256x128xf32, #tpu.memory_space<vmem>>
      %get3A_3107 = arith.index_cast %add3A_3048 : i32 to index
      %get3A_3108 = arith.constant 96 : index
      %get3A_3109 = tpu.vector_load %get3A_3106[%get3A_3107, %get3A_3108] {strides = array<i32>} : memref<256x128xf32, #tpu.memory_space<vmem>>, vector<16xf32>,
      %exp3A_3110 = math.exp %get3A_3109 : vector<16xf32>
      %add3A_3111 = arith.addf %add3A_3035, %exp3A_3110 : vector<16xf32>
      %get3A_3112 = arith.constant 0 : i32
      %get3A_3113 = arith.constant 0 : i32
      %get3A_3114 = tpu.memref_slice %arg5[%scan3A_1641, %get3A_3112, %get3A_3113] : memref<3x256x128xf32, #tpu.memory_space<vmem>> -> memref<1x256x128xf32, #tpu.memory_space<vmem>>
      %get3A_3115 = tpu.memref_squeeze %get3A_3114 : memref<1x256x128xf32, #tpu.memory_space<vmem>> -> memref<256x128xf32, #tpu.memory_space<vmem>>
      %get3A_3116 = arith.index_cast %add3A_3048 : i32 to index
      %get3A_3117 = arith.constant 112 : index
      %get3A_3118 = tpu.vector_load %get3A_3115[%get3A_3116, %get3A_3117] {strides = array<i32>} : memref<256x128xf32, #tpu.memory_space<vmem>>, vector<16xf32>,
      %exp3A_3119 = math.exp %get3A_3118 : vector<16xf32>
      %add3A_3120 = arith.addf %add3A_3044, %exp3A_3119 : vector<16xf32>
      scf.yield %add3A_3057, %add3A_3066, %add3A_3075, %add3A_3084, %add3A_3093, %add3A_3102, %add3A_3111, %add3A_3120 : vector<16xf32>, vector<16xf32>, vector<16xf32>, vector<16xf32>, vector<16xf32>, vector<16xf32>, vector<16xf32>, vector<16xf32>
    }
    %scan3A_1647 = arith.constant 64 : i32
    %get3A_1648 = arith.constant 2 : i32
    %get3A_1649 = arith.index_cast %get3A_1648 : i32 to index
    %get3A_1650 = arith.constant 0 : index
    %get3A_1651 = tpu.vector_load %arg6[%get3A_1649, %get3A_1650] {strides = array<i32>} : memref<4x128xi32, #tpu.memory_space<vmem>>, vector<16xi32>,
    %add3A_1652 = arith.constant 0 : i32
    %add3A_1653 = vector.broadcast %add3A_1652 : i32 to vector<16xi32>
    %add3A_1654 = arith.addi %iota3A, %add3A_1653 : vector<16xi32>
    %gather3A_1655 = arith.constant 2 : i32
    %gather3A_1656 = arith.constant 0 : i32
    %gather3A_1657 = arith.constant 0 : i32
    %gather3A_1658 = tpu.memref_slice %arg5[%gather3A_1655, %gather3A_1656, %gather3A_1657] : memref<3x256x128xf32, #tpu.memory_space<vmem>> -> memref<1x256x128xf32, #tpu.memory_space<vmem>>
    %gather3A_1659 = tpu.memref_squeeze %gather3A_1658 : memref<1x256x128xf32, #tpu.memory_space<vmem>> -> memref<256x128xf32, #tpu.memory_space<vmem>>
    %gather3A_1660 = tpu.vector_load_idx %gather3A_1659[%get3A_1651, %add3A_1654] : memref<256x128xf32, #tpu.memory_space<vmem>>[vector<16xi32>, vector<16xi32>], vector<16xf32>,
    %bitcast_convert_type3A_1661 = tpu.bitcast %scan3A_1646#0 : vector<16xf32> -> vector<16xi32>
    %shift_right_arithmetic3A_1662 = arith.constant 23 : i32
    %shift_right_arithmetic3A_1663 = vector.broadcast %shift_right_arithmetic3A_1662 : i32 to vector<16xi32>
    %shift_right_arithmetic3A_1664 = arith.shrsi %bitcast_convert_type3A_1661, %shift_right_arithmetic3A_1663 : vector<16xi32>
    %and3A_1665 = arith.constant 255 : i32
    %and3A_1666 = vector.broadcast %and3A_1665 : i32 to vector<16xi32>
    %and3A_1667 = arith.andi %shift_right_arithmetic3A_1664, %and3A_1666 : vector<16xi32>
    %sub3A_1668 = arith.constant 127 : i32
    %sub3A_1669 = vector.broadcast %sub3A_1668 : i32 to vector<16xi32>
    %sub3A_1670 = arith.subi %and3A_1667, %sub3A_1669 : vector<16xi32>
    %and3A_1671 = arith.constant 8388607 : i32
    %and3A_1672 = vector.broadcast %and3A_1671 : i32 to vector<16xi32>
    %and3A_1673 = arith.andi %bitcast_convert_type3A_1661, %and3A_1672 : vector<16xi32>
    %or3A_1674 = arith.constant 1065353216 : i32
    %or3A_1675 = vector.broadcast %or3A_1674 : i32 to vector<16xi32>
    %or3A_1676 = arith.ori %and3A_1673, %or3A_1675 : vector<16xi32>
    %bitcast_convert_type3A_1677 = tpu.bitcast %or3A_1676 : vector<16xi32> -> vector<16xf32>
    %sub3A_1678 = arith.constant 1.000000e+00 : f32
    %sub3A_1679 = vector.broadcast %sub3A_1678 : f32 to vector<16xf32>
    %sub3A_1680 = arith.subf %bitcast_convert_type3A_1677, %sub3A_1679 : vector<16xf32>
    %broadcast_in_dim3A_1681 = arith.constant 0.0147788934 : f32
    %broadcast_in_dim3A_1682 = vector.broadcast %broadcast_in_dim3A_1681 : f32 to vector<16xf32>
    %mul3A_1683 = arith.mulf %broadcast_in_dim3A_1682, %sub3A_1680 : vector<16xf32>
    %add3A_1684 = arith.constant -0.0768496171 : f32
    %add3A_1685 = vector.broadcast %add3A_1684 : f32 to vector<16xf32>
    %add3A_1686 = arith.addf %mul3A_1683, %add3A_1685 : vector<16xf32>
    %mul3A_1687 = arith.mulf %add3A_1686, %sub3A_1680 : vector<16xf32>
    %add3A_1688 = arith.constant 0.19042252 : f32
    %add3A_1689 = vector.broadcast %add3A_1688 : f32 to vector<16xf32>
    %add3A_1690 = arith.addf %mul3A_1687, %add3A_1689 : vector<16xf32>
    %mul3A_1691 = arith.mulf %add3A_1690, %sub3A_1680 : vector<16xf32>
    %add3A_1692 = arith.constant -0.323117495 : f32
    %add3A_1693 = vector.broadcast %add3A_1692 : f32 to vector<16xf32>
    %add3A_1694 = arith.addf %mul3A_1691, %add3A_1693 : vector<16xf32>
    %mul3A_1695 = arith.mulf %add3A_1694, %sub3A_1680 : vector<16xf32>
    %add3A_1696 = arith.constant 0.472500294 : f32
    %add3A_1697 = vector.broadcast %add3A_1696 : f32 to vector<16xf32>
    %add3A_1698 = arith.addf %mul3A_1695, %add3A_1697 : vector<16xf32>
    %mul3A_1699 = arith.mulf %add3A_1698, %sub3A_1680 : vector<16xf32>
    %add3A_1700 = arith.constant -0.720386803 : f32
    %add3A_1701 = vector.broadcast %add3A_1700 : f32 to vector<16xf32>
    %add3A_1702 = arith.addf %mul3A_1699, %add3A_1701 : vector<16xf32>
    %mul3A_1703 = arith.mulf %add3A_1702, %sub3A_1680 : vector<16xf32>
    %add3A_1704 = arith.constant 1.44265211 : f32
    %add3A_1705 = vector.broadcast %add3A_1704 : f32 to vector<16xf32>
    %add3A_1706 = arith.addf %mul3A_1703, %add3A_1705 : vector<16xf32>
    %mul3A_1707 = arith.mulf %add3A_1706, %sub3A_1680 : vector<16xf32>
    %add3A_1708 = arith.constant 3.19128787E-7 : f32
    %add3A_1709 = vector.broadcast %add3A_1708 : f32 to vector<16xf32>
    %add3A_1710 = arith.addf %mul3A_1707, %add3A_1709 : vector<16xf32>
    %convert_element_type3A_1711 = arith.sitofp %sub3A_1670 : vector<16xi32> to vector<16xf32>
    %add3A_1712 = arith.addf %convert_element_type3A_1711, %add3A_1710 : vector<16xf32>
    %mul3A_1713 = arith.constant 0.693147182 : f32
    %mul3A_1714 = vector.broadcast %mul3A_1713 : f32 to vector<16xf32>
    %mul3A_1715 = arith.mulf %mul3A_1714, %add3A_1712 : vector<16xf32>
    %sub3A_1716 = arith.subf %mul3A_1715, %gather3A_1660 : vector<16xf32>
    %add3A_1717 = arith.addf %add3A_1609, %sub3A_1716 : vector<16xf32>
    %get3A_1718 = arith.constant 2 : i32
    %get3A_1719 = arith.index_cast %get3A_1718 : i32 to index
    %get3A_1720 = arith.constant 16 : index
    %get3A_1721 = tpu.vector_load %arg6[%get3A_1719, %get3A_1720] {strides = array<i32>} : memref<4x128xi32, #tpu.memory_space<vmem>>, vector<16xi32>,
    %add3A_1722 = arith.constant 16 : i32
    %add3A_1723 = vector.broadcast %add3A_1722 : i32 to vector<16xi32>
    %add3A_1724 = arith.addi %iota3A, %add3A_1723 : vector<16xi32>
    %gather3A_1725 = arith.constant 2 : i32
    %gather3A_1726 = arith.constant 0 : i32
    %gather3A_1727 = arith.constant 0 : i32
    %gather3A_1728 = tpu.memref_slice %arg5[%gather3A_1725, %gather3A_1726, %gather3A_1727] : memref<3x256x128xf32, #tpu.memory_space<vmem>> -> memref<1x256x128xf32, #tpu.memory_space<vmem>>
    %gather3A_1729 = tpu.memref_squeeze %gather3A_1728 : memref<1x256x128xf32, #tpu.memory_space<vmem>> -> memref<256x128xf32, #tpu.memory_space<vmem>>
    %gather3A_1730 = tpu.vector_load_idx %gather3A_1729[%get3A_1721, %add3A_1724] : memref<256x128xf32, #tpu.memory_space<vmem>>[vector<16xi32>, vector<16xi32>], vector<16xf32>,
    %bitcast_convert_type3A_1731 = tpu.bitcast %scan3A_1646#1 : vector<16xf32> -> vector<16xi32>
    %shift_right_arithmetic3A_1732 = arith.constant 23 : i32
    %shift_right_arithmetic3A_1733 = vector.broadcast %shift_right_arithmetic3A_1732 : i32 to vector<16xi32>
    %shift_right_arithmetic3A_1734 = arith.shrsi %bitcast_convert_type3A_1731, %shift_right_arithmetic3A_1733 : vector<16xi32>
    %and3A_1735 = arith.constant 255 : i32
    %and3A_1736 = vector.broadcast %and3A_1735 : i32 to vector<16xi32>
    %and3A_1737 = arith.andi %shift_right_arithmetic3A_1734, %and3A_1736 : vector<16xi32>
    %sub3A_1738 = arith.constant 127 : i32
    %sub3A_1739 = vector.broadcast %sub3A_1738 : i32 to vector<16xi32>
    %sub3A_1740 = arith.subi %and3A_1737, %sub3A_1739 : vector<16xi32>
    %and3A_1741 = arith.constant 8388607 : i32
    %and3A_1742 = vector.broadcast %and3A_1741 : i32 to vector<16xi32>
    %and3A_1743 = arith.andi %bitcast_convert_type3A_1731, %and3A_1742 : vector<16xi32>
    %or3A_1744 = arith.constant 1065353216 : i32
    %or3A_1745 = vector.broadcast %or3A_1744 : i32 to vector<16xi32>
    %or3A_1746 = arith.ori %and3A_1743, %or3A_1745 : vector<16xi32>
    %bitcast_convert_type3A_1747 = tpu.bitcast %or3A_1746 : vector<16xi32> -> vector<16xf32>
    %sub3A_1748 = arith.constant 1.000000e+00 : f32
    %sub3A_1749 = vector.broadcast %sub3A_1748 : f32 to vector<16xf32>
    %sub3A_1750 = arith.subf %bitcast_convert_type3A_1747, %sub3A_1749 : vector<16xf32>
    %broadcast_in_dim3A_1751 = arith.constant 0.0147788934 : f32
    %broadcast_in_dim3A_1752 = vector.broadcast %broadcast_in_dim3A_1751 : f32 to vector<16xf32>
    %mul3A_1753 = arith.mulf %broadcast_in_dim3A_1752, %sub3A_1750 : vector<16xf32>
    %add3A_1754 = arith.constant -0.0768496171 : f32
    %add3A_1755 = vector.broadcast %add3A_1754 : f32 to vector<16xf32>
    %add3A_1756 = arith.addf %mul3A_1753, %add3A_1755 : vector<16xf32>
    %mul3A_1757 = arith.mulf %add3A_1756, %sub3A_1750 : vector<16xf32>
    %add3A_1758 = arith.constant 0.19042252 : f32
    %add3A_1759 = vector.broadcast %add3A_1758 : f32 to vector<16xf32>
    %add3A_1760 = arith.addf %mul3A_1757, %add3A_1759 : vector<16xf32>
    %mul3A_1761 = arith.mulf %add3A_1760, %sub3A_1750 : vector<16xf32>
    %add3A_1762 = arith.constant -0.323117495 : f32
    %add3A_1763 = vector.broadcast %add3A_1762 : f32 to vector<16xf32>
    %add3A_1764 = arith.addf %mul3A_1761, %add3A_1763 : vector<16xf32>
    %mul3A_1765 = arith.mulf %add3A_1764, %sub3A_1750 : vector<16xf32>
    %add3A_1766 = arith.constant 0.472500294 : f32
    %add3A_1767 = vector.broadcast %add3A_1766 : f32 to vector<16xf32>
    %add3A_1768 = arith.addf %mul3A_1765, %add3A_1767 : vector<16xf32>
    %mul3A_1769 = arith.mulf %add3A_1768, %sub3A_1750 : vector<16xf32>
    %add3A_1770 = arith.constant -0.720386803 : f32
    %add3A_1771 = vector.broadcast %add3A_1770 : f32 to vector<16xf32>
    %add3A_1772 = arith.addf %mul3A_1769, %add3A_1771 : vector<16xf32>
    %mul3A_1773 = arith.mulf %add3A_1772, %sub3A_1750 : vector<16xf32>
    %add3A_1774 = arith.constant 1.44265211 : f32
    %add3A_1775 = vector.broadcast %add3A_1774 : f32 to vector<16xf32>
    %add3A_1776 = arith.addf %mul3A_1773, %add3A_1775 : vector<16xf32>
    %mul3A_1777 = arith.mulf %add3A_1776, %sub3A_1750 : vector<16xf32>
    %add3A_1778 = arith.constant 3.19128787E-7 : f32
    %add3A_1779 = vector.broadcast %add3A_1778 : f32 to vector<16xf32>
    %add3A_1780 = arith.addf %mul3A_1777, %add3A_1779 : vector<16xf32>
    %convert_element_type3A_1781 = arith.sitofp %sub3A_1740 : vector<16xi32> to vector<16xf32>
    %add3A_1782 = arith.addf %convert_element_type3A_1781, %add3A_1780 : vector<16xf32>
    %mul3A_1783 = arith.constant 0.693147182 : f32
    %mul3A_1784 = vector.broadcast %mul3A_1783 : f32 to vector<16xf32>
    %mul3A_1785 = arith.mulf %mul3A_1784, %add3A_1782 : vector<16xf32>
    %sub3A_1786 = arith.subf %mul3A_1785, %gather3A_1730 : vector<16xf32>
    %add3A_1787 = arith.addf %add3A_1717, %sub3A_1786 : vector<16xf32>
    %get3A_1788 = arith.constant 2 : i32
    %get3A_1789 = arith.index_cast %get3A_1788 : i32 to index
    %get3A_1790 = arith.constant 32 : index
    %get3A_1791 = tpu.vector_load %arg6[%get3A_1789, %get3A_1790] {strides = array<i32>} : memref<4x128xi32, #tpu.memory_space<vmem>>, vector<16xi32>,
    %add3A_1792 = arith.constant 32 : i32
    %add3A_1793 = vector.broadcast %add3A_1792 : i32 to vector<16xi32>
    %add3A_1794 = arith.addi %iota3A, %add3A_1793 : vector<16xi32>
    %gather3A_1795 = arith.constant 2 : i32
    %gather3A_1796 = arith.constant 0 : i32
    %gather3A_1797 = arith.constant 0 : i32
    %gather3A_1798 = tpu.memref_slice %arg5[%gather3A_1795, %gather3A_1796, %gather3A_1797] : memref<3x256x128xf32, #tpu.memory_space<vmem>> -> memref<1x256x128xf32, #tpu.memory_space<vmem>>
    %gather3A_1799 = tpu.memref_squeeze %gather3A_1798 : memref<1x256x128xf32, #tpu.memory_space<vmem>> -> memref<256x128xf32, #tpu.memory_space<vmem>>
    %gather3A_1800 = tpu.vector_load_idx %gather3A_1799[%get3A_1791, %add3A_1794] : memref<256x128xf32, #tpu.memory_space<vmem>>[vector<16xi32>, vector<16xi32>], vector<16xf32>,
    %bitcast_convert_type3A_1801 = tpu.bitcast %scan3A_1646#2 : vector<16xf32> -> vector<16xi32>
    %shift_right_arithmetic3A_1802 = arith.constant 23 : i32
    %shift_right_arithmetic3A_1803 = vector.broadcast %shift_right_arithmetic3A_1802 : i32 to vector<16xi32>
    %shift_right_arithmetic3A_1804 = arith.shrsi %bitcast_convert_type3A_1801, %shift_right_arithmetic3A_1803 : vector<16xi32>
    %and3A_1805 = arith.constant 255 : i32
    %and3A_1806 = vector.broadcast %and3A_1805 : i32 to vector<16xi32>
    %and3A_1807 = arith.andi %shift_right_arithmetic3A_1804, %and3A_1806 : vector<16xi32>
    %sub3A_1808 = arith.constant 127 : i32
    %sub3A_1809 = vector.broadcast %sub3A_1808 : i32 to vector<16xi32>
    %sub3A_1810 = arith.subi %and3A_1807, %sub3A_1809 : vector<16xi32>
    %and3A_1811 = arith.constant 8388607 : i32
    %and3A_1812 = vector.broadcast %and3A_1811 : i32 to vector<16xi32>
    %and3A_1813 = arith.andi %bitcast_convert_type3A_1801, %and3A_1812 : vector<16xi32>
    %or3A_1814 = arith.constant 1065353216 : i32
    %or3A_1815 = vector.broadcast %or3A_1814 : i32 to vector<16xi32>
    %or3A_1816 = arith.ori %and3A_1813, %or3A_1815 : vector<16xi32>
    %bitcast_convert_type3A_1817 = tpu.bitcast %or3A_1816 : vector<16xi32> -> vector<16xf32>
    %sub3A_1818 = arith.constant 1.000000e+00 : f32
    %sub3A_1819 = vector.broadcast %sub3A_1818 : f32 to vector<16xf32>
    %sub3A_1820 = arith.subf %bitcast_convert_type3A_1817, %sub3A_1819 : vector<16xf32>
    %broadcast_in_dim3A_1821 = arith.constant 0.0147788934 : f32
    %broadcast_in_dim3A_1822 = vector.broadcast %broadcast_in_dim3A_1821 : f32 to vector<16xf32>
    %mul3A_1823 = arith.mulf %broadcast_in_dim3A_1822, %sub3A_1820 : vector<16xf32>
    %add3A_1824 = arith.constant -0.0768496171 : f32
    %add3A_1825 = vector.broadcast %add3A_1824 : f32 to vector<16xf32>
    %add3A_1826 = arith.addf %mul3A_1823, %add3A_1825 : vector<16xf32>
    %mul3A_1827 = arith.mulf %add3A_1826, %sub3A_1820 : vector<16xf32>
    %add3A_1828 = arith.constant 0.19042252 : f32
    %add3A_1829 = vector.broadcast %add3A_1828 : f32 to vector<16xf32>
    %add3A_1830 = arith.addf %mul3A_1827, %add3A_1829 : vector<16xf32>
    %mul3A_1831 = arith.mulf %add3A_1830, %sub3A_1820 : vector<16xf32>
    %add3A_1832 = arith.constant -0.323117495 : f32
    %add3A_1833 = vector.broadcast %add3A_1832 : f32 to vector<16xf32>
    %add3A_1834 = arith.addf %mul3A_1831, %add3A_1833 : vector<16xf32>
    %mul3A_1835 = arith.mulf %add3A_1834, %sub3A_1820 : vector<16xf32>
    %add3A_1836 = arith.constant 0.472500294 : f32
    %add3A_1837 = vector.broadcast %add3A_1836 : f32 to vector<16xf32>
    %add3A_1838 = arith.addf %mul3A_1835, %add3A_1837 : vector<16xf32>
    %mul3A_1839 = arith.mulf %add3A_1838, %sub3A_1820 : vector<16xf32>
    %add3A_1840 = arith.constant -0.720386803 : f32
    %add3A_1841 = vector.broadcast %add3A_1840 : f32 to vector<16xf32>
    %add3A_1842 = arith.addf %mul3A_1839, %add3A_1841 : vector<16xf32>
    %mul3A_1843 = arith.mulf %add3A_1842, %sub3A_1820 : vector<16xf32>
    %add3A_1844 = arith.constant 1.44265211 : f32
    %add3A_1845 = vector.broadcast %add3A_1844 : f32 to vector<16xf32>
    %add3A_1846 = arith.addf %mul3A_1843, %add3A_1845 : vector<16xf32>
    %mul3A_1847 = arith.mulf %add3A_1846, %sub3A_1820 : vector<16xf32>
    %add3A_1848 = arith.constant 3.19128787E-7 : f32
    %add3A_1849 = vector.broadcast %add3A_1848 : f32 to vector<16xf32>
    %add3A_1850 = arith.addf %mul3A_1847, %add3A_1849 : vector<16xf32>
    %convert_element_type3A_1851 = arith.sitofp %sub3A_1810 : vector<16xi32> to vector<16xf32>
    %add3A_1852 = arith.addf %convert_element_type3A_1851, %add3A_1850 : vector<16xf32>
    %mul3A_1853 = arith.constant 0.693147182 : f32
    %mul3A_1854 = vector.broadcast %mul3A_1853 : f32 to vector<16xf32>
    %mul3A_1855 = arith.mulf %mul3A_1854, %add3A_1852 : vector<16xf32>
    %sub3A_1856 = arith.subf %mul3A_1855, %gather3A_1800 : vector<16xf32>
    %add3A_1857 = arith.addf %add3A_1787, %sub3A_1856 : vector<16xf32>
    %get3A_1858 = arith.constant 2 : i32
    %get3A_1859 = arith.index_cast %get3A_1858 : i32 to index
    %get3A_1860 = arith.constant 48 : index
    %get3A_1861 = tpu.vector_load %arg6[%get3A_1859, %get3A_1860] {strides = array<i32>} : memref<4x128xi32, #tpu.memory_space<vmem>>, vector<16xi32>,
    %add3A_1862 = arith.constant 48 : i32
    %add3A_1863 = vector.broadcast %add3A_1862 : i32 to vector<16xi32>
    %add3A_1864 = arith.addi %iota3A, %add3A_1863 : vector<16xi32>
    %gather3A_1865 = arith.constant 2 : i32
    %gather3A_1866 = arith.constant 0 : i32
    %gather3A_1867 = arith.constant 0 : i32
    %gather3A_1868 = tpu.memref_slice %arg5[%gather3A_1865, %gather3A_1866, %gather3A_1867] : memref<3x256x128xf32, #tpu.memory_space<vmem>> -> memref<1x256x128xf32, #tpu.memory_space<vmem>>
    %gather3A_1869 = tpu.memref_squeeze %gather3A_1868 : memref<1x256x128xf32, #tpu.memory_space<vmem>> -> memref<256x128xf32, #tpu.memory_space<vmem>>
    %gather3A_1870 = tpu.vector_load_idx %gather3A_1869[%get3A_1861, %add3A_1864] : memref<256x128xf32, #tpu.memory_space<vmem>>[vector<16xi32>, vector<16xi32>], vector<16xf32>,
    %bitcast_convert_type3A_1871 = tpu.bitcast %scan3A_1646#3 : vector<16xf32> -> vector<16xi32>
    %shift_right_arithmetic3A_1872 = arith.constant 23 : i32
    %shift_right_arithmetic3A_1873 = vector.broadcast %shift_right_arithmetic3A_1872 : i32 to vector<16xi32>
    %shift_right_arithmetic3A_1874 = arith.shrsi %bitcast_convert_type3A_1871, %shift_right_arithmetic3A_1873 : vector<16xi32>
    %and3A_1875 = arith.constant 255 : i32
    %and3A_1876 = vector.broadcast %and3A_1875 : i32 to vector<16xi32>
    %and3A_1877 = arith.andi %shift_right_arithmetic3A_1874, %and3A_1876 : vector<16xi32>
    %sub3A_1878 = arith.constant 127 : i32
    %sub3A_1879 = vector.broadcast %sub3A_1878 : i32 to vector<16xi32>
    %sub3A_1880 = arith.subi %and3A_1877, %sub3A_1879 : vector<16xi32>
    %and3A_1881 = arith.constant 8388607 : i32
    %and3A_1882 = vector.broadcast %and3A_1881 : i32 to vector<16xi32>
    %and3A_1883 = arith.andi %bitcast_convert_type3A_1871, %and3A_1882 : vector<16xi32>
    %or3A_1884 = arith.constant 1065353216 : i32
    %or3A_1885 = vector.broadcast %or3A_1884 : i32 to vector<16xi32>
    %or3A_1886 = arith.ori %and3A_1883, %or3A_1885 : vector<16xi32>
    %bitcast_convert_type3A_1887 = tpu.bitcast %or3A_1886 : vector<16xi32> -> vector<16xf32>
    %sub3A_1888 = arith.constant 1.000000e+00 : f32
    %sub3A_1889 = vector.broadcast %sub3A_1888 : f32 to vector<16xf32>
    %sub3A_1890 = arith.subf %bitcast_convert_type3A_1887, %sub3A_1889 : vector<16xf32>
    %broadcast_in_dim3A_1891 = arith.constant 0.0147788934 : f32
    %broadcast_in_dim3A_1892 = vector.broadcast %broadcast_in_dim3A_1891 : f32 to vector<16xf32>
    %mul3A_1893 = arith.mulf %broadcast_in_dim3A_1892, %sub3A_1890 : vector<16xf32>
    %add3A_1894 = arith.constant -0.0768496171 : f32
    %add3A_1895 = vector.broadcast %add3A_1894 : f32 to vector<16xf32>
    %add3A_1896 = arith.addf %mul3A_1893, %add3A_1895 : vector<16xf32>
    %mul3A_1897 = arith.mulf %add3A_1896, %sub3A_1890 : vector<16xf32>
    %add3A_1898 = arith.constant 0.19042252 : f32
    %add3A_1899 = vector.broadcast %add3A_1898 : f32 to vector<16xf32>
    %add3A_1900 = arith.addf %mul3A_1897, %add3A_1899 : vector<16xf32>
    %mul3A_1901 = arith.mulf %add3A_1900, %sub3A_1890 : vector<16xf32>
    %add3A_1902 = arith.constant -0.323117495 : f32
    %add3A_1903 = vector.broadcast %add3A_1902 : f32 to vector<16xf32>
    %add3A_1904 = arith.addf %mul3A_1901, %add3A_1903 : vector<16xf32>
    %mul3A_1905 = arith.mulf %add3A_1904, %sub3A_1890 : vector<16xf32>
    %add3A_1906 = arith.constant 0.472500294 : f32
    %add3A_1907 = vector.broadcast %add3A_1906 : f32 to vector<16xf32>
    %add3A_1908 = arith.addf %mul3A_1905, %add3A_1907 : vector<16xf32>
    %mul3A_1909 = arith.mulf %add3A_1908, %sub3A_1890 : vector<16xf32>
    %add3A_1910 = arith.constant -0.720386803 : f32
    %add3A_1911 = vector.broadcast %add3A_1910 : f32 to vector<16xf32>
    %add3A_1912 = arith.addf %mul3A_1909, %add3A_1911 : vector<16xf32>
    %mul3A_1913 = arith.mulf %add3A_1912, %sub3A_1890 : vector<16xf32>
    %add3A_1914 = arith.constant 1.44265211 : f32
    %add3A_1915 = vector.broadcast %add3A_1914 : f32 to vector<16xf32>
    %add3A_1916 = arith.addf %mul3A_1913, %add3A_1915 : vector<16xf32>
    %mul3A_1917 = arith.mulf %add3A_1916, %sub3A_1890 : vector<16xf32>
    %add3A_1918 = arith.constant 3.19128787E-7 : f32
    %add3A_1919 = vector.broadcast %add3A_1918 : f32 to vector<16xf32>
    %add3A_1920 = arith.addf %mul3A_1917, %add3A_1919 : vector<16xf32>
    %convert_element_type3A_1921 = arith.sitofp %sub3A_1880 : vector<16xi32> to vector<16xf32>
    %add3A_1922 = arith.addf %convert_element_type3A_1921, %add3A_1920 : vector<16xf32>
    %mul3A_1923 = arith.constant 0.693147182 : f32
    %mul3A_1924 = vector.broadcast %mul3A_1923 : f32 to vector<16xf32>
    %mul3A_1925 = arith.mulf %mul3A_1924, %add3A_1922 : vector<16xf32>
    %sub3A_1926 = arith.subf %mul3A_1925, %gather3A_1870 : vector<16xf32>
    %add3A_1927 = arith.addf %add3A_1857, %sub3A_1926 : vector<16xf32>
    %get3A_1928 = arith.constant 2 : i32
    %get3A_1929 = arith.index_cast %get3A_1928 : i32 to index
    %get3A_1930 = arith.constant 64 : index
    %get3A_1931 = tpu.vector_load %arg6[%get3A_1929, %get3A_1930] {strides = array<i32>} : memref<4x128xi32, #tpu.memory_space<vmem>>, vector<16xi32>,
    %add3A_1932 = arith.constant 64 : i32
    %add3A_1933 = vector.broadcast %add3A_1932 : i32 to vector<16xi32>
    %add3A_1934 = arith.addi %iota3A, %add3A_1933 : vector<16xi32>
    %gather3A_1935 = arith.constant 2 : i32
    %gather3A_1936 = arith.constant 0 : i32
    %gather3A_1937 = arith.constant 0 : i32
    %gather3A_1938 = tpu.memref_slice %arg5[%gather3A_1935, %gather3A_1936, %gather3A_1937] : memref<3x256x128xf32, #tpu.memory_space<vmem>> -> memref<1x256x128xf32, #tpu.memory_space<vmem>>
    %gather3A_1939 = tpu.memref_squeeze %gather3A_1938 : memref<1x256x128xf32, #tpu.memory_space<vmem>> -> memref<256x128xf32, #tpu.memory_space<vmem>>
    %gather3A_1940 = tpu.vector_load_idx %gather3A_1939[%get3A_1931, %add3A_1934] : memref<256x128xf32, #tpu.memory_space<vmem>>[vector<16xi32>, vector<16xi32>], vector<16xf32>,
    %bitcast_convert_type3A_1941 = tpu.bitcast %scan3A_1646#4 : vector<16xf32> -> vector<16xi32>
    %shift_right_arithmetic3A_1942 = arith.constant 23 : i32
    %shift_right_arithmetic3A_1943 = vector.broadcast %shift_right_arithmetic3A_1942 : i32 to vector<16xi32>
    %shift_right_arithmetic3A_1944 = arith.shrsi %bitcast_convert_type3A_1941, %shift_right_arithmetic3A_1943 : vector<16xi32>
    %and3A_1945 = arith.constant 255 : i32
    %and3A_1946 = vector.broadcast %and3A_1945 : i32 to vector<16xi32>
    %and3A_1947 = arith.andi %shift_right_arithmetic3A_1944, %and3A_1946 : vector<16xi32>
    %sub3A_1948 = arith.constant 127 : i32
    %sub3A_1949 = vector.broadcast %sub3A_1948 : i32 to vector<16xi32>
    %sub3A_1950 = arith.subi %and3A_1947, %sub3A_1949 : vector<16xi32>
    %and3A_1951 = arith.constant 8388607 : i32
    %and3A_1952 = vector.broadcast %and3A_1951 : i32 to vector<16xi32>
    %and3A_1953 = arith.andi %bitcast_convert_type3A_1941, %and3A_1952 : vector<16xi32>
    %or3A_1954 = arith.constant 1065353216 : i32
    %or3A_1955 = vector.broadcast %or3A_1954 : i32 to vector<16xi32>
    %or3A_1956 = arith.ori %and3A_1953, %or3A_1955 : vector<16xi32>
    %bitcast_convert_type3A_1957 = tpu.bitcast %or3A_1956 : vector<16xi32> -> vector<16xf32>
    %sub3A_1958 = arith.constant 1.000000e+00 : f32
    %sub3A_1959 = vector.broadcast %sub3A_1958 : f32 to vector<16xf32>
    %sub3A_1960 = arith.subf %bitcast_convert_type3A_1957, %sub3A_1959 : vector<16xf32>
    %broadcast_in_dim3A_1961 = arith.constant 0.0147788934 : f32
    %broadcast_in_dim3A_1962 = vector.broadcast %broadcast_in_dim3A_1961 : f32 to vector<16xf32>
    %mul3A_1963 = arith.mulf %broadcast_in_dim3A_1962, %sub3A_1960 : vector<16xf32>
    %add3A_1964 = arith.constant -0.0768496171 : f32
    %add3A_1965 = vector.broadcast %add3A_1964 : f32 to vector<16xf32>
    %add3A_1966 = arith.addf %mul3A_1963, %add3A_1965 : vector<16xf32>
    %mul3A_1967 = arith.mulf %add3A_1966, %sub3A_1960 : vector<16xf32>
    %add3A_1968 = arith.constant 0.19042252 : f32
    %add3A_1969 = vector.broadcast %add3A_1968 : f32 to vector<16xf32>
    %add3A_1970 = arith.addf %mul3A_1967, %add3A_1969 : vector<16xf32>
    %mul3A_1971 = arith.mulf %add3A_1970, %sub3A_1960 : vector<16xf32>
    %add3A_1972 = arith.constant -0.323117495 : f32
    %add3A_1973 = vector.broadcast %add3A_1972 : f32 to vector<16xf32>
    %add3A_1974 = arith.addf %mul3A_1971, %add3A_1973 : vector<16xf32>
    %mul3A_1975 = arith.mulf %add3A_1974, %sub3A_1960 : vector<16xf32>
    %add3A_1976 = arith.constant 0.472500294 : f32
    %add3A_1977 = vector.broadcast %add3A_1976 : f32 to vector<16xf32>
    %add3A_1978 = arith.addf %mul3A_1975, %add3A_1977 : vector<16xf32>
    %mul3A_1979 = arith.mulf %add3A_1978, %sub3A_1960 : vector<16xf32>
    %add3A_1980 = arith.constant -0.720386803 : f32
    %add3A_1981 = vector.broadcast %add3A_1980 : f32 to vector<16xf32>
    %add3A_1982 = arith.addf %mul3A_1979, %add3A_1981 : vector<16xf32>
    %mul3A_1983 = arith.mulf %add3A_1982, %sub3A_1960 : vector<16xf32>
    %add3A_1984 = arith.constant 1.44265211 : f32
    %add3A_1985 = vector.broadcast %add3A_1984 : f32 to vector<16xf32>
    %add3A_1986 = arith.addf %mul3A_1983, %add3A_1985 : vector<16xf32>
    %mul3A_1987 = arith.mulf %add3A_1986, %sub3A_1960 : vector<16xf32>
    %add3A_1988 = arith.constant 3.19128787E-7 : f32
    %add3A_1989 = vector.broadcast %add3A_1988 : f32 to vector<16xf32>
    %add3A_1990 = arith.addf %mul3A_1987, %add3A_1989 : vector<16xf32>
    %convert_element_type3A_1991 = arith.sitofp %sub3A_1950 : vector<16xi32> to vector<16xf32>
    %add3A_1992 = arith.addf %convert_element_type3A_1991, %add3A_1990 : vector<16xf32>
    %mul3A_1993 = arith.constant 0.693147182 : f32
    %mul3A_1994 = vector.broadcast %mul3A_1993 : f32 to vector<16xf32>
    %mul3A_1995 = arith.mulf %mul3A_1994, %add3A_1992 : vector<16xf32>
    %sub3A_1996 = arith.subf %mul3A_1995, %gather3A_1940 : vector<16xf32>
    %add3A_1997 = arith.addf %add3A_1927, %sub3A_1996 : vector<16xf32>
    %get3A_1998 = arith.constant 2 : i32
    %get3A_1999 = arith.index_cast %get3A_1998 : i32 to index
    %get3A_2000 = arith.constant 80 : index
    %get3A_2001 = tpu.vector_load %arg6[%get3A_1999, %get3A_2000] {strides = array<i32>} : memref<4x128xi32, #tpu.memory_space<vmem>>, vector<16xi32>,
    %add3A_2002 = arith.constant 80 : i32
    %add3A_2003 = vector.broadcast %add3A_2002 : i32 to vector<16xi32>
    %add3A_2004 = arith.addi %iota3A, %add3A_2003 : vector<16xi32>
    %gather3A_2005 = arith.constant 2 : i32
    %gather3A_2006 = arith.constant 0 : i32
    %gather3A_2007 = arith.constant 0 : i32
    %gather3A_2008 = tpu.memref_slice %arg5[%gather3A_2005, %gather3A_2006, %gather3A_2007] : memref<3x256x128xf32, #tpu.memory_space<vmem>> -> memref<1x256x128xf32, #tpu.memory_space<vmem>>
    %gather3A_2009 = tpu.memref_squeeze %gather3A_2008 : memref<1x256x128xf32, #tpu.memory_space<vmem>> -> memref<256x128xf32, #tpu.memory_space<vmem>>
    %gather3A_2010 = tpu.vector_load_idx %gather3A_2009[%get3A_2001, %add3A_2004] : memref<256x128xf32, #tpu.memory_space<vmem>>[vector<16xi32>, vector<16xi32>], vector<16xf32>,
    %bitcast_convert_type3A_2011 = tpu.bitcast %scan3A_1646#5 : vector<16xf32> -> vector<16xi32>
    %shift_right_arithmetic3A_2012 = arith.constant 23 : i32
    %shift_right_arithmetic3A_2013 = vector.broadcast %shift_right_arithmetic3A_2012 : i32 to vector<16xi32>
    %shift_right_arithmetic3A_2014 = arith.shrsi %bitcast_convert_type3A_2011, %shift_right_arithmetic3A_2013 : vector<16xi32>
    %and3A_2015 = arith.constant 255 : i32
    %and3A_2016 = vector.broadcast %and3A_2015 : i32 to vector<16xi32>
    %and3A_2017 = arith.andi %shift_right_arithmetic3A_2014, %and3A_2016 : vector<16xi32>
    %sub3A_2018 = arith.constant 127 : i32
    %sub3A_2019 = vector.broadcast %sub3A_2018 : i32 to vector<16xi32>
    %sub3A_2020 = arith.subi %and3A_2017, %sub3A_2019 : vector<16xi32>
    %and3A_2021 = arith.constant 8388607 : i32
    %and3A_2022 = vector.broadcast %and3A_2021 : i32 to vector<16xi32>
    %and3A_2023 = arith.andi %bitcast_convert_type3A_2011, %and3A_2022 : vector<16xi32>
    %or3A_2024 = arith.constant 1065353216 : i32
    %or3A_2025 = vector.broadcast %or3A_2024 : i32 to vector<16xi32>
    %or3A_2026 = arith.ori %and3A_2023, %or3A_2025 : vector<16xi32>
    %bitcast_convert_type3A_2027 = tpu.bitcast %or3A_2026 : vector<16xi32> -> vector<16xf32>
    %sub3A_2028 = arith.constant 1.000000e+00 : f32
    %sub3A_2029 = vector.broadcast %sub3A_2028 : f32 to vector<16xf32>
    %sub3A_2030 = arith.subf %bitcast_convert_type3A_2027, %sub3A_2029 : vector<16xf32>
    %broadcast_in_dim3A_2031 = arith.constant 0.0147788934 : f32
    %broadcast_in_dim3A_2032 = vector.broadcast %broadcast_in_dim3A_2031 : f32 to vector<16xf32>
    %mul3A_2033 = arith.mulf %broadcast_in_dim3A_2032, %sub3A_2030 : vector<16xf32>
    %add3A_2034 = arith.constant -0.0768496171 : f32
    %add3A_2035 = vector.broadcast %add3A_2034 : f32 to vector<16xf32>
    %add3A_2036 = arith.addf %mul3A_2033, %add3A_2035 : vector<16xf32>
    %mul3A_2037 = arith.mulf %add3A_2036, %sub3A_2030 : vector<16xf32>
    %add3A_2038 = arith.constant 0.19042252 : f32
    %add3A_2039 = vector.broadcast %add3A_2038 : f32 to vector<16xf32>
    %add3A_2040 = arith.addf %mul3A_2037, %add3A_2039 : vector<16xf32>
    %mul3A_2041 = arith.mulf %add3A_2040, %sub3A_2030 : vector<16xf32>
    %add3A_2042 = arith.constant -0.323117495 : f32
    %add3A_2043 = vector.broadcast %add3A_2042 : f32 to vector<16xf32>
    %add3A_2044 = arith.addf %mul3A_2041, %add3A_2043 : vector<16xf32>
    %mul3A_2045 = arith.mulf %add3A_2044, %sub3A_2030 : vector<16xf32>
    %add3A_2046 = arith.constant 0.472500294 : f32
    %add3A_2047 = vector.broadcast %add3A_2046 : f32 to vector<16xf32>
    %add3A_2048 = arith.addf %mul3A_2045, %add3A_2047 : vector<16xf32>
    %mul3A_2049 = arith.mulf %add3A_2048, %sub3A_2030 : vector<16xf32>
    %add3A_2050 = arith.constant -0.720386803 : f32
    %add3A_2051 = vector.broadcast %add3A_2050 : f32 to vector<16xf32>
    %add3A_2052 = arith.addf %mul3A_2049, %add3A_2051 : vector<16xf32>
    %mul3A_2053 = arith.mulf %add3A_2052, %sub3A_2030 : vector<16xf32>
    %add3A_2054 = arith.constant 1.44265211 : f32
    %add3A_2055 = vector.broadcast %add3A_2054 : f32 to vector<16xf32>
    %add3A_2056 = arith.addf %mul3A_2053, %add3A_2055 : vector<16xf32>
    %mul3A_2057 = arith.mulf %add3A_2056, %sub3A_2030 : vector<16xf32>
    %add3A_2058 = arith.constant 3.19128787E-7 : f32
    %add3A_2059 = vector.broadcast %add3A_2058 : f32 to vector<16xf32>
    %add3A_2060 = arith.addf %mul3A_2057, %add3A_2059 : vector<16xf32>
    %convert_element_type3A_2061 = arith.sitofp %sub3A_2020 : vector<16xi32> to vector<16xf32>
    %add3A_2062 = arith.addf %convert_element_type3A_2061, %add3A_2060 : vector<16xf32>
    %mul3A_2063 = arith.constant 0.693147182 : f32
    %mul3A_2064 = vector.broadcast %mul3A_2063 : f32 to vector<16xf32>
    %mul3A_2065 = arith.mulf %mul3A_2064, %add3A_2062 : vector<16xf32>
    %sub3A_2066 = arith.subf %mul3A_2065, %gather3A_2010 : vector<16xf32>
    %add3A_2067 = arith.addf %add3A_1997, %sub3A_2066 : vector<16xf32>
    %get3A_2068 = arith.constant 2 : i32
    %get3A_2069 = arith.index_cast %get3A_2068 : i32 to index
    %get3A_2070 = arith.constant 96 : index
    %get3A_2071 = tpu.vector_load %arg6[%get3A_2069, %get3A_2070] {strides = array<i32>} : memref<4x128xi32, #tpu.memory_space<vmem>>, vector<16xi32>,
    %add3A_2072 = arith.constant 96 : i32
    %add3A_2073 = vector.broadcast %add3A_2072 : i32 to vector<16xi32>
    %add3A_2074 = arith.addi %iota3A, %add3A_2073 : vector<16xi32>
    %gather3A_2075 = arith.constant 2 : i32
    %gather3A_2076 = arith.constant 0 : i32
    %gather3A_2077 = arith.constant 0 : i32
    %gather3A_2078 = tpu.memref_slice %arg5[%gather3A_2075, %gather3A_2076, %gather3A_2077] : memref<3x256x128xf32, #tpu.memory_space<vmem>> -> memref<1x256x128xf32, #tpu.memory_space<vmem>>
    %gather3A_2079 = tpu.memref_squeeze %gather3A_2078 : memref<1x256x128xf32, #tpu.memory_space<vmem>> -> memref<256x128xf32, #tpu.memory_space<vmem>>
    %gather3A_2080 = tpu.vector_load_idx %gather3A_2079[%get3A_2071, %add3A_2074] : memref<256x128xf32, #tpu.memory_space<vmem>>[vector<16xi32>, vector<16xi32>], vector<16xf32>,
    %bitcast_convert_type3A_2081 = tpu.bitcast %scan3A_1646#6 : vector<16xf32> -> vector<16xi32>
    %shift_right_arithmetic3A_2082 = arith.constant 23 : i32
    %shift_right_arithmetic3A_2083 = vector.broadcast %shift_right_arithmetic3A_2082 : i32 to vector<16xi32>
    %shift_right_arithmetic3A_2084 = arith.shrsi %bitcast_convert_type3A_2081, %shift_right_arithmetic3A_2083 : vector<16xi32>
    %and3A_2085 = arith.constant 255 : i32
    %and3A_2086 = vector.broadcast %and3A_2085 : i32 to vector<16xi32>
    %and3A_2087 = arith.andi %shift_right_arithmetic3A_2084, %and3A_2086 : vector<16xi32>
    %sub3A_2088 = arith.constant 127 : i32
    %sub3A_2089 = vector.broadcast %sub3A_2088 : i32 to vector<16xi32>
    %sub3A_2090 = arith.subi %and3A_2087, %sub3A_2089 : vector<16xi32>
    %and3A_2091 = arith.constant 8388607 : i32
    %and3A_2092 = vector.broadcast %and3A_2091 : i32 to vector<16xi32>
    %and3A_2093 = arith.andi %bitcast_convert_type3A_2081, %and3A_2092 : vector<16xi32>
    %or3A_2094 = arith.constant 1065353216 : i32
    %or3A_2095 = vector.broadcast %or3A_2094 : i32 to vector<16xi32>
    %or3A_2096 = arith.ori %and3A_2093, %or3A_2095 : vector<16xi32>
    %bitcast_convert_type3A_2097 = tpu.bitcast %or3A_2096 : vector<16xi32> -> vector<16xf32>
    %sub3A_2098 = arith.constant 1.000000e+00 : f32
    %sub3A_2099 = vector.broadcast %sub3A_2098 : f32 to vector<16xf32>
    %sub3A_2100 = arith.subf %bitcast_convert_type3A_2097, %sub3A_2099 : vector<16xf32>
    %broadcast_in_dim3A_2101 = arith.constant 0.0147788934 : f32
    %broadcast_in_dim3A_2102 = vector.broadcast %broadcast_in_dim3A_2101 : f32 to vector<16xf32>
    %mul3A_2103 = arith.mulf %broadcast_in_dim3A_2102, %sub3A_2100 : vector<16xf32>
    %add3A_2104 = arith.constant -0.0768496171 : f32
    %add3A_2105 = vector.broadcast %add3A_2104 : f32 to vector<16xf32>
    %add3A_2106 = arith.addf %mul3A_2103, %add3A_2105 : vector<16xf32>
    %mul3A_2107 = arith.mulf %add3A_2106, %sub3A_2100 : vector<16xf32>
    %add3A_2108 = arith.constant 0.19042252 : f32
    %add3A_2109 = vector.broadcast %add3A_2108 : f32 to vector<16xf32>
    %add3A_2110 = arith.addf %mul3A_2107, %add3A_2109 : vector<16xf32>
    %mul3A_2111 = arith.mulf %add3A_2110, %sub3A_2100 : vector<16xf32>
    %add3A_2112 = arith.constant -0.323117495 : f32
    %add3A_2113 = vector.broadcast %add3A_2112 : f32 to vector<16xf32>
    %add3A_2114 = arith.addf %mul3A_2111, %add3A_2113 : vector<16xf32>
    %mul3A_2115 = arith.mulf %add3A_2114, %sub3A_2100 : vector<16xf32>
    %add3A_2116 = arith.constant 0.472500294 : f32
    %add3A_2117 = vector.broadcast %add3A_2116 : f32 to vector<16xf32>
    %add3A_2118 = arith.addf %mul3A_2115, %add3A_2117 : vector<16xf32>
    %mul3A_2119 = arith.mulf %add3A_2118, %sub3A_2100 : vector<16xf32>
    %add3A_2120 = arith.constant -0.720386803 : f32
    %add3A_2121 = vector.broadcast %add3A_2120 : f32 to vector<16xf32>
    %add3A_2122 = arith.addf %mul3A_2119, %add3A_2121 : vector<16xf32>
    %mul3A_2123 = arith.mulf %add3A_2122, %sub3A_2100 : vector<16xf32>
    %add3A_2124 = arith.constant 1.44265211 : f32
    %add3A_2125 = vector.broadcast %add3A_2124 : f32 to vector<16xf32>
    %add3A_2126 = arith.addf %mul3A_2123, %add3A_2125 : vector<16xf32>
    %mul3A_2127 = arith.mulf %add3A_2126, %sub3A_2100 : vector<16xf32>
    %add3A_2128 = arith.constant 3.19128787E-7 : f32
    %add3A_2129 = vector.broadcast %add3A_2128 : f32 to vector<16xf32>
    %add3A_2130 = arith.addf %mul3A_2127, %add3A_2129 : vector<16xf32>
    %convert_element_type3A_2131 = arith.sitofp %sub3A_2090 : vector<16xi32> to vector<16xf32>
    %add3A_2132 = arith.addf %convert_element_type3A_2131, %add3A_2130 : vector<16xf32>
    %mul3A_2133 = arith.constant 0.693147182 : f32
    %mul3A_2134 = vector.broadcast %mul3A_2133 : f32 to vector<16xf32>
    %mul3A_2135 = arith.mulf %mul3A_2134, %add3A_2132 : vector<16xf32>
    %sub3A_2136 = arith.subf %mul3A_2135, %gather3A_2080 : vector<16xf32>
    %add3A_2137 = arith.addf %add3A_2067, %sub3A_2136 : vector<16xf32>
    %get3A_2138 = arith.constant 2 : i32
    %get3A_2139 = arith.index_cast %get3A_2138 : i32 to index
    %get3A_2140 = arith.constant 112 : index
    %get3A_2141 = tpu.vector_load %arg6[%get3A_2139, %get3A_2140] {strides = array<i32>} : memref<4x128xi32, #tpu.memory_space<vmem>>, vector<16xi32>,
    %add3A_2142 = arith.constant 112 : i32
    %add3A_2143 = vector.broadcast %add3A_2142 : i32 to vector<16xi32>
    %add3A_2144 = arith.addi %iota3A, %add3A_2143 : vector<16xi32>
    %gather3A_2145 = arith.constant 2 : i32
    %gather3A_2146 = arith.constant 0 : i32
    %gather3A_2147 = arith.constant 0 : i32
    %gather3A_2148 = tpu.memref_slice %arg5[%gather3A_2145, %gather3A_2146, %gather3A_2147] : memref<3x256x128xf32, #tpu.memory_space<vmem>> -> memref<1x256x128xf32, #tpu.memory_space<vmem>>
    %gather3A_2149 = tpu.memref_squeeze %gather3A_2148 : memref<1x256x128xf32, #tpu.memory_space<vmem>> -> memref<256x128xf32, #tpu.memory_space<vmem>>
    %gather3A_2150 = tpu.vector_load_idx %gather3A_2149[%get3A_2141, %add3A_2144] : memref<256x128xf32, #tpu.memory_space<vmem>>[vector<16xi32>, vector<16xi32>], vector<16xf32>,
    %bitcast_convert_type3A_2151 = tpu.bitcast %scan3A_1646#7 : vector<16xf32> -> vector<16xi32>
    %shift_right_arithmetic3A_2152 = arith.constant 23 : i32
    %shift_right_arithmetic3A_2153 = vector.broadcast %shift_right_arithmetic3A_2152 : i32 to vector<16xi32>
    %shift_right_arithmetic3A_2154 = arith.shrsi %bitcast_convert_type3A_2151, %shift_right_arithmetic3A_2153 : vector<16xi32>
    %and3A_2155 = arith.constant 255 : i32
    %and3A_2156 = vector.broadcast %and3A_2155 : i32 to vector<16xi32>
    %and3A_2157 = arith.andi %shift_right_arithmetic3A_2154, %and3A_2156 : vector<16xi32>
    %sub3A_2158 = arith.constant 127 : i32
    %sub3A_2159 = vector.broadcast %sub3A_2158 : i32 to vector<16xi32>
    %sub3A_2160 = arith.subi %and3A_2157, %sub3A_2159 : vector<16xi32>
    %and3A_2161 = arith.constant 8388607 : i32
    %and3A_2162 = vector.broadcast %and3A_2161 : i32 to vector<16xi32>
    %and3A_2163 = arith.andi %bitcast_convert_type3A_2151, %and3A_2162 : vector<16xi32>
    %or3A_2164 = arith.constant 1065353216 : i32
    %or3A_2165 = vector.broadcast %or3A_2164 : i32 to vector<16xi32>
    %or3A_2166 = arith.ori %and3A_2163, %or3A_2165 : vector<16xi32>
    %bitcast_convert_type3A_2167 = tpu.bitcast %or3A_2166 : vector<16xi32> -> vector<16xf32>
    %sub3A_2168 = arith.constant 1.000000e+00 : f32
    %sub3A_2169 = vector.broadcast %sub3A_2168 : f32 to vector<16xf32>
    %sub3A_2170 = arith.subf %bitcast_convert_type3A_2167, %sub3A_2169 : vector<16xf32>
    %broadcast_in_dim3A_2171 = arith.constant 0.0147788934 : f32
    %broadcast_in_dim3A_2172 = vector.broadcast %broadcast_in_dim3A_2171 : f32 to vector<16xf32>
    %mul3A_2173 = arith.mulf %broadcast_in_dim3A_2172, %sub3A_2170 : vector<16xf32>
    %add3A_2174 = arith.constant -0.0768496171 : f32
    %add3A_2175 = vector.broadcast %add3A_2174 : f32 to vector<16xf32>
    %add3A_2176 = arith.addf %mul3A_2173, %add3A_2175 : vector<16xf32>
    %mul3A_2177 = arith.mulf %add3A_2176, %sub3A_2170 : vector<16xf32>
    %add3A_2178 = arith.constant 0.19042252 : f32
    %add3A_2179 = vector.broadcast %add3A_2178 : f32 to vector<16xf32>
    %add3A_2180 = arith.addf %mul3A_2177, %add3A_2179 : vector<16xf32>
    %mul3A_2181 = arith.mulf %add3A_2180, %sub3A_2170 : vector<16xf32>
    %add3A_2182 = arith.constant -0.323117495 : f32
    %add3A_2183 = vector.broadcast %add3A_2182 : f32 to vector<16xf32>
    %add3A_2184 = arith.addf %mul3A_2181, %add3A_2183 : vector<16xf32>
    %mul3A_2185 = arith.mulf %add3A_2184, %sub3A_2170 : vector<16xf32>
    %add3A_2186 = arith.constant 0.472500294 : f32
    %add3A_2187 = vector.broadcast %add3A_2186 : f32 to vector<16xf32>
    %add3A_2188 = arith.addf %mul3A_2185, %add3A_2187 : vector<16xf32>
    %mul3A_2189 = arith.mulf %add3A_2188, %sub3A_2170 : vector<16xf32>
    %add3A_2190 = arith.constant -0.720386803 : f32
    %add3A_2191 = vector.broadcast %add3A_2190 : f32 to vector<16xf32>
    %add3A_2192 = arith.addf %mul3A_2189, %add3A_2191 : vector<16xf32>
    %mul3A_2193 = arith.mulf %add3A_2192, %sub3A_2170 : vector<16xf32>
    %add3A_2194 = arith.constant 1.44265211 : f32
    %add3A_2195 = vector.broadcast %add3A_2194 : f32 to vector<16xf32>
    %add3A_2196 = arith.addf %mul3A_2193, %add3A_2195 : vector<16xf32>
    %mul3A_2197 = arith.mulf %add3A_2196, %sub3A_2170 : vector<16xf32>
    %add3A_2198 = arith.constant 3.19128787E-7 : f32
    %add3A_2199 = vector.broadcast %add3A_2198 : f32 to vector<16xf32>
    %add3A_2200 = arith.addf %mul3A_2197, %add3A_2199 : vector<16xf32>
    %convert_element_type3A_2201 = arith.sitofp %sub3A_2160 : vector<16xi32> to vector<16xf32>
    %add3A_2202 = arith.addf %convert_element_type3A_2201, %add3A_2200 : vector<16xf32>
    %mul3A_2203 = arith.constant 0.693147182 : f32
    %mul3A_2204 = vector.broadcast %mul3A_2203 : f32 to vector<16xf32>
    %mul3A_2205 = arith.mulf %mul3A_2204, %add3A_2202 : vector<16xf32>
    %sub3A_2206 = arith.subf %mul3A_2205, %gather3A_2150 : vector<16xf32>
    %add3A_2207 = arith.addf %add3A_2137, %sub3A_2206 : vector<16xf32>
    %dma_wait3A_2208 = arith.constant 0 : i32
    %dma_wait3A_2209 = arith.constant 0 : i32
    %dma_wait3A_2210 = arith.constant 0 : i32
    %dma_wait3A_2211 = tpu.memref_slice %arg5[%dma_wait3A_2208, %dma_wait3A_2209, %dma_wait3A_2210] : memref<3x256x128xf32, #tpu.memory_space<vmem>> -> memref<1x256x128xf32, #tpu.memory_space<vmem>>
    %dma_wait3A_2212 = tpu.memref_squeeze %dma_wait3A_2211 : memref<1x256x128xf32, #tpu.memory_space<vmem>> -> memref<256x128xf32, #tpu.memory_space<vmem>>
    %dma_wait3A_2213 = arith.constant 0 : i32
    %dma_wait3A_2214 = tpu.memref_slice %arg2[%select_n3A_993, %dma_wait3A_2213, %mul3A_1011] : memref<8x256x2048xf32, #tpu.memory_space<hbm>> -> memref<1x256x128xf32, #tpu.memory_space<hbm>>
    %dma_wait3A_2215 = tpu.memref_squeeze %dma_wait3A_2214 : memref<1x256x128xf32, #tpu.memory_space<hbm>> -> memref<256x128xf32, #tpu.memory_space<hbm>>
    %dma_wait3A_2216 = arith.constant 0 : i32
    %dma_wait3A_2217 = arith.constant 0 : i32
    %dma_wait3A_2218 = tpu.memref_slice %arg5[%dma_wait3A_2208, %dma_wait3A_2216, %dma_wait3A_2217] : memref<3x256x128xf32, #tpu.memory_space<vmem>> -> memref<1x256x128xf32, #tpu.memory_space<vmem>>
    %dma_wait3A_2219 = tpu.memref_squeeze %dma_wait3A_2218 : memref<1x256x128xf32, #tpu.memory_space<vmem>> -> memref<256x128xf32, #tpu.memory_space<vmem>>
    %dma_wait3A_2220 = arith.constant 0 : i32
    %dma_wait3A_2221 = tpu.memref_slice %arg2[%select_n3A_993, %dma_wait3A_2220, %mul3A_1011] : memref<8x256x2048xf32, #tpu.memory_space<hbm>> -> memref<1x256x128xf32, #tpu.memory_space<hbm>>
    %dma_wait3A_2222 = tpu.memref_squeeze %dma_wait3A_2221 : memref<1x256x128xf32, #tpu.memory_space<hbm>> -> memref<256x128xf32, #tpu.memory_space<hbm>>
    tpu.wait_dma2 semaphore(%arg8 : memref<!tpu.dma_semaphore, #tpu.memory_space<semaphore_mem>>) src(%dma_wait3A_2222 : memref<256x128xf32, #tpu.memory_space<hbm>>) dst(%dma_wait3A_2219 : memref<256x128xf32, #tpu.memory_space<vmem>>)
    %broadcast_in_dim3A_2223 = arith.constant 0.000000e+00 : f32
    %broadcast_in_dim3A_2224 = vector.broadcast %broadcast_in_dim3A_2223 : f32 to vector<16xf32>
    %broadcast_in_dim3A_2225 = arith.constant 0.000000e+00 : f32
    %broadcast_in_dim3A_2226 = vector.broadcast %broadcast_in_dim3A_2225 : f32 to vector<16xf32>
    %broadcast_in_dim3A_2227 = arith.constant 0.000000e+00 : f32
    %broadcast_in_dim3A_2228 = vector.broadcast %broadcast_in_dim3A_2227 : f32 to vector<16xf32>
    %broadcast_in_dim3A_2229 = arith.constant 0.000000e+00 : f32
    %broadcast_in_dim3A_2230 = vector.broadcast %broadcast_in_dim3A_2229 : f32 to vector<16xf32>
    %broadcast_in_dim3A_2231 = arith.constant 0.000000e+00 : f32
    %broadcast_in_dim3A_2232 = vector.broadcast %broadcast_in_dim3A_2231 : f32 to vector<16xf32>
    %broadcast_in_dim3A_2233 = arith.constant 0.000000e+00 : f32
    %broadcast_in_dim3A_2234 = vector.broadcast %broadcast_in_dim3A_2233 : f32 to vector<16xf32>
    %broadcast_in_dim3A_2235 = arith.constant 0.000000e+00 : f32
    %broadcast_in_dim3A_2236 = vector.broadcast %broadcast_in_dim3A_2235 : f32 to vector<16xf32>
    %broadcast_in_dim3A_2237 = arith.constant 0.000000e+00 : f32
    %broadcast_in_dim3A_2238 = vector.broadcast %broadcast_in_dim3A_2237 : f32 to vector<16xf32>
    %scan3A_2239 = arith.constant 0 : i32
    %scan3A_2240 = arith.constant 0 : i32
    %scan3A_2241 = arith.constant 64 : i32
    %scan3A_2242 = arith.addi %scan3A_2240, %scan3A_2241 : i32
    %scan3A_2243 = arith.constant 1 : i32
    %scan3A_2244:8 = scf.for %scan3A_2809 = %scan3A_2240 to %scan3A_2242 step %scan3A_2243 iter_args(%scan3A_2810 = %broadcast_in_dim3A_2224, %scan3A_2811 = %broadcast_in_dim3A_2226, %scan3A_2812 = %broadcast_in_dim3A_2228, %scan3A_2813 = %broadcast_in_dim3A_2230, %scan3A_2814 = %broadcast_in_dim3A_2232, %scan3A_2815 = %broadcast_in_dim3A_2234, %scan3A_2816 = %broadcast_in_dim3A_2236, %scan3A_2817 = %broadcast_in_dim3A_2238) -> (vector<16xf32>, vector<16xf32>, vector<16xf32>, vector<16xf32>, vector<16xf32>, vector<16xf32>, vector<16xf32>, vector<16xf32>)  : i32 {
      %mul3A_2818 = arith.constant 4 : i32
      %mul3A_2819 = arith.muli %scan3A_2809, %mul3A_2818 : i32
      %add3A_2820 = arith.constant 0 : i32
      %add3A_2821 = arith.addi %mul3A_2819, %add3A_2820 : i32
      %get3A_2822 = arith.constant 0 : i32
      %get3A_2823 = arith.constant 0 : i32
      %get3A_2824 = tpu.memref_slice %arg5[%scan3A_2239, %get3A_2822, %get3A_2823] : memref<3x256x128xf32, #tpu.memory_space<vmem>> -> memref<1x256x128xf32, #tpu.memory_space<vmem>>
      %get3A_2825 = tpu.memref_squeeze %get3A_2824 : memref<1x256x128xf32, #tpu.memory_space<vmem>> -> memref<256x128xf32, #tpu.memory_space<vmem>>
      %get3A_2826 = arith.index_cast %add3A_2821 : i32 to index
      %get3A_2827 = arith.constant 0 : index
      %get3A_2828 = tpu.vector_load %get3A_2825[%get3A_2826, %get3A_2827] {strides = array<i32>} : memref<256x128xf32, #tpu.memory_space<vmem>>, vector<16xf32>,
      %exp3A = math.exp %get3A_2828 : vector<16xf32>
      %add3A_2829 = arith.addf %scan3A_2810, %exp3A : vector<16xf32>
      %get3A_2830 = arith.constant 0 : i32
      %get3A_2831 = arith.constant 0 : i32
      %get3A_2832 = tpu.memref_slice %arg5[%scan3A_2239, %get3A_2830, %get3A_2831] : memref<3x256x128xf32, #tpu.memory_space<vmem>> -> memref<1x256x128xf32, #tpu.memory_space<vmem>>
      %get3A_2833 = tpu.memref_squeeze %get3A_2832 : memref<1x256x128xf32, #tpu.memory_space<vmem>> -> memref<256x128xf32, #tpu.memory_space<vmem>>
      %get3A_2834 = arith.index_cast %add3A_2821 : i32 to index
      %get3A_2835 = arith.constant 16 : index
      %get3A_2836 = tpu.vector_load %get3A_2833[%get3A_2834, %get3A_2835] {strides = array<i32>} : memref<256x128xf32, #tpu.memory_space<vmem>>, vector<16xf32>,
      %exp3A_2837 = math.exp %get3A_2836 : vector<16xf32>
      %add3A_2838 = arith.addf %scan3A_2811, %exp3A_2837 : vector<16xf32>
      %get3A_2839 = arith.constant 0 : i32
      %get3A_2840 = arith.constant 0 : i32
      %get3A_2841 = tpu.memref_slice %arg5[%scan3A_2239, %get3A_2839, %get3A_2840] : memref<3x256x128xf32, #tpu.memory_space<vmem>> -> memref<1x256x128xf32, #tpu.memory_space<vmem>>
      %get3A_2842 = tpu.memref_squeeze %get3A_2841 : memref<1x256x128xf32, #tpu.memory_space<vmem>> -> memref<256x128xf32, #tpu.memory_space<vmem>>
      %get3A_2843 = arith.index_cast %add3A_2821 : i32 to index
      %get3A_2844 = arith.constant 32 : index
      %get3A_2845 = tpu.vector_load %get3A_2842[%get3A_2843, %get3A_2844] {strides = array<i32>} : memref<256x128xf32, #tpu.memory_space<vmem>>, vector<16xf32>,
      %exp3A_2846 = math.exp %get3A_2845 : vector<16xf32>
      %add3A_2847 = arith.addf %scan3A_2812, %exp3A_2846 : vector<16xf32>
      %get3A_2848 = arith.constant 0 : i32
      %get3A_2849 = arith.constant 0 : i32
      %get3A_2850 = tpu.memref_slice %arg5[%scan3A_2239, %get3A_2848, %get3A_2849] : memref<3x256x128xf32, #tpu.memory_space<vmem>> -> memref<1x256x128xf32, #tpu.memory_space<vmem>>
      %get3A_2851 = tpu.memref_squeeze %get3A_2850 : memref<1x256x128xf32, #tpu.memory_space<vmem>> -> memref<256x128xf32, #tpu.memory_space<vmem>>
      %get3A_2852 = arith.index_cast %add3A_2821 : i32 to index
      %get3A_2853 = arith.constant 48 : index
      %get3A_2854 = tpu.vector_load %get3A_2851[%get3A_2852, %get3A_2853] {strides = array<i32>} : memref<256x128xf32, #tpu.memory_space<vmem>>, vector<16xf32>,
      %exp3A_2855 = math.exp %get3A_2854 : vector<16xf32>
      %add3A_2856 = arith.addf %scan3A_2813, %exp3A_2855 : vector<16xf32>
      %get3A_2857 = arith.constant 0 : i32
      %get3A_2858 = arith.constant 0 : i32
      %get3A_2859 = tpu.memref_slice %arg5[%scan3A_2239, %get3A_2857, %get3A_2858] : memref<3x256x128xf32, #tpu.memory_space<vmem>> -> memref<1x256x128xf32, #tpu.memory_space<vmem>>
      %get3A_2860 = tpu.memref_squeeze %get3A_2859 : memref<1x256x128xf32, #tpu.memory_space<vmem>> -> memref<256x128xf32, #tpu.memory_space<vmem>>
      %get3A_2861 = arith.index_cast %add3A_2821 : i32 to index
      %get3A_2862 = arith.constant 64 : index
      %get3A_2863 = tpu.vector_load %get3A_2860[%get3A_2861, %get3A_2862] {strides = array<i32>} : memref<256x128xf32, #tpu.memory_space<vmem>>, vector<16xf32>,
      %exp3A_2864 = math.exp %get3A_2863 : vector<16xf32>
      %add3A_2865 = arith.addf %scan3A_2814, %exp3A_2864 : vector<16xf32>
      %get3A_2866 = arith.constant 0 : i32
      %get3A_2867 = arith.constant 0 : i32
      %get3A_2868 = tpu.memref_slice %arg5[%scan3A_2239, %get3A_2866, %get3A_2867] : memref<3x256x128xf32, #tpu.memory_space<vmem>> -> memref<1x256x128xf32, #tpu.memory_space<vmem>>
      %get3A_2869 = tpu.memref_squeeze %get3A_2868 : memref<1x256x128xf32, #tpu.memory_space<vmem>> -> memref<256x128xf32, #tpu.memory_space<vmem>>
      %get3A_2870 = arith.index_cast %add3A_2821 : i32 to index
      %get3A_2871 = arith.constant 80 : index
      %get3A_2872 = tpu.vector_load %get3A_2869[%get3A_2870, %get3A_2871] {strides = array<i32>} : memref<256x128xf32, #tpu.memory_space<vmem>>, vector<16xf32>,
      %exp3A_2873 = math.exp %get3A_2872 : vector<16xf32>
      %add3A_2874 = arith.addf %scan3A_2815, %exp3A_2873 : vector<16xf32>
      %get3A_2875 = arith.constant 0 : i32
      %get3A_2876 = arith.constant 0 : i32
      %get3A_2877 = tpu.memref_slice %arg5[%scan3A_2239, %get3A_2875, %get3A_2876] : memref<3x256x128xf32, #tpu.memory_space<vmem>> -> memref<1x256x128xf32, #tpu.memory_space<vmem>>
      %get3A_2878 = tpu.memref_squeeze %get3A_2877 : memref<1x256x128xf32, #tpu.memory_space<vmem>> -> memref<256x128xf32, #tpu.memory_space<vmem>>
      %get3A_2879 = arith.index_cast %add3A_2821 : i32 to index
      %get3A_2880 = arith.constant 96 : index
      %get3A_2881 = tpu.vector_load %get3A_2878[%get3A_2879, %get3A_2880] {strides = array<i32>} : memref<256x128xf32, #tpu.memory_space<vmem>>, vector<16xf32>,
      %exp3A_2882 = math.exp %get3A_2881 : vector<16xf32>
      %add3A_2883 = arith.addf %scan3A_2816, %exp3A_2882 : vector<16xf32>
      %get3A_2884 = arith.constant 0 : i32
      %get3A_2885 = arith.constant 0 : i32
      %get3A_2886 = tpu.memref_slice %arg5[%scan3A_2239, %get3A_2884, %get3A_2885] : memref<3x256x128xf32, #tpu.memory_space<vmem>> -> memref<1x256x128xf32, #tpu.memory_space<vmem>>
      %get3A_2887 = tpu.memref_squeeze %get3A_2886 : memref<1x256x128xf32, #tpu.memory_space<vmem>> -> memref<256x128xf32, #tpu.memory_space<vmem>>
      %get3A_2888 = arith.index_cast %add3A_2821 : i32 to index
      %get3A_2889 = arith.constant 112 : index
      %get3A_2890 = tpu.vector_load %get3A_2887[%get3A_2888, %get3A_2889] {strides = array<i32>} : memref<256x128xf32, #tpu.memory_space<vmem>>, vector<16xf32>,
      %exp3A_2891 = math.exp %get3A_2890 : vector<16xf32>
      %add3A_2892 = arith.addf %scan3A_2817, %exp3A_2891 : vector<16xf32>
      %mul3A_2893 = arith.constant 4 : i32
      %mul3A_2894 = arith.muli %scan3A_2809, %mul3A_2893 : i32
      %add3A_2895 = arith.constant 1 : i32
      %add3A_2896 = arith.addi %mul3A_2894, %add3A_2895 : i32
      %get3A_2897 = arith.constant 0 : i32
      %get3A_2898 = arith.constant 0 : i32
      %get3A_2899 = tpu.memref_slice %arg5[%scan3A_2239, %get3A_2897, %get3A_2898] : memref<3x256x128xf32, #tpu.memory_space<vmem>> -> memref<1x256x128xf32, #tpu.memory_space<vmem>>
      %get3A_2900 = tpu.memref_squeeze %get3A_2899 : memref<1x256x128xf32, #tpu.memory_space<vmem>> -> memref<256x128xf32, #tpu.memory_space<vmem>>
      %get3A_2901 = arith.index_cast %add3A_2896 : i32 to index
      %get3A_2902 = arith.constant 0 : index
      %get3A_2903 = tpu.vector_load %get3A_2900[%get3A_2901, %get3A_2902] {strides = array<i32>} : memref<256x128xf32, #tpu.memory_space<vmem>>, vector<16xf32>,
      %exp3A_2904 = math.exp %get3A_2903 : vector<16xf32>
      %add3A_2905 = arith.addf %add3A_2829, %exp3A_2904 : vector<16xf32>
      %get3A_2906 = arith.constant 0 : i32
      %get3A_2907 = arith.constant 0 : i32
      %get3A_2908 = tpu.memref_slice %arg5[%scan3A_2239, %get3A_2906, %get3A_2907] : memref<3x256x128xf32, #tpu.memory_space<vmem>> -> memref<1x256x128xf32, #tpu.memory_space<vmem>>
      %get3A_2909 = tpu.memref_squeeze %get3A_2908 : memref<1x256x128xf32, #tpu.memory_space<vmem>> -> memref<256x128xf32, #tpu.memory_space<vmem>>
      %get3A_2910 = arith.index_cast %add3A_2896 : i32 to index
      %get3A_2911 = arith.constant 16 : index
      %get3A_2912 = tpu.vector_load %get3A_2909[%get3A_2910, %get3A_2911] {strides = array<i32>} : memref<256x128xf32, #tpu.memory_space<vmem>>, vector<16xf32>,
      %exp3A_2913 = math.exp %get3A_2912 : vector<16xf32>
      %add3A_2914 = arith.addf %add3A_2838, %exp3A_2913 : vector<16xf32>
      %get3A_2915 = arith.constant 0 : i32
      %get3A_2916 = arith.constant 0 : i32
      %get3A_2917 = tpu.memref_slice %arg5[%scan3A_2239, %get3A_2915, %get3A_2916] : memref<3x256x128xf32, #tpu.memory_space<vmem>> -> memref<1x256x128xf32, #tpu.memory_space<vmem>>
      %get3A_2918 = tpu.memref_squeeze %get3A_2917 : memref<1x256x128xf32, #tpu.memory_space<vmem>> -> memref<256x128xf32, #tpu.memory_space<vmem>>
      %get3A_2919 = arith.index_cast %add3A_2896 : i32 to index
      %get3A_2920 = arith.constant 32 : index
      %get3A_2921 = tpu.vector_load %get3A_2918[%get3A_2919, %get3A_2920] {strides = array<i32>} : memref<256x128xf32, #tpu.memory_space<vmem>>, vector<16xf32>,
      %exp3A_2922 = math.exp %get3A_2921 : vector<16xf32>
      %add3A_2923 = arith.addf %add3A_2847, %exp3A_2922 : vector<16xf32>
      %get3A_2924 = arith.constant 0 : i32
      %get3A_2925 = arith.constant 0 : i32
      %get3A_2926 = tpu.memref_slice %arg5[%scan3A_2239, %get3A_2924, %get3A_2925] : memref<3x256x128xf32, #tpu.memory_space<vmem>> -> memref<1x256x128xf32, #tpu.memory_space<vmem>>
      %get3A_2927 = tpu.memref_squeeze %get3A_2926 : memref<1x256x128xf32, #tpu.memory_space<vmem>> -> memref<256x128xf32, #tpu.memory_space<vmem>>
      %get3A_2928 = arith.index_cast %add3A_2896 : i32 to index
      %get3A_2929 = arith.constant 48 : index
      %get3A_2930 = tpu.vector_load %get3A_2927[%get3A_2928, %get3A_2929] {strides = array<i32>} : memref<256x128xf32, #tpu.memory_space<vmem>>, vector<16xf32>,
      %exp3A_2931 = math.exp %get3A_2930 : vector<16xf32>
      %add3A_2932 = arith.addf %add3A_2856, %exp3A_2931 : vector<16xf32>
      %get3A_2933 = arith.constant 0 : i32
      %get3A_2934 = arith.constant 0 : i32
      %get3A_2935 = tpu.memref_slice %arg5[%scan3A_2239, %get3A_2933, %get3A_2934] : memref<3x256x128xf32, #tpu.memory_space<vmem>> -> memref<1x256x128xf32, #tpu.memory_space<vmem>>
      %get3A_2936 = tpu.memref_squeeze %get3A_2935 : memref<1x256x128xf32, #tpu.memory_space<vmem>> -> memref<256x128xf32, #tpu.memory_space<vmem>>
      %get3A_2937 = arith.index_cast %add3A_2896 : i32 to index
      %get3A_2938 = arith.constant 64 : index
      %get3A_2939 = tpu.vector_load %get3A_2936[%get3A_2937, %get3A_2938] {strides = array<i32>} : memref<256x128xf32, #tpu.memory_space<vmem>>, vector<16xf32>,
      %exp3A_2940 = math.exp %get3A_2939 : vector<16xf32>
      %add3A_2941 = arith.addf %add3A_2865, %exp3A_2940 : vector<16xf32>
      %get3A_2942 = arith.constant 0 : i32
      %get3A_2943 = arith.constant 0 : i32
      %get3A_2944 = tpu.memref_slice %arg5[%scan3A_2239, %get3A_2942, %get3A_2943] : memref<3x256x128xf32, #tpu.memory_space<vmem>> -> memref<1x256x128xf32, #tpu.memory_space<vmem>>
      %get3A_2945 = tpu.memref_squeeze %get3A_2944 : memref<1x256x128xf32, #tpu.memory_space<vmem>> -> memref<256x128xf32, #tpu.memory_space<vmem>>
      %get3A_2946 = arith.index_cast %add3A_2896 : i32 to index
      %get3A_2947 = arith.constant 80 : index
      %get3A_2948 = tpu.vector_load %get3A_2945[%get3A_2946, %get3A_2947] {strides = array<i32>} : memref<256x128xf32, #tpu.memory_space<vmem>>, vector<16xf32>,
      %exp3A_2949 = math.exp %get3A_2948 : vector<16xf32>
      %add3A_2950 = arith.addf %add3A_2874, %exp3A_2949 : vector<16xf32>
      %get3A_2951 = arith.constant 0 : i32
      %get3A_2952 = arith.constant 0 : i32
      %get3A_2953 = tpu.memref_slice %arg5[%scan3A_2239, %get3A_2951, %get3A_2952] : memref<3x256x128xf32, #tpu.memory_space<vmem>> -> memref<1x256x128xf32, #tpu.memory_space<vmem>>
      %get3A_2954 = tpu.memref_squeeze %get3A_2953 : memref<1x256x128xf32, #tpu.memory_space<vmem>> -> memref<256x128xf32, #tpu.memory_space<vmem>>
      %get3A_2955 = arith.index_cast %add3A_2896 : i32 to index
      %get3A_2956 = arith.constant 96 : index
      %get3A_2957 = tpu.vector_load %get3A_2954[%get3A_2955, %get3A_2956] {strides = array<i32>} : memref<256x128xf32, #tpu.memory_space<vmem>>, vector<16xf32>,
      %exp3A_2958 = math.exp %get3A_2957 : vector<16xf32>
      %add3A_2959 = arith.addf %add3A_2883, %exp3A_2958 : vector<16xf32>
      %get3A_2960 = arith.constant 0 : i32
      %get3A_2961 = arith.constant 0 : i32
      %get3A_2962 = tpu.memref_slice %arg5[%scan3A_2239, %get3A_2960, %get3A_2961] : memref<3x256x128xf32, #tpu.memory_space<vmem>> -> memref<1x256x128xf32, #tpu.memory_space<vmem>>
      %get3A_2963 = tpu.memref_squeeze %get3A_2962 : memref<1x256x128xf32, #tpu.memory_space<vmem>> -> memref<256x128xf32, #tpu.memory_space<vmem>>
      %get3A_2964 = arith.index_cast %add3A_2896 : i32 to index
      %get3A_2965 = arith.constant 112 : index
      %get3A_2966 = tpu.vector_load %get3A_2963[%get3A_2964, %get3A_2965] {strides = array<i32>} : memref<256x128xf32, #tpu.memory_space<vmem>>, vector<16xf32>,
      %exp3A_2967 = math.exp %get3A_2966 : vector<16xf32>
      %add3A_2968 = arith.addf %add3A_2892, %exp3A_2967 : vector<16xf32>
      %mul3A_2969 = arith.constant 4 : i32
      %mul3A_2970 = arith.muli %scan3A_2809, %mul3A_2969 : i32
      %add3A_2971 = arith.constant 2 : i32
      %add3A_2972 = arith.addi %mul3A_2970, %add3A_2971 : i32
      %get3A_2973 = arith.constant 0 : i32
      %get3A_2974 = arith.constant 0 : i32
      %get3A_2975 = tpu.memref_slice %arg5[%scan3A_2239, %get3A_2973, %get3A_2974] : memref<3x256x128xf32, #tpu.memory_space<vmem>> -> memref<1x256x128xf32, #tpu.memory_space<vmem>>
      %get3A_2976 = tpu.memref_squeeze %get3A_2975 : memref<1x256x128xf32, #tpu.memory_space<vmem>> -> memref<256x128xf32, #tpu.memory_space<vmem>>
      %get3A_2977 = arith.index_cast %add3A_2972 : i32 to index
      %get3A_2978 = arith.constant 0 : index
      %get3A_2979 = tpu.vector_load %get3A_2976[%get3A_2977, %get3A_2978] {strides = array<i32>} : memref<256x128xf32, #tpu.memory_space<vmem>>, vector<16xf32>,
      %exp3A_2980 = math.exp %get3A_2979 : vector<16xf32>
      %add3A_2981 = arith.addf %add3A_2905, %exp3A_2980 : vector<16xf32>
      %get3A_2982 = arith.constant 0 : i32
      %get3A_2983 = arith.constant 0 : i32
      %get3A_2984 = tpu.memref_slice %arg5[%scan3A_2239, %get3A_2982, %get3A_2983] : memref<3x256x128xf32, #tpu.memory_space<vmem>> -> memref<1x256x128xf32, #tpu.memory_space<vmem>>
      %get3A_2985 = tpu.memref_squeeze %get3A_2984 : memref<1x256x128xf32, #tpu.memory_space<vmem>> -> memref<256x128xf32, #tpu.memory_space<vmem>>
      %get3A_2986 = arith.index_cast %add3A_2972 : i32 to index
      %get3A_2987 = arith.constant 16 : index
      %get3A_2988 = tpu.vector_load %get3A_2985[%get3A_2986, %get3A_2987] {strides = array<i32>} : memref<256x128xf32, #tpu.memory_space<vmem>>, vector<16xf32>,
      %exp3A_2989 = math.exp %get3A_2988 : vector<16xf32>
      %add3A_2990 = arith.addf %add3A_2914, %exp3A_2989 : vector<16xf32>
      %get3A_2991 = arith.constant 0 : i32
      %get3A_2992 = arith.constant 0 : i32
      %get3A_2993 = tpu.memref_slice %arg5[%scan3A_2239, %get3A_2991, %get3A_2992] : memref<3x256x128xf32, #tpu.memory_space<vmem>> -> memref<1x256x128xf32, #tpu.memory_space<vmem>>
      %get3A_2994 = tpu.memref_squeeze %get3A_2993 : memref<1x256x128xf32, #tpu.memory_space<vmem>> -> memref<256x128xf32, #tpu.memory_space<vmem>>
      %get3A_2995 = arith.index_cast %add3A_2972 : i32 to index
      %get3A_2996 = arith.constant 32 : index
      %get3A_2997 = tpu.vector_load %get3A_2994[%get3A_2995, %get3A_2996] {strides = array<i32>} : memref<256x128xf32, #tpu.memory_space<vmem>>, vector<16xf32>,
      %exp3A_2998 = math.exp %get3A_2997 : vector<16xf32>
      %add3A_2999 = arith.addf %add3A_2923, %exp3A_2998 : vector<16xf32>
      %get3A_3000 = arith.constant 0 : i32
      %get3A_3001 = arith.constant 0 : i32
      %get3A_3002 = tpu.memref_slice %arg5[%scan3A_2239, %get3A_3000, %get3A_3001] : memref<3x256x128xf32, #tpu.memory_space<vmem>> -> memref<1x256x128xf32, #tpu.memory_space<vmem>>
      %get3A_3003 = tpu.memref_squeeze %get3A_3002 : memref<1x256x128xf32, #tpu.memory_space<vmem>> -> memref<256x128xf32, #tpu.memory_space<vmem>>
      %get3A_3004 = arith.index_cast %add3A_2972 : i32 to index
      %get3A_3005 = arith.constant 48 : index
      %get3A_3006 = tpu.vector_load %get3A_3003[%get3A_3004, %get3A_3005] {strides = array<i32>} : memref<256x128xf32, #tpu.memory_space<vmem>>, vector<16xf32>,
      %exp3A_3007 = math.exp %get3A_3006 : vector<16xf32>
      %add3A_3008 = arith.addf %add3A_2932, %exp3A_3007 : vector<16xf32>
      %get3A_3009 = arith.constant 0 : i32
      %get3A_3010 = arith.constant 0 : i32
      %get3A_3011 = tpu.memref_slice %arg5[%scan3A_2239, %get3A_3009, %get3A_3010] : memref<3x256x128xf32, #tpu.memory_space<vmem>> -> memref<1x256x128xf32, #tpu.memory_space<vmem>>
      %get3A_3012 = tpu.memref_squeeze %get3A_3011 : memref<1x256x128xf32, #tpu.memory_space<vmem>> -> memref<256x128xf32, #tpu.memory_space<vmem>>
      %get3A_3013 = arith.index_cast %add3A_2972 : i32 to index
      %get3A_3014 = arith.constant 64 : index
      %get3A_3015 = tpu.vector_load %get3A_3012[%get3A_3013, %get3A_3014] {strides = array<i32>} : memref<256x128xf32, #tpu.memory_space<vmem>>, vector<16xf32>,
      %exp3A_3016 = math.exp %get3A_3015 : vector<16xf32>
      %add3A_3017 = arith.addf %add3A_2941, %exp3A_3016 : vector<16xf32>
      %get3A_3018 = arith.constant 0 : i32
      %get3A_3019 = arith.constant 0 : i32
      %get3A_3020 = tpu.memref_slice %arg5[%scan3A_2239, %get3A_3018, %get3A_3019] : memref<3x256x128xf32, #tpu.memory_space<vmem>> -> memref<1x256x128xf32, #tpu.memory_space<vmem>>
      %get3A_3021 = tpu.memref_squeeze %get3A_3020 : memref<1x256x128xf32, #tpu.memory_space<vmem>> -> memref<256x128xf32, #tpu.memory_space<vmem>>
      %get3A_3022 = arith.index_cast %add3A_2972 : i32 to index
      %get3A_3023 = arith.constant 80 : index
      %get3A_3024 = tpu.vector_load %get3A_3021[%get3A_3022, %get3A_3023] {strides = array<i32>} : memref<256x128xf32, #tpu.memory_space<vmem>>, vector<16xf32>,
      %exp3A_3025 = math.exp %get3A_3024 : vector<16xf32>
      %add3A_3026 = arith.addf %add3A_2950, %exp3A_3025 : vector<16xf32>
      %get3A_3027 = arith.constant 0 : i32
      %get3A_3028 = arith.constant 0 : i32
      %get3A_3029 = tpu.memref_slice %arg5[%scan3A_2239, %get3A_3027, %get3A_3028] : memref<3x256x128xf32, #tpu.memory_space<vmem>> -> memref<1x256x128xf32, #tpu.memory_space<vmem>>
      %get3A_3030 = tpu.memref_squeeze %get3A_3029 : memref<1x256x128xf32, #tpu.memory_space<vmem>> -> memref<256x128xf32, #tpu.memory_space<vmem>>
      %get3A_3031 = arith.index_cast %add3A_2972 : i32 to index
      %get3A_3032 = arith.constant 96 : index
      %get3A_3033 = tpu.vector_load %get3A_3030[%get3A_3031, %get3A_3032] {strides = array<i32>} : memref<256x128xf32, #tpu.memory_space<vmem>>, vector<16xf32>,
      %exp3A_3034 = math.exp %get3A_3033 : vector<16xf32>
      %add3A_3035 = arith.addf %add3A_2959, %exp3A_3034 : vector<16xf32>
      %get3A_3036 = arith.constant 0 : i32
      %get3A_3037 = arith.constant 0 : i32
      %get3A_3038 = tpu.memref_slice %arg5[%scan3A_2239, %get3A_3036, %get3A_3037] : memref<3x256x128xf32, #tpu.memory_space<vmem>> -> memref<1x256x128xf32, #tpu.memory_space<vmem>>
      %get3A_3039 = tpu.memref_squeeze %get3A_3038 : memref<1x256x128xf32, #tpu.memory_space<vmem>> -> memref<256x128xf32, #tpu.memory_space<vmem>>
      %get3A_3040 = arith.index_cast %add3A_2972 : i32 to index
      %get3A_3041 = arith.constant 112 : index
      %get3A_3042 = tpu.vector_load %get3A_3039[%get3A_3040, %get3A_3041] {strides = array<i32>} : memref<256x128xf32, #tpu.memory_space<vmem>>, vector<16xf32>,
      %exp3A_3043 = math.exp %get3A_3042 : vector<16xf32>
      %add3A_3044 = arith.addf %add3A_2968, %exp3A_3043 : vector<16xf32>
      %mul3A_3045 = arith.constant 4 : i32
      %mul3A_3046 = arith.muli %scan3A_2809, %mul3A_3045 : i32
      %add3A_3047 = arith.constant 3 : i32
      %add3A_3048 = arith.addi %mul3A_3046, %add3A_3047 : i32
      %get3A_3049 = arith.constant 0 : i32
      %get3A_3050 = arith.constant 0 : i32
      %get3A_3051 = tpu.memref_slice %arg5[%scan3A_2239, %get3A_3049, %get3A_3050] : memref<3x256x128xf32, #tpu.memory_space<vmem>> -> memref<1x256x128xf32, #tpu.memory_space<vmem>>
      %get3A_3052 = tpu.memref_squeeze %get3A_3051 : memref<1x256x128xf32, #tpu.memory_space<vmem>> -> memref<256x128xf32, #tpu.memory_space<vmem>>
      %get3A_3053 = arith.index_cast %add3A_3048 : i32 to index
      %get3A_3054 = arith.constant 0 : index
      %get3A_3055 = tpu.vector_load %get3A_3052[%get3A_3053, %get3A_3054] {strides = array<i32>} : memref<256x128xf32, #tpu.memory_space<vmem>>, vector<16xf32>,
      %exp3A_3056 = math.exp %get3A_3055 : vector<16xf32>
      %add3A_3057 = arith.addf %add3A_2981, %exp3A_3056 : vector<16xf32>
      %get3A_3058 = arith.constant 0 : i32
      %get3A_3059 = arith.constant 0 : i32
      %get3A_3060 = tpu.memref_slice %arg5[%scan3A_2239, %get3A_3058, %get3A_3059] : memref<3x256x128xf32, #tpu.memory_space<vmem>> -> memref<1x256x128xf32, #tpu.memory_space<vmem>>
      %get3A_3061 = tpu.memref_squeeze %get3A_3060 : memref<1x256x128xf32, #tpu.memory_space<vmem>> -> memref<256x128xf32, #tpu.memory_space<vmem>>
      %get3A_3062 = arith.index_cast %add3A_3048 : i32 to index
      %get3A_3063 = arith.constant 16 : index
      %get3A_3064 = tpu.vector_load %get3A_3061[%get3A_3062, %get3A_3063] {strides = array<i32>} : memref<256x128xf32, #tpu.memory_space<vmem>>, vector<16xf32>,
      %exp3A_3065 = math.exp %get3A_3064 : vector<16xf32>
      %add3A_3066 = arith.addf %add3A_2990, %exp3A_3065 : vector<16xf32>
      %get3A_3067 = arith.constant 0 : i32
      %get3A_3068 = arith.constant 0 : i32
      %get3A_3069 = tpu.memref_slice %arg5[%scan3A_2239, %get3A_3067, %get3A_3068] : memref<3x256x128xf32, #tpu.memory_space<vmem>> -> memref<1x256x128xf32, #tpu.memory_space<vmem>>
      %get3A_3070 = tpu.memref_squeeze %get3A_3069 : memref<1x256x128xf32, #tpu.memory_space<vmem>> -> memref<256x128xf32, #tpu.memory_space<vmem>>
      %get3A_3071 = arith.index_cast %add3A_3048 : i32 to index
      %get3A_3072 = arith.constant 32 : index
      %get3A_3073 = tpu.vector_load %get3A_3070[%get3A_3071, %get3A_3072] {strides = array<i32>} : memref<256x128xf32, #tpu.memory_space<vmem>>, vector<16xf32>,
      %exp3A_3074 = math.exp %get3A_3073 : vector<16xf32>
      %add3A_3075 = arith.addf %add3A_2999, %exp3A_3074 : vector<16xf32>
      %get3A_3076 = arith.constant 0 : i32
      %get3A_3077 = arith.constant 0 : i32
      %get3A_3078 = tpu.memref_slice %arg5[%scan3A_2239, %get3A_3076, %get3A_3077] : memref<3x256x128xf32, #tpu.memory_space<vmem>> -> memref<1x256x128xf32, #tpu.memory_space<vmem>>
      %get3A_3079 = tpu.memref_squeeze %get3A_3078 : memref<1x256x128xf32, #tpu.memory_space<vmem>> -> memref<256x128xf32, #tpu.memory_space<vmem>>
      %get3A_3080 = arith.index_cast %add3A_3048 : i32 to index
      %get3A_3081 = arith.constant 48 : index
      %get3A_3082 = tpu.vector_load %get3A_3079[%get3A_3080, %get3A_3081] {strides = array<i32>} : memref<256x128xf32, #tpu.memory_space<vmem>>, vector<16xf32>,
      %exp3A_3083 = math.exp %get3A_3082 : vector<16xf32>
      %add3A_3084 = arith.addf %add3A_3008, %exp3A_3083 : vector<16xf32>
      %get3A_3085 = arith.constant 0 : i32
      %get3A_3086 = arith.constant 0 : i32
      %get3A_3087 = tpu.memref_slice %arg5[%scan3A_2239, %get3A_3085, %get3A_3086] : memref<3x256x128xf32, #tpu.memory_space<vmem>> -> memref<1x256x128xf32, #tpu.memory_space<vmem>>
      %get3A_3088 = tpu.memref_squeeze %get3A_3087 : memref<1x256x128xf32, #tpu.memory_space<vmem>> -> memref<256x128xf32, #tpu.memory_space<vmem>>
      %get3A_3089 = arith.index_cast %add3A_3048 : i32 to index
      %get3A_3090 = arith.constant 64 : index
      %get3A_3091 = tpu.vector_load %get3A_3088[%get3A_3089, %get3A_3090] {strides = array<i32>} : memref<256x128xf32, #tpu.memory_space<vmem>>, vector<16xf32>,
      %exp3A_3092 = math.exp %get3A_3091 : vector<16xf32>
      %add3A_3093 = arith.addf %add3A_3017, %exp3A_3092 : vector<16xf32>
      %get3A_3094 = arith.constant 0 : i32
      %get3A_3095 = arith.constant 0 : i32
      %get3A_3096 = tpu.memref_slice %arg5[%scan3A_2239, %get3A_3094, %get3A_3095] : memref<3x256x128xf32, #tpu.memory_space<vmem>> -> memref<1x256x128xf32, #tpu.memory_space<vmem>>
      %get3A_3097 = tpu.memref_squeeze %get3A_3096 : memref<1x256x128xf32, #tpu.memory_space<vmem>> -> memref<256x128xf32, #tpu.memory_space<vmem>>
      %get3A_3098 = arith.index_cast %add3A_3048 : i32 to index
      %get3A_3099 = arith.constant 80 : index
      %get3A_3100 = tpu.vector_load %get3A_3097[%get3A_3098, %get3A_3099] {strides = array<i32>} : memref<256x128xf32, #tpu.memory_space<vmem>>, vector<16xf32>,
      %exp3A_3101 = math.exp %get3A_3100 : vector<16xf32>
      %add3A_3102 = arith.addf %add3A_3026, %exp3A_3101 : vector<16xf32>
      %get3A_3103 = arith.constant 0 : i32
      %get3A_3104 = arith.constant 0 : i32
      %get3A_3105 = tpu.memref_slice %arg5[%scan3A_2239, %get3A_3103, %get3A_3104] : memref<3x256x128xf32, #tpu.memory_space<vmem>> -> memref<1x256x128xf32, #tpu.memory_space<vmem>>
      %get3A_3106 = tpu.memref_squeeze %get3A_3105 : memref<1x256x128xf32, #tpu.memory_space<vmem>> -> memref<256x128xf32, #tpu.memory_space<vmem>>
      %get3A_3107 = arith.index_cast %add3A_3048 : i32 to index
      %get3A_3108 = arith.constant 96 : index
      %get3A_3109 = tpu.vector_load %get3A_3106[%get3A_3107, %get3A_3108] {strides = array<i32>} : memref<256x128xf32, #tpu.memory_space<vmem>>, vector<16xf32>,
      %exp3A_3110 = math.exp %get3A_3109 : vector<16xf32>
      %add3A_3111 = arith.addf %add3A_3035, %exp3A_3110 : vector<16xf32>
      %get3A_3112 = arith.constant 0 : i32
      %get3A_3113 = arith.constant 0 : i32
      %get3A_3114 = tpu.memref_slice %arg5[%scan3A_2239, %get3A_3112, %get3A_3113] : memref<3x256x128xf32, #tpu.memory_space<vmem>> -> memref<1x256x128xf32, #tpu.memory_space<vmem>>
      %get3A_3115 = tpu.memref_squeeze %get3A_3114 : memref<1x256x128xf32, #tpu.memory_space<vmem>> -> memref<256x128xf32, #tpu.memory_space<vmem>>
      %get3A_3116 = arith.index_cast %add3A_3048 : i32 to index
      %get3A_3117 = arith.constant 112 : index
      %get3A_3118 = tpu.vector_load %get3A_3115[%get3A_3116, %get3A_3117] {strides = array<i32>} : memref<256x128xf32, #tpu.memory_space<vmem>>, vector<16xf32>,
      %exp3A_3119 = math.exp %get3A_3118 : vector<16xf32>
      %add3A_3120 = arith.addf %add3A_3044, %exp3A_3119 : vector<16xf32>
      scf.yield %add3A_3057, %add3A_3066, %add3A_3075, %add3A_3084, %add3A_3093, %add3A_3102, %add3A_3111, %add3A_3120 : vector<16xf32>, vector<16xf32>, vector<16xf32>, vector<16xf32>, vector<16xf32>, vector<16xf32>, vector<16xf32>, vector<16xf32>
    }
    %scan3A_2245 = arith.constant 64 : i32
    %get3A_2246 = arith.constant 3 : i32
    %get3A_2247 = arith.index_cast %get3A_2246 : i32 to index
    %get3A_2248 = arith.constant 0 : index
    %get3A_2249 = tpu.vector_load %arg6[%get3A_2247, %get3A_2248] {strides = array<i32>} : memref<4x128xi32, #tpu.memory_space<vmem>>, vector<16xi32>,
    %add3A_2250 = arith.constant 0 : i32
    %add3A_2251 = vector.broadcast %add3A_2250 : i32 to vector<16xi32>
    %add3A_2252 = arith.addi %iota3A, %add3A_2251 : vector<16xi32>
    %gather3A_2253 = arith.constant 0 : i32
    %gather3A_2254 = arith.constant 0 : i32
    %gather3A_2255 = arith.constant 0 : i32
    %gather3A_2256 = tpu.memref_slice %arg5[%gather3A_2253, %gather3A_2254, %gather3A_2255] : memref<3x256x128xf32, #tpu.memory_space<vmem>> -> memref<1x256x128xf32, #tpu.memory_space<vmem>>
    %gather3A_2257 = tpu.memref_squeeze %gather3A_2256 : memref<1x256x128xf32, #tpu.memory_space<vmem>> -> memref<256x128xf32, #tpu.memory_space<vmem>>
    %gather3A_2258 = tpu.vector_load_idx %gather3A_2257[%get3A_2249, %add3A_2252] : memref<256x128xf32, #tpu.memory_space<vmem>>[vector<16xi32>, vector<16xi32>], vector<16xf32>,
    %bitcast_convert_type3A_2259 = tpu.bitcast %scan3A_2244#0 : vector<16xf32> -> vector<16xi32>
    %shift_right_arithmetic3A_2260 = arith.constant 23 : i32
    %shift_right_arithmetic3A_2261 = vector.broadcast %shift_right_arithmetic3A_2260 : i32 to vector<16xi32>
    %shift_right_arithmetic3A_2262 = arith.shrsi %bitcast_convert_type3A_2259, %shift_right_arithmetic3A_2261 : vector<16xi32>
    %and3A_2263 = arith.constant 255 : i32
    %and3A_2264 = vector.broadcast %and3A_2263 : i32 to vector<16xi32>
    %and3A_2265 = arith.andi %shift_right_arithmetic3A_2262, %and3A_2264 : vector<16xi32>
    %sub3A_2266 = arith.constant 127 : i32
    %sub3A_2267 = vector.broadcast %sub3A_2266 : i32 to vector<16xi32>
    %sub3A_2268 = arith.subi %and3A_2265, %sub3A_2267 : vector<16xi32>
    %and3A_2269 = arith.constant 8388607 : i32
    %and3A_2270 = vector.broadcast %and3A_2269 : i32 to vector<16xi32>
    %and3A_2271 = arith.andi %bitcast_convert_type3A_2259, %and3A_2270 : vector<16xi32>
    %or3A_2272 = arith.constant 1065353216 : i32
    %or3A_2273 = vector.broadcast %or3A_2272 : i32 to vector<16xi32>
    %or3A_2274 = arith.ori %and3A_2271, %or3A_2273 : vector<16xi32>
    %bitcast_convert_type3A_2275 = tpu.bitcast %or3A_2274 : vector<16xi32> -> vector<16xf32>
    %sub3A_2276 = arith.constant 1.000000e+00 : f32
    %sub3A_2277 = vector.broadcast %sub3A_2276 : f32 to vector<16xf32>
    %sub3A_2278 = arith.subf %bitcast_convert_type3A_2275, %sub3A_2277 : vector<16xf32>
    %broadcast_in_dim3A_2279 = arith.constant 0.0147788934 : f32
    %broadcast_in_dim3A_2280 = vector.broadcast %broadcast_in_dim3A_2279 : f32 to vector<16xf32>
    %mul3A_2281 = arith.mulf %broadcast_in_dim3A_2280, %sub3A_2278 : vector<16xf32>
    %add3A_2282 = arith.constant -0.0768496171 : f32
    %add3A_2283 = vector.broadcast %add3A_2282 : f32 to vector<16xf32>
    %add3A_2284 = arith.addf %mul3A_2281, %add3A_2283 : vector<16xf32>
    %mul3A_2285 = arith.mulf %add3A_2284, %sub3A_2278 : vector<16xf32>
    %add3A_2286 = arith.constant 0.19042252 : f32
    %add3A_2287 = vector.broadcast %add3A_2286 : f32 to vector<16xf32>
    %add3A_2288 = arith.addf %mul3A_2285, %add3A_2287 : vector<16xf32>
    %mul3A_2289 = arith.mulf %add3A_2288, %sub3A_2278 : vector<16xf32>
    %add3A_2290 = arith.constant -0.323117495 : f32
    %add3A_2291 = vector.broadcast %add3A_2290 : f32 to vector<16xf32>
    %add3A_2292 = arith.addf %mul3A_2289, %add3A_2291 : vector<16xf32>
    %mul3A_2293 = arith.mulf %add3A_2292, %sub3A_2278 : vector<16xf32>
    %add3A_2294 = arith.constant 0.472500294 : f32
    %add3A_2295 = vector.broadcast %add3A_2294 : f32 to vector<16xf32>
    %add3A_2296 = arith.addf %mul3A_2293, %add3A_2295 : vector<16xf32>
    %mul3A_2297 = arith.mulf %add3A_2296, %sub3A_2278 : vector<16xf32>
    %add3A_2298 = arith.constant -0.720386803 : f32
    %add3A_2299 = vector.broadcast %add3A_2298 : f32 to vector<16xf32>
    %add3A_2300 = arith.addf %mul3A_2297, %add3A_2299 : vector<16xf32>
    %mul3A_2301 = arith.mulf %add3A_2300, %sub3A_2278 : vector<16xf32>
    %add3A_2302 = arith.constant 1.44265211 : f32
    %add3A_2303 = vector.broadcast %add3A_2302 : f32 to vector<16xf32>
    %add3A_2304 = arith.addf %mul3A_2301, %add3A_2303 : vector<16xf32>
    %mul3A_2305 = arith.mulf %add3A_2304, %sub3A_2278 : vector<16xf32>
    %add3A_2306 = arith.constant 3.19128787E-7 : f32
    %add3A_2307 = vector.broadcast %add3A_2306 : f32 to vector<16xf32>
    %add3A_2308 = arith.addf %mul3A_2305, %add3A_2307 : vector<16xf32>
    %convert_element_type3A_2309 = arith.sitofp %sub3A_2268 : vector<16xi32> to vector<16xf32>
    %add3A_2310 = arith.addf %convert_element_type3A_2309, %add3A_2308 : vector<16xf32>
    %mul3A_2311 = arith.constant 0.693147182 : f32
    %mul3A_2312 = vector.broadcast %mul3A_2311 : f32 to vector<16xf32>
    %mul3A_2313 = arith.mulf %mul3A_2312, %add3A_2310 : vector<16xf32>
    %sub3A_2314 = arith.subf %mul3A_2313, %gather3A_2258 : vector<16xf32>
    %add3A_2315 = arith.addf %add3A_2207, %sub3A_2314 : vector<16xf32>
    %get3A_2316 = arith.constant 3 : i32
    %get3A_2317 = arith.index_cast %get3A_2316 : i32 to index
    %get3A_2318 = arith.constant 16 : index
    %get3A_2319 = tpu.vector_load %arg6[%get3A_2317, %get3A_2318] {strides = array<i32>} : memref<4x128xi32, #tpu.memory_space<vmem>>, vector<16xi32>,
    %add3A_2320 = arith.constant 16 : i32
    %add3A_2321 = vector.broadcast %add3A_2320 : i32 to vector<16xi32>
    %add3A_2322 = arith.addi %iota3A, %add3A_2321 : vector<16xi32>
    %gather3A_2323 = arith.constant 0 : i32
    %gather3A_2324 = arith.constant 0 : i32
    %gather3A_2325 = arith.constant 0 : i32
    %gather3A_2326 = tpu.memref_slice %arg5[%gather3A_2323, %gather3A_2324, %gather3A_2325] : memref<3x256x128xf32, #tpu.memory_space<vmem>> -> memref<1x256x128xf32, #tpu.memory_space<vmem>>
    %gather3A_2327 = tpu.memref_squeeze %gather3A_2326 : memref<1x256x128xf32, #tpu.memory_space<vmem>> -> memref<256x128xf32, #tpu.memory_space<vmem>>
    %gather3A_2328 = tpu.vector_load_idx %gather3A_2327[%get3A_2319, %add3A_2322] : memref<256x128xf32, #tpu.memory_space<vmem>>[vector<16xi32>, vector<16xi32>], vector<16xf32>,
    %bitcast_convert_type3A_2329 = tpu.bitcast %scan3A_2244#1 : vector<16xf32> -> vector<16xi32>
    %shift_right_arithmetic3A_2330 = arith.constant 23 : i32
    %shift_right_arithmetic3A_2331 = vector.broadcast %shift_right_arithmetic3A_2330 : i32 to vector<16xi32>
    %shift_right_arithmetic3A_2332 = arith.shrsi %bitcast_convert_type3A_2329, %shift_right_arithmetic3A_2331 : vector<16xi32>
    %and3A_2333 = arith.constant 255 : i32
    %and3A_2334 = vector.broadcast %and3A_2333 : i32 to vector<16xi32>
    %and3A_2335 = arith.andi %shift_right_arithmetic3A_2332, %and3A_2334 : vector<16xi32>
    %sub3A_2336 = arith.constant 127 : i32
    %sub3A_2337 = vector.broadcast %sub3A_2336 : i32 to vector<16xi32>
    %sub3A_2338 = arith.subi %and3A_2335, %sub3A_2337 : vector<16xi32>
    %and3A_2339 = arith.constant 8388607 : i32
    %and3A_2340 = vector.broadcast %and3A_2339 : i32 to vector<16xi32>
    %and3A_2341 = arith.andi %bitcast_convert_type3A_2329, %and3A_2340 : vector<16xi32>
    %or3A_2342 = arith.constant 1065353216 : i32
    %or3A_2343 = vector.broadcast %or3A_2342 : i32 to vector<16xi32>
    %or3A_2344 = arith.ori %and3A_2341, %or3A_2343 : vector<16xi32>
    %bitcast_convert_type3A_2345 = tpu.bitcast %or3A_2344 : vector<16xi32> -> vector<16xf32>
    %sub3A_2346 = arith.constant 1.000000e+00 : f32
    %sub3A_2347 = vector.broadcast %sub3A_2346 : f32 to vector<16xf32>
    %sub3A_2348 = arith.subf %bitcast_convert_type3A_2345, %sub3A_2347 : vector<16xf32>
    %broadcast_in_dim3A_2349 = arith.constant 0.0147788934 : f32
    %broadcast_in_dim3A_2350 = vector.broadcast %broadcast_in_dim3A_2349 : f32 to vector<16xf32>
    %mul3A_2351 = arith.mulf %broadcast_in_dim3A_2350, %sub3A_2348 : vector<16xf32>
    %add3A_2352 = arith.constant -0.0768496171 : f32
    %add3A_2353 = vector.broadcast %add3A_2352 : f32 to vector<16xf32>
    %add3A_2354 = arith.addf %mul3A_2351, %add3A_2353 : vector<16xf32>
    %mul3A_2355 = arith.mulf %add3A_2354, %sub3A_2348 : vector<16xf32>
    %add3A_2356 = arith.constant 0.19042252 : f32
    %add3A_2357 = vector.broadcast %add3A_2356 : f32 to vector<16xf32>
    %add3A_2358 = arith.addf %mul3A_2355, %add3A_2357 : vector<16xf32>
    %mul3A_2359 = arith.mulf %add3A_2358, %sub3A_2348 : vector<16xf32>
    %add3A_2360 = arith.constant -0.323117495 : f32
    %add3A_2361 = vector.broadcast %add3A_2360 : f32 to vector<16xf32>
    %add3A_2362 = arith.addf %mul3A_2359, %add3A_2361 : vector<16xf32>
    %mul3A_2363 = arith.mulf %add3A_2362, %sub3A_2348 : vector<16xf32>
    %add3A_2364 = arith.constant 0.472500294 : f32
    %add3A_2365 = vector.broadcast %add3A_2364 : f32 to vector<16xf32>
    %add3A_2366 = arith.addf %mul3A_2363, %add3A_2365 : vector<16xf32>
    %mul3A_2367 = arith.mulf %add3A_2366, %sub3A_2348 : vector<16xf32>
    %add3A_2368 = arith.constant -0.720386803 : f32
    %add3A_2369 = vector.broadcast %add3A_2368 : f32 to vector<16xf32>
    %add3A_2370 = arith.addf %mul3A_2367, %add3A_2369 : vector<16xf32>
    %mul3A_2371 = arith.mulf %add3A_2370, %sub3A_2348 : vector<16xf32>
    %add3A_2372 = arith.constant 1.44265211 : f32
    %add3A_2373 = vector.broadcast %add3A_2372 : f32 to vector<16xf32>
    %add3A_2374 = arith.addf %mul3A_2371, %add3A_2373 : vector<16xf32>
    %mul3A_2375 = arith.mulf %add3A_2374, %sub3A_2348 : vector<16xf32>
    %add3A_2376 = arith.constant 3.19128787E-7 : f32
    %add3A_2377 = vector.broadcast %add3A_2376 : f32 to vector<16xf32>
    %add3A_2378 = arith.addf %mul3A_2375, %add3A_2377 : vector<16xf32>
    %convert_element_type3A_2379 = arith.sitofp %sub3A_2338 : vector<16xi32> to vector<16xf32>
    %add3A_2380 = arith.addf %convert_element_type3A_2379, %add3A_2378 : vector<16xf32>
    %mul3A_2381 = arith.constant 0.693147182 : f32
    %mul3A_2382 = vector.broadcast %mul3A_2381 : f32 to vector<16xf32>
    %mul3A_2383 = arith.mulf %mul3A_2382, %add3A_2380 : vector<16xf32>
    %sub3A_2384 = arith.subf %mul3A_2383, %gather3A_2328 : vector<16xf32>
    %add3A_2385 = arith.addf %add3A_2315, %sub3A_2384 : vector<16xf32>
    %get3A_2386 = arith.constant 3 : i32
    %get3A_2387 = arith.index_cast %get3A_2386 : i32 to index
    %get3A_2388 = arith.constant 32 : index
    %get3A_2389 = tpu.vector_load %arg6[%get3A_2387, %get3A_2388] {strides = array<i32>} : memref<4x128xi32, #tpu.memory_space<vmem>>, vector<16xi32>,
    %add3A_2390 = arith.constant 32 : i32
    %add3A_2391 = vector.broadcast %add3A_2390 : i32 to vector<16xi32>
    %add3A_2392 = arith.addi %iota3A, %add3A_2391 : vector<16xi32>
    %gather3A_2393 = arith.constant 0 : i32
    %gather3A_2394 = arith.constant 0 : i32
    %gather3A_2395 = arith.constant 0 : i32
    %gather3A_2396 = tpu.memref_slice %arg5[%gather3A_2393, %gather3A_2394, %gather3A_2395] : memref<3x256x128xf32, #tpu.memory_space<vmem>> -> memref<1x256x128xf32, #tpu.memory_space<vmem>>
    %gather3A_2397 = tpu.memref_squeeze %gather3A_2396 : memref<1x256x128xf32, #tpu.memory_space<vmem>> -> memref<256x128xf32, #tpu.memory_space<vmem>>
    %gather3A_2398 = tpu.vector_load_idx %gather3A_2397[%get3A_2389, %add3A_2392] : memref<256x128xf32, #tpu.memory_space<vmem>>[vector<16xi32>, vector<16xi32>], vector<16xf32>,
    %bitcast_convert_type3A_2399 = tpu.bitcast %scan3A_2244#2 : vector<16xf32> -> vector<16xi32>
    %shift_right_arithmetic3A_2400 = arith.constant 23 : i32
    %shift_right_arithmetic3A_2401 = vector.broadcast %shift_right_arithmetic3A_2400 : i32 to vector<16xi32>
    %shift_right_arithmetic3A_2402 = arith.shrsi %bitcast_convert_type3A_2399, %shift_right_arithmetic3A_2401 : vector<16xi32>
    %and3A_2403 = arith.constant 255 : i32
    %and3A_2404 = vector.broadcast %and3A_2403 : i32 to vector<16xi32>
    %and3A_2405 = arith.andi %shift_right_arithmetic3A_2402, %and3A_2404 : vector<16xi32>
    %sub3A_2406 = arith.constant 127 : i32
    %sub3A_2407 = vector.broadcast %sub3A_2406 : i32 to vector<16xi32>
    %sub3A_2408 = arith.subi %and3A_2405, %sub3A_2407 : vector<16xi32>
    %and3A_2409 = arith.constant 8388607 : i32
    %and3A_2410 = vector.broadcast %and3A_2409 : i32 to vector<16xi32>
    %and3A_2411 = arith.andi %bitcast_convert_type3A_2399, %and3A_2410 : vector<16xi32>
    %or3A_2412 = arith.constant 1065353216 : i32
    %or3A_2413 = vector.broadcast %or3A_2412 : i32 to vector<16xi32>
    %or3A_2414 = arith.ori %and3A_2411, %or3A_2413 : vector<16xi32>
    %bitcast_convert_type3A_2415 = tpu.bitcast %or3A_2414 : vector<16xi32> -> vector<16xf32>
    %sub3A_2416 = arith.constant 1.000000e+00 : f32
    %sub3A_2417 = vector.broadcast %sub3A_2416 : f32 to vector<16xf32>
    %sub3A_2418 = arith.subf %bitcast_convert_type3A_2415, %sub3A_2417 : vector<16xf32>
    %broadcast_in_dim3A_2419 = arith.constant 0.0147788934 : f32
    %broadcast_in_dim3A_2420 = vector.broadcast %broadcast_in_dim3A_2419 : f32 to vector<16xf32>
    %mul3A_2421 = arith.mulf %broadcast_in_dim3A_2420, %sub3A_2418 : vector<16xf32>
    %add3A_2422 = arith.constant -0.0768496171 : f32
    %add3A_2423 = vector.broadcast %add3A_2422 : f32 to vector<16xf32>
    %add3A_2424 = arith.addf %mul3A_2421, %add3A_2423 : vector<16xf32>
    %mul3A_2425 = arith.mulf %add3A_2424, %sub3A_2418 : vector<16xf32>
    %add3A_2426 = arith.constant 0.19042252 : f32
    %add3A_2427 = vector.broadcast %add3A_2426 : f32 to vector<16xf32>
    %add3A_2428 = arith.addf %mul3A_2425, %add3A_2427 : vector<16xf32>
    %mul3A_2429 = arith.mulf %add3A_2428, %sub3A_2418 : vector<16xf32>
    %add3A_2430 = arith.constant -0.323117495 : f32
    %add3A_2431 = vector.broadcast %add3A_2430 : f32 to vector<16xf32>
    %add3A_2432 = arith.addf %mul3A_2429, %add3A_2431 : vector<16xf32>
    %mul3A_2433 = arith.mulf %add3A_2432, %sub3A_2418 : vector<16xf32>
    %add3A_2434 = arith.constant 0.472500294 : f32
    %add3A_2435 = vector.broadcast %add3A_2434 : f32 to vector<16xf32>
    %add3A_2436 = arith.addf %mul3A_2433, %add3A_2435 : vector<16xf32>
    %mul3A_2437 = arith.mulf %add3A_2436, %sub3A_2418 : vector<16xf32>
    %add3A_2438 = arith.constant -0.720386803 : f32
    %add3A_2439 = vector.broadcast %add3A_2438 : f32 to vector<16xf32>
    %add3A_2440 = arith.addf %mul3A_2437, %add3A_2439 : vector<16xf32>
    %mul3A_2441 = arith.mulf %add3A_2440, %sub3A_2418 : vector<16xf32>
    %add3A_2442 = arith.constant 1.44265211 : f32
    %add3A_2443 = vector.broadcast %add3A_2442 : f32 to vector<16xf32>
    %add3A_2444 = arith.addf %mul3A_2441, %add3A_2443 : vector<16xf32>
    %mul3A_2445 = arith.mulf %add3A_2444, %sub3A_2418 : vector<16xf32>
    %add3A_2446 = arith.constant 3.19128787E-7 : f32
    %add3A_2447 = vector.broadcast %add3A_2446 : f32 to vector<16xf32>
    %add3A_2448 = arith.addf %mul3A_2445, %add3A_2447 : vector<16xf32>
    %convert_element_type3A_2449 = arith.sitofp %sub3A_2408 : vector<16xi32> to vector<16xf32>
    %add3A_2450 = arith.addf %convert_element_type3A_2449, %add3A_2448 : vector<16xf32>
    %mul3A_2451 = arith.constant 0.693147182 : f32
    %mul3A_2452 = vector.broadcast %mul3A_2451 : f32 to vector<16xf32>
    %mul3A_2453 = arith.mulf %mul3A_2452, %add3A_2450 : vector<16xf32>
    %sub3A_2454 = arith.subf %mul3A_2453, %gather3A_2398 : vector<16xf32>
    %add3A_2455 = arith.addf %add3A_2385, %sub3A_2454 : vector<16xf32>
    %get3A_2456 = arith.constant 3 : i32
    %get3A_2457 = arith.index_cast %get3A_2456 : i32 to index
    %get3A_2458 = arith.constant 48 : index
    %get3A_2459 = tpu.vector_load %arg6[%get3A_2457, %get3A_2458] {strides = array<i32>} : memref<4x128xi32, #tpu.memory_space<vmem>>, vector<16xi32>,
    %add3A_2460 = arith.constant 48 : i32
    %add3A_2461 = vector.broadcast %add3A_2460 : i32 to vector<16xi32>
    %add3A_2462 = arith.addi %iota3A, %add3A_2461 : vector<16xi32>
    %gather3A_2463 = arith.constant 0 : i32
    %gather3A_2464 = arith.constant 0 : i32
    %gather3A_2465 = arith.constant 0 : i32
    %gather3A_2466 = tpu.memref_slice %arg5[%gather3A_2463, %gather3A_2464, %gather3A_2465] : memref<3x256x128xf32, #tpu.memory_space<vmem>> -> memref<1x256x128xf32, #tpu.memory_space<vmem>>
    %gather3A_2467 = tpu.memref_squeeze %gather3A_2466 : memref<1x256x128xf32, #tpu.memory_space<vmem>> -> memref<256x128xf32, #tpu.memory_space<vmem>>
    %gather3A_2468 = tpu.vector_load_idx %gather3A_2467[%get3A_2459, %add3A_2462] : memref<256x128xf32, #tpu.memory_space<vmem>>[vector<16xi32>, vector<16xi32>], vector<16xf32>,
    %bitcast_convert_type3A_2469 = tpu.bitcast %scan3A_2244#3 : vector<16xf32> -> vector<16xi32>
    %shift_right_arithmetic3A_2470 = arith.constant 23 : i32
    %shift_right_arithmetic3A_2471 = vector.broadcast %shift_right_arithmetic3A_2470 : i32 to vector<16xi32>
    %shift_right_arithmetic3A_2472 = arith.shrsi %bitcast_convert_type3A_2469, %shift_right_arithmetic3A_2471 : vector<16xi32>
    %and3A_2473 = arith.constant 255 : i32
    %and3A_2474 = vector.broadcast %and3A_2473 : i32 to vector<16xi32>
    %and3A_2475 = arith.andi %shift_right_arithmetic3A_2472, %and3A_2474 : vector<16xi32>
    %sub3A_2476 = arith.constant 127 : i32
    %sub3A_2477 = vector.broadcast %sub3A_2476 : i32 to vector<16xi32>
    %sub3A_2478 = arith.subi %and3A_2475, %sub3A_2477 : vector<16xi32>
    %and3A_2479 = arith.constant 8388607 : i32
    %and3A_2480 = vector.broadcast %and3A_2479 : i32 to vector<16xi32>
    %and3A_2481 = arith.andi %bitcast_convert_type3A_2469, %and3A_2480 : vector<16xi32>
    %or3A_2482 = arith.constant 1065353216 : i32
    %or3A_2483 = vector.broadcast %or3A_2482 : i32 to vector<16xi32>
    %or3A_2484 = arith.ori %and3A_2481, %or3A_2483 : vector<16xi32>
    %bitcast_convert_type3A_2485 = tpu.bitcast %or3A_2484 : vector<16xi32> -> vector<16xf32>
    %sub3A_2486 = arith.constant 1.000000e+00 : f32
    %sub3A_2487 = vector.broadcast %sub3A_2486 : f32 to vector<16xf32>
    %sub3A_2488 = arith.subf %bitcast_convert_type3A_2485, %sub3A_2487 : vector<16xf32>
    %broadcast_in_dim3A_2489 = arith.constant 0.0147788934 : f32
    %broadcast_in_dim3A_2490 = vector.broadcast %broadcast_in_dim3A_2489 : f32 to vector<16xf32>
    %mul3A_2491 = arith.mulf %broadcast_in_dim3A_2490, %sub3A_2488 : vector<16xf32>
    %add3A_2492 = arith.constant -0.0768496171 : f32
    %add3A_2493 = vector.broadcast %add3A_2492 : f32 to vector<16xf32>
    %add3A_2494 = arith.addf %mul3A_2491, %add3A_2493 : vector<16xf32>
    %mul3A_2495 = arith.mulf %add3A_2494, %sub3A_2488 : vector<16xf32>
    %add3A_2496 = arith.constant 0.19042252 : f32
    %add3A_2497 = vector.broadcast %add3A_2496 : f32 to vector<16xf32>
    %add3A_2498 = arith.addf %mul3A_2495, %add3A_2497 : vector<16xf32>
    %mul3A_2499 = arith.mulf %add3A_2498, %sub3A_2488 : vector<16xf32>
    %add3A_2500 = arith.constant -0.323117495 : f32
    %add3A_2501 = vector.broadcast %add3A_2500 : f32 to vector<16xf32>
    %add3A_2502 = arith.addf %mul3A_2499, %add3A_2501 : vector<16xf32>
    %mul3A_2503 = arith.mulf %add3A_2502, %sub3A_2488 : vector<16xf32>
    %add3A_2504 = arith.constant 0.472500294 : f32
    %add3A_2505 = vector.broadcast %add3A_2504 : f32 to vector<16xf32>
    %add3A_2506 = arith.addf %mul3A_2503, %add3A_2505 : vector<16xf32>
    %mul3A_2507 = arith.mulf %add3A_2506, %sub3A_2488 : vector<16xf32>
    %add3A_2508 = arith.constant -0.720386803 : f32
    %add3A_2509 = vector.broadcast %add3A_2508 : f32 to vector<16xf32>
    %add3A_2510 = arith.addf %mul3A_2507, %add3A_2509 : vector<16xf32>
    %mul3A_2511 = arith.mulf %add3A_2510, %sub3A_2488 : vector<16xf32>
    %add3A_2512 = arith.constant 1.44265211 : f32
    %add3A_2513 = vector.broadcast %add3A_2512 : f32 to vector<16xf32>
    %add3A_2514 = arith.addf %mul3A_2511, %add3A_2513 : vector<16xf32>
    %mul3A_2515 = arith.mulf %add3A_2514, %sub3A_2488 : vector<16xf32>
    %add3A_2516 = arith.constant 3.19128787E-7 : f32
    %add3A_2517 = vector.broadcast %add3A_2516 : f32 to vector<16xf32>
    %add3A_2518 = arith.addf %mul3A_2515, %add3A_2517 : vector<16xf32>
    %convert_element_type3A_2519 = arith.sitofp %sub3A_2478 : vector<16xi32> to vector<16xf32>
    %add3A_2520 = arith.addf %convert_element_type3A_2519, %add3A_2518 : vector<16xf32>
    %mul3A_2521 = arith.constant 0.693147182 : f32
    %mul3A_2522 = vector.broadcast %mul3A_2521 : f32 to vector<16xf32>
    %mul3A_2523 = arith.mulf %mul3A_2522, %add3A_2520 : vector<16xf32>
    %sub3A_2524 = arith.subf %mul3A_2523, %gather3A_2468 : vector<16xf32>
    %add3A_2525 = arith.addf %add3A_2455, %sub3A_2524 : vector<16xf32>
    %get3A_2526 = arith.constant 3 : i32
    %get3A_2527 = arith.index_cast %get3A_2526 : i32 to index
    %get3A_2528 = arith.constant 64 : index
    %get3A_2529 = tpu.vector_load %arg6[%get3A_2527, %get3A_2528] {strides = array<i32>} : memref<4x128xi32, #tpu.memory_space<vmem>>, vector<16xi32>,
    %add3A_2530 = arith.constant 64 : i32
    %add3A_2531 = vector.broadcast %add3A_2530 : i32 to vector<16xi32>
    %add3A_2532 = arith.addi %iota3A, %add3A_2531 : vector<16xi32>
    %gather3A_2533 = arith.constant 0 : i32
    %gather3A_2534 = arith.constant 0 : i32
    %gather3A_2535 = arith.constant 0 : i32
    %gather3A_2536 = tpu.memref_slice %arg5[%gather3A_2533, %gather3A_2534, %gather3A_2535] : memref<3x256x128xf32, #tpu.memory_space<vmem>> -> memref<1x256x128xf32, #tpu.memory_space<vmem>>
    %gather3A_2537 = tpu.memref_squeeze %gather3A_2536 : memref<1x256x128xf32, #tpu.memory_space<vmem>> -> memref<256x128xf32, #tpu.memory_space<vmem>>
    %gather3A_2538 = tpu.vector_load_idx %gather3A_2537[%get3A_2529, %add3A_2532] : memref<256x128xf32, #tpu.memory_space<vmem>>[vector<16xi32>, vector<16xi32>], vector<16xf32>,
    %bitcast_convert_type3A_2539 = tpu.bitcast %scan3A_2244#4 : vector<16xf32> -> vector<16xi32>
    %shift_right_arithmetic3A_2540 = arith.constant 23 : i32
    %shift_right_arithmetic3A_2541 = vector.broadcast %shift_right_arithmetic3A_2540 : i32 to vector<16xi32>
    %shift_right_arithmetic3A_2542 = arith.shrsi %bitcast_convert_type3A_2539, %shift_right_arithmetic3A_2541 : vector<16xi32>
    %and3A_2543 = arith.constant 255 : i32
    %and3A_2544 = vector.broadcast %and3A_2543 : i32 to vector<16xi32>
    %and3A_2545 = arith.andi %shift_right_arithmetic3A_2542, %and3A_2544 : vector<16xi32>
    %sub3A_2546 = arith.constant 127 : i32
    %sub3A_2547 = vector.broadcast %sub3A_2546 : i32 to vector<16xi32>
    %sub3A_2548 = arith.subi %and3A_2545, %sub3A_2547 : vector<16xi32>
    %and3A_2549 = arith.constant 8388607 : i32
    %and3A_2550 = vector.broadcast %and3A_2549 : i32 to vector<16xi32>
    %and3A_2551 = arith.andi %bitcast_convert_type3A_2539, %and3A_2550 : vector<16xi32>
    %or3A_2552 = arith.constant 1065353216 : i32
    %or3A_2553 = vector.broadcast %or3A_2552 : i32 to vector<16xi32>
    %or3A_2554 = arith.ori %and3A_2551, %or3A_2553 : vector<16xi32>
    %bitcast_convert_type3A_2555 = tpu.bitcast %or3A_2554 : vector<16xi32> -> vector<16xf32>
    %sub3A_2556 = arith.constant 1.000000e+00 : f32
    %sub3A_2557 = vector.broadcast %sub3A_2556 : f32 to vector<16xf32>
    %sub3A_2558 = arith.subf %bitcast_convert_type3A_2555, %sub3A_2557 : vector<16xf32>
    %broadcast_in_dim3A_2559 = arith.constant 0.0147788934 : f32
    %broadcast_in_dim3A_2560 = vector.broadcast %broadcast_in_dim3A_2559 : f32 to vector<16xf32>
    %mul3A_2561 = arith.mulf %broadcast_in_dim3A_2560, %sub3A_2558 : vector<16xf32>
    %add3A_2562 = arith.constant -0.0768496171 : f32
    %add3A_2563 = vector.broadcast %add3A_2562 : f32 to vector<16xf32>
    %add3A_2564 = arith.addf %mul3A_2561, %add3A_2563 : vector<16xf32>
    %mul3A_2565 = arith.mulf %add3A_2564, %sub3A_2558 : vector<16xf32>
    %add3A_2566 = arith.constant 0.19042252 : f32
    %add3A_2567 = vector.broadcast %add3A_2566 : f32 to vector<16xf32>
    %add3A_2568 = arith.addf %mul3A_2565, %add3A_2567 : vector<16xf32>
    %mul3A_2569 = arith.mulf %add3A_2568, %sub3A_2558 : vector<16xf32>
    %add3A_2570 = arith.constant -0.323117495 : f32
    %add3A_2571 = vector.broadcast %add3A_2570 : f32 to vector<16xf32>
    %add3A_2572 = arith.addf %mul3A_2569, %add3A_2571 : vector<16xf32>
    %mul3A_2573 = arith.mulf %add3A_2572, %sub3A_2558 : vector<16xf32>
    %add3A_2574 = arith.constant 0.472500294 : f32
    %add3A_2575 = vector.broadcast %add3A_2574 : f32 to vector<16xf32>
    %add3A_2576 = arith.addf %mul3A_2573, %add3A_2575 : vector<16xf32>
    %mul3A_2577 = arith.mulf %add3A_2576, %sub3A_2558 : vector<16xf32>
    %add3A_2578 = arith.constant -0.720386803 : f32
    %add3A_2579 = vector.broadcast %add3A_2578 : f32 to vector<16xf32>
    %add3A_2580 = arith.addf %mul3A_2577, %add3A_2579 : vector<16xf32>
    %mul3A_2581 = arith.mulf %add3A_2580, %sub3A_2558 : vector<16xf32>
    %add3A_2582 = arith.constant 1.44265211 : f32
    %add3A_2583 = vector.broadcast %add3A_2582 : f32 to vector<16xf32>
    %add3A_2584 = arith.addf %mul3A_2581, %add3A_2583 : vector<16xf32>
    %mul3A_2585 = arith.mulf %add3A_2584, %sub3A_2558 : vector<16xf32>
    %add3A_2586 = arith.constant 3.19128787E-7 : f32
    %add3A_2587 = vector.broadcast %add3A_2586 : f32 to vector<16xf32>
    %add3A_2588 = arith.addf %mul3A_2585, %add3A_2587 : vector<16xf32>
    %convert_element_type3A_2589 = arith.sitofp %sub3A_2548 : vector<16xi32> to vector<16xf32>
    %add3A_2590 = arith.addf %convert_element_type3A_2589, %add3A_2588 : vector<16xf32>
    %mul3A_2591 = arith.constant 0.693147182 : f32
    %mul3A_2592 = vector.broadcast %mul3A_2591 : f32 to vector<16xf32>
    %mul3A_2593 = arith.mulf %mul3A_2592, %add3A_2590 : vector<16xf32>
    %sub3A_2594 = arith.subf %mul3A_2593, %gather3A_2538 : vector<16xf32>
    %add3A_2595 = arith.addf %add3A_2525, %sub3A_2594 : vector<16xf32>
    %get3A_2596 = arith.constant 3 : i32
    %get3A_2597 = arith.index_cast %get3A_2596 : i32 to index
    %get3A_2598 = arith.constant 80 : index
    %get3A_2599 = tpu.vector_load %arg6[%get3A_2597, %get3A_2598] {strides = array<i32>} : memref<4x128xi32, #tpu.memory_space<vmem>>, vector<16xi32>,
    %add3A_2600 = arith.constant 80 : i32
    %add3A_2601 = vector.broadcast %add3A_2600 : i32 to vector<16xi32>
    %add3A_2602 = arith.addi %iota3A, %add3A_2601 : vector<16xi32>
    %gather3A_2603 = arith.constant 0 : i32
    %gather3A_2604 = arith.constant 0 : i32
    %gather3A_2605 = arith.constant 0 : i32
    %gather3A_2606 = tpu.memref_slice %arg5[%gather3A_2603, %gather3A_2604, %gather3A_2605] : memref<3x256x128xf32, #tpu.memory_space<vmem>> -> memref<1x256x128xf32, #tpu.memory_space<vmem>>
    %gather3A_2607 = tpu.memref_squeeze %gather3A_2606 : memref<1x256x128xf32, #tpu.memory_space<vmem>> -> memref<256x128xf32, #tpu.memory_space<vmem>>
    %gather3A_2608 = tpu.vector_load_idx %gather3A_2607[%get3A_2599, %add3A_2602] : memref<256x128xf32, #tpu.memory_space<vmem>>[vector<16xi32>, vector<16xi32>], vector<16xf32>,
    %bitcast_convert_type3A_2609 = tpu.bitcast %scan3A_2244#5 : vector<16xf32> -> vector<16xi32>
    %shift_right_arithmetic3A_2610 = arith.constant 23 : i32
    %shift_right_arithmetic3A_2611 = vector.broadcast %shift_right_arithmetic3A_2610 : i32 to vector<16xi32>
    %shift_right_arithmetic3A_2612 = arith.shrsi %bitcast_convert_type3A_2609, %shift_right_arithmetic3A_2611 : vector<16xi32>
    %and3A_2613 = arith.constant 255 : i32
    %and3A_2614 = vector.broadcast %and3A_2613 : i32 to vector<16xi32>
    %and3A_2615 = arith.andi %shift_right_arithmetic3A_2612, %and3A_2614 : vector<16xi32>
    %sub3A_2616 = arith.constant 127 : i32
    %sub3A_2617 = vector.broadcast %sub3A_2616 : i32 to vector<16xi32>
    %sub3A_2618 = arith.subi %and3A_2615, %sub3A_2617 : vector<16xi32>
    %and3A_2619 = arith.constant 8388607 : i32
    %and3A_2620 = vector.broadcast %and3A_2619 : i32 to vector<16xi32>
    %and3A_2621 = arith.andi %bitcast_convert_type3A_2609, %and3A_2620 : vector<16xi32>
    %or3A_2622 = arith.constant 1065353216 : i32
    %or3A_2623 = vector.broadcast %or3A_2622 : i32 to vector<16xi32>
    %or3A_2624 = arith.ori %and3A_2621, %or3A_2623 : vector<16xi32>
    %bitcast_convert_type3A_2625 = tpu.bitcast %or3A_2624 : vector<16xi32> -> vector<16xf32>
    %sub3A_2626 = arith.constant 1.000000e+00 : f32
    %sub3A_2627 = vector.broadcast %sub3A_2626 : f32 to vector<16xf32>
    %sub3A_2628 = arith.subf %bitcast_convert_type3A_2625, %sub3A_2627 : vector<16xf32>
    %broadcast_in_dim3A_2629 = arith.constant 0.0147788934 : f32
    %broadcast_in_dim3A_2630 = vector.broadcast %broadcast_in_dim3A_2629 : f32 to vector<16xf32>
    %mul3A_2631 = arith.mulf %broadcast_in_dim3A_2630, %sub3A_2628 : vector<16xf32>
    %add3A_2632 = arith.constant -0.0768496171 : f32
    %add3A_2633 = vector.broadcast %add3A_2632 : f32 to vector<16xf32>
    %add3A_2634 = arith.addf %mul3A_2631, %add3A_2633 : vector<16xf32>
    %mul3A_2635 = arith.mulf %add3A_2634, %sub3A_2628 : vector<16xf32>
    %add3A_2636 = arith.constant 0.19042252 : f32
    %add3A_2637 = vector.broadcast %add3A_2636 : f32 to vector<16xf32>
    %add3A_2638 = arith.addf %mul3A_2635, %add3A_2637 : vector<16xf32>
    %mul3A_2639 = arith.mulf %add3A_2638, %sub3A_2628 : vector<16xf32>
    %add3A_2640 = arith.constant -0.323117495 : f32
    %add3A_2641 = vector.broadcast %add3A_2640 : f32 to vector<16xf32>
    %add3A_2642 = arith.addf %mul3A_2639, %add3A_2641 : vector<16xf32>
    %mul3A_2643 = arith.mulf %add3A_2642, %sub3A_2628 : vector<16xf32>
    %add3A_2644 = arith.constant 0.472500294 : f32
    %add3A_2645 = vector.broadcast %add3A_2644 : f32 to vector<16xf32>
    %add3A_2646 = arith.addf %mul3A_2643, %add3A_2645 : vector<16xf32>
    %mul3A_2647 = arith.mulf %add3A_2646, %sub3A_2628 : vector<16xf32>
    %add3A_2648 = arith.constant -0.720386803 : f32
    %add3A_2649 = vector.broadcast %add3A_2648 : f32 to vector<16xf32>
    %add3A_2650 = arith.addf %mul3A_2647, %add3A_2649 : vector<16xf32>
    %mul3A_2651 = arith.mulf %add3A_2650, %sub3A_2628 : vector<16xf32>
    %add3A_2652 = arith.constant 1.44265211 : f32
    %add3A_2653 = vector.broadcast %add3A_2652 : f32 to vector<16xf32>
    %add3A_2654 = arith.addf %mul3A_2651, %add3A_2653 : vector<16xf32>
    %mul3A_2655 = arith.mulf %add3A_2654, %sub3A_2628 : vector<16xf32>
    %add3A_2656 = arith.constant 3.19128787E-7 : f32
    %add3A_2657 = vector.broadcast %add3A_2656 : f32 to vector<16xf32>
    %add3A_2658 = arith.addf %mul3A_2655, %add3A_2657 : vector<16xf32>
    %convert_element_type3A_2659 = arith.sitofp %sub3A_2618 : vector<16xi32> to vector<16xf32>
    %add3A_2660 = arith.addf %convert_element_type3A_2659, %add3A_2658 : vector<16xf32>
    %mul3A_2661 = arith.constant 0.693147182 : f32
    %mul3A_2662 = vector.broadcast %mul3A_2661 : f32 to vector<16xf32>
    %mul3A_2663 = arith.mulf %mul3A_2662, %add3A_2660 : vector<16xf32>
    %sub3A_2664 = arith.subf %mul3A_2663, %gather3A_2608 : vector<16xf32>
    %add3A_2665 = arith.addf %add3A_2595, %sub3A_2664 : vector<16xf32>
    %get3A_2666 = arith.constant 3 : i32
    %get3A_2667 = arith.index_cast %get3A_2666 : i32 to index
    %get3A_2668 = arith.constant 96 : index
    %get3A_2669 = tpu.vector_load %arg6[%get3A_2667, %get3A_2668] {strides = array<i32>} : memref<4x128xi32, #tpu.memory_space<vmem>>, vector<16xi32>,
    %add3A_2670 = arith.constant 96 : i32
    %add3A_2671 = vector.broadcast %add3A_2670 : i32 to vector<16xi32>
    %add3A_2672 = arith.addi %iota3A, %add3A_2671 : vector<16xi32>
    %gather3A_2673 = arith.constant 0 : i32
    %gather3A_2674 = arith.constant 0 : i32
    %gather3A_2675 = arith.constant 0 : i32
    %gather3A_2676 = tpu.memref_slice %arg5[%gather3A_2673, %gather3A_2674, %gather3A_2675] : memref<3x256x128xf32, #tpu.memory_space<vmem>> -> memref<1x256x128xf32, #tpu.memory_space<vmem>>
    %gather3A_2677 = tpu.memref_squeeze %gather3A_2676 : memref<1x256x128xf32, #tpu.memory_space<vmem>> -> memref<256x128xf32, #tpu.memory_space<vmem>>
    %gather3A_2678 = tpu.vector_load_idx %gather3A_2677[%get3A_2669, %add3A_2672] : memref<256x128xf32, #tpu.memory_space<vmem>>[vector<16xi32>, vector<16xi32>], vector<16xf32>,
    %bitcast_convert_type3A_2679 = tpu.bitcast %scan3A_2244#6 : vector<16xf32> -> vector<16xi32>
    %shift_right_arithmetic3A_2680 = arith.constant 23 : i32
    %shift_right_arithmetic3A_2681 = vector.broadcast %shift_right_arithmetic3A_2680 : i32 to vector<16xi32>
    %shift_right_arithmetic3A_2682 = arith.shrsi %bitcast_convert_type3A_2679, %shift_right_arithmetic3A_2681 : vector<16xi32>
    %and3A_2683 = arith.constant 255 : i32
    %and3A_2684 = vector.broadcast %and3A_2683 : i32 to vector<16xi32>
    %and3A_2685 = arith.andi %shift_right_arithmetic3A_2682, %and3A_2684 : vector<16xi32>
    %sub3A_2686 = arith.constant 127 : i32
    %sub3A_2687 = vector.broadcast %sub3A_2686 : i32 to vector<16xi32>
    %sub3A_2688 = arith.subi %and3A_2685, %sub3A_2687 : vector<16xi32>
    %and3A_2689 = arith.constant 8388607 : i32
    %and3A_2690 = vector.broadcast %and3A_2689 : i32 to vector<16xi32>
    %and3A_2691 = arith.andi %bitcast_convert_type3A_2679, %and3A_2690 : vector<16xi32>
    %or3A_2692 = arith.constant 1065353216 : i32
    %or3A_2693 = vector.broadcast %or3A_2692 : i32 to vector<16xi32>
    %or3A_2694 = arith.ori %and3A_2691, %or3A_2693 : vector<16xi32>
    %bitcast_convert_type3A_2695 = tpu.bitcast %or3A_2694 : vector<16xi32> -> vector<16xf32>
    %sub3A_2696 = arith.constant 1.000000e+00 : f32
    %sub3A_2697 = vector.broadcast %sub3A_2696 : f32 to vector<16xf32>
    %sub3A_2698 = arith.subf %bitcast_convert_type3A_2695, %sub3A_2697 : vector<16xf32>
    %broadcast_in_dim3A_2699 = arith.constant 0.0147788934 : f32
    %broadcast_in_dim3A_2700 = vector.broadcast %broadcast_in_dim3A_2699 : f32 to vector<16xf32>
    %mul3A_2701 = arith.mulf %broadcast_in_dim3A_2700, %sub3A_2698 : vector<16xf32>
    %add3A_2702 = arith.constant -0.0768496171 : f32
    %add3A_2703 = vector.broadcast %add3A_2702 : f32 to vector<16xf32>
    %add3A_2704 = arith.addf %mul3A_2701, %add3A_2703 : vector<16xf32>
    %mul3A_2705 = arith.mulf %add3A_2704, %sub3A_2698 : vector<16xf32>
    %add3A_2706 = arith.constant 0.19042252 : f32
    %add3A_2707 = vector.broadcast %add3A_2706 : f32 to vector<16xf32>
    %add3A_2708 = arith.addf %mul3A_2705, %add3A_2707 : vector<16xf32>
    %mul3A_2709 = arith.mulf %add3A_2708, %sub3A_2698 : vector<16xf32>
    %add3A_2710 = arith.constant -0.323117495 : f32
    %add3A_2711 = vector.broadcast %add3A_2710 : f32 to vector<16xf32>
    %add3A_2712 = arith.addf %mul3A_2709, %add3A_2711 : vector<16xf32>
    %mul3A_2713 = arith.mulf %add3A_2712, %sub3A_2698 : vector<16xf32>
    %add3A_2714 = arith.constant 0.472500294 : f32
    %add3A_2715 = vector.broadcast %add3A_2714 : f32 to vector<16xf32>
    %add3A_2716 = arith.addf %mul3A_2713, %add3A_2715 : vector<16xf32>
    %mul3A_2717 = arith.mulf %add3A_2716, %sub3A_2698 : vector<16xf32>
    %add3A_2718 = arith.constant -0.720386803 : f32
    %add3A_2719 = vector.broadcast %add3A_2718 : f32 to vector<16xf32>
    %add3A_2720 = arith.addf %mul3A_2717, %add3A_2719 : vector<16xf32>
    %mul3A_2721 = arith.mulf %add3A_2720, %sub3A_2698 : vector<16xf32>
    %add3A_2722 = arith.constant 1.44265211 : f32
    %add3A_2723 = vector.broadcast %add3A_2722 : f32 to vector<16xf32>
    %add3A_2724 = arith.addf %mul3A_2721, %add3A_2723 : vector<16xf32>
    %mul3A_2725 = arith.mulf %add3A_2724, %sub3A_2698 : vector<16xf32>
    %add3A_2726 = arith.constant 3.19128787E-7 : f32
    %add3A_2727 = vector.broadcast %add3A_2726 : f32 to vector<16xf32>
    %add3A_2728 = arith.addf %mul3A_2725, %add3A_2727 : vector<16xf32>
    %convert_element_type3A_2729 = arith.sitofp %sub3A_2688 : vector<16xi32> to vector<16xf32>
    %add3A_2730 = arith.addf %convert_element_type3A_2729, %add3A_2728 : vector<16xf32>
    %mul3A_2731 = arith.constant 0.693147182 : f32
    %mul3A_2732 = vector.broadcast %mul3A_2731 : f32 to vector<16xf32>
    %mul3A_2733 = arith.mulf %mul3A_2732, %add3A_2730 : vector<16xf32>
    %sub3A_2734 = arith.subf %mul3A_2733, %gather3A_2678 : vector<16xf32>
    %add3A_2735 = arith.addf %add3A_2665, %sub3A_2734 : vector<16xf32>
    %get3A_2736 = arith.constant 3 : i32
    %get3A_2737 = arith.index_cast %get3A_2736 : i32 to index
    %get3A_2738 = arith.constant 112 : index
    %get3A_2739 = tpu.vector_load %arg6[%get3A_2737, %get3A_2738] {strides = array<i32>} : memref<4x128xi32, #tpu.memory_space<vmem>>, vector<16xi32>,
    %add3A_2740 = arith.constant 112 : i32
    %add3A_2741 = vector.broadcast %add3A_2740 : i32 to vector<16xi32>
    %add3A_2742 = arith.addi %iota3A, %add3A_2741 : vector<16xi32>
    %gather3A_2743 = arith.constant 0 : i32
    %gather3A_2744 = arith.constant 0 : i32
    %gather3A_2745 = arith.constant 0 : i32
    %gather3A_2746 = tpu.memref_slice %arg5[%gather3A_2743, %gather3A_2744, %gather3A_2745] : memref<3x256x128xf32, #tpu.memory_space<vmem>> -> memref<1x256x128xf32, #tpu.memory_space<vmem>>
    %gather3A_2747 = tpu.memref_squeeze %gather3A_2746 : memref<1x256x128xf32, #tpu.memory_space<vmem>> -> memref<256x128xf32, #tpu.memory_space<vmem>>
    %gather3A_2748 = tpu.vector_load_idx %gather3A_2747[%get3A_2739, %add3A_2742] : memref<256x128xf32, #tpu.memory_space<vmem>>[vector<16xi32>, vector<16xi32>], vector<16xf32>,
    %bitcast_convert_type3A_2749 = tpu.bitcast %scan3A_2244#7 : vector<16xf32> -> vector<16xi32>
    %shift_right_arithmetic3A_2750 = arith.constant 23 : i32
    %shift_right_arithmetic3A_2751 = vector.broadcast %shift_right_arithmetic3A_2750 : i32 to vector<16xi32>
    %shift_right_arithmetic3A_2752 = arith.shrsi %bitcast_convert_type3A_2749, %shift_right_arithmetic3A_2751 : vector<16xi32>
    %and3A_2753 = arith.constant 255 : i32
    %and3A_2754 = vector.broadcast %and3A_2753 : i32 to vector<16xi32>
    %and3A_2755 = arith.andi %shift_right_arithmetic3A_2752, %and3A_2754 : vector<16xi32>
    %sub3A_2756 = arith.constant 127 : i32
    %sub3A_2757 = vector.broadcast %sub3A_2756 : i32 to vector<16xi32>
    %sub3A_2758 = arith.subi %and3A_2755, %sub3A_2757 : vector<16xi32>
    %and3A_2759 = arith.constant 8388607 : i32
    %and3A_2760 = vector.broadcast %and3A_2759 : i32 to vector<16xi32>
    %and3A_2761 = arith.andi %bitcast_convert_type3A_2749, %and3A_2760 : vector<16xi32>
    %or3A_2762 = arith.constant 1065353216 : i32
    %or3A_2763 = vector.broadcast %or3A_2762 : i32 to vector<16xi32>
    %or3A_2764 = arith.ori %and3A_2761, %or3A_2763 : vector<16xi32>
    %bitcast_convert_type3A_2765 = tpu.bitcast %or3A_2764 : vector<16xi32> -> vector<16xf32>
    %sub3A_2766 = arith.constant 1.000000e+00 : f32
    %sub3A_2767 = vector.broadcast %sub3A_2766 : f32 to vector<16xf32>
    %sub3A_2768 = arith.subf %bitcast_convert_type3A_2765, %sub3A_2767 : vector<16xf32>
    %broadcast_in_dim3A_2769 = arith.constant 0.0147788934 : f32
    %broadcast_in_dim3A_2770 = vector.broadcast %broadcast_in_dim3A_2769 : f32 to vector<16xf32>
    %mul3A_2771 = arith.mulf %broadcast_in_dim3A_2770, %sub3A_2768 : vector<16xf32>
    %add3A_2772 = arith.constant -0.0768496171 : f32
    %add3A_2773 = vector.broadcast %add3A_2772 : f32 to vector<16xf32>
    %add3A_2774 = arith.addf %mul3A_2771, %add3A_2773 : vector<16xf32>
    %mul3A_2775 = arith.mulf %add3A_2774, %sub3A_2768 : vector<16xf32>
    %add3A_2776 = arith.constant 0.19042252 : f32
    %add3A_2777 = vector.broadcast %add3A_2776 : f32 to vector<16xf32>
    %add3A_2778 = arith.addf %mul3A_2775, %add3A_2777 : vector<16xf32>
    %mul3A_2779 = arith.mulf %add3A_2778, %sub3A_2768 : vector<16xf32>
    %add3A_2780 = arith.constant -0.323117495 : f32
    %add3A_2781 = vector.broadcast %add3A_2780 : f32 to vector<16xf32>
    %add3A_2782 = arith.addf %mul3A_2779, %add3A_2781 : vector<16xf32>
    %mul3A_2783 = arith.mulf %add3A_2782, %sub3A_2768 : vector<16xf32>
    %add3A_2784 = arith.constant 0.472500294 : f32
    %add3A_2785 = vector.broadcast %add3A_2784 : f32 to vector<16xf32>
    %add3A_2786 = arith.addf %mul3A_2783, %add3A_2785 : vector<16xf32>
    %mul3A_2787 = arith.mulf %add3A_2786, %sub3A_2768 : vector<16xf32>
    %add3A_2788 = arith.constant -0.720386803 : f32
    %add3A_2789 = vector.broadcast %add3A_2788 : f32 to vector<16xf32>
    %add3A_2790 = arith.addf %mul3A_2787, %add3A_2789 : vector<16xf32>
    %mul3A_2791 = arith.mulf %add3A_2790, %sub3A_2768 : vector<16xf32>
    %add3A_2792 = arith.constant 1.44265211 : f32
    %add3A_2793 = vector.broadcast %add3A_2792 : f32 to vector<16xf32>
    %add3A_2794 = arith.addf %mul3A_2791, %add3A_2793 : vector<16xf32>
    %mul3A_2795 = arith.mulf %add3A_2794, %sub3A_2768 : vector<16xf32>
    %add3A_2796 = arith.constant 3.19128787E-7 : f32
    %add3A_2797 = vector.broadcast %add3A_2796 : f32 to vector<16xf32>
    %add3A_2798 = arith.addf %mul3A_2795, %add3A_2797 : vector<16xf32>
    %convert_element_type3A_2799 = arith.sitofp %sub3A_2758 : vector<16xi32> to vector<16xf32>
    %add3A_2800 = arith.addf %convert_element_type3A_2799, %add3A_2798 : vector<16xf32>
    %mul3A_2801 = arith.constant 0.693147182 : f32
    %mul3A_2802 = vector.broadcast %mul3A_2801 : f32 to vector<16xf32>
    %mul3A_2803 = arith.mulf %mul3A_2802, %add3A_2800 : vector<16xf32>
    %sub3A_2804 = arith.subf %mul3A_2803, %gather3A_2748 : vector<16xf32>
    %add3A_2805 = arith.addf %add3A_2735, %sub3A_2804 : vector<16xf32>
    %swap3A = arith.constant 0 : index
    %swap3A_2806 = tpu.vector_load %arg7[%swap3A] {strides = array<i32>} : memref<16xf32, #tpu.memory_space<vmem>>, vector<16xf32>,
    tpu.vector_store %arg7[%swap3A], %add3A_2805 {strides = array<i32>} : memref<16xf32, #tpu.memory_space<vmem>>, vector<16xf32>,
    %mul3A_2807 = arith.constant 16 : i32
    %mul3A_2808 = arith.muli %add3A, %mul3A_2807 : i32
    "tpu.region"() ({
      %run_scoped3A_2809 = tpu.sem_alloc : memref<!tpu.dma_semaphore, #tpu.memory_space<semaphore_mem>>
      %dma_start3A_2810 = tpu.memref_slice %arg4[%mul3A_2808] : memref<512xf32, #tpu.memory_space<hbm>> -> memref<16xf32, #tpu.memory_space<hbm>>
      %dma_start3A_2811 = tpu.memref_slice %arg4[%mul3A_2808] : memref<512xf32, #tpu.memory_space<hbm>> -> memref<16xf32, #tpu.memory_space<hbm>>
      tpu.enqueue_dma source(%arg7 : memref<16xf32, #tpu.memory_space<vmem>>) target(%dma_start3A_2811 : memref<16xf32, #tpu.memory_space<hbm>>) target_semaphore(%run_scoped3A_2809 : memref<!tpu.dma_semaphore, #tpu.memory_space<semaphore_mem>>)
      %dma_wait3A_2812 = tpu.memref_slice %arg4[%mul3A_2808] : memref<512xf32, #tpu.memory_space<hbm>> -> memref<16xf32, #tpu.memory_space<hbm>>
      %dma_wait3A_2813 = tpu.memref_slice %arg4[%mul3A_2808] : memref<512xf32, #tpu.memory_space<hbm>> -> memref<16xf32, #tpu.memory_space<hbm>>
      tpu.wait_dma2 semaphore(%run_scoped3A_2809 : memref<!tpu.dma_semaphore, #tpu.memory_space<semaphore_mem>>) src(%arg7 : memref<16xf32, #tpu.memory_space<vmem>>) dst(%dma_wait3A_2813 : memref<16xf32, #tpu.memory_space<hbm>>)
      tpu.yield
    }) : () -> ()
    return
  }
}

module attributes {stable_mosaic.version = 14 : i64} {
  func.func @_tc_body(%arg0: i32, %arg1: memref<1xf32, #tpu.memory_space<smem>>, %arg2: memref<8x64x256xf32, #tpu.memory_space<vmem>>, %arg3: memref<1024x64xf32, #tpu.memory_space<vmem>>, %arg4: memref<8x256xf32, #tpu.memory_space<vmem>>, %arg5: memref<1xf32, #tpu.memory_space<smem>>, %arg6: memref<1xf32, #tpu.memory_space<smem>>) attributes {dimension_semantics = [#tpu.dimension_semantics<arbitrary>], iteration_bounds = array<i64: 8>, scalar_prefetch = 0 : i64, scratch_operands = 1 : i64, tpu.core_type = #tpu.core_type<tc>, window_params = [{transform_indices = @transform_0, window_bounds = array<i64: 1>}, {transform_indices = @transform_1, window_bounds = array<i64: 8, 64, 256>}, {pipeline_mode = #tpu.pipeline_mode<synchronous>, transform_indices = @transform_2, window_bounds = array<i64: 1024, 64>}, {transform_indices = @transform_3, window_bounds = array<i64: 8, 256>}, {transform_indices = @transform_4, window_bounds = array<i64: 1>}]} {
    %get3A = arith.constant 0 : index
    %get3A_0 = arith.constant 0 : index
    %get3A_1 = vector.load %arg3[%get3A, %get3A_0] : memref<1024x64xf32, #tpu.memory_space<vmem>>, vector<1024x64xf32>
    %mul3A = arith.mulf %get3A_1, %get3A_1 : vector<1024x64xf32>
    %reduce_sum3A = arith.constant dense<0.000000e+00> : vector<1024xf32>
    %reduce_sum3A_2 = vector.multi_reduction <add>, %mul3A, %reduce_sum3A [1] : vector<1024x64xf32> to vector<1024xf32>
    %mul3A_3 = arith.constant -2.000000e+00 : f32
    %mul3A_4 = vector.broadcast %mul3A_3 : f32 to vector<1024x64xf32>
    %mul3A_5 = arith.mulf %mul3A_4, %get3A_1 : vector<1024x64xf32>
    %convert_element_type3A = arith.truncf %mul3A_5 : vector<1024x64xf32> to vector<1024x64xbf16>
    %convert_element_type3A_6 = arith.truncf %reduce_sum3A_2 : vector<1024xf32> to vector<1024xbf16>
    %broadcast_in_dim3A = vector.shape_cast %convert_element_type3A_6 : vector<1024xbf16> to vector<1024x1xbf16>
    %broadcast_in_dim3A_7 = arith.constant 0.000000e+00 : bf16
    %broadcast_in_dim3A_8 = vector.broadcast %broadcast_in_dim3A_7 : bf16 to vector<1024x7xbf16>
    %concatenate3A = tpu.concatenate %convert_element_type3A, %broadcast_in_dim3A, %broadcast_in_dim3A_8 in 1 : vector<1024x64xbf16>, vector<1024x1xbf16>, vector<1024x7xbf16> -> vector<1024x72xbf16>
    %get3A_9 = arith.constant 0 : index
    %get3A_10 = arith.constant 0 : index
    %get3A_11 = arith.constant 0 : index
    %get3A_12 = vector.load %arg2[%get3A_9, %get3A_10, %get3A_11] : memref<8x64x256xf32, #tpu.memory_space<vmem>>, vector<8x64x256xf32>
    %mul3A_13 = arith.mulf %get3A_12, %get3A_12 : vector<8x64x256xf32>
    %reduce_sum3A_14 = arith.constant dense<0.000000e+00> : vector<8x256xf32>
    %reduce_sum3A_15 = vector.multi_reduction <add>, %mul3A_13, %reduce_sum3A_14 [1] : vector<8x64x256xf32> to vector<8x256xf32>
    %slice3A = vector.extract_strided_slice %get3A_12 {offsets = [0, 0, 0], sizes = [1, 64, 256], strides = [1, 1, 1]} : vector<8x64x256xf32> to vector<1x64x256xf32>
    %squeeze3A = vector.shape_cast %slice3A : vector<1x64x256xf32> to vector<64x256xf32>
    %convert_element_type3A_16 = arith.truncf %squeeze3A : vector<64x256xf32> to vector<64x256xbf16>
    %broadcast_in_dim3A_17 = arith.constant 1.000000e+00 : bf16
    %broadcast_in_dim3A_18 = vector.broadcast %broadcast_in_dim3A_17 : bf16 to vector<1x256xbf16>
    %broadcast_in_dim3A_19 = arith.constant 0.000000e+00 : bf16
    %broadcast_in_dim3A_20 = vector.broadcast %broadcast_in_dim3A_19 : bf16 to vector<7x256xbf16>
    %concatenate3A_21 = tpu.concatenate %convert_element_type3A_16, %broadcast_in_dim3A_18, %broadcast_in_dim3A_20 in 0 : vector<64x256xbf16>, vector<1x256xbf16>, vector<7x256xbf16> -> vector<72x256xbf16>
    %dot_general3A = arith.constant dense<0.000000e+00> : vector<1024x256xf32>
    %dot_general3A_22 = tpu.matmul %concatenate3A, %concatenate3A_21, %dot_general3A {dimension_numbers = #tpu.dot_dimension_numbers<[1], [0], [0], [1], [0, 0, 1, 1], [], []>, transpose_lhs_hint = false} : vector<1024x72xbf16>, vector<72x256xbf16>, vector<1024x256xf32> -> vector<1024x256xf32>
    %reduce_min3A = arith.constant dense<0x7F800000> : vector<256xf32>
    %reduce_min3A_23 = vector.multi_reduction <minimumf>, %dot_general3A_22, %reduce_min3A [0] : vector<1024x256xf32> to vector<256xf32>
    %reduce_sum3A_24 = vector.shape_cast %reduce_min3A_23 : vector<256xf32> to vector<1x256xf32>
    %reduce_sum3A_25 = arith.constant dense<0.000000e+00> : vector<1xf32>
    %reduce_sum3A_26 = vector.multi_reduction <add>, %reduce_sum3A_24, %reduce_sum3A_25 [1] : vector<1x256xf32> to vector<1xf32>
    %reduce_sum3A_27 = vector.shape_cast %reduce_sum3A_26 : vector<1xf32> to vector<1x1xf32>
    %reduce_sum3A_28 = vector.extract %reduce_sum3A_27[0, 0] : f32 from vector<1x1xf32>
    %add3A = arith.constant 0.000000e+00 : f32
    %add3A_29 = arith.addf %add3A, %reduce_sum3A_28 : f32
    %slice3A_30 = vector.extract_strided_slice %get3A_12 {offsets = [1, 0, 0], sizes = [1, 64, 256], strides = [1, 1, 1]} : vector<8x64x256xf32> to vector<1x64x256xf32>
    %squeeze3A_31 = vector.shape_cast %slice3A_30 : vector<1x64x256xf32> to vector<64x256xf32>
    %convert_element_type3A_32 = arith.truncf %squeeze3A_31 : vector<64x256xf32> to vector<64x256xbf16>
    %broadcast_in_dim3A_33 = arith.constant 1.000000e+00 : bf16
    %broadcast_in_dim3A_34 = vector.broadcast %broadcast_in_dim3A_33 : bf16 to vector<1x256xbf16>
    %broadcast_in_dim3A_35 = arith.constant 0.000000e+00 : bf16
    %broadcast_in_dim3A_36 = vector.broadcast %broadcast_in_dim3A_35 : bf16 to vector<7x256xbf16>
    %concatenate3A_37 = tpu.concatenate %convert_element_type3A_32, %broadcast_in_dim3A_34, %broadcast_in_dim3A_36 in 0 : vector<64x256xbf16>, vector<1x256xbf16>, vector<7x256xbf16> -> vector<72x256xbf16>
    %dot_general3A_38 = arith.constant dense<0.000000e+00> : vector<1024x256xf32>
    %dot_general3A_39 = tpu.matmul %concatenate3A, %concatenate3A_37, %dot_general3A_38 {dimension_numbers = #tpu.dot_dimension_numbers<[1], [0], [0], [1], [0, 0, 1, 1], [], []>, transpose_lhs_hint = false} : vector<1024x72xbf16>, vector<72x256xbf16>, vector<1024x256xf32> -> vector<1024x256xf32>
    %reduce_min3A_40 = arith.constant dense<0x7F800000> : vector<256xf32>
    %reduce_min3A_41 = vector.multi_reduction <minimumf>, %dot_general3A_39, %reduce_min3A_40 [0] : vector<1024x256xf32> to vector<256xf32>
    %reduce_sum3A_42 = vector.shape_cast %reduce_min3A_41 : vector<256xf32> to vector<1x256xf32>
    %reduce_sum3A_43 = arith.constant dense<0.000000e+00> : vector<1xf32>
    %reduce_sum3A_44 = vector.multi_reduction <add>, %reduce_sum3A_42, %reduce_sum3A_43 [1] : vector<1x256xf32> to vector<1xf32>
    %reduce_sum3A_45 = vector.shape_cast %reduce_sum3A_44 : vector<1xf32> to vector<1x1xf32>
    %reduce_sum3A_46 = vector.extract %reduce_sum3A_45[0, 0] : f32 from vector<1x1xf32>
    %add3A_47 = arith.addf %add3A_29, %reduce_sum3A_46 : f32
    %slice3A_48 = vector.extract_strided_slice %get3A_12 {offsets = [2, 0, 0], sizes = [1, 64, 256], strides = [1, 1, 1]} : vector<8x64x256xf32> to vector<1x64x256xf32>
    %squeeze3A_49 = vector.shape_cast %slice3A_48 : vector<1x64x256xf32> to vector<64x256xf32>
    %convert_element_type3A_50 = arith.truncf %squeeze3A_49 : vector<64x256xf32> to vector<64x256xbf16>
    %broadcast_in_dim3A_51 = arith.constant 1.000000e+00 : bf16
    %broadcast_in_dim3A_52 = vector.broadcast %broadcast_in_dim3A_51 : bf16 to vector<1x256xbf16>
    %broadcast_in_dim3A_53 = arith.constant 0.000000e+00 : bf16
    %broadcast_in_dim3A_54 = vector.broadcast %broadcast_in_dim3A_53 : bf16 to vector<7x256xbf16>
    %concatenate3A_55 = tpu.concatenate %convert_element_type3A_50, %broadcast_in_dim3A_52, %broadcast_in_dim3A_54 in 0 : vector<64x256xbf16>, vector<1x256xbf16>, vector<7x256xbf16> -> vector<72x256xbf16>
    %dot_general3A_56 = arith.constant dense<0.000000e+00> : vector<1024x256xf32>
    %dot_general3A_57 = tpu.matmul %concatenate3A, %concatenate3A_55, %dot_general3A_56 {dimension_numbers = #tpu.dot_dimension_numbers<[1], [0], [0], [1], [0, 0, 1, 1], [], []>, transpose_lhs_hint = false} : vector<1024x72xbf16>, vector<72x256xbf16>, vector<1024x256xf32> -> vector<1024x256xf32>
    %reduce_min3A_58 = arith.constant dense<0x7F800000> : vector<256xf32>
    %reduce_min3A_59 = vector.multi_reduction <minimumf>, %dot_general3A_57, %reduce_min3A_58 [0] : vector<1024x256xf32> to vector<256xf32>
    %reduce_sum3A_60 = vector.shape_cast %reduce_min3A_59 : vector<256xf32> to vector<1x256xf32>
    %reduce_sum3A_61 = arith.constant dense<0.000000e+00> : vector<1xf32>
    %reduce_sum3A_62 = vector.multi_reduction <add>, %reduce_sum3A_60, %reduce_sum3A_61 [1] : vector<1x256xf32> to vector<1xf32>
    %reduce_sum3A_63 = vector.shape_cast %reduce_sum3A_62 : vector<1xf32> to vector<1x1xf32>
    %reduce_sum3A_64 = vector.extract %reduce_sum3A_63[0, 0] : f32 from vector<1x1xf32>
    %add3A_65 = arith.addf %add3A_47, %reduce_sum3A_64 : f32
    %slice3A_66 = vector.extract_strided_slice %get3A_12 {offsets = [3, 0, 0], sizes = [1, 64, 256], strides = [1, 1, 1]} : vector<8x64x256xf32> to vector<1x64x256xf32>
    %squeeze3A_67 = vector.shape_cast %slice3A_66 : vector<1x64x256xf32> to vector<64x256xf32>
    %convert_element_type3A_68 = arith.truncf %squeeze3A_67 : vector<64x256xf32> to vector<64x256xbf16>
    %broadcast_in_dim3A_69 = arith.constant 1.000000e+00 : bf16
    %broadcast_in_dim3A_70 = vector.broadcast %broadcast_in_dim3A_69 : bf16 to vector<1x256xbf16>
    %broadcast_in_dim3A_71 = arith.constant 0.000000e+00 : bf16
    %broadcast_in_dim3A_72 = vector.broadcast %broadcast_in_dim3A_71 : bf16 to vector<7x256xbf16>
    %concatenate3A_73 = tpu.concatenate %convert_element_type3A_68, %broadcast_in_dim3A_70, %broadcast_in_dim3A_72 in 0 : vector<64x256xbf16>, vector<1x256xbf16>, vector<7x256xbf16> -> vector<72x256xbf16>
    %dot_general3A_74 = arith.constant dense<0.000000e+00> : vector<1024x256xf32>
    %dot_general3A_75 = tpu.matmul %concatenate3A, %concatenate3A_73, %dot_general3A_74 {dimension_numbers = #tpu.dot_dimension_numbers<[1], [0], [0], [1], [0, 0, 1, 1], [], []>, transpose_lhs_hint = false} : vector<1024x72xbf16>, vector<72x256xbf16>, vector<1024x256xf32> -> vector<1024x256xf32>
    %reduce_min3A_76 = arith.constant dense<0x7F800000> : vector<256xf32>
    %reduce_min3A_77 = vector.multi_reduction <minimumf>, %dot_general3A_75, %reduce_min3A_76 [0] : vector<1024x256xf32> to vector<256xf32>
    %reduce_sum3A_78 = vector.shape_cast %reduce_min3A_77 : vector<256xf32> to vector<1x256xf32>
    %reduce_sum3A_79 = arith.constant dense<0.000000e+00> : vector<1xf32>
    %reduce_sum3A_80 = vector.multi_reduction <add>, %reduce_sum3A_78, %reduce_sum3A_79 [1] : vector<1x256xf32> to vector<1xf32>
    %reduce_sum3A_81 = vector.shape_cast %reduce_sum3A_80 : vector<1xf32> to vector<1x1xf32>
    %reduce_sum3A_82 = vector.extract %reduce_sum3A_81[0, 0] : f32 from vector<1x1xf32>
    %add3A_83 = arith.addf %add3A_65, %reduce_sum3A_82 : f32
    %slice3A_84 = vector.extract_strided_slice %get3A_12 {offsets = [4, 0, 0], sizes = [1, 64, 256], strides = [1, 1, 1]} : vector<8x64x256xf32> to vector<1x64x256xf32>
    %squeeze3A_85 = vector.shape_cast %slice3A_84 : vector<1x64x256xf32> to vector<64x256xf32>
    %convert_element_type3A_86 = arith.truncf %squeeze3A_85 : vector<64x256xf32> to vector<64x256xbf16>
    %broadcast_in_dim3A_87 = arith.constant 1.000000e+00 : bf16
    %broadcast_in_dim3A_88 = vector.broadcast %broadcast_in_dim3A_87 : bf16 to vector<1x256xbf16>
    %broadcast_in_dim3A_89 = arith.constant 0.000000e+00 : bf16
    %broadcast_in_dim3A_90 = vector.broadcast %broadcast_in_dim3A_89 : bf16 to vector<7x256xbf16>
    %concatenate3A_91 = tpu.concatenate %convert_element_type3A_86, %broadcast_in_dim3A_88, %broadcast_in_dim3A_90 in 0 : vector<64x256xbf16>, vector<1x256xbf16>, vector<7x256xbf16> -> vector<72x256xbf16>
    %dot_general3A_92 = arith.constant dense<0.000000e+00> : vector<1024x256xf32>
    %dot_general3A_93 = tpu.matmul %concatenate3A, %concatenate3A_91, %dot_general3A_92 {dimension_numbers = #tpu.dot_dimension_numbers<[1], [0], [0], [1], [0, 0, 1, 1], [], []>, transpose_lhs_hint = false} : vector<1024x72xbf16>, vector<72x256xbf16>, vector<1024x256xf32> -> vector<1024x256xf32>
    %reduce_min3A_94 = arith.constant dense<0x7F800000> : vector<256xf32>
    %reduce_min3A_95 = vector.multi_reduction <minimumf>, %dot_general3A_93, %reduce_min3A_94 [0] : vector<1024x256xf32> to vector<256xf32>
    %reduce_sum3A_96 = vector.shape_cast %reduce_min3A_95 : vector<256xf32> to vector<1x256xf32>
    %reduce_sum3A_97 = arith.constant dense<0.000000e+00> : vector<1xf32>
    %reduce_sum3A_98 = vector.multi_reduction <add>, %reduce_sum3A_96, %reduce_sum3A_97 [1] : vector<1x256xf32> to vector<1xf32>
    %reduce_sum3A_99 = vector.shape_cast %reduce_sum3A_98 : vector<1xf32> to vector<1x1xf32>
    %reduce_sum3A_100 = vector.extract %reduce_sum3A_99[0, 0] : f32 from vector<1x1xf32>
    %add3A_101 = arith.addf %add3A_83, %reduce_sum3A_100 : f32
    %slice3A_102 = vector.extract_strided_slice %get3A_12 {offsets = [5, 0, 0], sizes = [1, 64, 256], strides = [1, 1, 1]} : vector<8x64x256xf32> to vector<1x64x256xf32>
    %squeeze3A_103 = vector.shape_cast %slice3A_102 : vector<1x64x256xf32> to vector<64x256xf32>
    %convert_element_type3A_104 = arith.truncf %squeeze3A_103 : vector<64x256xf32> to vector<64x256xbf16>
    %broadcast_in_dim3A_105 = arith.constant 1.000000e+00 : bf16
    %broadcast_in_dim3A_106 = vector.broadcast %broadcast_in_dim3A_105 : bf16 to vector<1x256xbf16>
    %broadcast_in_dim3A_107 = arith.constant 0.000000e+00 : bf16
    %broadcast_in_dim3A_108 = vector.broadcast %broadcast_in_dim3A_107 : bf16 to vector<7x256xbf16>
    %concatenate3A_109 = tpu.concatenate %convert_element_type3A_104, %broadcast_in_dim3A_106, %broadcast_in_dim3A_108 in 0 : vector<64x256xbf16>, vector<1x256xbf16>, vector<7x256xbf16> -> vector<72x256xbf16>
    %dot_general3A_110 = arith.constant dense<0.000000e+00> : vector<1024x256xf32>
    %dot_general3A_111 = tpu.matmul %concatenate3A, %concatenate3A_109, %dot_general3A_110 {dimension_numbers = #tpu.dot_dimension_numbers<[1], [0], [0], [1], [0, 0, 1, 1], [], []>, transpose_lhs_hint = false} : vector<1024x72xbf16>, vector<72x256xbf16>, vector<1024x256xf32> -> vector<1024x256xf32>
    %reduce_min3A_112 = arith.constant dense<0x7F800000> : vector<256xf32>
    %reduce_min3A_113 = vector.multi_reduction <minimumf>, %dot_general3A_111, %reduce_min3A_112 [0] : vector<1024x256xf32> to vector<256xf32>
    %reduce_sum3A_114 = vector.shape_cast %reduce_min3A_113 : vector<256xf32> to vector<1x256xf32>
    %reduce_sum3A_115 = arith.constant dense<0.000000e+00> : vector<1xf32>
    %reduce_sum3A_116 = vector.multi_reduction <add>, %reduce_sum3A_114, %reduce_sum3A_115 [1] : vector<1x256xf32> to vector<1xf32>
    %reduce_sum3A_117 = vector.shape_cast %reduce_sum3A_116 : vector<1xf32> to vector<1x1xf32>
    %reduce_sum3A_118 = vector.extract %reduce_sum3A_117[0, 0] : f32 from vector<1x1xf32>
    %add3A_119 = arith.addf %add3A_101, %reduce_sum3A_118 : f32
    %slice3A_120 = vector.extract_strided_slice %get3A_12 {offsets = [6, 0, 0], sizes = [1, 64, 256], strides = [1, 1, 1]} : vector<8x64x256xf32> to vector<1x64x256xf32>
    %squeeze3A_121 = vector.shape_cast %slice3A_120 : vector<1x64x256xf32> to vector<64x256xf32>
    %convert_element_type3A_122 = arith.truncf %squeeze3A_121 : vector<64x256xf32> to vector<64x256xbf16>
    %broadcast_in_dim3A_123 = arith.constant 1.000000e+00 : bf16
    %broadcast_in_dim3A_124 = vector.broadcast %broadcast_in_dim3A_123 : bf16 to vector<1x256xbf16>
    %broadcast_in_dim3A_125 = arith.constant 0.000000e+00 : bf16
    %broadcast_in_dim3A_126 = vector.broadcast %broadcast_in_dim3A_125 : bf16 to vector<7x256xbf16>
    %concatenate3A_127 = tpu.concatenate %convert_element_type3A_122, %broadcast_in_dim3A_124, %broadcast_in_dim3A_126 in 0 : vector<64x256xbf16>, vector<1x256xbf16>, vector<7x256xbf16> -> vector<72x256xbf16>
    %dot_general3A_128 = arith.constant dense<0.000000e+00> : vector<1024x256xf32>
    %dot_general3A_129 = tpu.matmul %concatenate3A, %concatenate3A_127, %dot_general3A_128 {dimension_numbers = #tpu.dot_dimension_numbers<[1], [0], [0], [1], [0, 0, 1, 1], [], []>, transpose_lhs_hint = false} : vector<1024x72xbf16>, vector<72x256xbf16>, vector<1024x256xf32> -> vector<1024x256xf32>
    %reduce_min3A_130 = arith.constant dense<0x7F800000> : vector<256xf32>
    %reduce_min3A_131 = vector.multi_reduction <minimumf>, %dot_general3A_129, %reduce_min3A_130 [0] : vector<1024x256xf32> to vector<256xf32>
    %reduce_sum3A_132 = vector.shape_cast %reduce_min3A_131 : vector<256xf32> to vector<1x256xf32>
    %reduce_sum3A_133 = arith.constant dense<0.000000e+00> : vector<1xf32>
    %reduce_sum3A_134 = vector.multi_reduction <add>, %reduce_sum3A_132, %reduce_sum3A_133 [1] : vector<1x256xf32> to vector<1xf32>
    %reduce_sum3A_135 = vector.shape_cast %reduce_sum3A_134 : vector<1xf32> to vector<1x1xf32>
    %reduce_sum3A_136 = vector.extract %reduce_sum3A_135[0, 0] : f32 from vector<1x1xf32>
    %add3A_137 = arith.addf %add3A_119, %reduce_sum3A_136 : f32
    %slice3A_138 = vector.extract_strided_slice %get3A_12 {offsets = [7, 0, 0], sizes = [1, 64, 256], strides = [1, 1, 1]} : vector<8x64x256xf32> to vector<1x64x256xf32>
    %squeeze3A_139 = vector.shape_cast %slice3A_138 : vector<1x64x256xf32> to vector<64x256xf32>
    %convert_element_type3A_140 = arith.truncf %squeeze3A_139 : vector<64x256xf32> to vector<64x256xbf16>
    %broadcast_in_dim3A_141 = arith.constant 1.000000e+00 : bf16
    %broadcast_in_dim3A_142 = vector.broadcast %broadcast_in_dim3A_141 : bf16 to vector<1x256xbf16>
    %broadcast_in_dim3A_143 = arith.constant 0.000000e+00 : bf16
    %broadcast_in_dim3A_144 = vector.broadcast %broadcast_in_dim3A_143 : bf16 to vector<7x256xbf16>
    %concatenate3A_145 = tpu.concatenate %convert_element_type3A_140, %broadcast_in_dim3A_142, %broadcast_in_dim3A_144 in 0 : vector<64x256xbf16>, vector<1x256xbf16>, vector<7x256xbf16> -> vector<72x256xbf16>
    %dot_general3A_146 = arith.constant dense<0.000000e+00> : vector<1024x256xf32>
    %dot_general3A_147 = tpu.matmul %concatenate3A, %concatenate3A_145, %dot_general3A_146 {dimension_numbers = #tpu.dot_dimension_numbers<[1], [0], [0], [1], [0, 0, 1, 1], [], []>, transpose_lhs_hint = false} : vector<1024x72xbf16>, vector<72x256xbf16>, vector<1024x256xf32> -> vector<1024x256xf32>
    %reduce_min3A_148 = arith.constant dense<0x7F800000> : vector<256xf32>
    %reduce_min3A_149 = vector.multi_reduction <minimumf>, %dot_general3A_147, %reduce_min3A_148 [0] : vector<1024x256xf32> to vector<256xf32>
    %reduce_sum3A_150 = vector.shape_cast %reduce_min3A_149 : vector<256xf32> to vector<1x256xf32>
    %reduce_sum3A_151 = arith.constant dense<0.000000e+00> : vector<1xf32>
    %reduce_sum3A_152 = vector.multi_reduction <add>, %reduce_sum3A_150, %reduce_sum3A_151 [1] : vector<1x256xf32> to vector<1xf32>
    %reduce_sum3A_153 = vector.shape_cast %reduce_sum3A_152 : vector<1xf32> to vector<1x1xf32>
    %reduce_sum3A_154 = vector.extract %reduce_sum3A_153[0, 0] : f32 from vector<1x1xf32>
    %add3A_155 = arith.addf %add3A_137, %reduce_sum3A_154 : f32
    %reduce_sum3A_156 = vector.shape_cast %reduce_sum3A_15 : vector<8x256xf32> to vector<1x8x256xf32>
    %reduce_sum3A_157 = arith.constant dense<0.000000e+00> : vector<1xf32>
    %reduce_sum3A_158 = vector.multi_reduction <add>, %reduce_sum3A_156, %reduce_sum3A_157 [1, 2] : vector<1x8x256xf32> to vector<1xf32>
    %reduce_sum3A_159 = vector.shape_cast %reduce_sum3A_158 : vector<1xf32> to vector<1x1x1xf32>
    %reduce_sum3A_160 = vector.extract %reduce_sum3A_159[0, 0, 0] : f32 from vector<1x1x1xf32>
    %add3A_161 = arith.addf %add3A_155, %reduce_sum3A_160 : f32
    %get3A_162 = arith.constant 0 : index
    %get3A_163 = memref.load %arg1[%get3A_162] : memref<1xf32, #tpu.memory_space<smem>>
    %get3A_164 = arith.constant 0 : index
    %get3A_165 = arith.constant 0 : index
    %get3A_166 = vector.load %arg4[%get3A_164, %get3A_165] : memref<8x256xf32, #tpu.memory_space<vmem>>, vector<8x256xf32>
    %reduce_sum3A_167 = vector.shape_cast %get3A_166 : vector<8x256xf32> to vector<1x8x256xf32>
    %reduce_sum3A_168 = arith.constant dense<0.000000e+00> : vector<1xf32>
    %reduce_sum3A_169 = vector.multi_reduction <add>, %reduce_sum3A_167, %reduce_sum3A_168 [1, 2] : vector<1x8x256xf32> to vector<1xf32>
    %reduce_sum3A_170 = vector.shape_cast %reduce_sum3A_169 : vector<1xf32> to vector<1x1x1xf32>
    %reduce_sum3A_171 = vector.extract %reduce_sum3A_170[0, 0, 0] : f32 from vector<1x1x1xf32>
    %mul3A_172 = arith.mulf %get3A_163, %reduce_sum3A_171 : f32
    %add3A_173 = arith.addf %add3A_161, %mul3A_172 : f32
    %eq3A = arith.constant 0 : i32
    %eq3A_174 = arith.cmpi eq, %arg0, %eq3A : i32
    %convert_element_type3A_175 = arith.extui %eq3A_174 : i1 to i32
    %cond3A = arith.constant 0 : i32
    %cond3A_176 = arith.cmpi ne, %convert_element_type3A_175, %cond3A : i32
    scf.if %cond3A_176 {
      %swap3A_186 = arith.constant 0.000000e+00 : f32
      %swap3A_187 = arith.constant 0 : index
      %swap3A_188 = memref.load %arg6[%swap3A_187] : memref<1xf32, #tpu.memory_space<smem>>
      memref.store %swap3A_186, %arg6[%swap3A_187] : memref<1xf32, #tpu.memory_space<smem>>
    } else {
    }
    %get3A_177 = arith.constant 0 : index
    %get3A_178 = memref.load %arg6[%get3A_177] : memref<1xf32, #tpu.memory_space<smem>>
    %add3A_179 = arith.addf %get3A_178, %add3A_173 : f32
    %swap3A = arith.constant 0 : index
    %swap3A_180 = memref.load %arg6[%swap3A] : memref<1xf32, #tpu.memory_space<smem>>
    memref.store %add3A_179, %arg6[%swap3A] : memref<1xf32, #tpu.memory_space<smem>>
    %eq3A_181 = arith.constant 7 : i32
    %eq3A_182 = arith.cmpi eq, %arg0, %eq3A_181 : i32
    %convert_element_type3A_183 = arith.extui %eq3A_182 : i1 to i32
    %cond3A_184 = arith.constant 0 : i32
    %cond3A_185 = arith.cmpi ne, %convert_element_type3A_183, %cond3A_184 : i32
    scf.if %cond3A_185 {
      %get3A_186 = arith.constant 0 : index
      %get3A_187 = memref.load %arg6[%get3A_186] : memref<1xf32, #tpu.memory_space<smem>>
      %swap3A_188 = arith.constant 0 : index
      %swap3A_189 = memref.load %arg5[%swap3A_188] : memref<1xf32, #tpu.memory_space<smem>>
      memref.store %get3A_187, %arg5[%swap3A_188] : memref<1xf32, #tpu.memory_space<smem>>
    } else {
    }
    return
  }
  func.func @transform_0(%arg0: i32) -> i32 {
    %c0_i32 = arith.constant 0 : i32
    %c0_i32_0 = arith.constant 0 : i32
    return %c0_i32 : i32
  }
  func.func @transform_1(%arg0: i32) -> (i32, i32, i32) {
    %c0_i32 = arith.constant 0 : i32
    %c0_i32_0 = arith.constant 0 : i32
    %c0_i32_1 = arith.constant 0 : i32
    return %c0_i32, %c0_i32_0, %arg0 : i32, i32, i32
  }
  func.func @transform_2(%arg0: i32) -> (i32, i32) {
    %c0_i32 = arith.constant 0 : i32
    %c0_i32_0 = arith.constant 0 : i32
    %c0_i32_1 = arith.constant 0 : i32
    return %c0_i32, %c0_i32_0 : i32, i32
  }
  func.func @transform_3(%arg0: i32) -> (i32, i32) {
    %c0_i32 = arith.constant 0 : i32
    %c0_i32_0 = arith.constant 0 : i32
    return %c0_i32, %arg0 : i32, i32
  }
  func.func @transform_4(%arg0: i32) -> i32 {
    %c0_i32 = arith.constant 0 : i32
    %c0_i32_0 = arith.constant 0 : i32
    return %c0_i32 : i32
  }
}

</mosaic_0001>

<sc_bundles>
// kernel: kernel.4.cloned.1.call-start
scs
__scs_entry_jumppad:
0x0: {  	(pc) =	sbr.rel $0x88, $3  }
0x1: {  	(tag) =	ssettag $0x0;
	lr =	simm.s32 $0x1  }
0x2: {  	[smem:$0x3F9B] =	sst lr;
	_ =	strace $0xD0000000  }
0x3: {  	_ = 	snop  }
0x4: {  	_ = 	snop  }
0x5: {  	_ = 	snop  }
0x6: {  	_ = 	snop  }
0x7: {  	_ = 	snop  }
__scs_overlays_trampoline_lowered:
0x8: {  	[smem:$0x3FAA] =	sst s0  }
0x9: {  	[smem:$0x3FAB] =	sst s1  }
0xa: {  	[smem:$0x3FAC] =	sst s2  }
0xb: {  	[smem:$0x3FAD] =	sst s3  }
0xc: {  	[smem:$0x3FAE] =	sst s4  }
0xd: {  	[smem:$0x3FAF] =	sst s5  }
0xe: {  	[smem:$0x3FB0] =	sst s6  }
0xf: {  	[smem:$0x3FB1] =	sst s7  }
0x10: {  	[smem:$0x3FB2] =	sst s8  }
0x11: {  	[smem:$0x3FB3] =	sst s9;
	s0 =	simm.s32 @!p0 $0x0  }
0x12: {  	s1 =	sld [smem:$0x3F99];
	s0 =	simm.s32 @p0 $0x1  }
0x13: {  	[smem:$0x3FB4] =	sst s0;
	s0 =	simm.s32 @!p1 $0x0  }
0x14: {  	s2 =	sld [smem:$0x3F98];
	s0 =	simm.s32 @p1 $0x1  }
0x15: {  	[smem:$0x3FB5] =	sst s0;
	s0 =	simm.s32 @!p2 $0x0  }
0x16: {  	s3 =	sld [smem:$0x3FDB];
	s0 =	simm.s32 @p2 $0x1  }
0x17: {  	s4 =	simm.s32 $0x1BF5;
	[smem:$0x3FB7] =	sst s0  }
0x18: {  	s0 =	sld [smem:$0x3F9A];
	_ =	swait.ge [sflag:s4], $0x0  }
0x19: {  	s7 =	sld [smem:$0x3F9B]  }
0x1a: {  	s8 =	sadd.s32 $0xFFFFE003, lr  }
0x1b: {  	s9 =	sadd.s32 $0xFFFFFEF7, lr;
	s5 =	simm.s32 $0xFFFFFFFF;
	p2 =	slt.u32 s8, $0xFFFFF086  }
0x1c: {  	p1 =	slt.u32 s9, $0xF7A;
	s5 =	simm.s32 @!p2 $0x0  }
0x1d: {  	s5 =	simm.s32 @p1 $0x1;
	p0 =	seq.s32 s7, s2  }
0x1e: {  	s7 =	smul.u32 @!p0 $0xF7A, s2;
	p2 =	seq.s32 @!p0 s5, $0x0  }
0x1f: {  	s9 =	smul.u32 $0xF7A, s1;
	s8 =	simm.s32 @!p0 $0x1BF5;
	p2 =	por !p2, p0  }
0x20: {  	[sflag:s8] =	ssyncset.s32 @!p0 $0xFFFFF086;
	s6 =	sadd.s32 @!p0 s3, s7;
	s7 =	simm.s32 @!p0 $0x108  }
0x21: {  	s3 =	sadd.s32 s3, s9;
	s6 =	sadd.s32 @!p0 $0x88, s6;
	s7 =	simm.s32 @p2 $0x1082  }
0x22: {  	[simem:s7], [sflag:s8] =	dma.local @!p0 [hbm:s6], $0xF7A  }
0x23: {  	s9 =	sor.u32 $0xD0000000, s2;
	s6 =	simm.s32 $0x108;
	_ =	swait.ge @!p0 [sflag:s8], $0x0  }
0x24: {  	s3 =	sadd.s32 $0x88, s3;
	s6 =	simm.s32 @!p1 $0x1082;
	[sflag:s4] =	ssyncset.s32 $0xFFFFF086  }
0x25: {  	[simem:s6], [sflag:s4] =	dma.local [hbm:s3], $0xF7A  }
0x26: {  	[smem:$0x3F9B] =	sst s1;
	(tag) =	ssettag s2;
	_ =	strace s9  }
0x27: {  	s1 =	sld [smem:$0x3FAB]  }
0x28: {  	s2 =	sld [smem:$0x3FAC]  }
0x29: {  	s4 =	sld [smem:$0x3FAE]  }
0x2a: {  	p0 =	seq.s32 s5, $0x0;
	s5 =	sld [smem:$0x3FAF]  }
0x2b: {  	s6 =	sld [smem:$0x3FB0]  }
0x2c: {  	s7 =	sld [smem:$0x3FB1]  }
0x2d: {  	s3 =	simm.s32 $0x108;
	s8 =	sld [smem:$0x3FB2]  }
0x2e: {  	s3 =	simm.s32 @!p0 $0x1082;
	s9 =	sld [smem:$0x3FB3]  }
0x2f: {  	lr =	sadd.s32 s0, s3;
	s0 =	sld [smem:$0x3FAA]  }
0x30: {  	s3 =	sld [smem:$0x3FAD]  }
0x31: {  	[smem:$0x3FB6] =	sst s10  }
0x32: {  	s10 =	sld [smem:$0x3FB4];
	_ =	sdelay $0x3  }
0x33: {  	p0 =	seq.s32 s10, $0x1;
	s10 =	sld [smem:$0x3FB6];
	_ =	sdelay $0x3  }
0x34: {  	[smem:$0x3FB6] =	sst s10  }
0x35: {  	s10 =	sld [smem:$0x3FB5];
	_ =	sdelay $0x3  }
0x36: {  	p1 =	seq.s32 s10, $0x1;
	s10 =	sld [smem:$0x3FB6];
	_ =	sdelay $0x3  }
0x37: {  	[smem:$0x3FB6] =	sst s10  }
0x38: {  	s10 =	sld [smem:$0x3FB7]  }
0x39: {  	_ = 	snop;
	(pc) =	sbr.ind lr, $3  }
0x3a: {  	_ = 	snop  }
0x3b: {  	_ = 	snop  }
0x3c: {  	p2 =	seq.s32 s10, $0x1;
	s10 =	sld [smem:$0x3FB6]  }
0x3d: {  	_ =	shalt  }
0x3e: {  	_ =	shalt  }
0x3f: {  	_ =	shalt  }
0x40: {  	_ =	shalt  }
0x41: {  	_ =	shalt  }
0x42: {  	_ =	shalt  }
0x43: {  	_ =	shalt  }
0x44: {  	_ =	shalt  }
0x45: {  	_ =	shalt  }
0x46: {  	_ =	shalt  }
0x47: {  	_ =	shalt  }
0x48: {  	_ =	shalt  }
0x49: {  	_ =	shalt  }
0x4a: {  	_ =	shalt  }
0x4b: {  	_ =	shalt  }
0x4c: {  	_ =	shalt  }
0x4d: {  	_ =	shalt  }
0x4e: {  	_ =	shalt  }
0x4f: {  	_ =	shalt  }
0x50: {  	_ =	shalt  }
0x51: {  	_ =	shalt  }
0x52: {  	_ =	shalt  }
0x53: {  	_ =	shalt  }
0x54: {  	_ =	shalt  }
0x55: {  	_ =	shalt  }
0x56: {  	_ =	shalt  }
0x57: {  	_ =	shalt  }
0x58: {  	_ =	shalt  }
0x59: {  	_ =	shalt  }
0x5a: {  	_ =	shalt  }
0x5b: {  	_ =	shalt  }
0x5c: {  	_ =	shalt  }
0x5d: {  	_ =	shalt  }
0x5e: {  	_ =	shalt  }
0x5f: {  	_ =	shalt  }
0x60: {  	_ =	shalt  }
0x61: {  	_ =	shalt  }
0x62: {  	_ =	shalt  }
0x63: {  	_ =	shalt  }
0x64: {  	_ =	shalt  }
0x65: {  	_ =	shalt  }
0x66: {  	_ =	shalt  }
0x67: {  	_ =	shalt  }
0x68: {  	_ =	shalt  }
0x69: {  	_ =	shalt  }
0x6a: {  	_ =	shalt  }
0x6b: {  	_ =	shalt  }
0x6c: {  	_ =	shalt  }
0x6d: {  	_ =	shalt  }
0x6e: {  	_ =	shalt  }
0x6f: {  	_ =	shalt  }
0x70: {  	_ =	shalt  }
0x71: {  	_ =	shalt  }
0x72: {  	_ =	shalt  }
0x73: {  	_ =	shalt  }
0x74: {  	_ =	shalt  }
0x75: {  	_ =	shalt  }
0x76: {  	_ =	shalt  }
0x77: {  	_ =	shalt  }
0x78: {  	_ =	shalt  }
0x79: {  	_ =	shalt  }
0x7a: {  	_ =	shalt  }
0x7b: {  	_ =	shalt  }
0x7c: {  	_ =	shalt  }
0x7d: {  	_ =	shalt  }
0x7e: {  	_ =	shalt  }
0x7f: {  	_ =	shalt  }
0x80: {  	_ =	shalt  }
0x81: {  	_ =	shalt  }
0x82: {  	_ =	shalt  }
0x83: {  	_ =	shalt  }
0x84: {  	_ =	shalt  }
0x85: {  	_ =	shalt  }
0x86: {  	_ =	shalt  }
0x87: {  	_ =	shalt  }
.Lfunc_end0:
.L_simem_size_0:
called_computation_lowered:
.L_overlay_start_0:
0x88: {  	s2 =	sld [smem:$0x3FD9]  }
0x89: {  	s3 =	sld [smem:$0x3FFE];
	_ =	sdelay $0x1  }
0x8a: {  	s1 =	srdreg.scid  }
0x8b: {  	s0 =	sand.u32 $0x1, s1  }
0x8c: {  	s17 =	sshll.u32 s0, $0xA;
	s2 =	sadd.s32 s3, s2  }
0x8d: {  	s2 =	sadd.s32 s2, s17  }
0x8e: {  	[smem:$0x3FC2] =	sst s2  }
0x8f: {  	_ = 	snop  }
0x90: {  	s2 =	sld [smem:$0x3FC9]  }
0x91: {  	s18 =	sld [smem:$0x3FC8];
	(tm) =	ssettm $0x1  }
0x92: {  	s4 =	sld [smem:$0x3FFB];
	_ =	sdelay $0x3  }
0x93: {  	_ =	strace s4  }
0x94: {  	s4 =	sld [smem:$0x3FFC];
	_ =	sdelay $0x3  }
0x95: {  	_ =	strace s4  }
0x96: {  	s4 =	sld [smem:$0x3FFD];
	_ =	sdelay $0x3  }
0x97: {  	_ =	strace s4  }
0x98: {  	_ =	strace $0x8FFFFFFF  }
0x99: {  	s19 =	sld [smem:$0x3FDB];
	_ =	sdelay $0x1  }
0x9a: {  	s5 =	simm.s32 $_scs_section_size  }
0x9b: {  	s6 =	simm.s32 $_size__tile_overlayer_lowered;
	s7 =	simm.s32 $_tile_overlayer_lowered  }
0x9c: {  	s22 =	simm.s32 $0x1BFF;
	s21 =	sshll.u32 s7, $0x1;
	s4 =	sadd.s32 s5, s19  }
0x9d: {  	s8 =	simm.s32 $0x0;
	s20 =	sshll.u32 s6, $0x1;
	s6 =	sadd.s32 s21, s4  }
0x9e: {  	[timem:s8], [sflag:s22] =	dma.local [hbm:s6], s20  }
0x9f: {  	_ =	swait.ge [sflag:s22], s20  }
0xa0: {  	s5 =	ssub.s32 $0x0, s20;
	[sflag:s22] =	ssyncset.done $0x0  }
0xa1: {  	[sflag:s22] =	ssyncadd.s32 s5;
	_ =	sdelay $0x1  }
0xa2: {  	s23 =	simm.s32 $0x1B8B  }
0xa3: {  	_ =	swait.ge [sflag:s23], $0x1  }
0xa4: {  	[sflag:s23] =	ssyncset.done $0x0  }
0xa5: {  	s25 =	simm.s32 $0x1B8E;
	s24 =	sld [smem:$0x3FFE];
	[sflag:s23] =	ssyncadd.s32 $0xFFFFFFFF  }
0xa6: {  	s26 =	simm.s32 $execute0_lowered;
	[smem:$0x3FD2] =	sst s25  }
0xa7: {  	s6 =	sshll.u32 s26, $0x1;
	_ =	strace $0x80000046;
	[dreg:$0x1] =	wrdreg $0xFFFFFFFF  }
0xa8: {  	s28 =	simm.s32 $_size_execute0_lowered;
	s4 =	sadd.s32 s4, s6;
	[dreg:$0x0] =	wrdreg $0x0  }
0xa9: {  	s6 =	sshll.u32 s28, $0x1;
	[dreg:$0x2] =	wrdreg s4  }
0xaa: {  	[dreg:$0x3] =	wrdreg s6  }
0xab: {  	[dreg:$0x4] =	wrdreg $0xC0  }
0xac: {  	_ =	task [dreg:s8], $0x5FFFF  }
0xad: {  	[dreg:$0x1] =	wrdreg $0xFFFFFFFF  }
0xae: {  	[dreg:$0x0] =	wrdreg $0x60  }
0xaf: {  	[dreg:$0x2] =	wrdreg s2  }
0xb0: {  	[dreg:$0x3] =	wrdreg s18  }
0xb1: {  	[dreg:$0x4] =	wrdreg s24  }
0xb2: {  	[dreg:$0x5] =	wrdreg $0x9  }
0xb3: {  	_ =	task.clear_ibuf [dreg:s8], $0x6FFFF;
	_ =	strace $0x90000046  }
0xb4: {  	s29 =	simm.s32 $0x9;
	_ =	strace $0x80000048  }
0xb5: {  	_ =	swait.ge [sflag:s29], $0x1  }
0xb6: {  	[sflag:s29] =	ssyncadd.s32 $0xFFFFFFFF  }
0xb7: {  	_ =	strace $0x90000048  }
0xb8: {  	_ =	sfence  }
0xb9: {  	s30 =	sld [smem:$0x0];
	_ =	sdelay $0x2  }
0xba: {  	s31 =	sshll.u32 s1, $0xD;
	s1 =	sshrl.u32 s1, $0x2  }
0xbb: {  	s3 =	sand.u32 $0x4000, s31;
	s1 =	sadd.s32 s1, s30  }
0xbc: {  	s0 =	sor.u32 s3, s0;
	s1 =	sshll.u32 s1, $0x11  }
0xbd: {  	s0 =	sor.u32 s1, s0  }
0xbe: {  	s0 =	sadd.s32 $0x8F2B, s0  }
0xbf: {  	[sflag:s0] =	ssyncadd.remote.s32 $0x1  }
0xc0: {  	_ =	sfence.sel $0xFFFF  }
0xc1: {  	[dreg:$0x0] =	wrdreg $0xFFFFFFFF;
	(pc) =	sbr.abs _section_cstart, $3  }
0xc2: {  	[dreg:$0x1] =	wrdreg $0xFFFFFFFF  }
0xc3: {  	_ =	task.clear_ibuf [dreg:s8], $0x2FFFF;
	_ =	strace $0x9FFFFFFF  }
0xc4: {  	(tm) =	ssettm $0x7FFFFFFF  }
0xc5: {  	_ =	shalt  }
tec
execute0_lowered:
.L_overlay_start_1:
0x0: {  	(tag) =	ssettag $0x1  }
0x1: {  	s10 =	rddreg [dreg:$0x0]  }
0x2: {  	s6 =	rddreg [dreg:$0x1]  }
0x3: {  	s3 =	rddreg [dreg:$0x2]  }
0x4: {  	s0 =	rddreg [dreg:$0x3];
	s4 =	srdreg.scid  }
0x5: {  	s1 =	stileid.u32;
	s2 =	simm.s32 $0x0;
	s17 =	simm.s32 $0x18180  }
0x6: {  	s4 =	sand.u32 $0x1, s4;
	s5 =	sshll.u32 s1, $0x1;
	[smem:$0x7FF] =	sst s2  }
0x7: {  	s18 =	sshrl.u32 s1, $0x1;
	s5 =	sor.u32 s4, s5;
	_ =	strace $0x80000047  }
0x8: {  	s19 =	ssub.s32 $0x2, s4;
	s8 =	sshll.u32 s18, $0x7;
	s16 =	sshll.u32 s18, $0x13  }
0x9: {  	s18 =	simm.s32 $0x400;
	s7 =	sshll.u32 s5, $0x1;
	s5 =	sshll.u32 s5, $0xC  }
0xa: {  	s4 =	sshrl.u32 s19, $0x1;
	s11 =	sadd.s32 s7, s3;
	s5 =	sand.u32 $0x3000, s5  }
0xb: {  	s14 =	ssub.s32 s19, s4;
	s19 =	simm.s32 $0x4000;
	s9 =	sor.u32 $0x400, s5  }
0xc: {  	s12 =	sor.u32 s8, s5;
	s22 =	sor.u32 $0x800, s5;
	s15 =	sor.u32 $0xC00, s5  }
0xd: {  	s25 =	sor.u32 s16, s5;
	s11 =	sadd.s32 $0x600, s11;
	s13 =	sor.u32 s8, s9  }
0xe: {  	s20 =	sshrl.u32 s12, $0x3;
	s23 =	sor.u32 s8, s22;
	s8 =	sor.u32 s8, s15  }
0xf: {  	s28 =	sshrl.u32 s25, $0x3;
	s29 =	sor.u32 s16, s9;
	s30 =	sor.u32 s16, s22  }
0x10: {  	v62 =	vlaneseq.u32;
	s31 =	sor.u32 s16, s15;
	s15 =	simm.s32 $0x18080;
	s16 =	simm.s32 $0x18100  }
0x11: {  	v63 =	vor.u32 $0x10, v62;
	s22 =	simm.s32 $0x10000;
	s25 =	simm.s32 $0x18200;
	s21 =	sshrl.u32 s13, $0x3  }
0x12: {  	v48 =	vor.u32 $0x20, v62;
	[tilespmem:$0x1FF90] =	vst v63;
	s3 =	sadd.s32 s6, s20;
	s24 =	sshrl.u32 s23, $0x3;
	s26 =	sshrl.u32 s8, $0x3  }
0x13: {  	v50 =	vor.u32 $0x30, v62;
	[tilespmem:$0x1FFA0] =	vst v48;
	s7 =	sadd.s32 s10, s28;
	s8 =	sshrl.u32 s29, $0x3;
	s9 =	sshrl.u32 s30, $0x3  }
0x14: {  	v51 =	vor.u32 $0x40, v62;
	[tilespmem:$0x1FFB0] =	vst v50;
	s12 =	sshrl.u32 s31, $0x3;
	s13 =	simm.s32 $0x18000;
	s20 =	simm.s32 $0x8000  }
0x15: {  	v53 =	vor.u32 $0x50, v62;
	[tilespmem:$0x1FFC0] =	vst v51;
	s23 =	simm.s32 $0x2;
	s4 =	sadd.s32 s6, s21;
	s5 =	sadd.s32 s6, s24  }
0x16: {  	v54 =	vor.u32 $0x60, v62;
	[tilespmem:$0x1FFD0] =	vst v53;
	s6 =	sadd.s32 s6, s26;
	s8 =	sadd.s32 s10, s8;
	s9 =	sadd.s32 s10, s9  }
0x17: {  	v55 =	vor.u32 $0x70, v62;
	[tilespmem:$0x1FFE0] =	vst v54;
	s10 =	sadd.s32 s10, s12;
	s12 =	smax.u32 s14, $0x1;
	s14 =	simm.s32 $0x4  }
0x18: {  	[tilespmem:$0x1FFF0] =	vst v55;
	s21 =	simm.s32 $0x1;
	s24 =	simm.s32 $0x3;
	s26 =	simm.s32 $0x0  }
.LBB2_1:
0x19: {  	[tilespmem:s13], [sflag:$0x4] =	stream.linear.gather [hbm4b:s3+s2], $0x80, $0x38;
	[tilespmem:$0x18280] =	vst v63  }
0x1a: {  	_ =	swait.ge [sflag:s14], $0x80  }
0x1b: {  	[sflag:s14] =	ssyncset.done $0x0  }
0x1c: {  	[sflag:s14] =	ssyncadd.s32 $0xFFFFFF80  }
0x1d: {  	[tilespmem:s15], [sflag:$0x4] =	stream.linear.gather [hbm4b:s4+s2], $0x80, $0x38;
	[tilespmem:$0x18280] =	vst v63  }
0x1e: {  	_ =	swait.ge [sflag:s14], $0x80  }
0x1f: {  	[sflag:s14] =	ssyncset.done $0x0  }
0x20: {  	[sflag:s14] =	ssyncadd.s32 $0xFFFFFF80  }
0x21: {  	[tilespmem:s16], [sflag:$0x4] =	stream.linear.gather [hbm4b:s5+s2], $0x80, $0x38;
	[tilespmem:$0x18280] =	vst v63  }
0x22: {  	_ =	swait.ge [sflag:s14], $0x80  }
0x23: {  	[sflag:s14] =	ssyncset.done $0x0  }
0x24: {  	[sflag:s14] =	ssyncadd.s32 $0xFFFFFF80  }
0x25: {  	[tilespmem:s17], [sflag:$0x4] =	stream.linear.gather [hbm4b:s6+s2], $0x80, $0x38;
	[tilespmem:$0x18280] =	vst v63  }
0x26: {  	_ =	swait.ge [sflag:s14], $0x80  }
0x27: {  	[sflag:s14] =	ssyncset.done $0x0  }
0x28: {  	[sflag:s14] =	ssyncadd.s32 $0xFFFFFF80  }
0x29: {  	[tilespmem:s2], [sflag:$0x1] =	stream.strided.gather [hbm4b:s7+s18], $0x8000, s19, s18, $0x38;
	[tilespmem:$0x18280] =	vst v63  }
0x2a: {  	_ = 	snop  }
0x2b: {  	[tilespmem:s20], [sflag:$0x2] =	stream.strided.gather [hbm4b:s8+s18], $0x8000, s19, s18, $0x38;
	[tilespmem:$0x18280] =	vst v63  }
0x2c: {  	_ =	swait.ge [sflag:s21], $0x8000  }
0x2d: {  	[sflag:s21] =	ssyncset.done $0x0  }
0x2e: {  	s28 =	simm.s32 $0x0;
	[sflag:s21] =	ssyncadd.s32 $0xFFFF8000  }
0x2f: {  	[tilespmem:s22], [sflag:$0x3] =	stream.strided.gather [hbm4b:s9+s18], $0x8000, s19, s18, $0x38;
	[tilespmem:$0x18280] =	vst v63  }
0x30: {  	v0 =	vld [tilespmem:s28+$0x110]  }
0x31: {  	v2 =	vld [tilespmem:s28+$0xF0]  }
0x32: {  	v3 =	vld [tilespmem:s28+$0xE0]  }
0x33: {  	v4 =	vld [tilespmem:s28+$0xC0]  }
0x34: {  	v5 =	vld [tilespmem:s28+$0xB0]  }
0x35: {  	v6 =	vld [tilespmem:s28+$0x20]  }
0x36: {  	v7 =	vld [tilespmem:s28+$0x70];
	v2 =	vmul.f32 $1.442695020e+00, v2  }
0x37: {  	v8 =	vld [tilespmem:s28+$0x40];
	v3 =	vmul.f32 $1.442695020e+00, v3  }
0x38: {  	v1 =	vld [tilespmem:s28+$0x90];
	(erf) = vpow2.f32 v2  }
0x39: {  	(erf) = vpow2.f32 v3;
	v3 =	vld [tilespmem:s28+$0x10]  }
0x3a: {  	v9 =	vld [tilespmem:s28+$0x140];
	v4 =	vmul.f32 $1.442695020e+00, v4  }
0x3b: {  	v10 =	vld [tilespmem:s28+$0x150];
	v5 =	vmul.f32 $1.442695020e+00, v5;
	v6 =	vmul.f32 $1.442695020e+00, v6  }
0x3c: {  	v7 =	vmul.f32 $1.442695020e+00, v7;
	v8 =	vmul.f32 $1.442695020e+00, v8;
	v2 =	vld [tilespmem:s28+$0x60]  }
0x3d: {  	v11 =	vld [tilespmem:s28+$0x1E0];
	v1 =	vmul.f32 $1.442695020e+00, v1;
	(erf) = vpow2.f32 v4  }
0x3e: {  	v12 =	vld [tilespmem:s28+$0x160];
	(erf) = vpow2.f32 v5;
	v3 =	vmul.f32 $1.442695020e+00, v3  }
0x3f: {  	v17 =	vld [tilespmem:s28+$0x1F0];
	v0 =	vmul.f32 $1.442695020e+00, v0;
	(erf) = vpow2.f32 v7  }
0x40: {  	v9 =	vmul.f32 $1.442695020e+00, v9;
	(erf) = vpow2.f32 v3;
	v3 =	vld [tilespmem:s28+$0x30]  }
0x41: {  	v4 =	vld [tilespmem:s28+$0xA0];
	v2 =	vmul.f32 $1.442695020e+00, v2;
	(erf) = vpow2.f32 v8  }
0x42: {  	v10 =	vmul.f32 $1.442695020e+00, v10;
	v5 =	vld [tilespmem:s28+$0x0];
	(erf) = vpow2.f32 v6  }
0x43: {  	v11 =	vmul.f32 $1.442695020e+00, v11;
	v8 =	vld [tilespmem:s28+$0x1C0];
	(erf) = vpow2.f32 v2  }
0x44: {  	v12 =	vmul.f32 $1.442695020e+00, v12;
	v7 =	vld [tilespmem:s28+$0x50];
	v13 =	vpop (erf);
	(erf) = vpow2.f32 v10  }
0x45: {  	v14 =	vpop (erf);
	v2 =	vld [tilespmem:s28+$0x130];
	(erf) = vpow2.f32 v1;
	v3 =	vmul.f32 $1.442695020e+00, v3  }
0x46: {  	v17 =	vmul.f32 $1.442695020e+00, v17;
	v6 =	vld [tilespmem:s28+$0x170];
	v15 =	vpop (erf);
	(erf) = vpow2.f32 v11  }
0x47: {  	v4 =	vmul.f32 $1.442695020e+00, v4;
	(erf) = vpow2.f32 v12;
	v12 =	vld [tilespmem:s28+$0x1B0]  }
0x48: {  	v5 =	vmul.f32 $1.442695020e+00, v5;
	v10 =	vld [tilespmem:s28+$0x120];
	v16 =	vpop (erf);
	v8 =	vmul.f32 $1.442695020e+00, v8  }
0x49: {  	v7 =	vmul.f32 $1.442695020e+00, v7;
	v1 =	vld [tilespmem:s28+$0xD0];
	(erf) = vpow2.f32 v3;
	v3 =	vpop (erf)  }
0x4a: {  	v11 =	vld [tilespmem:s28+$0x1A0];
	v2 =	vmul.f32 $1.442695020e+00, v2;
	v18 =	vpop (erf);
	(erf) = vpow2.f32 v8  }
0x4b: {  	v6 =	vmul.f32 $1.442695020e+00, v6;
	v19 =	vpop (erf);
	(erf) = vpow2.f32 v9  }
0x4c: {  	v8 =	vld [tilespmem:s28+$0x80];
	v20 =	vpop (erf);
	(erf) = vpow2.f32 v2;
	v12 =	vmul.f32 $1.442695020e+00, v12  }
0x4d: {  	v10 =	vmul.f32 $1.442695020e+00, v10;
	v22 =	vpop (erf);
	(erf) = vpow2.f32 v6  }
0x4e: {  	v1 =	vmul.f32 $1.442695020e+00, v1;
	v9 =	vld [tilespmem:s28+$0x100];
	v2 =	vimm.f32 $0.0e+00;
	(erf) = vpow2.f32 v4;
	v24 =	vpop (erf)  }
0x4f: {  	v21 =	vld [tilespmem:s28+$0x190];
	v11 =	vmul.f32 $1.442695020e+00, v11;
	v19 =	vadd.f32 v19, v2;
	v23 =	vpop (erf);
	(erf) = vpow2.f32 v10  }
0x50: {  	v6 =	vld [tilespmem:s28+$0x180];
	v10 =	vadd.f32 v20, v2;
	v20 =	vadd.f32 v22, v2;
	(erf) = vpow2.f32 v12;
	v12 =	vpop (erf)  }
0x51: {  	v3 =	vadd.f32 v3, v2;
	v4 =	vld [tilespmem:s28+$0x1D0];
	s28 =	simm.s32 $0x200;
	v8 =	vmul.f32 $1.442695020e+00, v8;
	v25 =	vpop (erf);
	(erf) = vpow2.f32 v11  }
0x52: {  	v22 =	vld [tilespmem:s28+$0x140];
	v15 =	vadd.f32 v15, v19;
	v11 =	vadd.f32 v14, v20;
	v14 =	vpop (erf);
	(erf) = vpow2.f32 v17  }
0x53: {  	v19 =	vld [tilespmem:s28+$0x110];
	v3 =	vadd.f32 v13, v3;
	v9 =	vmul.f32 $1.442695020e+00, v9;
	(erf) = vpow2.f32 v0;
	v13 =	vpop (erf)  }
0x54: {  	v28 =	vld [tilespmem:s28+$0xA0];
	v20 =	vmul.f32 $1.442695020e+00, v21;
	v11 =	vadd.f32 v25, v11;
	(erf) = vpow2.f32 v5;
	v0 =	vpop (erf)  }
0x55: {  	v18 =	vadd.f32 v18, v2;
	v21 =	vld [tilespmem:s28+$0xF0];
	v5 =	vmul.f32 $1.442695020e+00, v6;
	(erf) = vpow2.f32 v8;
	v8 =	vpop (erf)  }
0x56: {  	v17 =	vld [tilespmem:s28+$0x90];
	v12 =	vadd.f32 v12, v11;
	v11 =	vadd.f32 v14, v2;
	(erf) = vpow2.f32 v7;
	v7 =	vpop (erf)  }
0x57: {  	v6 =	vadd.f32 v23, v18;
	v18 =	vld [tilespmem:s28+$0xE0];
	v23 =	vpop (erf);
	(erf) = vpow2.f32 v1;
	v1 =	vadd.f32 v7, v3  }
0x58: {  	v30 =	vld [tilespmem:s28+$0x0];
	v7 =	vadd.f32 v23, v10;
	v10 =	vadd.f32 v16, v11  }
0x59: {  	v4 =	vmul.f32 $1.442695020e+00, v4;
	v14 =	vld [tilespmem:s28+$0xC0];
	(erf) = vpow2.f32 v9;
	v9 =	vpop (erf)  }
0x5a: {  	v15 =	vadd.f32 v0, v15;
	v21 =	vmul.f32 $1.442695020e+00, v21;
	v3 =	vld [tilespmem:s28+$0xB0];
	(erf) = vpow2.f32 v20;
	v23 =	vpop (erf)  }
0x5b: {  	v25 =	vld [tilespmem:s28+$0x60];
	v26 =	vmul.f32 $1.442695020e+00, v17;
	(erf) = vpow2.f32 v5;
	v5 =	vpop (erf)  }
0x5c: {  	v11 =	vld [tilespmem:s28+$0x20];
	v16 =	vadd.f32 v13, v15;
	v18 =	vmul.f32 $1.442695020e+00, v18;
	v8 =	vadd.f32 v8, v10;
	v10 =	vpop (erf)  }
0x5d: {  	v15 =	vld [tilespmem:s28+$0x70];
	v7 =	vadd.f32 v9, v7;
	(erf) = vpow2.f32 v21;
	v20 =	vadd.f32 v10, v1;
	v1 =	vpop (erf)  }
0x5e: {  	v14 =	vmul.f32 $1.442695020e+00, v14;
	(erf) = vpow2.f32 v4;
	v4 =	vadd.f32 v1, v6;
	v6 =	vld [tilespmem:s28+$0x10]  }
0x5f: {  	v9 =	vld [tilespmem:s28+$0x40];
	v3 =	vmul.f32 $1.442695020e+00, v3;
	(erf) = vpow2.f32 v18;
	v1 =	vpop (erf)  }
0x60: {  	v21 =	vadd.f32 v5, v7;
	v10 =	vld [tilespmem:s28+$0x150];
	(erf) = vpow2.f32 v14;
	v1 =	vadd.f32 v1, v2;
	v5 =	vpop (erf)  }
0x61: {  	v17 =	vmul.f32 $1.442695020e+00, v28;
	v27 =	vmul.f32 $1.442695020e+00, v11;
	v11 =	vld [tilespmem:s28+$0x1E0];
	v14 =	vadd.f32 v23, v8;
	v8 =	vpop (erf)  }
0x62: {  	v0 =	vld [tilespmem:s28+$0x130];
	v7 =	vmul.f32 $1.442695020e+00, v15;
	(erf) = vpow2.f32 v3;
	v1 =	vadd.f32 v5, v1;
	v23 =	vpop (erf)  }
0x63: {  	v28 =	vld [tilespmem:s28+$0x1C0];
	v3 =	vadd.f32 v8, v2;
	v2 =	vmul.f32 $1.442695020e+00, v25;
	v8 =	vpop (erf);
	v25 =	vmul.f32 $1.442695020e+00, v6  }
0x64: {  	v15 =	vmul.f32 $1.442695020e+00, v9;
	v9 =	vmul.f32 $1.442695020e+00, v19;
	v5 =	vld [tilespmem:s28+$0x160];
	v19 =	vadd.f32 v8, v1;
	v8 =	vpop (erf)  }
0x65: {  	v18 =	vmul.f32 $1.442695020e+00, v22;
	(erf) = vpow2.f32 v7;
	v1 =	vld [tilespmem:s28+$0x50];
	v3 =	vadd.f32 v23, v3;
	v31 =	vpop (erf)  }
0x66: {  	v13 =	vld [tilespmem:s28+$0x30];
	v29 =	vmul.f32 $1.442695020e+00, v10;
	v6 =	vmul.f32 $1.442695020e+00, v11;
	v22 =	vpop (erf)  }
0x67: {  	v23 =	vadd.f32 v8, v4;
	v4 =	vld [tilespmem:s28+$0x170];
	(erf) = vpow2.f32 v25;
	v24 =	vadd.f32 v24, v3;
	v25 =	vpop (erf)  }
0x68: {  	s29 =	simm.s32 $0x1000;
	v11 =	vmul.f32 $1.442695020e+00, v30;
	v3 =	vld [tilespmem:s28+$0x120];
	v19 =	vadd.f32 v31, v19;
	(erf) = vpow2.f32 v15;
	v8 =	vpop (erf)  }
.LBB2_2:
0x69: {  	p0 =	sne.s32 s29, $0x1F800;
	v7 =	vld [tilespmem:s28+$0xD0];
	v5 =	vmul.f32 $1.442695020e+00, v5;
	(erf) = vpow2.f32 v27;
	v15 =	vpop (erf);
	v10 =	vadd.f32 v25, v24;
	s30 =	smov.u32 s29;
	s29 =	sadd.s32 $0x800, s29  }
0x6a: {  	v1 =	vmul.f32 $1.442695020e+00, v1;
	v24 =	vld [tilespmem:s28+$0x1A0];
	(erf) = vpow2.f32 v2  }
0x6b: {  	v2 =	vmul.f32 $1.442695020e+00, v13;
	v13 =	vld [tilespmem:s28+$0x80];
	(erf) = vpow2.f32 v29  }
0x6c: {  	v25 =	vmul.f32 $1.442695020e+00, v28;
	v27 =	vld [tilespmem:s28+$0x1F0];
	(erf) = vpow2.f32 v26;
	v26 =	vpop (erf)  }
0x6d: {  	v4 =	vmul.f32 $1.442695020e+00, v4;
	v28 =	vld [tilespmem:s28+$0x1B0];
	(erf) = vpow2.f32 v6  }
0x6e: {  	v0 =	vmul.f32 $1.442695020e+00, v0;
	v6 =	vld [tilespmem:s28+$0x100];
	(erf) = vpow2.f32 v5  }
0x6f: {  	v3 =	vmul.f32 $1.442695020e+00, v3;
	v5 =	vld [tilespmem:s28+$0x190];
	(erf) = vpow2.f32 v2;
	v2 =	vpop (erf)  }
0x70: {  	v7 =	vmul.f32 $1.442695020e+00, v7;
	v29 =	vld [tilespmem:s28+$0x180];
	v30 =	vpop (erf);
	(erf) = vpow2.f32 v25  }
0x71: {  	v24 =	vmul.f32 $1.442695020e+00, v24;
	v25 =	vld [tilespmem:s28+$0x1D0];
	v31 =	vpop (erf);
	(erf) = vpow2.f32 v18  }
0x72: {  	v18 =	vmul.f32 $1.442695020e+00, v27;
	v16 =	vadd.f32 v31, v16;
	v27 =	vpop (erf);
	(erf) = vpow2.f32 v0  }
0x73: {  	v0 =	vadd.f32 v30, v23;
	v23 =	vmul.f32 $1.442695020e+00, v28;
	v28 =	vpop (erf);
	(erf) = vpow2.f32 v4  }
0x74: {  	v4 =	vadd.f32 v27, v21;
	v16 =	vadd.f32 v15, v16;
	(erf) = vpow2.f32 v17;
	v15 =	vpop (erf)  }
0x75: {  	s28 =	sshra.s32 s30, $0x2;
	v27 =	vadd.f32 v28, v12;
	v17 =	vpop (erf);
	(erf) = vpow2.f32 v3  }
0x76: {  	v2 =	vadd.f32 v2, v20;
	v13 =	vmul.f32 $1.442695020e+00, v13;
	v3 =	vld [tilespmem:s28+$0x140];
	(erf) = vpow2.f32 v23;
	v20 =	vpop (erf)  }
0x77: {  	v6 =	vmul.f32 $1.442695020e+00, v6;
	v8 =	vadd.f32 v8, v27;
	v23 =	vld [tilespmem:s28+$0x110];
	v12 =	vpop (erf);
	(erf) = vpow2.f32 v24  }
0x78: {  	v2 =	vadd.f32 v22, v2;
	v5 =	vmul.f32 $1.442695020e+00, v5;
	v24 =	vld [tilespmem:s28+$0xA0];
	v21 =	vpop (erf);
	(erf) = vpow2.f32 v18  }
0x79: {  	v22 =	vmul.f32 $1.442695020e+00, v29;
	v28 =	vadd.f32 v12, v8;
	v18 =	vld [tilespmem:s28+$0x90];
	(erf) = vpow2.f32 v9;
	v9 =	vpop (erf)  }
0x7a: {  	v17 =	vadd.f32 v17, v0;
	v25 =	vmul.f32 $1.442695020e+00, v25;
	v27 =	vld [tilespmem:s28+$0xF0];
	(erf) = vpow2.f32 v11;
	v0 =	vpop (erf)  }
0x7b: {  	v12 =	vadd.f32 v20, v28;
	v11 =	vld [tilespmem:s28+$0xE0];
	v16 =	vadd.f32 v0, v16;
	(erf) = vpow2.f32 v13;
	v8 =	vpop (erf)  }
0x7c: {  	v13 =	vadd.f32 v21, v14;
	v0 =	vld [tilespmem:s28+$0x130];
	(erf) = vpow2.f32 v1;
	v1 =	vpop (erf)  }
0x7d: {  	v14 =	vld [tilespmem:s28+$0xC0];
	v1 =	vadd.f32 v1, v2;
	v16 =	vadd.f32 v9, v16;
	v2 =	vpop (erf);
	(erf) = vpow2.f32 v7  }
0x7e: {  	v7 =	vld [tilespmem:s28+$0xB0];
	v2 =	vadd.f32 v2, v4;
	v4 =	vadd.f32 v26, v13;
	(erf) = vpow2.f32 v6;
	v6 =	vpop (erf)  }
0x7f: {  	v9 =	vld [tilespmem:s28+$0x20];
	v13 =	vmul.f32 $1.442695020e+00, v27;
	(erf) = vpow2.f32 v5;
	v5 =	vpop (erf)  }
0x80: {  	v26 =	vld [tilespmem:s28+$0x70];
	v11 =	vmul.f32 $1.442695020e+00, v11;
	v2 =	vadd.f32 v6, v2;
	(erf) = vpow2.f32 v22;
	v6 =	vpop (erf)  }
0x81: {  	v4 =	vadd.f32 v8, v4;
	v22 =	vld [tilespmem:s28+$0x40];
	(erf) = vpow2.f32 v13;
	v8 =	vpop (erf)  }
0x82: {  	v28 =	vld [tilespmem:s28+$0x60];
	v14 =	vmul.f32 $1.442695020e+00, v14;
	v20 =	vadd.f32 v8, v1;
	v1 =	vpop (erf);
	(erf) = vpow2.f32 v25  }
0x83: {  	v13 =	vld [tilespmem:s28+$0x30];
	v7 =	vmul.f32 $1.442695020e+00, v7;
	(erf) = vpow2.f32 v11;
	v8 =	vadd.f32 v1, v17;
	v1 =	vpop (erf)  }
0x84: {  	v21 =	vadd.f32 v6, v2;
	v11 =	vld [tilespmem:s28+$0x10];
	(erf) = vpow2.f32 v14;
	v1 =	vadd.f32 v1, v19;
	v2 =	vpop (erf)  }
0x85: {  	v27 =	vmul.f32 $1.442695020e+00, v9;
	v14 =	vadd.f32 v5, v4;
	v6 =	vmul.f32 $1.442695020e+00, v26;
	v19 =	vld [tilespmem:s28+$0x150];
	v4 =	vpop (erf)  }
0x86: {  	v26 =	vmul.f32 $1.442695020e+00, v18;
	v30 =	vmul.f32 $1.442695020e+00, v22;
	v25 =	vld [tilespmem:s28+$0x1E0];
	v1 =	vadd.f32 v2, v1;
	v22 =	vpop (erf)  }
0x87: {  	v9 =	vmul.f32 $1.442695020e+00, v23;
	v4 =	vadd.f32 v4, v10;
	v31 =	vld [tilespmem:s28+$0x0];
	(erf) = vpow2.f32 v7;
	v7 =	vpop (erf)  }
.Ltmp0:
0x88: {  	v18 =	vmul.f32 $1.442695020e+00, v3;
	v2 =	vmul.f32 $1.442695020e+00, v28;
	v5 =	vld [tilespmem:s28+$0x160];
	v7 =	vadd.f32 v7, v1;
	v3 =	vpop (erf);
	(pc) =	sbr.rel @p0 .LBB2_2-.Ltmp0, $4  }
0x89: {  	v17 =	vmul.f32 $1.442695020e+00, v24;
	v10 =	vmul.f32 $1.442695020e+00, v11;
	v1 =	vld [tilespmem:s28+$0x50];
	v11 =	vadd.f32 v22, v4;
	v32 =	vpop (erf)  }
0x8a: {  	v23 =	vadd.f32 v3, v8;
	v29 =	vmul.f32 $1.442695020e+00, v19;
	v28 =	vld [tilespmem:s28+$0x1C0];
	(erf) = vpow2.f32 v6;
	v22 =	vpop (erf)  }
0x8b: {  	v4 =	vld [tilespmem:s28+$0x170];
	v6 =	vmul.f32 $1.442695020e+00, v25;
	(erf) = vpow2.f32 v10;
	v24 =	vadd.f32 v15, v11;
	v25 =	vpop (erf)  }
0x8c: {  	v19 =	vadd.f32 v32, v7;
	v11 =	vmul.f32 $1.442695020e+00, v31;
	v3 =	vld [tilespmem:s28+$0x120];
	(erf) = vpow2.f32 v30;
	v8 =	vpop (erf)  }
0x8d: {  	(erf) = vpow2.f32 v27  }
0x8e: {  	(erf) = vpow2.f32 v2  }
0x8f: {  	v7 =	vmul.f32 $1.442695020e+00, v13;
	(erf) = vpow2.f32 v29  }
0x90: {  	v2 =	vmul.f32 $1.442695020e+00, v5;
	(erf) = vpow2.f32 v26  }
0x91: {  	v5 =	vpop (erf);
	(erf) = vpow2.f32 v6  }
0x92: {  	v10 =	vpop (erf);
	v6 =	vmul.f32 $1.442695020e+00, v28;
	(erf) = vpow2.f32 v2;
	v2 =	vld [tilespmem:s28+$0x1B0]  }
0x93: {  	(erf) = vpow2.f32 v7;
	v7 =	vpop (erf)  }
0x94: {  	v13 =	vld [tilespmem:s28+$0x1A0];
	v0 =	vmul.f32 $1.442695020e+00, v0;
	v15 =	vpop (erf);
	(erf) = vpow2.f32 v6  }
0x95: {  	v4 =	vmul.f32 $1.442695020e+00, v4;
	v6 =	vld [tilespmem:s28+$0x1F0];
	v26 =	vpop (erf);
	(erf) = vpow2.f32 v18  }
0x96: {  	v3 =	vmul.f32 $1.442695020e+00, v3;
	v27 =	vpop (erf);
	(erf) = vpow2.f32 v0  }
0x97: {  	v29 =	vpop (erf);
	(erf) = vpow2.f32 v4;
	v2 =	vmul.f32 $1.442695020e+00, v2  }
0x98: {  	v31 =	vld [tilespmem:s28+$0x1D0];
	(erf) = vpow2.f32 v17  }
0x99: {  	v33 =	vld [tilespmem:$0x18010];
	v13 =	vmul.f32 $1.442695020e+00, v13;
	v0 =	vpop (erf);
	(erf) = vpow2.f32 v3  }
0x9a: {  	v28 =	vld [tilespmem:s28+$0x80];
	v30 =	vpop (erf);
	v6 =	vmul.f32 $1.442695020e+00, v6;
	(erf) = vpow2.f32 v2  }
0x9b: {  	v18 =	vld [tilespmem:s28+$0xD0];
	v2 =	vpop (erf);
	(erf) = vpow2.f32 v13  }
0x9c: {  	v32 =	vpop (erf);
	(erf) = vpow2.f32 v6;
	v6 =	vld [tilespmem:$0x18000]  }
0x9d: {  	v34 =	vld [tilespmem:$0x18020]  }
0x9e: {  	v33 =	vshll.u32 v33, $0x7;
	v4 =	vld [tilespmem:s28+$0x100]  }
0x9f: {  	v33 =	vor.u32 v63, v33;
	v17 =	vld [tilespmem:s28+$0x190]  }
0xa0: {  	v28 =	vmul.f32 $1.442695020e+00, v28;
	v3 =	vld [tilespmem:s28+$0x180]  }
0xa1: {  	v35 =	vld [tilespmem:$0x18030];
	v1 =	vmul.f32 $1.442695020e+00, v1;
	v13 =	vmul.f32 $1.442695020e+00, v18;
	v18 =	vpop (erf);
	v6 =	vshll.u32 v6, $0x7  }
0xa2: {  	v36 =	vld [tilespmem:$0x18040];
	(erf) = vpow2.f32 v9;
	v9 =	vpop (erf);
	v6 =	vor.u32 v62, v6  }
0xa3: {  	v39 =	vld [tilespmem:$0x18070];
	s28 =	simm.s32 $0x0;
	v4 =	vmul.f32 $1.442695020e+00, v4;
	(erf) = vpow2.f32 v11;
	v11 =	vpop (erf)  }
0xa4: {  	v33 =	vld.idx.msk [tilespmem:v33+s28+$0x0], $0xffff;
	v17 =	vmul.f32 $1.442695020e+00, v17;
	(erf) = vpow2.f32 v28;
	v28 =	vpop (erf)  }
0xa5: {  	v38 =	vld [tilespmem:$0x18060];
	v3 =	vmul.f32 $1.442695020e+00, v3;
	(erf) = vpow2.f32 v1;
	v1 =	vpop (erf)  }
0xa6: {  	(erf) = vpow2.f32 v13;
	v13 =	vld [tilespmem:$0x18050];
	v37 =	vpop (erf)  }
0xa7: {  	v31 =	vmul.f32 $1.442695020e+00, v31;
	v34 =	vshll.u32 v34, $0x7;
	(erf) = vpow2.f32 v4;
	v4 =	vpop (erf);
	v6 =	vld.idx.msk [tilespmem:v6+s28+$0x0], $0xffff  }
0xa8: {  	v45 =	vshll.u32 v39, $0x7;
	v34 =	vor.u32 v48, v34;
	(erf) = vpow2.f32 v17;
	v17 =	vpop (erf)  }
0xa9: {  	v35 =	vshll.u32 v35, $0x7;
	[tilespmem:$0x1FF00] =	vst v33;
	v33 =	vor.u32 v55, v45;
	(erf) = vpow2.f32 v3;
	v3 =	vpop (erf)  }
0xaa: {  	v59 =	vshll.u32 v36, $0x7;
	v40 =	vpop (erf);
	(erf) = vpow2.f32 v31;
	v31 =	vor.u32 v50, v35  }
0xab: {  	v35 =	vor.u32 v51, v59;
	v13 =	vshll.u32 v13, $0x7  }
0xac: {  	[tilespmem:$0x1FEF0] =	vst v6;
	v6 =	vor.u32 v53, v13;
	v13 =	vshll.u32 v38, $0x7  }
0xad: {  	v34 =	vld.idx.msk [tilespmem:v34+s28+$0x0], $0xffff;
	v13 =	vor.u32 v54, v13  }
0xae: {  	v33 =	vld.idx.msk [tilespmem:v33+s28+$0x0], $0xffff  }
0xaf: {  	v60 =	vpop (erf);
	v31 =	vld.idx.msk [tilespmem:v31+s28+$0x0], $0xffff  }
0xb0: {  	v41 =	vpop (erf);
	v35 =	vld.idx.msk [tilespmem:v35+s28+$0x0], $0xffff  }
0xb1: {  	v61 =	vpop (erf);
	v6 =	vld.idx.msk [tilespmem:v6+s28+$0x0], $0xffff  }
0xb2: {  	[tilespmem:$0x1FF10] =	vst v34;
	v46 =	vpop (erf);
	v13 =	vld.idx.msk [tilespmem:v13+s28+$0x0], $0xffff  }
0xb3: {  	[tilespmem:$0x1FF60] =	vst v33;
	v47 =	vpop (erf)  }
0xb4: {  	[tilespmem:$0x1FF20] =	vst v31;
	v31 =	vpop (erf)  }
0xb5: {  	[tilespmem:$0x1FF30] =	vst v35;
	v49 =	vpop (erf)  }
0xb6: {  	[tilespmem:$0x1FF40] =	vst v6;
	v6 =	vpop (erf)  }
0xb7: {  	[tilespmem:$0x1FF50] =	vst v13;
	v13 =	vpop (erf)  }
0xb8: {  	_ =	swait.ge [sflag:s23], $0x8000  }
0xb9: {  	[sflag:s23] =	ssyncset.done $0x0  }
0xba: {  	[sflag:s23] =	ssyncadd.s32 $0xFFFF8000  }
0xbb: {  	[tilespmem:s28], [sflag:$0x1] =	stream.strided.gather [hbm4b:s10+s18], $0x8000, s19, s18, $0x38;
	[tilespmem:$0x18280] =	vst v63  }
0xbc: {  	v12 =	vadd.f32 v29, v12;
	s28 =	simm.s32 $0x0  }
0xbd: {  	v52 =	vld [tilespmem:s28+$0x8110]  }
0xbe: {  	v8 =	vadd.f32 v8, v12;
	v42 =	vld [tilespmem:s28+$0x8090]  }
0xbf: {  	v43 =	vld [tilespmem:s28+$0x80F0]  }
0xc0: {  	v24 =	vadd.f32 v25, v24;
	v8 =	vadd.f32 v32, v8;
	v25 =	vld [tilespmem:s28+$0x80E0]  }
0xc1: {  	v7 =	vadd.f32 v7, v20;
	v15 =	vadd.f32 v15, v23;
	v23 =	vld [tilespmem:s28+$0x80C0]  }
0xc2: {  	v16 =	vadd.f32 v26, v16;
	v2 =	vadd.f32 v2, v8;
	v26 =	vld [tilespmem:s28+$0x8020]  }
0xc3: {  	v7 =	vadd.f32 v22, v7;
	v20 =	vld [tilespmem:s28+$0x80B0]  }
0xc4: {  	v5 =	vadd.f32 v5, v16;
	[tilespmem:$0x1FF70] =	vst v2;
	v2 =	vld [tilespmem:s28+$0x8060]  }
0xc5: {  	v14 =	vadd.f32 v18, v14;
	v1 =	vadd.f32 v1, v7;
	v7 =	vld [tilespmem:s28+$0x8010]  }
0xc6: {  	v5 =	vadd.f32 v11, v5;
	v22 =	vld [tilespmem:s28+$0x8070];
	v16 =	vmul.f32 $1.442695020e+00, v43;
	v11 =	vmul.f32 $1.442695020e+00, v25  }
0xc7: {  	v21 =	vadd.f32 v27, v21;
	v25 =	vld [tilespmem:s28+$0x8040];
	v8 =	vmul.f32 $1.442695020e+00, v23;
	v18 =	vmul.f32 $1.442695020e+00, v26  }
0xc8: {  	v10 =	vadd.f32 v10, v14;
	v23 =	vmul.f32 $1.442695020e+00, v42;
	v26 =	vld [tilespmem:s28+$0x8050];
	(erf) = vpow2.f32 v16  }
0xc9: {  	v2 =	vmul.f32 $1.442695020e+00, v2;
	v16 =	vadd.f32 v9, v5;
	v5 =	vld [tilespmem:s28+$0x8140];
	(erf) = vpow2.f32 v11  }
0xca: {  	v7 =	vmul.f32 $1.442695020e+00, v7;
	v11 =	vld [tilespmem:s28+$0x80A0];
	(erf) = vpow2.f32 v8;
	v8 =	vadd.f32 v37, v21  }
0xcb: {  	v1 =	vadd.f32 v40, v1;
	v9 =	vmul.f32 $1.442695020e+00, v20;
	v20 =	vmul.f32 $1.442695020e+00, v22;
	v21 =	vld [tilespmem:s28+$0x8150]  }
0xcc: {  	v22 =	vmul.f32 $1.442695020e+00, v25;
	v25 =	vmul.f32 $1.442695020e+00, v52;
	v4 =	vadd.f32 v4, v8;
	v8 =	vld [tilespmem:s28+$0x81E0]  }
0xcd: {  	(erf) = vpow2.f32 v9;
	v9 =	vadd.f32 v28, v10;
	v10 =	vld [tilespmem:s28+$0x8000];
	v26 =	vmul.f32 $1.442695020e+00, v26  }
0xce: {  	v15 =	vadd.f32 v30, v15;
	[tilespmem:$0x1FF80] =	vst v1;
	(erf) = vpow2.f32 v20;
	v1 =	vmul.f32 $1.442695020e+00, v5;
	v5 =	vld [tilespmem:s28+$0x8160]  }
0xcf: {  	(erf) = vpow2.f32 v7;
	v7 =	vadd.f32 v41, v19;
	v19 =	vld [tilespmem:s28+$0x8030];
	v11 =	vmul.f32 $1.442695020e+00, v11  }
0xd0: {  	(erf) = vpow2.f32 v22;
	v27 =	vmul.f32 $1.442695020e+00, v21;
	v21 =	vadd.f32 v3, v4;
	v3 =	vld [tilespmem:s28+$0x81C0]  }
0xd1: {  	v20 =	vadd.f32 v17, v9;
	(erf) = vpow2.f32 v18;
	v4 =	vmul.f32 $1.442695020e+00, v8;
	v8 =	vld [tilespmem:s28+$0x8170]  }
0xd2: {  	v9 =	vmul.f32 $1.442695020e+00, v10;
	(erf) = vpow2.f32 v2;
	v2 =	vadd.f32 v61, v7;
	v7 =	vld [tilespmem:s28+$0x8130]  }
0xd3: {  	v15 =	vadd.f32 v60, v15;
	v18 =	vld [tilespmem:s28+$0x8120];
	(erf) = vpow2.f32 v27;
	v5 =	vmul.f32 $1.442695020e+00, v5  }
0xd4: {  	v17 =	vadd.f32 v46, v24;
	v10 =	vpop (erf);
	v27 =	vld [tilespmem:s28+$0x80D0];
	(erf) = vpow2.f32 v23;
	v19 =	vmul.f32 $1.442695020e+00, v19  }
0xd5: {  	v24 =	vpop (erf);
	v2 =	vadd.f32 v31, v2;
	v31 =	vld [tilespmem:s28+$0x81D0];
	(erf) = vpow2.f32 v4;
	v3 =	vmul.f32 $1.442695020e+00, v3  }
0xd6: {  	v28 =	vpop (erf);
	v4 =	vadd.f32 v47, v17;
	(erf) = vpow2.f32 v5;
	v5 =	vmul.f32 $1.442695020e+00, v8;
	v8 =	vld [tilespmem:s28+$0x81B0]  }
0xd7: {  	v22 =	vadd.f32 v49, v15;
	v17 =	vld [tilespmem:s28+$0x81A0];
	v29 =	vpop (erf);
	(erf) = vpow2.f32 v19;
	v7 =	vmul.f32 $1.442695020e+00, v7  }
0xd8: {  	v15 =	vpop (erf);
	v0 =	vadd.f32 v0, v4;
	v4 =	vld [tilespmem:s28+$0x81F0];
	(erf) = vpow2.f32 v3;
	v3 =	vmul.f32 $1.442695020e+00, v18  }
0xd9: {  	v30 =	vpop (erf);
	(erf) = vpow2.f32 v1;
	v1 =	vmul.f32 $1.442695020e+00, v27  }
0xda: {  	v23 =	vadd.f32 v6, v2;
	v2 =	vld [tilespmem:s28+$0x8080];
	v6 =	vpop (erf);
	v31 =	vmul.f32 $1.442695020e+00, v31;
	(erf) = vpow2.f32 v7  }
0xdb: {  	v19 =	vadd.f32 v13, v0;
	v13 =	vpop (erf);
	(erf) = vpow2.f32 v5;
	v8 =	vmul.f32 $1.442695020e+00, v8  }
0xdc: {  	v18 =	vld [tilespmem:s28+$0x8190];
	v7 =	vimm.f32 $0.0e+00;
	v17 =	vmul.f32 $1.442695020e+00, v17;
	v27 =	vpop (erf);
	(erf) = vpow2.f32 v11  }
0xdd: {  	v0 =	vld [tilespmem:s28+$0x8100];
	v6 =	vadd.f32 v6, v7;
	v11 =	vpop (erf);
	v4 =	vmul.f32 $1.442695020e+00, v4;
	(erf) = vpow2.f32 v3  }
0xde: {  	v5 =	vld [tilespmem:s28+$0x8180];
	s28 =	simm.s32 $0x200;
	v56 =	vpop (erf);
	v3 =	vadd.f32 v13, v7;
	v13 =	vadd.f32 v27, v7;
	(erf) = vpow2.f32 v8  }
0xdf: {  	v15 =	vadd.f32 v15, v7;
	v2 =	vmul.f32 $1.442695020e+00, v2;
	v57 =	vld [tilespmem:s28+$0x8110];
	(erf) = vpow2.f32 v17;
	v8 =	vpop (erf)  }
0xe0: {  	v58 =	vld [tilespmem:s28+$0x80A0];
	v6 =	vadd.f32 v28, v6;
	v13 =	vadd.f32 v24, v13;
	v28 =	vpop (erf);
	(erf) = vpow2.f32 v4  }
0xe1: {  	v30 =	vadd.f32 v30, v7;
	v59 =	vld [tilespmem:s28+$0x81E0];
	v10 =	vadd.f32 v10, v15;
	v17 =	vpop (erf);
	(erf) = vpow2.f32 v25  }
0xe2: {  	v18 =	vmul.f32 $1.442695020e+00, v18;
	v13 =	vadd.f32 v28, v13;
	v25 =	vld [tilespmem:s28+$0x80F0];
	v24 =	vpop (erf);
	(erf) = vpow2.f32 v9  }
0xe3: {  	v4 =	vmul.f32 $1.442695020e+00, v0;
	v9 =	vadd.f32 v56, v30;
	v30 =	vld [tilespmem:s28+$0x80E0];
	v0 =	vpop (erf);
	(erf) = vpow2.f32 v2  }
0xe4: {  	v28 =	vadd.f32 v8, v13;
	v8 =	vadd.f32 v17, v7;
	v13 =	vld [tilespmem:s28+$0x80C0];
	v2 =	vpop (erf);
	(erf) = vpow2.f32 v26  }
0xe5: {  	v15 =	vld [tilespmem:s28+$0x8090];
	v5 =	vmul.f32 $1.442695020e+00, v5;
	v6 =	vadd.f32 v0, v6;
	v26 =	vpop (erf);
	(erf) = vpow2.f32 v1  }
0xe6: {  	v60 =	vld [tilespmem:s28+$0x8000];
	v8 =	vadd.f32 v29, v8;
	v17 =	vpop (erf);
	v1 =	vadd.f32 v26, v10;
	(erf) = vpow2.f32 v4  }
0xe7: {  	v10 =	vld [tilespmem:s28+$0x80B0];
	v25 =	vmul.f32 $1.442695020e+00, v25;
	v29 =	vadd.f32 v24, v6;
	v3 =	vadd.f32 v17, v3;
	v4 =	vpop (erf)  }
0xe8: {  	v27 =	vld [tilespmem:s28+$0x8140];
	(erf) = vpow2.f32 v18;
	v24 =	vmul.f32 $1.442695020e+00, v30;
	v2 =	vadd.f32 v2, v8;
	v18 =	vpop (erf)  }
0xe9: {  	v6 =	vld [tilespmem:s28+$0x8070];
	(erf) = vpow2.f32 v5;
	v26 =	vmul.f32 $1.442695020e+00, v13;
	v5 =	vpop (erf);
	v3 =	vadd.f32 v4, v3  }
0xea: {  	v17 =	vld [tilespmem:s28+$0x8020];
	(erf) = vpow2.f32 v25;
	v33 =	vadd.f32 v18, v2;
	v18 =	vmul.f32 $1.442695020e+00, v15;
	v8 =	vpop (erf)  }
0xeb: {  	v4 =	vld [tilespmem:s28+$0x8040];
	v15 =	vmul.f32 $1.442695020e+00, v58;
	(erf) = vpow2.f32 v31;
	v36 =	vadd.f32 v8, v1;
	v1 =	vpop (erf)  }
0xec: {  	v30 =	vld [tilespmem:s28+$0x8150];
	v8 =	vmul.f32 $1.442695020e+00, v10;
	(erf) = vpow2.f32 v24;
	v9 =	vadd.f32 v1, v9;
	v1 =	vpop (erf)  }
0xed: {  	v10 =	vld [tilespmem:s28+$0x8010];
	v37 =	vadd.f32 v5, v3;
	(erf) = vpow2.f32 v26;
	v1 =	vadd.f32 v1, v7;
	v3 =	vpop (erf)  }
0xee: {  	v25 =	vld [tilespmem:s28+$0x8060];
	v6 =	vmul.f32 $1.442695020e+00, v6;
	v24 =	vmul.f32 $1.442695020e+00, v57;
	v2 =	vpop (erf)  }
0xef: {  	v0 =	vld [tilespmem:s28+$0x8130];
	v26 =	vmul.f32 $1.442695020e+00, v17;
	v17 =	vmul.f32 $1.442695020e+00, v27;
	v1 =	vadd.f32 v3, v1;
	v3 =	vpop (erf)  }
0xf0: {  	v13 =	vld [tilespmem:s28+$0x8030];
	(erf) = vpow2.f32 v8;
	v31 =	vmul.f32 $1.442695020e+00, v4;
	v4 =	vadd.f32 v2, v7;
	v7 =	vpop (erf)  }
0xf1: {  	v5 =	vld [tilespmem:s28+$0x8160];
	v30 =	vmul.f32 $1.442695020e+00, v30;
	(erf) = vpow2.f32 v6;
	v8 =	vpop (erf)  }
0xf2: {  	v10 =	vmul.f32 $1.442695020e+00, v10;
	v7 =	vadd.f32 v7, v1;
	v1 =	vld [tilespmem:s28+$0x8050];
	v3 =	vadd.f32 v3, v4;
	v61 =	vpop (erf)  }
0xf3: {  	v27 =	vld [tilespmem:s28+$0x81C0];
	v6 =	vmul.f32 $1.442695020e+00, v59;
	v2 =	vmul.f32 $1.442695020e+00, v25;
	v38 =	vpop (erf)  }
0xf4: {  	v25 =	vmul.f32 $1.442695020e+00, v60;
	v4 =	vld [tilespmem:s28+$0x8170];
	(erf) = vpow2.f32 v10;
	v10 =	vadd.f32 v11, v3;
	v11 =	vpop (erf)  }
0xf5: {  	s29 =	simm.s32 $0x1000;
	v39 =	vadd.f32 v8, v9;
	v3 =	vld [tilespmem:s28+$0x8120];
	(erf) = vpow2.f32 v31;
	v35 =	vadd.f32 v61, v7;
	v8 =	vpop (erf)  }
.LBB2_4:
0xf6: {  	p0 =	sne.s32 s29, $0x1F800;
	v7 =	vld [tilespmem:s28+$0x80D0];
	v5 =	vmul.f32 $1.442695020e+00, v5;
	(erf) = vpow2.f32 v26;
	v26 =	vpop (erf);
	v9 =	vadd.f32 v11, v10;
	s30 =	smov.u32 s29;
	s29 =	sadd.s32 $0x800, s29  }
0xf7: {  	v1 =	vmul.f32 $1.442695020e+00, v1;
	v10 =	vld [tilespmem:s28+$0x81A0];
	(erf) = vpow2.f32 v2  }
0xf8: {  	v2 =	vmul.f32 $1.442695020e+00, v13;
	v11 =	vld [tilespmem:s28+$0x8080];
	(erf) = vpow2.f32 v30  }
0xf9: {  	v13 =	vmul.f32 $1.442695020e+00, v27;
	v27 =	vld [tilespmem:s28+$0x81F0];
	(erf) = vpow2.f32 v18;
	v18 =	vpop (erf)  }
0xfa: {  	v4 =	vmul.f32 $1.442695020e+00, v4;
	v30 =	vld [tilespmem:s28+$0x81B0];
	(erf) = vpow2.f32 v6  }
0xfb: {  	v0 =	vmul.f32 $1.442695020e+00, v0;
	v6 =	vld [tilespmem:s28+$0x8100];
	(erf) = vpow2.f32 v5  }
0xfc: {  	v3 =	vmul.f32 $1.442695020e+00, v3;
	v5 =	vld [tilespmem:s28+$0x8190];
	(erf) = vpow2.f32 v2;
	v2 =	vpop (erf)  }
0xfd: {  	v7 =	vmul.f32 $1.442695020e+00, v7;
	v31 =	vld [tilespmem:s28+$0x8180];
	v32 =	vpop (erf);
	(erf) = vpow2.f32 v13  }
0xfe: {  	v13 =	vmul.f32 $1.442695020e+00, v10;
	v34 =	vld [tilespmem:s28+$0x81D0];
	v10 =	vpop (erf);
	(erf) = vpow2.f32 v17  }
0xff: {  	v17 =	vmul.f32 $1.442695020e+00, v27;
	v12 =	vadd.f32 v10, v29;
	v27 =	vpop (erf);
	(erf) = vpow2.f32 v0  }
0x100: {  	v0 =	vadd.f32 v32, v39;
	v29 =	vmul.f32 $1.442695020e+00, v30;
	v30 =	vpop (erf);
	(erf) = vpow2.f32 v4  }
0x101: {  	v4 =	vadd.f32 v27, v37;
	v26 =	vadd.f32 v26, v12;
	(erf) = vpow2.f32 v15;
	v10 =	vpop (erf)  }
0x102: {  	s28 =	sshra.s32 s30, $0x2;
	v12 =	vadd.f32 v30, v28;
	v27 =	vpop (erf);
	(erf) = vpow2.f32 v3  }
0x103: {  	v2 =	vadd.f32 v2, v36;
	v11 =	vmul.f32 $1.442695020e+00, v11;
	v3 =	vld [tilespmem:s28+$0x8140];
	(erf) = vpow2.f32 v29;
	v28 =	vpop (erf)  }
0x104: {  	v6 =	vmul.f32 $1.442695020e+00, v6;
	v8 =	vadd.f32 v8, v12;
	v30 =	vld [tilespmem:s28+$0x8110];
	v15 =	vpop (erf);
	(erf) = vpow2.f32 v13  }
0x105: {  	v2 =	vadd.f32 v38, v2;
	v5 =	vmul.f32 $1.442695020e+00, v5;
	v32 =	vld [tilespmem:s28+$0x80A0];
	v13 =	vpop (erf);
	(erf) = vpow2.f32 v17  }
0x106: {  	v12 =	vadd.f32 v15, v8;
	v15 =	vmul.f32 $1.442695020e+00, v31;
	v17 =	vld [tilespmem:s28+$0x8090];
	(erf) = vpow2.f32 v24;
	v24 =	vpop (erf)  }
0x107: {  	v27 =	vadd.f32 v27, v0;
	v34 =	vmul.f32 $1.442695020e+00, v34;
	v31 =	vld [tilespmem:s28+$0x80F0];
	(erf) = vpow2.f32 v25;
	v0 =	vpop (erf)  }
0x108: {  	v28 =	vadd.f32 v28, v12;
	v25 =	vld [tilespmem:s28+$0x80E0];
	v26 =	vadd.f32 v0, v26;
	(erf) = vpow2.f32 v11;
	v8 =	vpop (erf)  }
0x109: {  	v11 =	vadd.f32 v13, v33;
	v0 =	vld [tilespmem:s28+$0x8130];
	(erf) = vpow2.f32 v1;
	v1 =	vpop (erf)  }
0x10a: {  	v13 =	vld [tilespmem:s28+$0x80C0];
	v1 =	vadd.f32 v1, v2;
	v29 =	vadd.f32 v24, v26;
	v2 =	vpop (erf);
	(erf) = vpow2.f32 v7  }
0x10b: {  	v7 =	vld [tilespmem:s28+$0x80B0];
	v2 =	vadd.f32 v2, v4;
	v4 =	vadd.f32 v18, v11;
	(erf) = vpow2.f32 v6;
	v6 =	vpop (erf)  }
0x10c: {  	v11 =	vld [tilespmem:s28+$0x8020];
	v18 =	vmul.f32 $1.442695020e+00, v31;
	(erf) = vpow2.f32 v5;
	v5 =	vpop (erf)  }
0x10d: {  	v24 =	vld [tilespmem:s28+$0x8070];
	v25 =	vmul.f32 $1.442695020e+00, v25;
	v2 =	vadd.f32 v6, v2;
	(erf) = vpow2.f32 v15;
	v6 =	vpop (erf)  }
0x10e: {  	v4 =	vadd.f32 v8, v4;
	v15 =	vld [tilespmem:s28+$0x8040];
	(erf) = vpow2.f32 v18;
	v8 =	vpop (erf)  }
0x10f: {  	v31 =	vld [tilespmem:s28+$0x8060];
	v18 =	vmul.f32 $1.442695020e+00, v13;
	v36 =	vadd.f32 v8, v1;
	v1 =	vpop (erf);
	(erf) = vpow2.f32 v34  }
0x110: {  	v13 =	vld [tilespmem:s28+$0x8030];
	v7 =	vmul.f32 $1.442695020e+00, v7;
	(erf) = vpow2.f32 v25;
	v8 =	vadd.f32 v1, v27;
	v1 =	vpop (erf)  }
0x111: {  	v37 =	vadd.f32 v6, v2;
	v25 =	vld [tilespmem:s28+$0x8010];
	(erf) = vpow2.f32 v18;
	v1 =	vadd.f32 v1, v35;
	v2 =	vpop (erf)  }
0x112: {  	v33 =	vadd.f32 v5, v4;
	v26 =	vmul.f32 $1.442695020e+00, v11;
	v6 =	vmul.f32 $1.442695020e+00, v24;
	v11 =	vld [tilespmem:s28+$0x8150];
	v4 =	vpop (erf)  }
0x113: {  	v18 =	vmul.f32 $1.442695020e+00, v17;
	v34 =	vmul.f32 $1.442695020e+00, v15;
	v35 =	vld [tilespmem:s28+$0x81E0];
	v1 =	vadd.f32 v2, v1;
	v27 =	vpop (erf)  }
0x114: {  	v24 =	vmul.f32 $1.442695020e+00, v30;
	v4 =	vadd.f32 v4, v9;
	v40 =	vld [tilespmem:s28+$0x8000];
	(erf) = vpow2.f32 v7;
	v7 =	vpop (erf)  }
.Ltmp1:
0x115: {  	v17 =	vmul.f32 $1.442695020e+00, v3;
	v2 =	vmul.f32 $1.442695020e+00, v31;
	v5 =	vld [tilespmem:s28+$0x8160];
	v7 =	vadd.f32 v7, v1;
	v3 =	vpop (erf);
	(pc) =	sbr.rel @p0 .LBB2_4-.Ltmp1, $4  }
0x116: {  	v15 =	vmul.f32 $1.442695020e+00, v32;
	v9 =	vmul.f32 $1.442695020e+00, v25;
	v1 =	vld [tilespmem:s28+$0x8050];
	v25 =	vadd.f32 v27, v4;
	v31 =	vpop (erf)  }
0x117: {  	v39 =	vadd.f32 v3, v8;
	v30 =	vmul.f32 $1.442695020e+00, v11;
	v27 =	vld [tilespmem:s28+$0x81C0];
	(erf) = vpow2.f32 v6;
	v38 =	vpop (erf)  }
0x118: {  	v4 =	vld [tilespmem:s28+$0x8170];
	v6 =	vmul.f32 $1.442695020e+00, v35;
	(erf) = vpow2.f32 v9;
	v10 =	vadd.f32 v10, v25;
	v11 =	vpop (erf)  }
0x119: {  	v35 =	vadd.f32 v31, v7;
	v25 =	vmul.f32 $1.442695020e+00, v40;
	v3 =	vld [tilespmem:s28+$0x8120];
	(erf) = vpow2.f32 v34;
	v8 =	vpop (erf)  }
0x11a: {  	(erf) = vpow2.f32 v26  }
0x11b: {  	(erf) = vpow2.f32 v2  }
0x11c: {  	v7 =	vmul.f32 $1.442695020e+00, v13;
	(erf) = vpow2.f32 v30  }
0x11d: {  	v2 =	vmul.f32 $1.442695020e+00, v5;
	(erf) = vpow2.f32 v18  }
0x11e: {  	v5 =	vpop (erf);
	(erf) = vpow2.f32 v6  }
0x11f: {  	v9 =	vpop (erf);
	v6 =	vmul.f32 $1.442695020e+00, v27;
	(erf) = vpow2.f32 v2;
	v2 =	vld [tilespmem:s28+$0x81B0]  }
0x120: {  	v13 =	vld [tilespmem:s28+$0x81A0];
	(erf) = vpow2.f32 v7;
	v7 =	vpop (erf)  }
0x121: {  	v0 =	vmul.f32 $1.442695020e+00, v0;
	v31 =	vld [tilespmem:$0x18090];
	v18 =	vpop (erf);
	(erf) = vpow2.f32 v6  }
0x122: {  	v4 =	vmul.f32 $1.442695020e+00, v4;
	v6 =	vld [tilespmem:s28+$0x81F0];
	v26 =	vpop (erf);
	(erf) = vpow2.f32 v17  }
0x123: {  	v3 =	vmul.f32 $1.442695020e+00, v3;
	v40 =	vpop (erf);
	(erf) = vpow2.f32 v0  }
0x124: {  	v27 =	vld [tilespmem:s28+$0x8080];
	v41 =	vpop (erf);
	(erf) = vpow2.f32 v4;
	v2 =	vmul.f32 $1.442695020e+00, v2  }
0x125: {  	v17 =	vld [tilespmem:s28+$0x80D0];
	(erf) = vpow2.f32 v15  }
0x126: {  	v13 =	vmul.f32 $1.442695020e+00, v13;
	v0 =	vpop (erf);
	(erf) = vpow2.f32 v3  }
0x127: {  	v32 =	vld [tilespmem:$0x180A0];
	v31 =	vshll.u32 v31, $0x7;
	v42 =	vpop (erf);
	v6 =	vmul.f32 $1.442695020e+00, v6;
	(erf) = vpow2.f32 v2  }
0x128: {  	v31 =	vor.u32 v63, v31;
	v4 =	vld [tilespmem:s28+$0x8100];
	v2 =	vpop (erf);
	(erf) = vpow2.f32 v13  }
0x129: {  	v27 =	vmul.f32 $1.442695020e+00, v27;
	v15 =	vld [tilespmem:s28+$0x8190];
	v43 =	vpop (erf);
	(erf) = vpow2.f32 v6  }
0x12a: {  	v3 =	vld [tilespmem:s28+$0x8180];
	v13 =	vmul.f32 $1.442695020e+00, v17;
	v17 =	vpop (erf);
	(erf) = vpow2.f32 v24  }
0x12b: {  	v6 =	vld [tilespmem:$0x18080];
	(erf) = vpow2.f32 v25  }
0x12c: {  	v32 =	vshll.u32 v32, $0x7;
	v24 =	vpop (erf);
	(erf) = vpow2.f32 v27;
	v27 =	vld [tilespmem:$0x180B0]  }
0x12d: {  	v1 =	vmul.f32 $1.442695020e+00, v1;
	v48 =	vor.u32 v48, v32;
	v12 =	vld.idx.msk [tilespmem:v31+s20+$0x0], $0xffff;
	_ =	sdelay $0x1  }
0x12e: {  	v30 =	vld [tilespmem:s28+$0x81D0];
	v4 =	vmul.f32 $1.442695020e+00, v4;
	v25 =	vpop (erf)  }
0x12f: {  	v15 =	vmul.f32 $1.442695020e+00, v15;
	v3 =	vmul.f32 $1.442695020e+00, v3;
	v44 =	vpop (erf);
	v6 =	vshll.u32 v6, $0x7  }
0x130: {  	v34 =	vld [tilespmem:$0x180C0];
	(erf) = vpow2.f32 v1;
	v1 =	vpop (erf);
	v6 =	vor.u32 v62, v6;
	v27 =	vshll.u32 v27, $0x7  }
0x131: {  	[tilespmem:$0x1FE80] =	vst v12;
	v12 =	vld.idx.msk [tilespmem:v48+s20+$0x0], $0xffff;
	(erf) = vpow2.f32 v13;
	v45 =	vpop (erf);
	v27 =	vor.u32 v50, v27  }
0x132: {  	(erf) = vpow2.f32 v4;
	v4 =	vpop (erf)  }
0x133: {  	v46 =	vld [tilespmem:$0x180E0];
	v30 =	vmul.f32 $1.442695020e+00, v30;
	(erf) = vpow2.f32 v15;
	v15 =	vpop (erf)  }
0x134: {  	v13 =	vld [tilespmem:$0x180D0];
	(erf) = vpow2.f32 v3;
	v3 =	vpop (erf)  }
0x135: {  	v49 =	vpop (erf);
	(erf) = vpow2.f32 v30;
	v30 =	vshll.u32 v34, $0x7;
	v6 =	vld.idx.msk [tilespmem:v6+s20+$0x0], $0xffff  }
0x136: {  	[tilespmem:$0x1FE90] =	vst v12;
	v51 =	vor.u32 v51, v30;
	v12 =	vld.idx.msk [tilespmem:v27+s20+$0x0], $0xffff;
	_ =	sdelay $0x2  }
0x137: {  	v13 =	vshll.u32 v13, $0x7  }
0x138: {  	v47 =	vld [tilespmem:$0x180F0];
	[tilespmem:$0x1FE70] =	vst v6;
	v6 =	vor.u32 v53, v13;
	v13 =	vshll.u32 v46, $0x7  }
0x139: {  	v13 =	vor.u32 v54, v13;
	[tilespmem:$0x1FEA0] =	vst v12;
	v12 =	vld.idx.msk [tilespmem:v51+s20+$0x0], $0xffff;
	_ =	sdelay $0x3  }
0x13a: {  	v30 =	vshll.u32 v47, $0x7  }
0x13b: {  	v59 =	vor.u32 v55, v30;
	[tilespmem:$0x1FEB0] =	vst v12;
	v12 =	vld.idx.msk [tilespmem:v13+s20+$0x0], $0xffff;
	_ =	sdelay $0x1  }
0x13c: {  	v50 =	vpop (erf)  }
0x13d: {  	v52 =	vpop (erf)  }
0x13e: {  	v46 =	vpop (erf);
	v6 =	vld.idx.msk [tilespmem:v6+s20+$0x0], $0xffff  }
0x13f: {  	v47 =	vpop (erf);
	[tilespmem:$0x1FED0] =	vst v12;
	v12 =	vld.idx.msk [tilespmem:v59+s20+$0x0], $0xffff  }
0x140: {  	v53 =	vpop (erf)  }
0x141: {  	v54 =	vpop (erf)  }
0x142: {  	v51 =	vpop (erf)  }
0x143: {  	[tilespmem:$0x1FEC0] =	vst v6;
	v6 =	vpop (erf)  }
0x144: {  	v13 =	vpop (erf);
	[tilespmem:$0x1FEE0] =	vst v12  }
0x145: {  	_ =	swait.ge [sflag:s24], $0x8000  }
0x146: {  	[sflag:s24] =	ssyncset.done $0x0  }
0x147: {  	s28 =	simm.s32 $0x0;
	[sflag:s24] =	ssyncadd.s32 $0xFFFF8000  }
0x148: {  	v60 =	vld [tilespmem:s28+$0x10110]  }
0x149: {  	v10 =	vadd.f32 v11, v10;
	v11 =	vadd.f32 v41, v28;
	v61 =	vld [tilespmem:s28+$0x10090]  }
0x14a: {  	v56 =	vld [tilespmem:s28+$0x100F0]  }
0x14b: {  	v8 =	vadd.f32 v8, v11;
	v28 =	vld [tilespmem:s28+$0x100E0]  }
0x14c: {  	v7 =	vadd.f32 v7, v36;
	v26 =	vadd.f32 v26, v29;
	v34 =	vld [tilespmem:s28+$0x100C0]  }
0x14d: {  	v18 =	vadd.f32 v18, v39;
	v8 =	vadd.f32 v43, v8;
	v11 =	vld [tilespmem:s28+$0x100B0]  }
0x14e: {  	v7 =	vadd.f32 v38, v7;
	v5 =	vadd.f32 v5, v26;
	v26 =	vld [tilespmem:s28+$0x10020]  }
0x14f: {  	v40 =	vadd.f32 v40, v37;
	v29 =	vadd.f32 v2, v8;
	v2 =	vld [tilespmem:s28+$0x10060]  }
0x150: {  	v17 =	vadd.f32 v17, v33;
	v1 =	vadd.f32 v1, v7;
	v7 =	vld [tilespmem:s28+$0x10010];
	v41 =	vmul.f32 $1.442695020e+00, v56  }
0x151: {  	v5 =	vadd.f32 v25, v5;
	v43 =	vld [tilespmem:s28+$0x10070];
	v25 =	vmul.f32 $1.442695020e+00, v28;
	v8 =	vmul.f32 $1.442695020e+00, v34  }
0x152: {  	v9 =	vadd.f32 v9, v17;
	v28 =	vld [tilespmem:s28+$0x10040];
	v11 =	vmul.f32 $1.442695020e+00, v11;
	(erf) = vpow2.f32 v41  }
0x153: {  	v33 =	vadd.f32 v24, v5;
	v5 =	vld [tilespmem:s28+$0x10140];
	v56 =	vmul.f32 $1.442695020e+00, v61;
	(erf) = vpow2.f32 v25  }
0x154: {  	v17 =	vld [tilespmem:s28+$0x10150];
	v57 =	vmul.f32 $1.442695020e+00, v60;
	(erf) = vpow2.f32 v8;
	v8 =	vadd.f32 v45, v40  }
0x155: {  	v18 =	vadd.f32 v42, v18;
	v58 =	vld [tilespmem:s28+$0x10030];
	v2 =	vmul.f32 $1.442695020e+00, v2;
	v7 =	vmul.f32 $1.442695020e+00, v7  }
0x156: {  	v25 =	vmul.f32 $1.442695020e+00, v26;
	v26 =	vmul.f32 $1.442695020e+00, v43;
	v4 =	vadd.f32 v4, v8;
	v8 =	vld [tilespmem:s28+$0x101E0]  }
0x157: {  	v9 =	vadd.f32 v44, v9;
	v45 =	vmul.f32 $1.442695020e+00, v28;
	(erf) = vpow2.f32 v11;
	v11 =	vld [tilespmem:s28+$0x10000]  }
0x158: {  	v28 =	vadd.f32 v49, v1;
	v1 =	vmul.f32 $1.442695020e+00, v5;
	v5 =	vld [tilespmem:s28+$0x10160];
	(erf) = vpow2.f32 v26  }
0x159: {  	v17 =	vmul.f32 $1.442695020e+00, v17;
	v26 =	vld [tilespmem:s28+$0x10050];
	(erf) = vpow2.f32 v7;
	v7 =	vadd.f32 v52, v35  }
0x15a: {  	v35 =	vmul.f32 $1.442695020e+00, v58;
	(erf) = vpow2.f32 v45;
	v37 =	vadd.f32 v3, v4;
	v3 =	vld [tilespmem:s28+$0x101C0]  }
0x15b: {  	v36 =	vadd.f32 v15, v9;
	(erf) = vpow2.f32 v25;
	v4 =	vmul.f32 $1.442695020e+00, v8;
	v8 =	vld [tilespmem:s28+$0x10170]  }
0x15c: {  	v18 =	vadd.f32 v50, v18;
	v24 =	vld [tilespmem:s28+$0x100A0];
	v9 =	vmul.f32 $1.442695020e+00, v11;
	(erf) = vpow2.f32 v2  }
0x15d: {  	v2 =	vadd.f32 v46, v7;
	v7 =	vld [tilespmem:s28+$0x10130];
	v5 =	vmul.f32 $1.442695020e+00, v5;
	(erf) = vpow2.f32 v17  }
0x15e: {  	v10 =	vadd.f32 v47, v10;
	v15 =	vld [tilespmem:s28+$0x10120];
	v11 =	vpop (erf);
	v25 =	vmul.f32 $1.442695020e+00, v26;
	(erf) = vpow2.f32 v56  }
0x15f: {  	v38 =	vadd.f32 v51, v18;
	v26 =	vld [tilespmem:s28+$0x100D0];
	v17 =	vpop (erf);
	(erf) = vpow2.f32 v4;
	v3 =	vmul.f32 $1.442695020e+00, v3  }
0x160: {  	v2 =	vadd.f32 v54, v2;
	v59 =	vpop (erf);
	(erf) = vpow2.f32 v5;
	v5 =	vmul.f32 $1.442695020e+00, v8;
	v8 =	vld [tilespmem:s28+$0x101B0]  }
0x161: {  	v24 =	vmul.f32 $1.442695020e+00, v24;
	v4 =	vadd.f32 v53, v10;
	v10 =	vld [tilespmem:s28+$0x101A0];
	v60 =	vpop (erf);
	(erf) = vpow2.f32 v35  }
0x162: {  	v40 =	vadd.f32 v6, v2;
	v18 =	vpop (erf);
	v7 =	vmul.f32 $1.442695020e+00, v7;
	(erf) = vpow2.f32 v3  }
0x163: {  	v2 =	vld [tilespmem:s28+$0x10080];
	v0 =	vadd.f32 v0, v4;
	v61 =	vpop (erf);
	v3 =	vmul.f32 $1.442695020e+00, v15;
	(erf) = vpow2.f32 v1  }
0x164: {  	v4 =	vld [tilespmem:s28+$0x101F0];
	v6 =	vpop (erf);
	v1 =	vmul.f32 $1.442695020e+00, v26;
	(erf) = vpow2.f32 v7  }
0x165: {  	v15 =	vld [tilespmem:s28+$0x10190];
	v35 =	vadd.f32 v13, v0;
	v13 =	vpop (erf);
	(erf) = vpow2.f32 v5;
	v8 =	vmul.f32 $1.442695020e+00, v8  }
0x166: {  	v7 =	vimm.f32 $0.0e+00;
	v10 =	vmul.f32 $1.442695020e+00, v10;
	v26 =	vpop (erf);
	v5 =	vld [tilespmem:s28+$0x10180];
	(erf) = vpow2.f32 v24  }
0x167: {  	v46 =	vpop (erf);
	v24 =	vld [tilespmem:s28+$0x101D0];
	(erf) = vpow2.f32 v3;
	v3 =	vadd.f32 v13, v7;
	v13 =	vadd.f32 v26, v7  }
0x168: {  	v0 =	vld [tilespmem:s28+$0x10100];
	v6 =	vadd.f32 v6, v7;
	v18 =	vadd.f32 v18, v7;
	v2 =	vmul.f32 $1.442695020e+00, v2;
	s28 =	simm.s32 $0x200;
	v32 =	vpop (erf)  }
0x169: {  	v43 =	vadd.f32 v61, v7;
	v4 =	vmul.f32 $1.442695020e+00, v4;
	v26 =	vld [tilespmem:s28+$0x10140];
	(erf) = vpow2.f32 v8;
	v8 =	vpop (erf)  }
0x16a: {  	v34 =	vld [tilespmem:s28+$0x10110];
	v15 =	vmul.f32 $1.442695020e+00, v15;
	(erf) = vpow2.f32 v10;
	v10 =	vadd.f32 v17, v13;
	v55 =	vpop (erf)  }
0x16b: {  	v56 =	vld [tilespmem:s28+$0x100A0];
	v11 =	vadd.f32 v11, v18;
	v5 =	vmul.f32 $1.442695020e+00, v5;
	(erf) = vpow2.f32 v4;
	v13 =	vpop (erf)  }
0x16c: {  	v58 =	vld [tilespmem:s28+$0x100E0];
	v24 =	vmul.f32 $1.442695020e+00, v24;
	(erf) = vpow2.f32 v57;
	v10 =	vadd.f32 v55, v10;
	v18 =	vpop (erf)  }
0x16d: {  	v6 =	vadd.f32 v59, v6;
	v4 =	vmul.f32 $1.442695020e+00, v0;
	v57 =	vld [tilespmem:s28+$0x100F0];
	(erf) = vpow2.f32 v9;
	v0 =	vpop (erf)  }
0x16e: {  	v59 =	vld [tilespmem:s28+$0x10060];
	(erf) = vpow2.f32 v2;
	v44 =	vadd.f32 v8, v10;
	v8 =	vadd.f32 v13, v7;
	v2 =	vpop (erf)  }
0x16f: {  	v39 =	vmul.f32 $1.442695020e+00, v34;
	v10 =	vld [tilespmem:s28+$0x100C0];
	v6 =	vadd.f32 v0, v6;
	(erf) = vpow2.f32 v25;
	v25 =	vpop (erf)  }
0x170: {  	(erf) = vpow2.f32 v1;
	v8 =	vadd.f32 v60, v8;
	v13 =	vpop (erf);
	v1 =	vadd.f32 v25, v11;
	v11 =	vld [tilespmem:s28+$0x100B0]  }
0x171: {  	v61 =	vld [tilespmem:s28+$0x10000];
	v9 =	vadd.f32 v32, v43;
	(erf) = vpow2.f32 v4;
	v3 =	vadd.f32 v13, v3;
	v4 =	vpop (erf)  }
0x172: {  	v25 =	vld [tilespmem:s28+$0x10020];
	v49 =	vadd.f32 v18, v6;
	v13 =	vmul.f32 $1.442695020e+00, v57;
	(erf) = vpow2.f32 v15;
	v15 =	vpop (erf)  }
0x173: {  	v6 =	vld [tilespmem:s28+$0x10070];
	v18 =	vmul.f32 $1.442695020e+00, v58;
	(erf) = vpow2.f32 v5;
	v5 =	vpop (erf);
	v3 =	vadd.f32 v4, v3  }
0x174: {  	v2 =	vadd.f32 v2, v8;
	v10 =	vmul.f32 $1.442695020e+00, v10;
	v4 =	vld [tilespmem:s28+$0x10040];
	(erf) = vpow2.f32 v13;
	v8 =	vpop (erf)  }
0x175: {  	(erf) = vpow2.f32 v24;
	v52 =	vadd.f32 v8, v1;
	v1 =	vpop (erf);
	v8 =	vmul.f32 $1.442695020e+00, v11;
	v11 =	vld [tilespmem:s28+$0x10010]  }
0x176: {  	v17 =	vld [tilespmem:s28+$0x10090];
	v41 =	vmul.f32 $1.442695020e+00, v61;
	(erf) = vpow2.f32 v18;
	v9 =	vadd.f32 v1, v9;
	v1 =	vpop (erf)  }
0x177: {  	v42 =	vld [tilespmem:s28+$0x101C0];
	v53 =	vadd.f32 v5, v3;
	(erf) = vpow2.f32 v10;
	v1 =	vadd.f32 v1, v7;
	v3 =	vpop (erf)  }
0x178: {  	v60 =	vld [tilespmem:s28+$0x101E0];
	v45 =	vadd.f32 v15, v2;
	v15 =	vmul.f32 $1.442695020e+00, v56;
	v24 =	vmul.f32 $1.442695020e+00, v25;
	v2 =	vpop (erf)  }
0x179: {  	v6 =	vmul.f32 $1.442695020e+00, v6;
	v10 =	vld [tilespmem:s28+$0x10150];
	(erf) = vpow2.f32 v8;
	v1 =	vadd.f32 v3, v1;
	v3 =	vpop (erf)  }
0x17a: {  	v0 =	vld [tilespmem:s28+$0x10130];
	v25 =	vmul.f32 $1.442695020e+00, v4;
	v4 =	vadd.f32 v2, v7;
	v7 =	vpop (erf);
	v11 =	vmul.f32 $1.442695020e+00, v11  }
0x17b: {  	v18 =	vmul.f32 $1.442695020e+00, v17;
	v17 =	vmul.f32 $1.442695020e+00, v26;
	v5 =	vld [tilespmem:s28+$0x10160];
	v8 =	vpop (erf)  }
0x17c: {  	(erf) = vpow2.f32 v6;
	v7 =	vadd.f32 v7, v1;
	v1 =	vld [tilespmem:s28+$0x10050];
	v3 =	vadd.f32 v3, v4;
	v26 =	vpop (erf)  }
0x17d: {  	v13 =	vld [tilespmem:s28+$0x10030];
	v6 =	vmul.f32 $1.442695020e+00, v60;
	v2 =	vmul.f32 $1.442695020e+00, v59;
	v54 =	vpop (erf)  }
0x17e: {  	v43 =	vmul.f32 $1.442695020e+00, v10;
	v4 =	vld [tilespmem:s28+$0x10170];
	(erf) = vpow2.f32 v11;
	v10 =	vadd.f32 v46, v3;
	v11 =	vpop (erf)  }
0x17f: {  	s29 =	simm.s32 $0x1000;
	v55 =	vadd.f32 v8, v9;
	v3 =	vld [tilespmem:s28+$0x10120];
	(erf) = vpow2.f32 v25;
	v51 =	vadd.f32 v26, v7;
	v8 =	vpop (erf)  }
.LBB2_6:
0x180: {  	p0 =	sne.s32 s29, $0x1F800;
	v7 =	vld [tilespmem:s28+$0x100D0];
	v5 =	vmul.f32 $1.442695020e+00, v5;
	(erf) = vpow2.f32 v24;
	v24 =	vpop (erf);
	v9 =	vadd.f32 v11, v10;
	s30 =	smov.u32 s29;
	s29 =	sadd.s32 $0x800, s29  }
0x181: {  	v1 =	vmul.f32 $1.442695020e+00, v1;
	v10 =	vld [tilespmem:s28+$0x101A0];
	(erf) = vpow2.f32 v2  }
0x182: {  	v2 =	vmul.f32 $1.442695020e+00, v13;
	v11 =	vld [tilespmem:s28+$0x10080];
	(erf) = vpow2.f32 v43  }
0x183: {  	v13 =	vmul.f32 $1.442695020e+00, v42;
	v25 =	vld [tilespmem:s28+$0x101F0];
	(erf) = vpow2.f32 v18;
	v18 =	vpop (erf)  }
0x184: {  	v4 =	vmul.f32 $1.442695020e+00, v4;
	v26 =	vld [tilespmem:s28+$0x101B0];
	(erf) = vpow2.f32 v6  }
0x185: {  	v0 =	vmul.f32 $1.442695020e+00, v0;
	v6 =	vld [tilespmem:s28+$0x10100];
	(erf) = vpow2.f32 v5  }
0x186: {  	v3 =	vmul.f32 $1.442695020e+00, v3;
	v5 =	vld [tilespmem:s28+$0x10190];
	(erf) = vpow2.f32 v2;
	v2 =	vpop (erf)  }
0x187: {  	v7 =	vmul.f32 $1.442695020e+00, v7;
	v42 =	vld [tilespmem:s28+$0x10180];
	v43 =	vpop (erf);
	(erf) = vpow2.f32 v13  }
0x188: {  	v13 =	vmul.f32 $1.442695020e+00, v10;
	v46 =	vld [tilespmem:s28+$0x101D0];
	v10 =	vpop (erf);
	(erf) = vpow2.f32 v17  }
0x189: {  	v17 =	vmul.f32 $1.442695020e+00, v25;
	v12 =	vadd.f32 v10, v49;
	v25 =	vpop (erf);
	(erf) = vpow2.f32 v0  }
0x18a: {  	v0 =	vadd.f32 v43, v55;
	v14 =	vmul.f32 $1.442695020e+00, v26;
	v43 =	vpop (erf);
	(erf) = vpow2.f32 v4  }
0x18b: {  	v4 =	vadd.f32 v25, v53;
	v24 =	vadd.f32 v24, v12;
	(erf) = vpow2.f32 v15;
	v10 =	vpop (erf)  }
0x18c: {  	s28 =	sshra.s32 s30, $0x2;
	v12 =	vadd.f32 v43, v44;
	v25 =	vpop (erf);
	(erf) = vpow2.f32 v3  }
0x18d: {  	v2 =	vadd.f32 v2, v52;
	v11 =	vmul.f32 $1.442695020e+00, v11;
	v3 =	vld [tilespmem:s28+$0x10140];
	(erf) = vpow2.f32 v14;
	v26 =	vpop (erf)  }
0x18e: {  	v6 =	vmul.f32 $1.442695020e+00, v6;
	v8 =	vadd.f32 v8, v12;
	v43 =	vld [tilespmem:s28+$0x10110];
	v15 =	vpop (erf);
	(erf) = vpow2.f32 v13  }
0x18f: {  	v2 =	vadd.f32 v54, v2;
	v5 =	vmul.f32 $1.442695020e+00, v5;
	v47 =	vld [tilespmem:s28+$0x100A0];
	v13 =	vpop (erf);
	(erf) = vpow2.f32 v17  }
0x190: {  	v12 =	vadd.f32 v15, v8;
	v15 =	vmul.f32 $1.442695020e+00, v42;
	v17 =	vld [tilespmem:s28+$0x10090];
	(erf) = vpow2.f32 v39;
	v39 =	vpop (erf)  }
0x191: {  	v25 =	vadd.f32 v25, v0;
	v46 =	vmul.f32 $1.442695020e+00, v46;
	v42 =	vld [tilespmem:s28+$0x100F0];
	(erf) = vpow2.f32 v41;
	v0 =	vpop (erf)  }
0x192: {  	v44 =	vadd.f32 v26, v12;
	v41 =	vld [tilespmem:s28+$0x100E0];
	v24 =	vadd.f32 v0, v24;
	(erf) = vpow2.f32 v11;
	v8 =	vpop (erf)  }
0x193: {  	v11 =	vadd.f32 v13, v45;
	v0 =	vld [tilespmem:s28+$0x10130];
	(erf) = vpow2.f32 v1;
	v1 =	vpop (erf)  }
0x194: {  	v13 =	vld [tilespmem:s28+$0x100C0];
	v1 =	vadd.f32 v1, v2;
	v49 =	vadd.f32 v39, v24;
	v2 =	vpop (erf);
	(erf) = vpow2.f32 v7  }
0x195: {  	v7 =	vld [tilespmem:s28+$0x100B0];
	v2 =	vadd.f32 v2, v4;
	v4 =	vadd.f32 v18, v11;
	(erf) = vpow2.f32 v6;
	v6 =	vpop (erf)  }
0x196: {  	v11 =	vld [tilespmem:s28+$0x10020];
	v18 =	vmul.f32 $1.442695020e+00, v42;
	(erf) = vpow2.f32 v5;
	v5 =	vpop (erf)  }
0x197: {  	v26 =	vld [tilespmem:s28+$0x10070];
	v24 =	vmul.f32 $1.442695020e+00, v41;
	v2 =	vadd.f32 v6, v2;
	(erf) = vpow2.f32 v15;
	v6 =	vpop (erf)  }
0x198: {  	v4 =	vadd.f32 v8, v4;
	v15 =	vld [tilespmem:s28+$0x10040];
	(erf) = vpow2.f32 v18;
	v8 =	vpop (erf)  }
0x199: {  	v41 =	vld [tilespmem:s28+$0x10060];
	v18 =	vmul.f32 $1.442695020e+00, v13;
	v52 =	vadd.f32 v8, v1;
	v1 =	vpop (erf);
	(erf) = vpow2.f32 v46  }
0x19a: {  	v13 =	vld [tilespmem:s28+$0x10030];
	v7 =	vmul.f32 $1.442695020e+00, v7;
	(erf) = vpow2.f32 v24;
	v8 =	vadd.f32 v1, v25;
	v1 =	vpop (erf)  }
0x19b: {  	v53 =	vadd.f32 v6, v2;
	v25 =	vld [tilespmem:s28+$0x10010];
	(erf) = vpow2.f32 v18;
	v1 =	vadd.f32 v1, v51;
	v2 =	vpop (erf)  }
0x19c: {  	v45 =	vadd.f32 v5, v4;
	v24 =	vmul.f32 $1.442695020e+00, v11;
	v6 =	vmul.f32 $1.442695020e+00, v26;
	v11 =	vld [tilespmem:s28+$0x10150];
	v4 =	vpop (erf)  }
0x19d: {  	v18 =	vmul.f32 $1.442695020e+00, v17;
	v26 =	vmul.f32 $1.442695020e+00, v15;
	v46 =	vld [tilespmem:s28+$0x101E0];
	v1 =	vadd.f32 v2, v1;
	v42 =	vpop (erf)  }
0x19e: {  	v39 =	vmul.f32 $1.442695020e+00, v43;
	v4 =	vadd.f32 v4, v9;
	v48 =	vld [tilespmem:s28+$0x10000];
	(erf) = vpow2.f32 v7;
	v7 =	vpop (erf)  }
.Ltmp2:
0x19f: {  	v17 =	vmul.f32 $1.442695020e+00, v3;
	v2 =	vmul.f32 $1.442695020e+00, v41;
	v5 =	vld [tilespmem:s28+$0x10160];
	v7 =	vadd.f32 v7, v1;
	v3 =	vpop (erf);
	(pc) =	sbr.rel @p0 .LBB2_6-.Ltmp2, $4  }
0x1a0: {  	v15 =	vmul.f32 $1.442695020e+00, v47;
	v9 =	vmul.f32 $1.442695020e+00, v25;
	v1 =	vld [tilespmem:s28+$0x10050];
	v25 =	vadd.f32 v42, v4;
	v47 =	vpop (erf)  }
0x1a1: {  	v55 =	vadd.f32 v3, v8;
	v43 =	vmul.f32 $1.442695020e+00, v11;
	v42 =	vld [tilespmem:s28+$0x101C0];
	(erf) = vpow2.f32 v6;
	v54 =	vpop (erf)  }
0x1a2: {  	v4 =	vld [tilespmem:s28+$0x10170];
	v6 =	vmul.f32 $1.442695020e+00, v46;
	(erf) = vpow2.f32 v9;
	v10 =	vadd.f32 v10, v25;
	v11 =	vpop (erf)  }
0x1a3: {  	v51 =	vadd.f32 v47, v7;
	v41 =	vmul.f32 $1.442695020e+00, v48;
	v3 =	vld [tilespmem:s28+$0x10120];
	(erf) = vpow2.f32 v26;
	v8 =	vpop (erf)  }
0x1a4: {  	(erf) = vpow2.f32 v24  }
0x1a5: {  	(erf) = vpow2.f32 v2  }
0x1a6: {  	v7 =	vmul.f32 $1.442695020e+00, v13;
	(erf) = vpow2.f32 v43  }
0x1a7: {  	v2 =	vmul.f32 $1.442695020e+00, v5;
	(erf) = vpow2.f32 v18  }
0x1a8: {  	v5 =	vpop (erf);
	(erf) = vpow2.f32 v6  }
0x1a9: {  	(erf) = vpow2.f32 v2;
	v2 =	vld [tilespmem:s28+$0x101B0]  }
0x1aa: {  	v9 =	vpop (erf);
	v6 =	vmul.f32 $1.442695020e+00, v42  }
0x1ab: {  	v13 =	vld [tilespmem:s28+$0x101A0];
	(erf) = vpow2.f32 v7;
	v7 =	vpop (erf)  }
0x1ac: {  	v0 =	vmul.f32 $1.442695020e+00, v0;
	v26 =	vld [tilespmem:s28+$0x10080];
	v18 =	vpop (erf);
	(erf) = vpow2.f32 v6  }
0x1ad: {  	v4 =	vmul.f32 $1.442695020e+00, v4;
	v6 =	vld [tilespmem:s28+$0x101F0];
	v24 =	vpop (erf);
	(erf) = vpow2.f32 v17  }
0x1ae: {  	v50 =	vld [tilespmem:$0x18120];
	v25 =	vpop (erf);
	(erf) = vpow2.f32 v0;
	v2 =	vmul.f32 $1.442695020e+00, v2  }
0x1af: {  	v3 =	vmul.f32 $1.442695020e+00, v3;
	v17 =	vld [tilespmem:s28+$0x100D0];
	v56 =	vpop (erf);
	(erf) = vpow2.f32 v4  }
0x1b0: {  	v12 =	vld [tilespmem:$0x1FFA0];
	v1 =	vmul.f32 $1.442695020e+00, v1;
	(erf) = vpow2.f32 v15;
	v0 =	vpop (erf)  }
0x1b1: {  	v13 =	vmul.f32 $1.442695020e+00, v13;
	v4 =	vld [tilespmem:s28+$0x10100];
	v57 =	vpop (erf);
	(erf) = vpow2.f32 v3  }
0x1b2: {  	v15 =	vld [tilespmem:s28+$0x10190];
	v6 =	vmul.f32 $1.442695020e+00, v6;
	(erf) = vpow2.f32 v2;
	v2 =	vpop (erf)  }
0x1b3: {  	v26 =	vmul.f32 $1.442695020e+00, v26;
	v3 =	vld [tilespmem:s28+$0x10180];
	(erf) = vpow2.f32 v13;
	v58 =	vpop (erf)  }
0x1b4: {  	v34 =	vld [tilespmem:s28+$0x101D0];
	v13 =	vmul.f32 $1.442695020e+00, v17;
	(erf) = vpow2.f32 v6;
	v17 =	vpop (erf)  }
0x1b5: {  	v6 =	vld [tilespmem:$0x18100];
	(erf) = vpow2.f32 v39;
	v59 =	vpop (erf)  }
0x1b6: {  	v48 =	vld [tilespmem:$0x18110];
	v4 =	vmul.f32 $1.442695020e+00, v4;
	(erf) = vpow2.f32 v41;
	v60 =	vpop (erf)  }
0x1b7: {  	v32 =	vld [tilespmem:$0x18130];
	v15 =	vmul.f32 $1.442695020e+00, v15;
	v41 =	vshll.u32 v50, $0x7;
	(erf) = vpow2.f32 v26;
	v26 =	vpop (erf)  }
0x1b8: {  	v3 =	vmul.f32 $1.442695020e+00, v3;
	v41 =	vor.u32 v12, v41;
	v12 =	vld [tilespmem:$0x1FFB0];
	(erf) = vpow2.f32 v1;
	v1 =	vpop (erf)  }
0x1b9: {  	(erf) = vpow2.f32 v13;
	v61 =	vpop (erf)  }
0x1ba: {  	v6 =	vshll.u32 v6, $0x7;
	(erf) = vpow2.f32 v4;
	v4 =	vpop (erf)  }
0x1bb: {  	v42 =	vmul.f32 $1.442695020e+00, v34;
	v6 =	vor.u32 v62, v6;
	(erf) = vpow2.f32 v15;
	v15 =	vpop (erf)  }
0x1bc: {  	v46 =	vld [tilespmem:$0x18140];
	v43 =	vshll.u32 v32, $0x7;
	v39 =	vshll.u32 v48, $0x7;
	(erf) = vpow2.f32 v3;
	v3 =	vpop (erf)  }
0x1bd: {  	v39 =	vor.u32 v63, v39;
	v63 =	vpop (erf);
	(erf) = vpow2.f32 v42;
	v42 =	vor.u32 v12, v43;
	v12 =	vld [tilespmem:$0x1FFC0]  }
0x1be: {  	v47 =	vld [tilespmem:$0x18160]  }
0x1bf: {  	v13 =	vld [tilespmem:$0x18150]  }
0x1c0: {  	v50 =	vld.idx.msk [tilespmem:v6+s22+$0x0], $0xffff  }
0x1c1: {  	v32 =	vshll.u32 v46, $0x7;
	v6 =	vld [tilespmem:$0x1FFD0]  }
0x1c2: {  	v43 =	vor.u32 v12, v32;
	v12 =	vld [tilespmem:$0x1FFE0];
	_ =	sdelay $0x2  }
0x1c3: {  	v13 =	vshll.u32 v13, $0x7  }
0x1c4: {  	v34 =	vld [tilespmem:$0x18170];
	v6 =	vor.u32 v6, v13;
	v13 =	vshll.u32 v47, $0x7  }
0x1c5: {  	v13 =	vor.u32 v12, v13;
	v12 =	vld [tilespmem:$0x1FFF0];
	_ =	sdelay $0x3  }
0x1c6: {  	v34 =	vshll.u32 v34, $0x7  }
0x1c7: {  	v48 =	vld.idx.msk [tilespmem:v39+s22+$0x0], $0xffff;
	v39 =	vor.u32 v12, v34;
	_ =	sdelay $0x1  }
0x1c8: {  	v27 =	vpop (erf)  }
0x1c9: {  	v30 =	vpop (erf)  }
0x1ca: {  	v31 =	vpop (erf);
	v13 =	vld.idx.msk [tilespmem:v13+s22+$0x0], $0xffff  }
0x1cb: {  	v62 =	vpop (erf);
	v14 =	vld.idx.msk [tilespmem:v39+s22+$0x0], $0xffff  }
0x1cc: {  	v32 =	vpop (erf)  }
0x1cd: {  	v34 =	vpop (erf)  }
0x1ce: {  	v46 =	vld.idx.msk [tilespmem:v42+s22+$0x0], $0xffff;
	v12 =	vpop (erf)  }
0x1cf: {  	v42 =	vld.idx.msk [tilespmem:v6+s22+$0x0], $0xffff;
	v6 =	vpop (erf);
	[tilespmem:$0x1FE50] =	vst v13  }
0x1d0: {  	v47 =	vld.idx.msk [tilespmem:v41+s22+$0x0], $0xffff;
	v13 =	vpop (erf);
	[tilespmem:$0x1FE60] =	vst v14  }
0x1d1: {  	v43 =	vld.idx.msk [tilespmem:v43+s22+$0x0], $0xffff;
	_ =	swait.ge [sflag:s21], $0x8000  }
0x1d2: {  	[sflag:s21] =	ssyncset.done $0x0  }
0x1d3: {  	s28 =	simm.s32 $0x0;
	[sflag:s21] =	ssyncadd.s32 $0xFFFF8000  }
0x1d4: {  	v14 =	vld [tilespmem:s28+$0x90]  }
0x1d5: {  	v10 =	vadd.f32 v11, v10;
	v11 =	vadd.f32 v56, v44;
	v41 =	vld [tilespmem:s28+$0xF0]  }
0x1d6: {  	v7 =	vadd.f32 v7, v52;
	v56 =	vld [tilespmem:s28+$0xE0]  }
0x1d7: {  	v24 =	vadd.f32 v24, v49;
	v8 =	vadd.f32 v8, v11;
	v49 =	vld [tilespmem:s28+$0xC0]  }
0x1d8: {  	v18 =	vadd.f32 v18, v55;
	v7 =	vadd.f32 v54, v7;
	v11 =	vld [tilespmem:s28+$0xB0]  }
0x1d9: {  	v5 =	vadd.f32 v5, v24;
	v8 =	vadd.f32 v58, v8;
	v24 =	vld [tilespmem:s28+$0x20]  }
0x1da: {  	v25 =	vadd.f32 v25, v53;
	v18 =	vadd.f32 v57, v18;
	v52 =	vld [tilespmem:s28+$0x70]  }
0x1db: {  	v17 =	vadd.f32 v17, v45;
	v44 =	vadd.f32 v2, v8;
	v2 =	vld [tilespmem:s28+$0x60];
	v41 =	vmul.f32 $1.442695020e+00, v41  }
0x1dc: {  	v5 =	vadd.f32 v60, v5;
	v1 =	vadd.f32 v1, v7;
	v7 =	vld [tilespmem:s28+$0x10];
	v57 =	vmul.f32 $1.442695020e+00, v56  }
0x1dd: {  	v9 =	vadd.f32 v9, v17;
	v17 =	vld [tilespmem:s28+$0x150];
	v8 =	vmul.f32 $1.442695020e+00, v49;
	(erf) = vpow2.f32 v41  }
0x1de: {  	v58 =	vld [tilespmem:s28+$0x40];
	v49 =	vadd.f32 v59, v5;
	v11 =	vmul.f32 $1.442695020e+00, v11;
	(erf) = vpow2.f32 v57  }
0x1df: {  	v5 =	vld [tilespmem:s28+$0x140];
	v24 =	vmul.f32 $1.442695020e+00, v24;
	(erf) = vpow2.f32 v8;
	v8 =	vadd.f32 v61, v25  }
0x1e0: {  	v18 =	vadd.f32 v27, v18;
	v27 =	vld [tilespmem:s28+$0x30];
	v60 =	vmul.f32 $1.442695020e+00, v52;
	v14 =	vmul.f32 $1.442695020e+00, v14  }
0x1e1: {  	v2 =	vmul.f32 $1.442695020e+00, v2;
	v7 =	vmul.f32 $1.442695020e+00, v7;
	v4 =	vadd.f32 v4, v8;
	v8 =	vld [tilespmem:s28+$0x1E0]  }
0x1e2: {  	v9 =	vadd.f32 v26, v9;
	v26 =	vld [tilespmem:s28+$0x50];
	v17 =	vmul.f32 $1.442695020e+00, v17;
	(erf) = vpow2.f32 v11  }
0x1e3: {  	v61 =	vmul.f32 $1.442695020e+00, v58;
	v11 =	vld [tilespmem:s28+$0x0];
	(erf) = vpow2.f32 v60  }
0x1e4: {  	v45 =	vadd.f32 v63, v1;
	v1 =	vmul.f32 $1.442695020e+00, v5;
	v5 =	vld [tilespmem:s28+$0x160];
	(erf) = vpow2.f32 v7  }
0x1e5: {  	v27 =	vmul.f32 $1.442695020e+00, v27;
	(erf) = vpow2.f32 v61;
	v53 =	vadd.f32 v3, v4;
	v3 =	vld [tilespmem:s28+$0x1C0]  }
0x1e6: {  	v7 =	vadd.f32 v30, v51;
	(erf) = vpow2.f32 v24;
	v4 =	vmul.f32 $1.442695020e+00, v8;
	v8 =	vld [tilespmem:s28+$0x170]  }
0x1e7: {  	v39 =	vld [tilespmem:s28+$0x110];
	v52 =	vadd.f32 v15, v9;
	v24 =	vmul.f32 $1.442695020e+00, v26;
	(erf) = vpow2.f32 v2  }
0x1e8: {  	v9 =	vmul.f32 $1.442695020e+00, v11;
	v2 =	vadd.f32 v31, v7;
	v7 =	vld [tilespmem:s28+$0x130];
	(erf) = vpow2.f32 v17  }
0x1e9: {  	v25 =	vld [tilespmem:s28+$0xA0];
	v5 =	vmul.f32 $1.442695020e+00, v5;
	v11 =	vpop (erf);
	(erf) = vpow2.f32 v14  }
0x1ea: {  	v10 =	vadd.f32 v62, v10;
	v15 =	vld [tilespmem:s28+$0x120];
	v17 =	vpop (erf);
	(erf) = vpow2.f32 v4;
	v3 =	vmul.f32 $1.442695020e+00, v3  }
0x1eb: {  	v54 =	vadd.f32 v12, v18;
	v26 =	vpop (erf);
	(erf) = vpow2.f32 v5;
	v5 =	vmul.f32 $1.442695020e+00, v8;
	v8 =	vld [tilespmem:s28+$0x1B0]  }
0x1ec: {  	v39 =	vmul.f32 $1.442695020e+00, v39;
	v14 =	vld [tilespmem:s28+$0xD0];
	v4 =	vadd.f32 v32, v10;
	v30 =	vpop (erf);
	(erf) = vpow2.f32 v27  }
0x1ed: {  	v2 =	vadd.f32 v34, v2;
	v12 =	vpop (erf);
	v7 =	vmul.f32 $1.442695020e+00, v7;
	(erf) = vpow2.f32 v3  }
0x1ee: {  	v25 =	vmul.f32 $1.442695020e+00, v25;
	v10 =	vld [tilespmem:s28+$0x1A0];
	v0 =	vadd.f32 v0, v4;
	v18 =	vpop (erf);
	(erf) = vpow2.f32 v1  }
0x1ef: {  	v55 =	vadd.f32 v6, v2;
	v4 =	vld [tilespmem:s28+$0x1F0];
	v3 =	vmul.f32 $1.442695020e+00, v15;
	v6 =	vpop (erf);
	(erf) = vpow2.f32 v7  }
0x1f0: {  	v2 =	vld [tilespmem:s28+$0x80];
	v51 =	vadd.f32 v13, v0;
	v13 =	vpop (erf);
	(erf) = vpow2.f32 v5;
	v8 =	vmul.f32 $1.442695020e+00, v8  }
0x1f1: {  	v0 =	vld [tilespmem:s28+$0x100];
	v1 =	vmul.f32 $1.442695020e+00, v14;
	v7 =	vimm.f32 $0.0e+00;
	v15 =	vpop (erf);
	(erf) = vpow2.f32 v25  }
0x1f2: {  	v25 =	vpop (erf);
	(erf) = vpow2.f32 v3;
	v3 =	vadd.f32 v13, v7;
	v13 =	vadd.f32 v15, v7  }
0x1f3: {  	v14 =	vld [tilespmem:s28+$0x190];
	v10 =	vmul.f32 $1.442695020e+00, v10;
	v6 =	vadd.f32 v6, v7;
	v12 =	vadd.f32 v12, v7;
	v31 =	vpop (erf)  }
0x1f4: {  	v5 =	vld [tilespmem:s28+$0x180];
	v18 =	vadd.f32 v18, v7;
	v4 =	vmul.f32 $1.442695020e+00, v4;
	(erf) = vpow2.f32 v8;
	v8 =	vpop (erf)  }
0x1f5: {  	v27 =	vld [tilespmem:s28+$0x1D0];
	s28 =	simm.s32 $0x200;
	v2 =	vmul.f32 $1.442695020e+00, v2;
	(erf) = vpow2.f32 v10;
	v10 =	vadd.f32 v17, v13;
	v62 =	vpop (erf)  }
0x1f6: {  	v63 =	vld [tilespmem:s28+$0xF0];
	v6 =	vadd.f32 v26, v6;
	v0 =	vmul.f32 $1.442695020e+00, v0;
	(erf) = vpow2.f32 v4;
	v13 =	vpop (erf)  }
0x1f7: {  	v58 =	vld [tilespmem:s28+$0x130];
	v4 =	vadd.f32 v11, v12;
	(erf) = vpow2.f32 v39;
	v10 =	vadd.f32 v62, v10;
	v12 =	vpop (erf)  }
0x1f8: {  	v15 =	vld [tilespmem:s28+$0x140];
	v14 =	vmul.f32 $1.442695020e+00, v14;
	v18 =	vadd.f32 v31, v18;
	(erf) = vpow2.f32 v9;
	v9 =	vpop (erf)  }
0x1f9: {  	v31 =	vld [tilespmem:s28+$0xE0];
	v5 =	vmul.f32 $1.442695020e+00, v5;
	(erf) = vpow2.f32 v2;
	v56 =	vadd.f32 v8, v10;
	v2 =	vpop (erf)  }
0x1fa: {  	v26 =	vld [tilespmem:s28+$0x110];
	v8 =	vadd.f32 v13, v7;
	v6 =	vadd.f32 v9, v6;
	(erf) = vpow2.f32 v24;
	v9 =	vpop (erf)  }
0x1fb: {  	v27 =	vmul.f32 $1.442695020e+00, v27;
	v17 =	vld [tilespmem:s28+$0xA0];
	(erf) = vpow2.f32 v1;
	v13 =	vpop (erf)  }
0x1fc: {  	v10 =	vld [tilespmem:s28+$0xC0];
	v8 =	vadd.f32 v30, v8;
	v1 =	vadd.f32 v9, v4;
	(erf) = vpow2.f32 v0;
	v9 =	vpop (erf)  }
0x1fd: {  	v24 =	vld [tilespmem:s28+$0x20];
	v3 =	vadd.f32 v13, v3;
	v13 =	vmul.f32 $1.442695020e+00, v63;
	(erf) = vpow2.f32 v14;
	v14 =	vpop (erf)  }
0x1fe: {  	v30 =	vld [tilespmem:s28+$0x40];
	v0 =	vadd.f32 v12, v6;
	v12 =	vmul.f32 $1.442695020e+00, v31;
	(erf) = vpow2.f32 v5;
	v5 =	vpop (erf)  }
0x1ff: {  	v4 =	vld [tilespmem:s28+$0xB0];
	v31 =	vadd.f32 v2, v8;
	v3 =	vadd.f32 v9, v3;
	(erf) = vpow2.f32 v13;
	v2 =	vpop (erf)  }
0x200: {  	v6 =	vld [tilespmem:s28+$0x70];
	(erf) = vpow2.f32 v27;
	v8 =	vadd.f32 v2, v1;
	v1 =	vpop (erf)  }
0x201: {  	v11 =	vld [tilespmem:s28+$0x90];
	v9 =	vmul.f32 $1.442695020e+00, v10;
	(erf) = vpow2.f32 v12;
	v12 =	vadd.f32 v1, v18;
	v1 =	vpop (erf)  }
0x202: {  	v39 =	vld [tilespmem:s28+$0x60];
	v63 =	vmul.f32 $1.442695020e+00, v26;
	v18 =	vadd.f32 v1, v7  }
0x203: {  	v10 =	vld [tilespmem:s28+$0x10];
	v57 =	vadd.f32 v14, v31;
	(erf) = vpow2.f32 v9;
	v9 =	vadd.f32 v5, v3;
	v3 =	vpop (erf)  }
0x204: {  	v31 =	vld [tilespmem:s28+$0x0];
	v27 =	vmul.f32 $1.442695020e+00, v30;
	v4 =	vmul.f32 $1.442695020e+00, v4;
	v3 =	vadd.f32 v3, v18  }
0x205: {  	v2 =	vmul.f32 $1.442695020e+00, v24;
	v6 =	vmul.f32 $1.442695020e+00, v6;
	v5 =	vld [tilespmem:s28+$0x150];
	v14 =	vpop (erf)  }
0x206: {  	v30 =	vld [tilespmem:s28+$0x1E0];
	v1 =	vmul.f32 $1.442695020e+00, v11;
	(erf) = vpow2.f32 v4;
	v24 =	vpop (erf);
	v7 =	vadd.f32 v14, v7  }
0x207: {  	v59 =	vld [tilespmem:s28+$0x160];
	v4 =	vmul.f32 $1.442695020e+00, v39;
	(erf) = vpow2.f32 v6;
	v11 =	vpop (erf)  }
0x208: {  	v61 =	vld [tilespmem:s28+$0x50];
	v14 =	vadd.f32 v11, v3;
	v11 =	vmul.f32 $1.442695020e+00, v17;
	v17 =	vadd.f32 v24, v7;
	v3 =	vpop (erf)  }
0x209: {  	v13 =	vld [tilespmem:s28+$0x30];
	v18 =	vmul.f32 $1.442695020e+00, v15;
	v15 =	vmul.f32 $1.442695020e+00, v10;
	v41 =	vpop (erf)  }
0x20a: {  	v62 =	vmul.f32 $1.442695020e+00, v31;
	v7 =	vmul.f32 $1.442695020e+00, v5;
	v5 =	vld [tilespmem:s28+$0x1C0];
	v10 =	vpop (erf)  }
0x20b: {  	v6 =	vmul.f32 $1.442695020e+00, v30;
	(erf) = vpow2.f32 v15;
	v15 =	vld [tilespmem:s28+$0x120];
	v25 =	vadd.f32 v25, v17;
	v26 =	vpop (erf)  }
0x20c: {  	s29 =	simm.s32 $0x1000;
	(erf) = vpow2.f32 v27;
	v24 =	vadd.f32 v3, v12;
	v3 =	vld [tilespmem:s28+$0x170];
	v60 =	vadd.f32 v41, v14;
	v17 =	vpop (erf)  }
.LBB2_8:
0x20d: {  	p0 =	sne.s32 s29, $0x1F800;
	v12 =	vld [tilespmem:s28+$0xD0];
	v14 =	vmul.f32 $1.442695020e+00, v59;
	(erf) = vpow2.f32 v2;
	v2 =	vpop (erf);
	v59 =	vadd.f32 v26, v25;
	s30 =	smov.u32 s29;
	s29 =	sadd.s32 $0x800, s29  }
0x20e: {  	v25 =	vmul.f32 $1.442695020e+00, v61;
	v26 =	vld [tilespmem:s28+$0x1A0];
	(erf) = vpow2.f32 v4  }
0x20f: {  	v4 =	vmul.f32 $1.442695020e+00, v13;
	v13 =	vld [tilespmem:s28+$0x80];
	(erf) = vpow2.f32 v7  }
0x210: {  	v5 =	vmul.f32 $1.442695020e+00, v5;
	v7 =	vld [tilespmem:s28+$0x1F0];
	(erf) = vpow2.f32 v1;
	v1 =	vpop (erf)  }
0x211: {  	v3 =	vmul.f32 $1.442695020e+00, v3;
	v27 =	vld [tilespmem:s28+$0x1B0];
	(erf) = vpow2.f32 v6  }
0x212: {  	v30 =	vmul.f32 $1.442695020e+00, v58;
	v6 =	vld [tilespmem:s28+$0x100];
	(erf) = vpow2.f32 v14  }
0x213: {  	v14 =	vmul.f32 $1.442695020e+00, v15;
	v31 =	vld [tilespmem:s28+$0x190];
	(erf) = vpow2.f32 v4;
	v4 =	vpop (erf)  }
0x214: {  	v12 =	vmul.f32 $1.442695020e+00, v12;
	v32 =	vld [tilespmem:s28+$0x180];
	v15 =	vpop (erf);
	(erf) = vpow2.f32 v5  }
0x215: {  	v5 =	vmul.f32 $1.442695020e+00, v26;
	v26 =	vld [tilespmem:s28+$0x1D0];
	v34 =	vpop (erf);
	(erf) = vpow2.f32 v18  }
0x216: {  	v7 =	vmul.f32 $1.442695020e+00, v7;
	v0 =	vadd.f32 v34, v0;
	v18 =	vpop (erf);
	(erf) = vpow2.f32 v30  }
0x217: {  	v24 =	vadd.f32 v15, v24;
	v27 =	vmul.f32 $1.442695020e+00, v27;
	v30 =	vpop (erf);
	(erf) = vpow2.f32 v3  }
0x218: {  	v3 =	vadd.f32 v18, v9;
	v0 =	vadd.f32 v2, v0;
	(erf) = vpow2.f32 v11;
	v15 =	vpop (erf)  }
0x219: {  	s28 =	sshra.s32 s30, $0x2;
	v2 =	vadd.f32 v30, v56;
	v9 =	vpop (erf);
	(erf) = vpow2.f32 v14  }
0x21a: {  	v4 =	vadd.f32 v4, v8;
	v8 =	vmul.f32 $1.442695020e+00, v13;
	v11 =	vld [tilespmem:s28+$0x140];
	(erf) = vpow2.f32 v27;
	v13 =	vpop (erf)  }
0x21b: {  	v6 =	vmul.f32 $1.442695020e+00, v6;
	v2 =	vadd.f32 v17, v2;
	v14 =	vld [tilespmem:s28+$0x110];
	v17 =	vpop (erf);
	(erf) = vpow2.f32 v5  }
0x21c: {  	v4 =	vadd.f32 v10, v4;
	v10 =	vmul.f32 $1.442695020e+00, v31;
	v5 =	vld [tilespmem:s28+$0xA0];
	v18 =	vpop (erf);
	(erf) = vpow2.f32 v7  }
0x21d: {  	v34 =	vadd.f32 v17, v2;
	v17 =	vmul.f32 $1.442695020e+00, v32;
	v7 =	vld [tilespmem:s28+$0x90];
	(erf) = vpow2.f32 v63;
	v27 =	vpop (erf)  }
0x21e: {  	v9 =	vadd.f32 v9, v24;
	v24 =	vmul.f32 $1.442695020e+00, v26;
	v30 =	vld [tilespmem:s28+$0xF0];
	(erf) = vpow2.f32 v62;
	v26 =	vpop (erf)  }
0x21f: {  	v56 =	vadd.f32 v13, v34;
	v31 =	vld [tilespmem:s28+$0xE0];
	v0 =	vadd.f32 v26, v0;
	(erf) = vpow2.f32 v8;
	v2 =	vpop (erf)  }
0x220: {  	v8 =	vadd.f32 v18, v57;
	v58 =	vld [tilespmem:s28+$0x130];
	(erf) = vpow2.f32 v25;
	v13 =	vpop (erf)  }
0x221: {  	v18 =	vld [tilespmem:s28+$0xC0];
	v4 =	vadd.f32 v13, v4;
	v0 =	vadd.f32 v27, v0;
	v13 =	vpop (erf);
	(erf) = vpow2.f32 v12  }
0x222: {  	v1 =	vadd.f32 v1, v8;
	v12 =	vld [tilespmem:s28+$0xB0];
	v3 =	vadd.f32 v13, v3;
	(erf) = vpow2.f32 v6;
	v6 =	vpop (erf)  }
0x223: {  	v25 =	vld [tilespmem:s28+$0x20];
	v8 =	vmul.f32 $1.442695020e+00, v30;
	(erf) = vpow2.f32 v10;
	v10 =	vpop (erf)  }
0x224: {  	v26 =	vld [tilespmem:s28+$0x70];
	v27 =	vmul.f32 $1.442695020e+00, v31;
	v3 =	vadd.f32 v6, v3;
	(erf) = vpow2.f32 v17;
	v6 =	vpop (erf)  }
0x225: {  	v1 =	vadd.f32 v2, v1;
	v17 =	vld [tilespmem:s28+$0x40];
	(erf) = vpow2.f32 v8;
	v2 =	vpop (erf)  }
0x226: {  	v30 =	vld [tilespmem:s28+$0x60];
	v18 =	vmul.f32 $1.442695020e+00, v18;
	v8 =	vadd.f32 v2, v4;
	v2 =	vpop (erf);
	(erf) = vpow2.f32 v24  }
0x227: {  	v13 =	vld [tilespmem:s28+$0x30];
	v4 =	vmul.f32 $1.442695020e+00, v12;
	(erf) = vpow2.f32 v27;
	v12 =	vadd.f32 v2, v9;
	v2 =	vpop (erf)  }
0x228: {  	v9 =	vadd.f32 v6, v3;
	v24 =	vld [tilespmem:s28+$0x10];
	(erf) = vpow2.f32 v18;
	v18 =	vadd.f32 v2, v60;
	v3 =	vpop (erf)  }
0x229: {  	v57 =	vadd.f32 v10, v1;
	v2 =	vmul.f32 $1.442695020e+00, v25;
	v6 =	vmul.f32 $1.442695020e+00, v26;
	v25 =	vld [tilespmem:s28+$0x150];
	v10 =	vpop (erf)  }
0x22a: {  	v1 =	vmul.f32 $1.442695020e+00, v7;
	v17 =	vmul.f32 $1.442695020e+00, v17;
	v26 =	vld [tilespmem:s28+$0x1E0];
	v31 =	vadd.f32 v3, v18;
	v7 =	vpop (erf)  }
0x22b: {  	v63 =	vmul.f32 $1.442695020e+00, v14;
	v34 =	vadd.f32 v10, v59;
	v27 =	vld [tilespmem:s28+$0x0];
	(erf) = vpow2.f32 v4;
	v14 =	vpop (erf)  }
.Ltmp3:
0x22c: {  	v18 =	vmul.f32 $1.442695020e+00, v11;
	v4 =	vmul.f32 $1.442695020e+00, v30;
	v59 =	vld [tilespmem:s28+$0x160];
	v14 =	vadd.f32 v14, v31;
	v3 =	vpop (erf);
	(pc) =	sbr.rel @p0 .LBB2_8-.Ltmp3, $4  }
0x22d: {  	v11 =	vmul.f32 $1.442695020e+00, v5;
	v31 =	vadd.f32 v7, v34;
	v30 =	vmul.f32 $1.442695020e+00, v24;
	v61 =	vld [tilespmem:s28+$0x50];
	v32 =	vpop (erf)  }
0x22e: {  	v24 =	vadd.f32 v3, v12;
	v7 =	vmul.f32 $1.442695020e+00, v25;
	v5 =	vld [tilespmem:s28+$0x1C0];
	(erf) = vpow2.f32 v6;
	v10 =	vpop (erf)  }
0x22f: {  	v25 =	vadd.f32 v15, v31;
	v3 =	vld [tilespmem:s28+$0x170];
	v6 =	vmul.f32 $1.442695020e+00, v26;
	(erf) = vpow2.f32 v30;
	v26 =	vpop (erf)  }
0x230: {  	v60 =	vadd.f32 v32, v14;
	v62 =	vmul.f32 $1.442695020e+00, v27;
	v15 =	vld [tilespmem:s28+$0x120];
	(erf) = vpow2.f32 v17;
	v17 =	vpop (erf)  }
0x231: {  	(erf) = vpow2.f32 v2;
	v30 =	vand.u32 $0x7FFFFF, v23;
	v32 =	vand.u32 $0x7FFFFF, v22  }
0x232: {  	v31 =	vmul.f32 $1.442695020e+00, v59;
	(erf) = vpow2.f32 v4;
	v4 =	vor.u32 $0x3F800000, v32  }
0x233: {  	v34 =	vmul.f32 $1.442695020e+00, v13;
	(erf) = vpow2.f32 v7;
	v4 =	vadd.f32 $-1.000000000e+00, v4  }
0x234: {  	v5 =	vmul.f32 $1.442695020e+00, v5;
	(erf) = vpow2.f32 v1;
	v1 =	vor.u32 $0x3F800000, v30  }
0x235: {  	v30 =	vmul.f32 $1.442695020e+00, v58;
	(erf) = vpow2.f32 v6;
	v1 =	vadd.f32 $-1.000000000e+00, v1;
	v6 =	vpop (erf)  }
0x236: {  	v14 =	vmul.f32 $1.477889340e-02, v4;
	(erf) = vpow2.f32 v31;
	v7 =	vpop (erf)  }
0x237: {  	v59 =	vadd.f32 v26, v25;
	v12 =	vpop (erf);
	v39 =	vmul.f32 $1.477889340e-02, v1;
	(erf) = vpow2.f32 v34  }
0x238: {  	v3 =	vmul.f32 $1.442695020e+00, v3;
	v27 =	vadd.f32 $-7.684961710e-02, v14;
	v41 =	vpop (erf);
	(erf) = vpow2.f32 v5  }
0x239: {  	v25 =	vadd.f32 $-7.684961710e-02, v39;
	v26 =	vpop (erf);
	(erf) = vpow2.f32 v18;
	v2 =	vadd.f32 v41, v24  }
0x23a: {  	v13 =	vmul.f32 v27, v4;
	v39 =	vadd.f32 v12, v8;
	v18 =	vand.u32 $0x7FFFFF, v21  }
0x23b: {  	v0 =	vadd.f32 v26, v0;
	v31 =	vpop (erf);
	(erf) = vpow2.f32 v30;
	v26 =	vmul.f32 $1.442695020e+00, v15  }
0x23c: {  	v15 =	vshrl.u32 v23, $0x17;
	v5 =	vmul.f32 v25, v1;
	v9 =	vadd.f32 v31, v9  }
0x23d: {  	v32 =	vpop (erf);
	(erf) = vpow2.f32 v3;
	v41 =	vadd.f32 $1.904225200e-01, v13;
	v3 =	vadd.f32 v10, v39  }
0x23e: {  	v23 =	vshrl.u32 v22, $0x17;
	v31 =	vld [tilespmem:s28+$0x1A0];
	v34 =	vadd.f32 v32, v56;
	v58 =	vpop (erf);
	v6 =	vadd.f32 v6, v0  }
0x23f: {  	(erf) = vpow2.f32 v11;
	v5 =	vadd.f32 $1.904225200e-01, v5;
	v24 =	vpop (erf);
	v8 =	vmul.f32 v41, v4  }
0x240: {  	v56 =	vld [tilespmem:s28+$0x1B0];
	v25 =	vadd.f32 v17, v34;
	v0 =	vadd.f32 v24, v2;
	v24 =	vor.u32 $0x3F800000, v18  }
0x241: {  	v14 =	vpop (erf);
	v17 =	vand.u32 $0xFF, v15;
	v5 =	vmul.f32 v5, v1;
	v34 =	vadd.f32 $-3.231174950e-01, v8  }
0x242: {  	v27 =	vpop (erf);
	v10 =	vadd.f32 $-1.000000000e+00, v24;
	v8 =	vand.u32 $0xFF, v23;
	v24 =	vand.u32 $0x7FFFFF, v16  }
0x243: {  	v30 =	vadd.f32 v27, v25;
	v32 =	vpop (erf);
	(erf) = vpow2.f32 v26;
	v26 =	vmul.f32 $1.442695020e+00, v31  }
0x244: {  	v8 =	vadd.s32 $0xFFFFFF81, v8;
	v12 =	vor.u32 $0x3F800000, v24;
	v5 =	vadd.f32 $-3.231174950e-01, v5;
	v39 =	vpop (erf)  }
0x245: {  	v25 =	vld [tilespmem:s28+$0x1F0];
	v41 =	vmul.f32 $1.442695020e+00, v56;
	v2 =	vmul.f32 v34, v4;
	v27 =	vadd.f32 v32, v57;
	v56 =	vpop (erf)  }
0x246: {  	v31 =	vmul.f32 $1.477889340e-02, v10;
	v8 =	vcvt.s32.f32 v8;
	v6 =	vadd.f32 v56, v6  }
0x247: {  	v5 =	vmul.f32 v5, v1;
	v56 =	vadd.f32 v14, v30;
	v2 =	vadd.f32 $4.725002940e-01, v2;
	v13 =	vpop (erf)  }
0x248: {  	(erf) = vpow2.f32 v41;
	v32 =	vadd.f32 $-7.684961710e-02, v31;
	v7 =	vadd.f32 v7, v27;
	v30 =	vpop (erf)  }
0x249: {  	(erf) = vpow2.f32 v26;
	v5 =	vadd.f32 $4.725002940e-01, v5;
	v3 =	vadd.f32 v30, v3  }
0x24a: {  	v57 =	vadd.f32 v39, v6;
	v2 =	vmul.f32 v2, v4;
	v34 =	vmul.f32 $1.442695020e+00, v25  }
0x24b: {  	v39 =	vand.u32 $0x7FFFFF, v20;
	v6 =	vmul.f32 v32, v10;
	v41 =	vpop (erf);
	v22 =	vadd.f32 v13, v7  }
0x24c: {  	v13 =	vshrl.u32 v16, $0x17;
	v9 =	vadd.f32 v41, v9;
	v5 =	vmul.f32 v5, v1  }
0x24d: {  	v11 =	vor.u32 $0x3F800000, v39;
	v2 =	vadd.f32 $-7.203868030e-01, v2;
	v6 =	vadd.f32 $1.904225200e-01, v6  }
0x24e: {  	v11 =	vadd.f32 $-1.000000000e+00, v11;
	(erf) = vpow2.f32 v34;
	v5 =	vadd.f32 $-7.203868030e-01, v5  }
0x24f: {  	v39 =	vshrl.u32 v21, $0x17;
	v2 =	vmul.f32 v2, v4;
	v6 =	vmul.f32 v6, v10;
	v26 =	vpop (erf)  }
0x250: {  	v14 =	vmul.f32 $1.477889340e-02, v11;
	v23 =	vadd.f32 v26, v9;
	v5 =	vmul.f32 v5, v1  }
0x251: {  	v34 =	vand.u32 $0x7FFFFF, v19;
	v2 =	vadd.f32 $1.442652110e+00, v2;
	v6 =	vadd.f32 $-3.231174950e-01, v6  }
0x252: {  	(erf) = vpow2.f32 v63;
	v18 =	vadd.f32 $-7.684961710e-02, v14;
	v5 =	vadd.f32 $1.442652110e+00, v5  }
0x253: {  	v9 =	vand.u32 $0xFF, v39;
	v2 =	vmul.f32 v2, v4;
	v6 =	vmul.f32 v6, v10  }
0x254: {  	v9 =	vadd.s32 $0xFFFFFF81, v9;
	v1 =	vmul.f32 v5, v1;
	v5 =	vmul.f32 v18, v11  }
0x255: {  	v26 =	vshrl.u32 v20, $0x17;
	v9 =	vcvt.s32.f32 v9;
	v6 =	vadd.f32 $4.725002940e-01, v6  }
0x256: {  	v4 =	vadd.s32 $0xFFFFFF81, v17;
	v2 =	vadd.f32 $3.191287870e-07, v2;
	v5 =	vadd.f32 $1.904225200e-01, v5  }
0x257: {  	v4 =	vcvt.s32.f32 v4;
	v18 =	vpop (erf);
	v1 =	vadd.f32 $3.191287870e-07, v1;
	v6 =	vmul.f32 v6, v10  }
0x258: {  	v21 =	vpop (erf);
	v2 =	vadd.f32 v8, v2;
	v25 =	vmul.f32 v5, v11;
	v5 =	vadd.f32 $-1.000000000e+00, v12  }
0x259: {  	v30 =	vld [tilespmem:$0x1FEF0];
	v8 =	vor.u32 $0x3F800000, v34;
	v63 =	vpop (erf);
	(erf) = vpow2.f32 v62;
	v6 =	vadd.f32 $-7.203868030e-01, v6  }
0x25a: {  	v32 =	vld [tilespmem:$0x1FF00];
	v1 =	vadd.f32 v4, v1;
	v4 =	vadd.f32 $-3.231174950e-01, v25;
	v27 =	vmul.f32 $1.477889340e-02, v5  }
0x25b: {  	v8 =	vadd.f32 $-1.000000000e+00, v8;
	v17 =	vadd.f32 v63, v3;
	v6 =	vmul.f32 v6, v10  }
0x25c: {  	v12 =	vld [tilespmem:$0x1FF70];
	v1 =	vmul.f32 $6.931471820e-01, v1;
	v4 =	vmul.f32 v4, v11;
	v31 =	vadd.f32 $-7.684961710e-02, v27  }
0x25d: {  	v2 =	vmul.f32 $6.931471820e-01, v2;
	v41 =	vmul.f32 $1.477889340e-02, v8;
	v6 =	vadd.f32 $1.442652110e+00, v6  }
0x25e: {  	v1 =	vsub.f32 v1, v30;
	v4 =	vadd.f32 $4.725002940e-01, v4;
	v7 =	vmul.f32 v31, v5  }
0x25f: {  	v2 =	vsub.f32 v2, v32;
	v6 =	vmul.f32 v6, v10;
	v10 =	vadd.f32 $-7.684961710e-02, v41  }
0x260: {  	v1 =	vadd.f32 $0.0e+00, v1;
	v4 =	vmul.f32 v4, v11;
	v7 =	vadd.f32 $1.904225200e-01, v7  }
0x261: {  	v27 =	vand.u32 $0x7FFFFF, v12;
	v6 =	vadd.f32 $3.191287870e-07, v6;
	v15 =	vmul.f32 v10, v8  }
0x262: {  	v1 =	vadd.f32 v2, v1;
	v4 =	vadd.f32 $-7.203868030e-01, v4;
	v7 =	vmul.f32 v7, v5  }
0x263: {  	v62 =	vshrl.u32 v12, $0x17;
	v14 =	vadd.f32 v9, v6;
	v6 =	vadd.f32 $1.904225200e-01, v15  }
0x264: {  	v30 =	vld [tilespmem:$0x1FF10];
	v31 =	vpop (erf);
	v9 =	vor.u32 $0x3F800000, v27;
	v4 =	vmul.f32 v4, v11;
	v7 =	vadd.f32 $-3.231174950e-01, v7  }
0x265: {  	v15 =	vadd.f32 v31, v0;
	v27 =	vand.u32 $0x7FFFFF, v40;
	v9 =	vadd.f32 $-1.000000000e+00, v9  }
0x266: {  	v6 =	vmul.f32 v6, v8;
	v24 =	vadd.f32 $1.442652110e+00, v4;
	v25 =	vmul.f32 v7, v5  }
0x267: {  	v3 =	vmul.f32 $6.931471820e-01, v14;
	v32 =	vmul.f32 $1.477889340e-02, v9;
	v7 =	vand.u32 $0xFF, v26  }
0x268: {  	v6 =	vadd.f32 $-3.231174950e-01, v6;
	v2 =	vmul.f32 v24, v11;
	v4 =	vadd.f32 $4.725002940e-01, v25;
	v11 =	vld [tilespmem:$0x1FF80]  }
0x269: {  	v3 =	vsub.f32 v3, v30;
	v26 =	vshrl.u32 v19, $0x17;
	v19 =	vand.u32 $0x7FFFFF, v37  }
0x26a: {  	v7 =	vadd.s32 $0xFFFFFF81, v7;
	v63 =	vadd.f32 $-7.684961710e-02, v32;
	v4 =	vmul.f32 v4, v5  }
0x26b: {  	v7 =	vcvt.s32.f32 v7;
	v39 =	vmul.f32 v6, v8;
	v2 =	vadd.f32 $3.191287870e-07, v2  }
0x26c: {  	v32 =	vand.u32 $0x7FFFFF, v38;
	v1 =	vadd.f32 v3, v1;
	v4 =	vadd.f32 $-7.203868030e-01, v4  }
0x26d: {  	v34 =	vadd.f32 v7, v2;
	v2 =	vadd.f32 $4.725002940e-01, v39;
	v10 =	vand.u32 $0x7FFFFF, v11  }
0x26e: {  	v20 =	vld [tilespmem:$0x1FF20];
	v41 =	vmul.f32 v4, v5;
	v4 =	vmul.f32 v63, v9;
	v6 =	vor.u32 $0x3F800000, v10  }
0x26f: {  	v7 =	vand.u32 $0xFF, v13;
	v2 =	vmul.f32 v2, v8;
	v6 =	vadd.f32 $-1.000000000e+00, v6  }
0x270: {  	v14 =	vadd.s32 $0xFFFFFF81, v7;
	v3 =	vadd.f32 $1.442652110e+00, v41;
	v4 =	vadd.f32 $1.904225200e-01, v4  }
0x271: {  	v0 =	vmul.f32 $6.931471820e-01, v34;
	v2 =	vadd.f32 $-7.203868030e-01, v2;
	v16 =	vmul.f32 $1.477889340e-02, v6  }
0x272: {  	v63 =	vand.u32 $0xFF, v62;
	v3 =	vmul.f32 v3, v5;
	v4 =	vmul.f32 v4, v9  }
0x273: {  	v0 =	vsub.f32 v0, v20;
	v2 =	vmul.f32 v2, v8;
	v7 =	vadd.f32 $-7.684961710e-02, v16  }
0x274: {  	v5 =	vcvt.s32.f32 v14;
	v3 =	vadd.f32 $3.191287870e-07, v3;
	v4 =	vadd.f32 $-3.231174950e-01, v4  }
0x275: {  	v0 =	vadd.f32 v0, v1;
	v24 =	vadd.f32 $1.442652110e+00, v2;
	v25 =	vmul.f32 v7, v6  }
0x276: {  	v30 =	vld [tilespmem:$0x1FF30];
	v7 =	vor.u32 $0x3F800000, v27;
	v3 =	vadd.f32 v5, v3;
	v4 =	vmul.f32 v4, v9  }
0x277: {  	v1 =	vmul.f32 v24, v8;
	v5 =	vand.u32 $0xFF, v26;
	v7 =	vadd.f32 $-1.000000000e+00, v7  }
0x278: {  	v2 =	vadd.f32 $1.904225200e-01, v25;
	v5 =	vadd.s32 $0xFFFFFF81, v5;
	v3 =	vmul.f32 $6.931471820e-01, v3  }
0x279: {  	v4 =	vadd.f32 $4.725002940e-01, v4;
	v1 =	vadd.f32 $3.191287870e-07, v1;
	v5 =	vcvt.s32.f32 v5  }
0x27a: {  	v39 =	vld [tilespmem:$0x1FF40];
	v24 =	vshrl.u32 v11, $0x17;
	v31 =	vmul.f32 $1.477889340e-02, v7;
	v2 =	vmul.f32 v2, v6  }
0x27b: {  	v4 =	vmul.f32 v4, v9;
	v3 =	vsub.f32 v3, v30;
	v1 =	vadd.f32 v5, v1  }
0x27c: {  	v8 =	vadd.f32 $-7.684961710e-02, v31;
	v5 =	vor.u32 $0x3F800000, v32;
	v2 =	vadd.f32 $-3.231174950e-01, v2  }
0x27d: {  	v5 =	vadd.f32 $-1.000000000e+00, v5;
	v4 =	vadd.f32 $-7.203868030e-01, v4;
	v1 =	vmul.f32 $6.931471820e-01, v1  }
0x27e: {  	v0 =	vadd.f32 v3, v0;
	v34 =	vmul.f32 v8, v7;
	v2 =	vmul.f32 v2, v6  }
0x27f: {  	v41 =	vmul.f32 $1.477889340e-02, v5;
	v4 =	vmul.f32 v4, v9;
	v1 =	vsub.f32 v1, v39  }
0x280: {  	v10 =	vand.u32 $0xFF, v24;
	v3 =	vadd.f32 $1.904225200e-01, v34;
	v2 =	vadd.f32 $4.725002940e-01, v2  }
0x281: {  	v25 =	vadd.s32 $0xFFFFFF81, v10;
	v8 =	vadd.f32 $-7.684961710e-02, v41;
	v4 =	vadd.f32 $1.442652110e+00, v4  }
0x282: {  	v39 =	vand.u32 $0x7FFFFF, v36;
	v3 =	vmul.f32 v3, v7;
	v2 =	vmul.f32 v2, v6  }
0x283: {  	v62 =	vld [tilespmem:s28+$0xD0];
	v41 =	vshrl.u32 v40, $0x17;
	v8 =	vmul.f32 v8, v5;
	v4 =	vmul.f32 v4, v9  }
0x284: {  	v20 =	vld [tilespmem:s28+$0x80];
	v9 =	vadd.s32 $0xFFFFFF81, v63;
	v13 =	vadd.f32 $-3.231174950e-01, v3;
	v2 =	vadd.f32 $-7.203868030e-01, v2  }
0x285: {  	v9 =	vcvt.s32.f32 v9;
	v16 =	vadd.f32 $1.904225200e-01, v8;
	v8 =	vor.u32 $0x3F800000, v19  }
0x286: {  	v4 =	vadd.f32 $3.191287870e-07, v4;
	v8 =	vadd.f32 $-1.000000000e+00, v8;
	v12 =	vmul.f32 v2, v6  }
0x287: {  	v1 =	vadd.f32 v1, v0;
	v2 =	vmul.f32 v13, v7;
	v13 =	vmul.f32 $1.442695020e+00, v61  }
0x288: {  	v14 =	vadd.f32 v9, v4;
	v4 =	vmul.f32 v16, v5;
	v26 =	vmul.f32 $1.477889340e-02, v8  }
0x289: {  	v61 =	vand.u32 $0x7FFFFF, v29;
	v9 =	vmul.f32 $1.442695020e+00, v20;
	v16 =	vmul.f32 $1.442695020e+00, v62  }
0x28a: {  	v27 =	vld [tilespmem:$0x1FF50];
	v20 =	vand.u32 $0x7FFFFF, v33;
	v62 =	vshrl.u32 v36, $0x17;
	v0 =	vadd.f32 $1.442652110e+00, v12  }
0x28b: {  	v2 =	vadd.f32 $4.725002940e-01, v2;
	v24 =	vor.u32 $0x3F800000, v20;
	v4 =	vadd.f32 $-3.231174950e-01, v4  }
0x28c: {  	v3 =	vmul.f32 $6.931471820e-01, v14;
	v10 =	vadd.f32 $-7.684961710e-02, v26;
	(erf) = vpow2.f32 v9  }
0x28d: {  	v14 =	vshrl.u32 v38, $0x17;
	v26 =	vshrl.u32 v37, $0x17;
	v0 =	vmul.f32 v0, v6  }
0x28e: {  	v6 =	vcvt.s32.f32 v25;
	v2 =	vmul.f32 v2, v7;
	v9 =	vand.u32 $0xFF, v14  }
0x28f: {  	v4 =	vmul.f32 v4, v5;
	v3 =	vsub.f32 v3, v27;
	v10 =	vmul.f32 v10, v8  }
0x290: {  	(erf) = vpow2.f32 v13;
	v0 =	vadd.f32 $3.191287870e-07, v0;
	v2 =	vadd.f32 $-7.203868030e-01, v2  }
0x291: {  	v14 =	vand.u32 $0x7FFFFF, v53;
	v4 =	vadd.f32 $4.725002940e-01, v4;
	v32 =	vadd.f32 $1.904225200e-01, v10  }
0x292: {  	v9 =	vadd.s32 $0xFFFFFF81, v9;
	(erf) = vpow2.f32 v16;
	v2 =	vmul.f32 v2, v7  }
0x293: {  	v34 =	vld [tilespmem:$0x1FF60];
	v6 =	vadd.f32 v6, v0;
	v31 =	vmul.f32 v4, v5;
	v4 =	vmul.f32 v32, v8  }
0x294: {  	v16 =	vand.u32 $0xFF, v62;
	v1 =	vadd.f32 v3, v1;
	v2 =	vadd.f32 $1.442652110e+00, v2  }
0x295: {  	v10 =	vor.u32 $0x3F800000, v39;
	v6 =	vmul.f32 $6.931471820e-01, v6;
	v4 =	vadd.f32 $-3.231174950e-01, v4  }
0x296: {  	v30 =	vpop (erf);
	v3 =	vadd.f32 $-7.203868030e-01, v31;
	v2 =	vmul.f32 v2, v7;
	v7 =	vadd.f32 $-1.000000000e+00, v10  }
0x297: {  	v0 =	vadd.f32 v30, v60;
	v60 =	vand.u32 $0xFF, v41;
	v4 =	vmul.f32 v4, v8  }
0x298: {  	v31 =	vld [tilespmem:s28+$0x100];
	v6 =	vsub.f32 v6, v34;
	v3 =	vmul.f32 v3, v5;
	v63 =	vmul.f32 $1.477889340e-02, v7  }
0x299: {  	v10 =	vadd.s32 $0xFFFFFF81, v60;
	v2 =	vadd.f32 $3.191287870e-07, v2;
	v4 =	vadd.f32 $4.725002940e-01, v4  }
0x29a: {  	v10 =	vcvt.s32.f32 v10;
	v3 =	vadd.f32 $1.442652110e+00, v3;
	v12 =	vadd.f32 $-7.684961710e-02, v63  }
0x29b: {  	v19 =	vld [tilespmem:$0x1FE70];
	v9 =	vcvt.s32.f32 v9;
	v1 =	vadd.f32 v6, v1;
	v4 =	vmul.f32 v4, v8  }
0x29c: {  	v2 =	vadd.f32 v10, v2;
	v3 =	vmul.f32 v3, v5;
	v6 =	vmul.f32 v12, v7  }
0x29d: {  	v30 =	vand.u32 $0x7FFFFF, v35;
	v39 =	vmul.f32 $1.442695020e+00, v31;
	v4 =	vadd.f32 $-7.203868030e-01, v4  }
0x29e: {  	v2 =	vmul.f32 $6.931471820e-01, v2;
	v3 =	vadd.f32 $3.191287870e-07, v3;
	v6 =	vadd.f32 $1.904225200e-01, v6  }
0x29f: {  	v37 =	vld [tilespmem:$0x1FE80];
	v31 =	vshrl.u32 v33, $0x17;
	(erf) = vpow2.f32 v39;
	v4 =	vmul.f32 v4, v8  }
0x2a0: {  	v2 =	vsub.f32 v2, v19;
	v3 =	vadd.f32 v9, v3;
	v6 =	vmul.f32 v6, v7  }
0x2a1: {  	v19 =	vadd.s32 $0xFFFFFF81, v16;
	v9 =	vand.u32 $0xFF, v26;
	v4 =	vadd.f32 $1.442652110e+00, v4  }
0x2a2: {  	v9 =	vadd.s32 $0xFFFFFF81, v9;
	v3 =	vmul.f32 $6.931471820e-01, v3;
	v25 =	vadd.f32 $-3.231174950e-01, v6  }
0x2a3: {  	v1 =	vadd.f32 v2, v1;
	v6 =	vadd.f32 $-1.000000000e+00, v24;
	v4 =	vmul.f32 v4, v8  }
0x2a4: {  	v8 =	vor.u32 $0x3F800000, v30;
	v3 =	vsub.f32 v3, v37;
	v5 =	vmul.f32 v25, v7  }
0x2a5: {  	v27 =	vmul.f32 $1.477889340e-02, v6;
	v13 =	vadd.f32 $-1.000000000e+00, v8;
	v4 =	vadd.f32 $3.191287870e-07, v4  }
0x2a6: {  	v41 =	vld [tilespmem:$0x1FE90];
	v9 =	vcvt.s32.f32 v9;
	v1 =	vadd.f32 v3, v1;
	v5 =	vadd.f32 $4.725002940e-01, v5  }
0x2a7: {  	v11 =	vadd.f32 $-7.684961710e-02, v27;
	v38 =	vmul.f32 $1.477889340e-02, v13;
	v27 =	vand.u32 $0x7FFFFF, v28  }
0x2a8: {  	v4 =	vadd.f32 v9, v4;
	v9 =	vand.u32 $0xFF, v31;
	v32 =	vmul.f32 v5, v7  }
0x2a9: {  	v34 =	vmul.f32 v11, v6;
	v8 =	vadd.f32 $-7.684961710e-02, v38;
	v9 =	vadd.s32 $0xFFFFFF81, v9  }
0x2aa: {  	v38 =	vshrl.u32 v35, $0x17;
	v4 =	vmul.f32 $6.931471820e-01, v4;
	v9 =	vcvt.s32.f32 v9  }
0x2ab: {  	v2 =	vadd.f32 $-7.203868030e-01, v32;
	v5 =	vadd.f32 $1.904225200e-01, v34;
	v60 =	vmul.f32 v8, v13  }
0x2ac: {  	v8 =	vor.u32 $0x3F800000, v61;
	v34 =	vand.u32 $0x7FFFFF, v55;
	v4 =	vsub.f32 v4, v41  }
0x2ad: {  	v63 =	vadd.f32 $-1.000000000e+00, v8;
	v8 =	vadd.f32 v21, v23;
	v40 =	vmul.f32 v5, v6  }
0x2ae: {  	v10 =	vor.u32 $0x3F800000, v34;
	v2 =	vmul.f32 v2, v7;
	v5 =	vadd.f32 $1.904225200e-01, v60  }
0x2af: {  	v41 =	vand.u32 $0x7FFFFF, v54;
	v20 =	vmul.f32 $1.477889340e-02, v63;
	v3 =	vadd.f32 $-3.231174950e-01, v40  }
0x2b0: {  	v10 =	vadd.f32 $-1.000000000e+00, v10;
	v2 =	vadd.f32 $1.442652110e+00, v2;
	v5 =	vmul.f32 v5, v13  }
0x2b1: {  	v11 =	vor.u32 $0x3F800000, v41;
	v24 =	vadd.f32 $-7.684961710e-02, v20;
	v3 =	vmul.f32 v3, v6  }
0x2b2: {  	v1 =	vadd.f32 v4, v1;
	v2 =	vmul.f32 v2, v7;
	v5 =	vadd.f32 $-3.231174950e-01, v5  }
0x2b3: {  	v11 =	vadd.f32 $-1.000000000e+00, v11;
	v26 =	vmul.f32 v24, v63;
	v3 =	vadd.f32 $4.725002940e-01, v3  }
0x2b4: {  	v7 =	vcvt.s32.f32 v19;
	v2 =	vadd.f32 $3.191287870e-07, v2;
	v25 =	vmul.f32 v5, v13  }
0x2b5: {  	v37 =	vmul.f32 $1.477889340e-02, v10;
	v5 =	vadd.f32 $1.904225200e-01, v26;
	v3 =	vmul.f32 v3, v6  }
0x2b6: {  	v30 =	vld [tilespmem:$0x1FEA0];
	v40 =	vshrl.u32 v29, $0x17;
	v2 =	vadd.f32 v7, v2;
	v4 =	vadd.f32 $4.725002940e-01, v25  }
0x2b7: {  	v7 =	vor.u32 $0x3F800000, v27;
	v5 =	vmul.f32 v5, v63;
	v3 =	vadd.f32 $-7.203868030e-01, v3  }
0x2b8: {  	v61 =	vmul.f32 $1.477889340e-02, v11;
	v25 =	vld [tilespmem:s28+$0x180];
	v7 =	vadd.f32 $-1.000000000e+00, v7;
	v4 =	vmul.f32 v4, v13  }
0x2b9: {  	v2 =	vmul.f32 $6.931471820e-01, v2;
	v5 =	vadd.f32 $-3.231174950e-01, v5;
	v3 =	vmul.f32 v3, v6  }
0x2ba: {  	v20 =	vshrl.u32 v55, $0x17;
	v32 =	vmul.f32 $1.477889340e-02, v7;
	v4 =	vadd.f32 $-7.203868030e-01, v4  }
0x2bb: {  	v2 =	vsub.f32 v2, v30;
	v5 =	vmul.f32 v5, v63;
	v3 =	vadd.f32 $1.442652110e+00, v3  }
0x2bc: {  	v30 =	vand.u32 $0x7FFFFF, v49;
	v33 =	vadd.f32 $-7.684961710e-02, v32;
	v4 =	vmul.f32 v4, v13  }
0x2bd: {  	v31 =	vmul.f32 $1.442695020e+00, v25;
	v5 =	vadd.f32 $4.725002940e-01, v5;
	v3 =	vmul.f32 v3, v6  }
0x2be: {  	v32 =	vshrl.u32 v54, $0x17;
	v6 =	vmul.f32 v33, v7;
	v4 =	vadd.f32 $1.442652110e+00, v4  }
0x2bf: {  	v1 =	vadd.f32 v2, v1;
	v5 =	vmul.f32 v5, v63;
	v3 =	vadd.f32 $3.191287870e-07, v3  }
0x2c0: {  	v36 =	vadd.f32 $1.904225200e-01, v6;
	v4 =	vmul.f32 v4, v13;
	v6 =	vadd.f32 $-7.684961710e-02, v37  }
0x2c1: {  	v39 =	vld [tilespmem:$0x1FEB0];
	v13 =	vshrl.u32 v28, $0x17;
	v5 =	vadd.f32 $-7.203868030e-01, v5;
	v3 =	vadd.f32 v9, v3  }
0x2c2: {  	v2 =	vmul.f32 v36, v7;
	v9 =	vand.u32 $0xFF, v38;
	v6 =	vmul.f32 v6, v10  }
0x2c3: {  	v4 =	vadd.f32 $3.191287870e-07, v4;
	v9 =	vadd.s32 $0xFFFFFF81, v9;
	v5 =	vmul.f32 v5, v63  }
0x2c4: {  	v3 =	vmul.f32 $6.931471820e-01, v3;
	v2 =	vadd.f32 $-3.231174950e-01, v2;
	v9 =	vcvt.s32.f32 v9  }
0x2c5: {  	v38 =	vand.u32 $0x7FFFFF, v51;
	v6 =	vadd.f32 $1.904225200e-01, v6;
	v5 =	vadd.f32 $1.442652110e+00, v5  }
0x2c6: {  	v62 =	vld [tilespmem:$0x1FEC0];
	v3 =	vsub.f32 v3, v39;
	v2 =	vmul.f32 v2, v7;
	v4 =	vadd.f32 v9, v4  }
0x2c7: {  	v9 =	vand.u32 $0xFF, v40;
	v6 =	vmul.f32 v6, v10;
	v5 =	vmul.f32 v5, v63  }
0x2c8: {  	v39 =	vshrl.u32 v53, $0x17;
	v9 =	vadd.s32 $0xFFFFFF81, v9;
	v2 =	vadd.f32 $4.725002940e-01, v2  }
0x2c9: {  	v9 =	vcvt.s32.f32 v9;
	v4 =	vmul.f32 $6.931471820e-01, v4;
	v5 =	vadd.f32 $3.191287870e-07, v5  }
0x2ca: {  	v41 =	vand.u32 $0xFF, v39;
	v6 =	vadd.f32 $-3.231174950e-01, v6;
	v1 =	vadd.f32 v3, v1  }
0x2cb: {  	v12 =	vld [tilespmem:$0x1FED0];
	v2 =	vmul.f32 v2, v7;
	v4 =	vsub.f32 v4, v62;
	v60 =	vadd.f32 v9, v5  }
0x2cc: {  	v6 =	vmul.f32 v6, v10;
	v9 =	vadd.f32 v18, v22;
	v5 =	vadd.f32 $-7.684961710e-02, v61  }
0x2cd: {  	v22 =	vand.u32 $0x7FFFFF, v52;
	v61 =	vand.u32 $0x7FFFFF, v44;
	v2 =	vadd.f32 $-7.203868030e-01, v2  }
0x2ce: {  	v6 =	vadd.f32 $4.725002940e-01, v6;
	v1 =	vadd.f32 v4, v1;
	v3 =	vmul.f32 $6.931471820e-01, v60  }
0x2cf: {  	v5 =	vmul.f32 v5, v11;
	v60 =	vshrl.u32 v52, $0x17;
	v2 =	vmul.f32 v2, v7  }
0x2d0: {  	v63 =	vmul.f32 v6, v10;
	v6 =	vand.u32 $0xFF, v13;
	v3 =	vsub.f32 v3, v12  }
0x2d1: {  	v5 =	vadd.f32 $1.904225200e-01, v5;
	v6 =	vadd.s32 $0xFFFFFF81, v6;
	v12 =	vand.u32 $0xFF, v20  }
0x2d2: {  	v20 =	vshrl.u32 v49, $0x17;
	v49 =	vand.u32 $0x7FFFFF, v9;
	v9 =	vshrl.u32 v9, $0x17  }
0x2d3: {  	v2 =	vadd.f32 $1.442652110e+00, v2;
	v4 =	vadd.f32 $-7.203868030e-01, v63;
	v6 =	vcvt.s32.f32 v6  }
0x2d4: {  	v21 =	vadd.s32 $0xFFFFFF81, v12;
	v12 =	vor.u32 $0x3F800000, v22;
	v9 =	vand.u32 $0xFF, v9  }
0x2d5: {  	v5 =	vmul.f32 v5, v11;
	v2 =	vmul.f32 v2, v7;
	v7 =	vor.u32 $0x3F800000, v14  }
0x2d6: {  	v19 =	vld [tilespmem:s28+$0x190];
	v9 =	vadd.s32 $0xFFFFFF81, v9;
	v4 =	vmul.f32 v4, v10;
	v7 =	vadd.f32 $-1.000000000e+00, v7  }
0x2d7: {  	v12 =	vadd.f32 $-1.000000000e+00, v12;
	v9 =	vcvt.s32.f32 v9;
	v5 =	vadd.f32 $-3.231174950e-01, v5  }
0x2d8: {  	v2 =	vadd.f32 $3.191287870e-07, v2;
	v16 =	vadd.f32 $1.442652110e+00, v4;
	v18 =	vmul.f32 $1.477889340e-02, v7  }
0x2d9: {  	v1 =	vadd.f32 v3, v1;
	v27 =	vmul.f32 $1.477889340e-02, v12;
	v5 =	vmul.f32 v5, v11  }
0x2da: {  	v23 =	vld [tilespmem:$0x1FEE0];
	v2 =	vadd.f32 v6, v2;
	v3 =	vmul.f32 v16, v10;
	v4 =	vadd.f32 $-7.684961710e-02, v18  }
0x2db: {  	v10 =	vcvt.s32.f32 v21;
	v6 =	vmul.f32 $1.442695020e+00, v19;
	v5 =	vadd.f32 $4.725002940e-01, v5  }
0x2dc: {  	v24 =	vpop (erf);
	v2 =	vmul.f32 $6.931471820e-01, v2;
	v3 =	vadd.f32 $3.191287870e-07, v3;
	v4 =	vmul.f32 v4, v7  }
0x2dd: {  	v13 =	vadd.f32 v24, v0;
	(erf) = vpow2.f32 v6;
	v5 =	vmul.f32 v5, v11  }
0x2de: {  	(erf) = vpow2.f32 v31;
	v3 =	vadd.f32 v10, v3;
	v4 =	vadd.f32 $1.904225200e-01, v4  }
0x2df: {  	v2 =	vsub.f32 v2, v23;
	v10 =	vand.u32 $0xFF, v32;
	v29 =	vadd.f32 $-7.203868030e-01, v5  }
0x2e0: {  	v5 =	vor.u32 $0x3F800000, v30;
	v28 =	vmul.f32 $6.931471820e-01, v3;
	v26 =	vmul.f32 v4, v7  }
0x2e1: {  	v5 =	vadd.f32 $-1.000000000e+00, v5;
	v4 =	vadd.f32 $-7.684961710e-02, v27;
	v3 =	vmul.f32 v29, v11  }
0x2e2: {  	v23 =	vand.u32 $0x7FFFFF, v45;
	v10 =	vadd.s32 $0xFFFFFF81, v10;
	v0 =	vadd.f32 $-3.231174950e-01, v26  }
0x2e3: {  	v33 =	vmul.f32 $1.477889340e-02, v5;
	v4 =	vmul.f32 v4, v12;
	v3 =	vadd.f32 $1.442652110e+00, v3  }
0x2e4: {  	v1 =	vadd.f32 v2, v1;
	v10 =	vcvt.s32.f32 v10;
	v0 =	vmul.f32 v0, v7  }
0x2e5: {  	v4 =	vadd.f32 $1.904225200e-01, v4;
	v3 =	vmul.f32 v3, v11;
	v11 =	vadd.f32 $-7.684961710e-02, v33  }
0x2e6: {  	v29 =	vshrl.u32 v51, $0x17;
	v2 =	vsub.f32 v28, v50;
	v50 =	vadd.s32 $0xFFFFFF81, v41  }
0x2e7: {  	v0 =	vadd.f32 $4.725002940e-01, v0;
	v4 =	vmul.f32 v4, v12;
	v36 =	vmul.f32 v11, v5  }
0x2e8: {  	v41 =	vshrl.u32 v45, $0x17;
	v1 =	vadd.f32 v2, v1;
	v3 =	vadd.f32 $3.191287870e-07, v3  }
0x2e9: {  	v0 =	vmul.f32 v0, v7;
	v4 =	vadd.f32 $-3.231174950e-01, v4;
	v6 =	vadd.f32 $1.904225200e-01, v36  }
0x2ea: {  	v3 =	vadd.f32 v10, v3;
	v10 =	vor.u32 $0x3F800000, v38;
	v38 =	vshrl.u32 v44, $0x17  }
0x2eb: {  	v34 =	vpop (erf);
	v40 =	vadd.f32 $-1.000000000e+00, v10;
	v4 =	vmul.f32 v4, v12;
	v6 =	vmul.f32 v6, v5  }
0x2ec: {  	v35 =	vadd.f32 $-7.203868030e-01, v0;
	v0 =	vadd.f32 v34, v59;
	v3 =	vmul.f32 $6.931471820e-01, v3  }
0x2ed: {  	v53 =	vmul.f32 $1.477889340e-02, v40;
	v10 =	vpop (erf);
	v4 =	vadd.f32 $4.725002940e-01, v4;
	v6 =	vadd.f32 $-3.231174950e-01, v6  }
0x2ee: {  	v37 =	vmul.f32 v35, v7;
	v3 =	vsub.f32 v3, v48;
	v54 =	vpop (erf);
	v0 =	vadd.f32 v10, v0  }
0x2ef: {  	v39 =	vand.u32 $0xFF, v38;
	v11 =	vadd.f32 $-7.684961710e-02, v53;
	v13 =	vadd.f32 v54, v13  }
0x2f0: {  	v63 =	vpop (erf);
	v2 =	vadd.f32 $1.442652110e+00, v37;
	v4 =	vmul.f32 v4, v12;
	v6 =	vmul.f32 v6, v5  }
0x2f1: {  	v1 =	vadd.f32 v3, v1;
	v24 =	vpop (erf);
	v0 =	vadd.f32 v58, v0;
	v59 =	vmul.f32 v11, v40  }
0x2f2: {  	v11 =	vor.u32 $0x3F800000, v61;
	v13 =	vadd.f32 v24, v13;
	v24 =	vand.u32 $0x7FFFFF, v17  }
0x2f3: {  	v2 =	vmul.f32 v2, v7;
	v4 =	vadd.f32 $-7.203868030e-01, v4;
	v55 =	vadd.f32 $4.725002940e-01, v6  }
0x2f4: {  	v7 =	vcvt.s32.f32 v50;
	v62 =	vadd.f32 $-1.000000000e+00, v11;
	v11 =	vadd.f32 v63, v15  }
0x2f5: {  	v6 =	vadd.f32 $1.904225200e-01, v59;
	v15 =	vand.u32 $0x7FFFFF, v13;
	v13 =	vshrl.u32 v13, $0x17  }
0x2f6: {  	v2 =	vadd.f32 $3.191287870e-07, v2;
	v4 =	vmul.f32 v4, v12;
	v3 =	vmul.f32 v55, v5  }
0x2f7: {  	v16 =	vmul.f32 $1.477889340e-02, v62;
	v15 =	vor.u32 $0x3F800000, v15;
	v32 =	vand.u32 $0x7FFFFF, v11  }
0x2f8: {  	v13 =	vand.u32 $0xFF, v13;
	v11 =	vshrl.u32 v11, $0x17;
	v6 =	vmul.f32 v6, v40  }
0x2f9: {  	v30 =	vadd.f32 $-1.000000000e+00, v15;
	v13 =	vadd.s32 $0xFFFFFF81, v13;
	v11 =	vand.u32 $0xFF, v11  }
0x2fa: {  	v2 =	vadd.f32 v7, v2;
	v4 =	vadd.f32 $1.442652110e+00, v4;
	v7 =	vand.u32 $0xFF, v60  }
0x2fb: {  	v3 =	vadd.f32 $-7.203868030e-01, v3;
	v13 =	vcvt.s32.f32 v13;
	v11 =	vadd.s32 $0xFFFFFF81, v11  }
0x2fc: {  	v6 =	vadd.f32 $-3.231174950e-01, v6;
	v15 =	vmul.f32 $1.477889340e-02, v30;
	v11 =	vcvt.s32.f32 v11  }
0x2fd: {  	v7 =	vadd.s32 $0xFFFFFF81, v7;
	v2 =	vmul.f32 $6.931471820e-01, v2;
	v4 =	vmul.f32 v4, v12  }
0x2fe: {  	v3 =	vmul.f32 v3, v5;
	v19 =	vmul.f32 v6, v40;
	v31 =	vadd.f32 $-7.684961710e-02, v15  }
0x2ff: {  	v7 =	vcvt.s32.f32 v7;
	v4 =	vadd.f32 $3.191287870e-07, v4;
	v2 =	vsub.f32 v2, v47  }
0x300: {  	v37 =	vld [tilespmem:s28+$0x1D0];
	v12 =	vadd.s32 $0xFFFFFF81, v39;
	v18 =	vadd.f32 $1.442652110e+00, v3;
	v3 =	vadd.f32 $4.725002940e-01, v19  }
0x301: {  	v6 =	vand.u32 $0xFF, v20;
	v4 =	vadd.f32 v7, v4;
	v7 =	vadd.f32 $-7.684961710e-02, v16  }
0x302: {  	v21 =	vadd.s32 $0xFFFFFF81, v6;
	v1 =	vadd.f32 v2, v1;
	v3 =	vmul.f32 v3, v40  }
0x303: {  	v2 =	vmul.f32 v18, v5;
	v22 =	vmul.f32 v7, v62;
	v7 =	vor.u32 $0x3F800000, v23  }
0x304: {  	v5 =	vcvt.s32.f32 v21;
	v7 =	vadd.f32 $-1.000000000e+00, v7;
	v3 =	vadd.f32 $-7.203868030e-01, v3  }
0x305: {  	v16 =	vmul.f32 $1.442695020e+00, v37;
	v4 =	vmul.f32 $6.931471820e-01, v4;
	v6 =	vadd.f32 $1.904225200e-01, v22  }
0x306: {  	v15 =	vor.u32 $0x3F800000, v32;
	v26 =	vmul.f32 $1.477889340e-02, v7;
	v3 =	vmul.f32 v3, v40  }
0x307: {  	v2 =	vadd.f32 $3.191287870e-07, v2;
	v4 =	vsub.f32 v4, v46;
	v25 =	vmul.f32 v6, v62  }
0x308: {  	v12 =	vcvt.s32.f32 v12;
	v28 =	vadd.f32 $-7.684961710e-02, v26;
	v3 =	vadd.f32 $1.442652110e+00, v3  }
0x309: {  	(erf) = vpow2.f32 v16;
	v2 =	vadd.f32 v5, v2;
	v27 =	vadd.f32 $-3.231174950e-01, v25  }
0x30a: {  	v6 =	vand.u32 $0xFF, v29;
	v5 =	vmul.f32 v28, v7;
	v3 =	vmul.f32 v3, v40  }
0x30b: {  	v1 =	vadd.f32 v4, v1;
	v6 =	vadd.s32 $0xFFFFFF81, v6;
	v4 =	vmul.f32 v27, v62  }
0x30c: {  	v6 =	vcvt.s32.f32 v6;
	v5 =	vadd.f32 $1.904225200e-01, v5;
	v3 =	vadd.f32 $3.191287870e-07, v3  }
0x30d: {  	v15 =	vadd.f32 $-1.000000000e+00, v15;
	v2 =	vmul.f32 $6.931471820e-01, v2;
	v4 =	vadd.f32 $4.725002940e-01, v4  }
0x30e: {  	v5 =	vmul.f32 v5, v7;
	v3 =	vadd.f32 v6, v3;
	v6 =	vmul.f32 v31, v30  }
0x30f: {  	v36 =	vmul.f32 $1.477889340e-02, v15;
	v2 =	vsub.f32 v2, v43;
	v4 =	vmul.f32 v4, v62  }
0x310: {  	v19 =	vand.u32 $0x7FFFFF, v56;
	v5 =	vadd.f32 $-3.231174950e-01, v5;
	v35 =	vadd.f32 $1.904225200e-01, v6  }
0x311: {  	v16 =	vand.u32 $0xFF, v41;
	v6 =	vadd.f32 $-7.684961710e-02, v36;
	v4 =	vadd.f32 $-7.203868030e-01, v4  }
0x312: {  	v16 =	vadd.s32 $0xFFFFFF81, v16;
	v34 =	vmul.f32 v5, v7;
	v5 =	vmul.f32 v35, v30  }
0x313: {  	v1 =	vadd.f32 v2, v1;
	v6 =	vmul.f32 v6, v15;
	v33 =	vmul.f32 v4, v62  }
0x314: {  	v16 =	vcvt.s32.f32 v16;
	v43 =	vld [tilespmem:$0x18180];
	v4 =	vadd.f32 $4.725002940e-01, v34;
	v5 =	vadd.f32 $-3.231174950e-01, v5  }
0x315: {  	v61 =	vpop (erf);
	v3 =	vmul.f32 $6.931471820e-01, v3;
	v6 =	vadd.f32 $1.904225200e-01, v6;
	v2 =	vadd.f32 $1.442652110e+00, v33  }
0x316: {  	v0 =	vadd.f32 v61, v0;
	v4 =	vmul.f32 v4, v7;
	v5 =	vmul.f32 v5, v30  }
0x317: {  	v3 =	vsub.f32 v3, v42;
	v6 =	vmul.f32 v6, v15;
	v2 =	vmul.f32 v2, v62  }
0x318: {  	v40 =	vand.u32 $0x7FFFFF, v8;
	v4 =	vadd.f32 $-7.203868030e-01, v4;
	v5 =	vadd.f32 $4.725002940e-01, v5  }
0x319: {  	v47 =	vshll.u32 v43, $0x7;
	v6 =	vadd.f32 $-3.231174950e-01, v6;
	v2 =	vadd.f32 $3.191287870e-07, v2  }
0x31a: {  	v44 =	vld [tilespmem:$0x1FE50];
	v1 =	vadd.f32 v3, v1;
	v4 =	vmul.f32 v4, v7;
	v5 =	vmul.f32 v5, v30  }
0x31b: {  	v6 =	vmul.f32 v6, v15;
	v2 =	vadd.f32 v12, v2;
	v12 =	vor.u32 $0x3F800000, v40  }
0x31c: {  	v38 =	vld [tilespmem:$0x181D0];
	v35 =	vshrl.u32 v57, $0x17;
	v4 =	vadd.f32 $1.442652110e+00, v4;
	v12 =	vadd.f32 $-1.000000000e+00, v12  }
0x31d: {  	v5 =	vadd.f32 $-7.203868030e-01, v5;
	v6 =	vadd.f32 $4.725002940e-01, v6;
	v2 =	vmul.f32 $6.931471820e-01, v2  }
0x31e: {  	v62 =	vlaneseq.u32;
	v4 =	vmul.f32 v4, v7;
	v42 =	vmul.f32 $1.477889340e-02, v12  }
0x31f: {  	v46 =	vld [tilespmem:$0x18190];
	v5 =	vmul.f32 v5, v30;
	v6 =	vmul.f32 v6, v15;
	v2 =	vsub.f32 v2, v44  }
0x320: {  	v63 =	vld [tilespmem:$0x1FF90];
	v48 =	vor.u32 v62, v47;
	v4 =	vadd.f32 $3.191287870e-07, v4;
	v7 =	vadd.f32 $-7.684961710e-02, v42  }
0x321: {  	v47 =	vshrl.u32 v17, $0x17;
	v5 =	vadd.f32 $1.442652110e+00, v5;
	v6 =	vadd.f32 $-7.203868030e-01, v6  }
0x322: {  	v39 =	vld [tilespmem:$0x181E0];
	v44 =	vshll.u32 v38, $0x7;
	v1 =	vadd.f32 v2, v1;
	v45 =	vmul.f32 v7, v12  }
0x323: {  	v4 =	vadd.f32 v16, v4;
	v5 =	vmul.f32 v5, v30;
	v6 =	vmul.f32 v6, v15  }
0x324: {  	v54 =	vld [tilespmem:$0x1FE60];
	v7 =	vshll.u32 v46, $0x7;
	v16 =	vor.u32 $0x3F800000, v49;
	v3 =	vadd.f32 $1.904225200e-01, v45  }
0x325: {  	v46 =	vshrl.u32 v56, $0x17;
	v7 =	vor.u32 v63, v7;
	v6 =	vadd.f32 $1.442652110e+00, v6  }
0x326: {  	v16 =	vadd.f32 $-1.000000000e+00, v16;
	v5 =	vadd.f32 $3.191287870e-07, v5;
	v3 =	vmul.f32 v3, v12  }
0x327: {  	v50 =	vld.idx.msk [tilespmem:v48+s2+$0x0], $0xffff;
	v4 =	vmul.f32 $6.931471820e-01, v4;
	v45 =	vshll.u32 v39, $0x7;
	v6 =	vmul.f32 v6, v15  }
0x328: {  	v51 =	vmul.f32 $1.477889340e-02, v16;
	v5 =	vadd.f32 v13, v5;
	v3 =	vadd.f32 $-3.231174950e-01, v3  }
0x329: {  	v4 =	vsub.f32 v4, v54;
	v13 =	vand.u32 $0x7FFFFF, v57;
	v6 =	vadd.f32 $3.191287870e-07, v6  }
0x32a: {  	v53 =	vadd.f32 $-7.684961710e-02, v51;
	v5 =	vmul.f32 $6.931471820e-01, v5;
	v3 =	vmul.f32 v3, v12  }
0x32b: {  	v60 =	vld [tilespmem:$0x181A0];
	v15 =	vand.u32 $0x7FFFFF, v0;
	v1 =	vadd.f32 v4, v1;
	v6 =	vadd.f32 v11, v6  }
0x32c: {  	v52 =	vld.idx.msk [tilespmem:v7+s2+$0x0], $0xffff;
	v7 =	vmul.f32 v53, v16;
	v55 =	vsub.f32 v5, v50;
	v3 =	vadd.f32 $4.725002940e-01, v3  }
0x32d: {  	v11 =	vshrl.u32 v8, $0x17;
	v5 =	vor.u32 $0x3F800000, v13;
	v8 =	vor.u32 $0x3F800000, v15  }
0x32e: {  	v13 =	vor.u32 $0x3F800000, v24;
	v7 =	vadd.f32 $1.904225200e-01, v7;
	v3 =	vmul.f32 v3, v12  }
0x32f: {  	v5 =	vadd.f32 $-1.000000000e+00, v5;
	v8 =	vadd.f32 $-1.000000000e+00, v8;
	v59 =	vmul.f32 $6.931471820e-01, v6  }
0x330: {  	v13 =	vadd.f32 $-1.000000000e+00, v13;
	v10 =	vmul.f32 v7, v16;
	v3 =	vadd.f32 $-7.203868030e-01, v3  }
0x331: {  	v1 =	vadd.f32 v55, v1;
	v6 =	vshll.u32 v60, $0x7;
	v2 =	vsub.f32 v59, v52  }
0x332: {  	v14 =	vmul.f32 $1.477889340e-02, v5;
	v4 =	vadd.f32 $-3.231174950e-01, v10;
	v3 =	vmul.f32 v3, v12  }
0x333: {  	v1 =	vadd.f32 v2, v1;
	v2 =	vand.u32 $0xFF, v11;
	v11 =	vor.u32 $0x3F800000, v19  }
0x334: {  	v48 =	vld [tilespmem:$0x1FFA0];
	v4 =	vmul.f32 v4, v16;
	v21 =	vadd.f32 $-1.000000000e+00, v11;
	v3 =	vadd.f32 $1.442652110e+00, v3  }
0x335: {  	v22 =	vmul.f32 $1.477889340e-02, v8;
	v7 =	vadd.f32 $-7.684961710e-02, v14;
	v2 =	vadd.s32 $0xFFFFFF81, v2  }
0x336: {  	v4 =	vadd.f32 $4.725002940e-01, v4;
	v23 =	vmul.f32 $1.477889340e-02, v21;
	v3 =	vmul.f32 v3, v12  }
0x337: {  	v18 =	vld [tilespmem:$0x181B0];
	v7 =	vmul.f32 v7, v5;
	v11 =	vadd.f32 $-7.684961710e-02, v22;
	v2 =	vcvt.s32.f32 v2  }
0x338: {  	v20 =	vmul.f32 v4, v16;
	v12 =	vadd.f32 $-7.684961710e-02, v23;
	v3 =	vadd.f32 $3.191287870e-07, v3  }
0x339: {  	v50 =	vld [tilespmem:$0x1FFB0];
	v6 =	vor.u32 v48, v6;
	v7 =	vadd.f32 $1.904225200e-01, v7;
	v11 =	vmul.f32 v11, v8  }
0x33a: {  	v12 =	vmul.f32 v12, v21;
	v2 =	vadd.f32 v2, v3;
	v3 =	vadd.f32 $-7.203868030e-01, v20  }
0x33b: {  	v25 =	vmul.f32 $1.477889340e-02, v13;
	v7 =	vmul.f32 v7, v5;
	v11 =	vadd.f32 $1.904225200e-01, v11  }
0x33c: {  	v10 =	vshll.u32 v18, $0x7;
	v12 =	vadd.f32 $1.904225200e-01, v12;
	v3 =	vmul.f32 v3, v16  }
0x33d: {  	v14 =	vadd.f32 $-7.684961710e-02, v25;
	v7 =	vadd.f32 $-3.231174950e-01, v7;
	v11 =	vmul.f32 v11, v8  }
0x33e: {  	v10 =	vor.u32 v50, v10;
	v12 =	vmul.f32 v12, v21;
	v3 =	vadd.f32 $1.442652110e+00, v3  }
0x33f: {  	v0 =	vshrl.u32 v0, $0x17;
	v7 =	vmul.f32 v7, v5;
	v11 =	vadd.f32 $-3.231174950e-01, v11  }
0x340: {  	v29 =	vmul.f32 v14, v13;
	v12 =	vadd.f32 $-3.231174950e-01, v12;
	v3 =	vmul.f32 v3, v16  }
0x341: {  	v0 =	vand.u32 $0xFF, v0;
	v7 =	vadd.f32 $4.725002940e-01, v7;
	v27 =	vmul.f32 v11, v8  }
0x342: {  	v6 =	vld.idx.msk [tilespmem:v6+s2+$0x0], $0xffff;
	v11 =	vadd.f32 $1.904225200e-01, v29;
	v28 =	vmul.f32 v12, v21;
	v3 =	vadd.f32 $3.191287870e-07, v3  }
0x343: {  	v0 =	vadd.s32 $0xFFFFFF81, v0;
	v26 =	vld.idx.msk [tilespmem:v10+s2+$0x0], $0xffff;
	v7 =	vmul.f32 v7, v5;
	v10 =	vadd.f32 $4.725002940e-01, v27  }
0x344: {  	v33 =	vmul.f32 v11, v13;
	v3 =	vadd.f32 v9, v3;
	v9 =	vadd.f32 $4.725002940e-01, v28  }
0x345: {  	v34 =	vld [tilespmem:$0x181C0];
	v2 =	vmul.f32 $6.931471820e-01, v2;
	v7 =	vadd.f32 $-7.203868030e-01, v7;
	v31 =	vmul.f32 v10, v8  }
0x346: {  	v51 =	vld [tilespmem:$0x1FFC0];
	v0 =	vcvt.s32.f32 v0;
	v32 =	vmul.f32 v9, v21;
	v9 =	vadd.f32 $-3.231174950e-01, v33  }
0x347: {  	v2 =	vsub.f32 v2, v6;
	v30 =	vmul.f32 v7, v5;
	v7 =	vadd.f32 $-7.203868030e-01, v31  }
0x348: {  	v11 =	vand.u32 $0xFF, v35;
	v6 =	vadd.f32 $-7.203868030e-01, v32;
	v9 =	vmul.f32 v9, v13  }
0x349: {  	v53 =	vld [tilespmem:$0x1FFD0];
	v1 =	vadd.f32 v2, v1;
	v2 =	vadd.f32 $1.442652110e+00, v30;
	v36 =	vmul.f32 v7, v8  }
0x34a: {  	v42 =	vld [tilespmem:$0x181F0];
	v10 =	vshll.u32 v34, $0x7;
	v6 =	vmul.f32 v6, v21;
	v9 =	vadd.f32 $4.725002940e-01, v9  }
0x34b: {  	v54 =	vld [tilespmem:$0x1FFE0];
	v40 =	vor.u32 v51, v10;
	v2 =	vmul.f32 v2, v5;
	v5 =	vadd.f32 $1.442652110e+00, v36  }
0x34c: {  	v55 =	vld [tilespmem:$0x1FFF0];
	v37 =	vadd.s32 $0xFFFFFF81, v11;
	v6 =	vadd.f32 $1.442652110e+00, v6;
	v43 =	vmul.f32 v9, v13  }
0x34d: {  	v7 =	vcvt.s32.f32 v37;
	v2 =	vadd.f32 $3.191287870e-07, v2;
	v5 =	vmul.f32 v5, v8  }
0x34e: {  	v8 =	vor.u32 v53, v44;
	v41 =	vmul.f32 v6, v21;
	v6 =	vadd.f32 $-7.203868030e-01, v43  }
0x34f: {  	v52 =	vand.u32 $0xFF, v47;
	v4 =	vshll.u32 v42, $0x7;
	v3 =	vmul.f32 $6.931471820e-01, v3  }
0x350: {  	v2 =	vadd.f32 v7, v2;
	v7 =	vld.idx.msk [tilespmem:v40+s2+$0x0], $0xffff;
	v9 =	vor.u32 v54, v45;
	v6 =	vmul.f32 v6, v13  }
0x351: {  	v4 =	vor.u32 v55, v4;
	v10 =	vand.u32 $0xFF, v46;
	v5 =	vadd.f32 $3.191287870e-07, v5  }
0x352: {  	v10 =	vadd.s32 $0xFFFFFF81, v10;
	v3 =	vsub.f32 v3, v26;
	v6 =	vadd.f32 $1.442652110e+00, v6  }
0x353: {  	v10 =	vcvt.s32.f32 v10;
	v2 =	vmul.f32 $6.931471820e-01, v2;
	v0 =	vadd.f32 v0, v5;
	v8 =	vld.idx.msk [tilespmem:v8+s2+$0x0], $0xffff  }
0x354: {  	v1 =	vadd.f32 v3, v1;
	v3 =	vadd.f32 $3.191287870e-07, v41;
	v49 =	vmul.f32 v6, v13  }
0x355: {  	v0 =	vmul.f32 $6.931471820e-01, v0;
	v2 =	vsub.f32 v2, v7;
	v56 =	vld.idx.msk [tilespmem:v9+s2+$0x0], $0xffff;
	v6 =	vadd.s32 $0xFFFFFF81, v52  }
0x356: {  	v3 =	vadd.f32 v10, v3;
	v6 =	vcvt.s32.f32 v6;
	v5 =	vadd.f32 $3.191287870e-07, v49  }
0x357: {  	v57 =	vld.idx.msk [tilespmem:v4+s2+$0x0], $0xffff;
	v1 =	vadd.f32 v2, v1  }
0x358: {  	v0 =	vsub.f32 v0, v8;
	v3 =	vmul.f32 $6.931471820e-01, v3;
	v58 =	vadd.f32 v6, v5;
	_ =	sdelay $0x1  }
0x359: {  	v0 =	vadd.f32 v0, v1;
	v59 =	vsub.f32 v3, v56;
	v60 =	vmul.f32 $6.931471820e-01, v58;
	_ =	sdelay $0x1  }
0x35a: {  	v0 =	vadd.f32 v59, v0;
	v61 =	vsub.f32 v60, v57;
	_ =	sdelay $0x1  }
0x35b: {  	s26 =	sadd.s32 $0x1, s26;
	v0 =	vadd.f32 v61, v0  }
0x35c: {  	p0 =	sne.s32 s26, s12  }
.Ltmp4:
0x35d: {  	[tilespmem:$0x18200] =	vst v0;
	(pc) =	sbr.rel @p0 .LBB2_1-.Ltmp4, $4  }
0x35e: {  	[hbm4b:s11+s2] =	stream.linear.scatter [tilespmem:s25], [sflag:$0x4], $0x10, $0x38;
	[tilespmem:$0x18280] =	vst v63  }
0x35f: {  	_ =	swait.ge [sflag:s14], $0x10  }
0x360: {  	[sflag:s14] =	ssyncset.done $0x0  }
0x361: {  	[sflag:s14] =	ssyncadd.s32 $0xFFFFFFF0  }
0x362: {  	_ =	sfence.sel $0x180000  }
0x363: {  	[bflag:$0x0] =	sbarrier.arrive $0xFFFF  }
0x364: {  	p0 =	sne.s32 s1, $0x0;
	_ =	strace $0x90000047  }
0x365: {  	s0 =	sadd.s32 @!p0 $0x100000, s0;
	[bflag:$0x2] =	sbarrier.arrive $0xFFFF  }
0x366: {  	[sflag:s0] =	ssyncadd.tile.s32 @!p0 $0x1;
	_ =	shalt  }
.Lfunc_end2:
_tile_overlayer_lowered:
.L_overlay_start_2:
0x367: {  	(tag) =	ssettag $0x2  }
0x368: {  	s0 =	rddreg [dreg:$0x0];
	s2 =	stileid.u32  }
0x369: {  	s1 =	rddreg [dreg:$0x1];
	p0 =	sne.s32 s2, $0x0  }
0x36a: {  	s3 =	rddreg [dreg:$0x2];
	[bflag:$0x3] =	sbarrier.arrive $0xFFFF;
	s2 =	simm.s32 @!p0 $0x1C04  }
0x36b: {  	[timem:s3], [sflag:s2] =	dma.local @!p0 [hbm:s0], s1  }
0x36c: {  	s0 =	simm.s32 @!p0 $0x4  }
0x36d: {  	_ =	swait.ge @!p0 [sflag:s0], s1  }
0x36e: {  	s1 =	ssub.s32 @!p0 $0x0, s1;
	[sflag:s0] =	ssyncset.done @!p0 $0x0  }
0x36f: {  	[sflag:s0] =	ssyncadd.s32 @!p0 s1  }
0x370: {  	[bflag:$0x3] =	sbarrier.arrive $0xFFFF  }
0x371: {  	_ =	shalt  }

</sc_bundles>
